<compile_context>
chip_gen: v7x
topology: tpu7x:2x2x1
jax: 0.10.2.dev20260603
libtpu: 0.0.44.dev20260713+nightly
codegen_flags: <defaults>
</compile_context>

<pallas_src>
import functools

import jax
import jax.numpy as jnp
from jax import lax
from jax.experimental import pallas as pl
from jax.experimental.pallas import tpu as pltpu
from jax.experimental.pallas import tpu_sc as plsc

L = 4
N = 10000
E = 160000
BN = 1000
NB = N // BN

SC_C = 128
SC_J = 40
E_PAD = 32 * SC_J * SC_C
IDX_ROWS = E_PAD // SC_C
N_ACC = N + 128


def _silu(x):
    return x * jax.nn.sigmoid(x)


def _ln(h, g, b):
    m = jnp.mean(h, axis=-1, keepdims=True)
    d = h - m
    v = jnp.mean(d * d, axis=-1, keepdims=True)
    return d * lax.rsqrt(v + 1e-5) * g + b


def _elu1(z):
    return jnp.where(z > 0, z + 1.0, jnp.exp(jnp.minimum(z, 0.0)))


def _full_spec(shape):
    nd = len(shape)
    return pl.BlockSpec(shape, lambda n, _nd=nd: (0,) * _nd)


def _xspec(d):
    return pl.BlockSpec((L, BN, d), lambda n: (0, n, 0))


def _k0_body(opc_ref, feat_ref, emb_ref, win_e_ref, win_n_ref,
             bin_ref, gin_ref, bein_ref, wpe_ref, bpe_ref,
             x_ref, peemb_ref):
    iota = lax.broadcasted_iota(jnp.int32, (BN, 128), 1).astype(jnp.float32)
    for l in range(L):
        opc = opc_ref[l]
        oh = jnp.where(opc == iota, 1.0, 0.0)
        emb = jnp.dot(oh, emb_ref[...], preferred_element_type=jnp.float32)
        f = feat_ref[l]
        pre = emb @ win_e_ref[...] + f @ win_n_ref[...] + bin_ref[...]
        x_ref[l] = _ln(_silu(pre), gin_ref[...], bein_ref[...])
        peemb_ref[l] = jnp.tanh(f @ wpe_ref[...] + bpe_ref[...])


def _call_k0(opc, features, p):
    win = p['W_in']
    nf = features.shape[-1]
    wn_pad = jnp.concatenate(
        [win[32:], jnp.zeros((nf - 127, 128), jnp.float32)], axis=0)
    wpe_pad = jnp.concatenate(
        [jnp.zeros((127, 32), jnp.float32), p['W_pe']], axis=0)
    return pl.pallas_call(
        _k0_body,
        grid=(NB,),
        in_specs=[
            pl.BlockSpec((L, BN, 1), lambda n: (0, n, 0)),
            pl.BlockSpec((L, BN, nf), lambda n: (0, n, 0)),
            _full_spec((128, 32)),
            _full_spec((32, 128)),
            _full_spec((nf, 128)),
            _full_spec((1, 128)),
            _full_spec((1, 128)),
            _full_spec((1, 128)),
            _full_spec((nf, 32)),
            _full_spec((1, 32)),
        ],
        out_specs=[_xspec(128), _xspec(32)],
        out_shape=[
            jax.ShapeDtypeStruct((L, N, 128), jnp.float32),
            jax.ShapeDtypeStruct((L, N, 32), jnp.float32),
        ],
    )(opc, features, p['emb'], win[:32], wn_pad,
      p['b_in'][None], p['g_in'][None], p['be_in'][None],
      wpe_pad, p['b_pe'][None])


def _k1a_body(pe_ref, x_ref, wi_pe_ref, wi_x_ref, bi_ref,
              wo_pe_ref, wo_x_ref, bo_ref, pin_ref, pout_ref):
    pin, pout = [], []
    for l in range(L):
        pe = pe_ref[l]
        x = x_ref[l]
        pin.append(pe @ wi_pe_ref[...] + x @ wi_x_ref[...] + bi_ref[...])
        pout.append(pe @ wo_pe_ref[...] + x @ wo_x_ref[...] + bo_ref[...])
    pin_ref[...] = jnp.concatenate(pin, axis=-1)
    pout_ref[...] = jnp.concatenate(pout, axis=-1)


def _call_k1a(pe_emb, x, lp):
    f = lp['feat']
    tab_spec = pl.BlockSpec((BN, 128), lambda n: (n, 0))
    tab_shape = jax.ShapeDtypeStruct((N, 128), jnp.float32)
    return pl.pallas_call(
        _k1a_body,
        grid=(NB,),
        in_specs=[
            _xspec(32),
            _xspec(128),
            _full_spec((32, 32)), _full_spec((128, 32)), _full_spec((1, 32)),
            _full_spec((32, 32)), _full_spec((128, 32)), _full_spec((1, 32)),
        ],
        out_specs=[tab_spec, tab_spec],
        out_shape=[tab_shape, tab_shape],
    )(pe_emb, x,
      f['Wi'][:32], f['Wi'][32:], f['bi'][None],
      f['Wo'][:32], f['Wo'][32:], f['bo'][None])


def _k1b_body(pe_ref, x_ref, w_pe_ref, w_x_ref, b_ref,
              pw_ref, pb_ref, pwi_ref, pbi_ref, pwo_ref, pbo_ref,
              proj_ref, peproj_ref, pepin_ref, pepout_ref):
    pepin, pepout = [], []
    for l in range(L):
        pe = pe_ref[l]
        x = x_ref[l]
        proj_ref[l] = pe @ w_pe_ref[...] + x @ w_x_ref[...] + b_ref[...]
        peproj_ref[l] = pe @ pw_ref[...] + pb_ref[...]
        pepin.append(pe @ pwi_ref[...] + pbi_ref[...])
        pepout.append(pe @ pwo_ref[...] + pbo_ref[...])
    pepin_ref[...] = jnp.concatenate(pepin, axis=-1)
    pepout_ref[...] = jnp.concatenate(pepout, axis=-1)


def _call_k1b(pe_emb, x, lp):
    f, pp = lp['feat'], lp['pe']
    tab_spec = pl.BlockSpec((BN, 128), lambda n: (n, 0))
    tab_shape = jax.ShapeDtypeStruct((N, 128), jnp.float32)
    return pl.pallas_call(
        _k1b_body,
        grid=(NB,),
        in_specs=[
            _xspec(32),
            _xspec(128),
            _full_spec((32, 128)), _full_spec((128, 128)), _full_spec((1, 128)),
            _full_spec((32, 32)), _full_spec((1, 32)),
            _full_spec((32, 32)), _full_spec((1, 32)),
            _full_spec((32, 32)), _full_spec((1, 32)),
        ],
        out_specs=[
            _xspec(128), _xspec(32), tab_spec, tab_spec,
        ],
        out_shape=[
            jax.ShapeDtypeStruct((L, N, 128), jnp.float32),
            jax.ShapeDtypeStruct((L, N, 32), jnp.float32),
            tab_shape, tab_shape,
        ],
    )(pe_emb, x,
      f['W'][:32], f['W'][32:], f['b'][None],
      pp['W'], pp['b'][None], pp['Wi'], pp['bi'][None],
      pp['Wo'], pp['bo'][None])


def _sc_body(tin_h, tout_h, sg_h, ss_h, dg_h, ds_h,
             zeros_h, dep_h, inc_h, outg_h,
             gidx_v, sidx_v, rows0_v, rows1_v, acc_sh,
             gsem0, gsem1, ssem0, ssem1):
    cid = lax.axis_index("c")
    sid = lax.axis_index("s")
    idx_row0 = cid * (IDX_ROWS // 2) + sid * SC_J
    fl0 = sid * 624
    flr = 640
    rows = (rows0_v, rows1_v)
    gsems = (gsem0, gsem1)
    ssems = (ssem0, ssem1)

    def gather(j, b, tab_h):
        pltpu.async_copy(tab_h.at[gidx_v.at[j]], rows[b], gsems[b])

    def scatter(j, b):
        pltpu.async_copy(rows[b], acc_sh.at[sidx_v.at[j]], ssems[b],
                         add=True)

    for tab_h, gh, sh, out_h in (
            (tin_h, sg_h, ds_h, inc_h),
            (tout_h, dg_h, ss_h, outg_h)):
        pltpu.sync_copy(zeros_h.at[pl.ds(fl0, flr)], acc_sh.at[pl.ds(fl0, flr)])
        pltpu.sync_copy(gh.at[pl.ds(idx_row0, SC_J)], gidx_v)
        pltpu.sync_copy(sh.at[pl.ds(idx_row0, SC_J)], sidx_v)
        plsc.subcore_barrier()

        gather(0, 0, tab_h)

        def jbody(i, carry):
            j0 = 2 * i
            j1 = 2 * i + 1
            pltpu.make_async_copy(tab_h.at[gidx_v.at[j0]], rows[0],
                                  gsems[0]).wait()
            scatter(j0, 0)

            @pl.when(i > 0)
            def _():
                pltpu.make_async_copy(rows[1], acc_sh.at[sidx_v.at[j1]],
                                      ssems[1]).wait()

            gather(j1, 1, tab_h)
            pltpu.make_async_copy(tab_h.at[gidx_v.at[j1]], rows[1],
                                  gsems[1]).wait()
            scatter(j1, 1)

            @pl.when(j1 + 1 < SC_J)
            def _():
                pltpu.make_async_copy(rows[0], acc_sh.at[sidx_v.at[j0]],
                                      ssems[0]).wait()
                gather(j1 + 1, 0, tab_h)

            return carry

        lax.fori_loop(0, SC_J // 2, jbody, 0)
        pltpu.make_async_copy(rows[0], acc_sh.at[sidx_v.at[0]],
                              ssems[0]).wait()
        pltpu.make_async_copy(rows[1], acc_sh.at[sidx_v.at[0]],
                              ssems[1]).wait()
        plsc.subcore_barrier()
        pltpu.sync_copy(acc_sh.at[pl.ds(fl0, flr)],
                        out_h.at[cid].at[pl.ds(fl0, flr)])
        plsc.subcore_barrier()


def _call_sc(tab_in, tab_out, sg, ss, dg, ds_, zeros_nd, dep):
    mesh = plsc.VectorSubcoreMesh(core_axis_name="c", subcore_axis_name="s")
    fn = pl.kernel(
        _sc_body,
        out_type=[jax.ShapeDtypeStruct((2, N, 128), jnp.float32)] * 2,
        mesh=mesh,
        scratch_types=[
            pltpu.VMEM((SC_J, SC_C), jnp.int32),
            pltpu.VMEM((SC_J, SC_C), jnp.int32),
            pltpu.VMEM((SC_C, 128), jnp.float32),
            pltpu.VMEM((SC_C, 128), jnp.float32),
            pltpu.VMEM_SHARED((N_ACC, 128), jnp.float32),
            pltpu.SemaphoreType.DMA,
            pltpu.SemaphoreType.DMA,
            pltpu.SemaphoreType.DMA,
            pltpu.SemaphoreType.DMA,
        ],
    )
    return fn(tab_in, tab_out, sg, ss, dg, ds_, zeros_nd, dep)


def _k2a_body(proj_ref, inc_ref, outg_ref,
              g1_ref, be1_ref, w2_ref, b2_ref, g2_ref, be2_ref,
              wk_ref, bk_ref, wv_ref,
              xn_ref, ktv_ref):
    n = pl.program_id(0)
    inc = inc_ref[0] + inc_ref[1]
    outg = outg_ref[0] + outg_ref[1]
    for l in range(L):
        agg_in = inc[:, l * 32:(l + 1) * 32]
        agg_out = outg[:, l * 32:(l + 1) * 32]
        out = jnp.concatenate([proj_ref[l], agg_in, agg_out], axis=-1)
        h1 = _ln(_silu(out), g1_ref[...], be1_ref[...])
        h2 = h1 @ w2_ref[...] + b2_ref[...]
        xn = _ln(_silu(h2), g2_ref[...], be2_ref[...])
        xn_ref[l] = xn

        k = _elu1(xn @ wk_ref[...] + bk_ref[...])
        v = xn @ wv_ref[...]
        ktv = lax.dot_general(k, v, (((0,), (0,)), ((), ())),
                              preferred_element_type=jnp.float32)

        @pl.when(n == 0)
        def _():
            ktv_ref[l] = ktv

        @pl.when(n != 0)
        def _():
            ktv_ref[l] += ktv


def _call_k2a(proj, incP, outgP, lp):
    f, ln_ = lp['feat'], lp['lin']
    part = pl.BlockSpec((2, BN, 128), lambda n: (0, n, 0))
    return pl.pallas_call(
        _k2a_body,
        grid=(NB,),
        in_specs=[
            _xspec(128), part, part,
            _full_spec((1, 192)), _full_spec((1, 192)),
            _full_spec((192, 128)), _full_spec((1, 128)),
            _full_spec((1, 128)), _full_spec((1, 128)),
            _full_spec((128, 64)), _full_spec((1, 64)),
            _full_spec((128, 32)),
        ],
        out_specs=[
            _xspec(128),
            pl.BlockSpec((L, 64, 32), lambda n: (0, 0, 0)),
        ],
        out_shape=[
            jax.ShapeDtypeStruct((L, N, 128), jnp.float32),
            jax.ShapeDtypeStruct((L, 64, 32), jnp.float32),
        ],
    )(proj, incP, outgP,
      f['g1'][None], f['be1'][None], f['W2'], f['b2'][None],
      f['g2'][None], f['be2'][None],
      ln_['Wk'], ln_['bk'][None], ln_['Wv'])


def _k2b_body(peproj_ref, pei_ref, peo_ref, pw2_ref, pb2_ref, pen_ref):
    pei = pei_ref[0] + pei_ref[1]
    peo = peo_ref[0] + peo_ref[1]
    for l in range(L):
        pe_in = pei[:, l * 32:(l + 1) * 32]
        pe_out = peo[:, l * 32:(l + 1) * 32]
        pout = jnp.concatenate([peproj_ref[l], pe_in, pe_out], axis=-1)
        pen_ref[l] = jnp.tanh(jnp.tanh(pout) @ pw2_ref[...] + pb2_ref[...])


def _call_k2b(peproj, peincP, peoutgP, lp):
    pp = lp['pe']
    part = pl.BlockSpec((2, BN, 128), lambda n: (0, n, 0))
    return pl.pallas_call(
        _k2b_body,
        grid=(NB,),
        in_specs=[
            _xspec(32), part, part,
            _full_spec((96, 32)), _full_spec((1, 32)),
        ],
        out_specs=_xspec(32),
        out_shape=jax.ShapeDtypeStruct((L, N, 32), jnp.float32),
    )(peproj, peincP, peoutgP, pp['W2'], pp['b2'][None])


def _k3_body(xn_ref, ktv_ref, wq_ref, bq_ref, wc_x_ref, wc_a_ref, bc_ref,
             x_ref):
    for l in range(L):
        xn = xn_ref[l]
        q = _elu1(xn @ wq_ref[...] + bq_ref[...])
        att = jnp.dot(q, ktv_ref[l], preferred_element_type=jnp.float32)
        x_ref[l] = _silu(xn @ wc_x_ref[...] + att @ wc_a_ref[...]
                         + bc_ref[...])


def _call_k3(x_new, ktv, lp):
    ln_, cb = lp['lin'], lp['comb']
    wc = cb['Wc']
    return pl.pallas_call(
        _k3_body,
        grid=(NB,),
        in_specs=[
            _xspec(128),
            pl.BlockSpec((L, 64, 32), lambda n: (0, 0, 0)),
            _full_spec((128, 64)), _full_spec((1, 64)),
            _full_spec((128, 128)), _full_spec((32, 128)),
            _full_spec((1, 128)),
        ],
        out_specs=_xspec(128),
        out_shape=jax.ShapeDtypeStruct((L, N, 128), jnp.float32),
    )(x_new, ktv, ln_['Wq'], ln_['bq'][None], wc[:128], wc[128:],
      cb['bc'][None])


def kernel(op_code, features, edge_index, lengths, params):
    p = params
    opc = op_code.astype(jnp.float32)[..., None]

    src, dst = edge_index[0], edge_index[1]
    pad = E_PAD - E
    zpad = jnp.arange(pad, dtype=jnp.int32) % 128
    npad = N + (jnp.arange(pad, dtype=jnp.int32) % 128)
    sg = jnp.concatenate([src, zpad]).reshape(IDX_ROWS, SC_C)
    ss = jnp.concatenate([src, npad]).reshape(IDX_ROWS, SC_C)
    dg = jnp.concatenate([dst, zpad]).reshape(IDX_ROWS, SC_C)
    ds_ = jnp.concatenate([dst, npad]).reshape(IDX_ROWS, SC_C)
    zeros_nd = jnp.zeros((N, 128), jnp.float32)

    x, pe_emb = _call_k0(opc, features, p)
    for lp in p['layers']:
        pin_t, pout_t = _call_k1a(pe_emb, x, lp)
        incP, outgP = _call_sc(pin_t, pout_t, sg, ss, dg, ds_, zeros_nd,
                               zeros_nd)
        proj, peproj, pepin_t, pepout_t = _call_k1b(pe_emb, x, lp)
        peincP, peoutgP = _call_sc(pepin_t, pepout_t, sg, ss, dg, ds_,
                                   zeros_nd, incP)
        x_new, ktv = _call_k2a(proj, incP, outgP, lp)
        x = _call_k3(x_new, ktv, lp)
        pe_emb = _call_k2b(peproj, peincP, peoutgP, lp)
    return x

# --- scband reference (transcript-rebuilt; emitter-appended) ---
"""Pipeline reference for scband-tpugraph-network-22351009809098 (READ-ONLY COPY).

The authoritative reference and input builder live on the scoring server;
editing this copy changes nothing except your own understanding.
"""

import jax, jax.numpy as jnp
import numpy as np

L, N, E = 4, 10000, 160000
N_NORMAL, N_PE = 128, 16
EMB_SIZE, PE_DIM, MSG = 32, 32, 32
DIMS = [128, 128, 128]  # [embedding_out] + message_network_dims
MAX_OP_CODE = 128
LIN_DIM, KQ = 32, 64


def _lin(key, i, o):
    return jax.random.normal(key, (i, o), jnp.float32) / np.sqrt(i)


def make_params(key):
    c = [0]
    def nk():
        c[0] += 1
        return jax.random.fold_in(key, c[0])
    p = {}
    p['emb'] = jax.random.normal(nk(), (MAX_OP_CODE, EMB_SIZE), jnp.float32)
    full = (N_NORMAL - 1) + EMB_SIZE  # full_dim = in_channels + emb_size - 1
    p['W_in'] = _lin(nk(), full, DIMS[0]); p['b_in'] = jnp.zeros((DIMS[0],), jnp.float32)
    p['g_in'] = jnp.ones((DIMS[0],), jnp.float32); p['be_in'] = jnp.zeros((DIMS[0],), jnp.float32)
    p['W_pe'] = _lin(nk(), N_PE, PE_DIM); p['b_pe'] = jnp.zeros((PE_DIM,), jnp.float32)
    layers = []
    for i in range(len(DIMS) - 1):
        ind = PE_DIM + DIMS[i]; outd = DIMS[i + 1]
        feat = {'W': _lin(nk(), ind, outd), 'b': jnp.zeros((outd,), jnp.float32),
                'Wi': _lin(nk(), ind, MSG), 'bi': jnp.zeros((MSG,), jnp.float32),
                'Wo': _lin(nk(), ind, MSG), 'bo': jnp.zeros((MSG,), jnp.float32),
                'g1': jnp.ones((outd + 2 * MSG,), jnp.float32), 'be1': jnp.zeros((outd + 2 * MSG,), jnp.float32),
                'W2': _lin(nk(), outd + 2 * MSG, outd), 'b2': jnp.zeros((outd,), jnp.float32),
                'g2': jnp.ones((outd,), jnp.float32), 'be2': jnp.zeros((outd,), jnp.float32)}
        pe = {'W': _lin(nk(), PE_DIM, PE_DIM), 'b': jnp.zeros((PE_DIM,), jnp.float32),
              'Wi': _lin(nk(), PE_DIM, MSG), 'bi': jnp.zeros((MSG,), jnp.float32),
              'Wo': _lin(nk(), PE_DIM, MSG), 'bo': jnp.zeros((MSG,), jnp.float32),
              'W2': _lin(nk(), PE_DIM + 2 * MSG, PE_DIM), 'b2': jnp.zeros((PE_DIM,), jnp.float32)}
        lin = {'Wk': _lin(nk(), outd, KQ), 'bk': jnp.zeros((KQ,), jnp.float32),
               'Wq': _lin(nk(), outd, KQ), 'bq': jnp.zeros((KQ,), jnp.float32),
               'Wv': _lin(nk(), outd, LIN_DIM)}
        comb = {'Wc': _lin(nk(), outd + LIN_DIM, outd), 'bc': jnp.zeros((outd,), jnp.float32)}
        layers.append({'feat': feat, 'pe': pe, 'lin': lin, 'comb': comb})
    p['layers'] = layers
    return p


def setup_inputs(seed: int = 0) -> dict:
    key = jax.random.key(seed)
    inp = {}
    inp['op_code'] = jax.random.randint(jax.random.fold_in(key, 1000), (L, N), 0, MAX_OP_CODE, dtype=jnp.int32)
    inp['features'] = jax.random.normal(jax.random.fold_in(key, 1001), (L, N, (N_NORMAL - 1) + N_PE), jnp.float32)
    inp['edge_index'] = jax.random.randint(jax.random.fold_in(key, 1002), (2, E), 0, N, dtype=jnp.int32)
    inp['lengths'] = N  # single graph in the batch
    inp['params'] = make_params(jax.random.fold_in(key, 1003))
    return inp


def _silu(x):
    return x * jax.nn.sigmoid(x)


def _ln(x, g, b):
    m = jnp.mean(x, axis=-1, keepdims=True)
    v = jnp.var(x, axis=-1, keepdims=True)
    return (x - m) / jnp.sqrt(v + 1e-5) * g + b


def _sage(x, src, dst, p, pe_conv):
    Ld, Nd, _ = x.shape
    proj = x @ p['W'] + p['b']
    pin = (x @ p['Wi'] + p['bi']).transpose(1, 0, 2).reshape(Nd, -1)
    pout = (x @ p['Wo'] + p['bo']).transpose(1, 0, 2).reshape(Nd, -1)
    # connection_matrix_in @ pin : scatter-add of gathered src rows into dst rows
    inc = jnp.zeros_like(pin).at[dst].add(pin[src])
    outg = jnp.zeros_like(pout).at[src].add(pout[dst])
    agg_in = inc.reshape(Nd, Ld, -1).transpose(1, 0, 2)
    agg_out = outg.reshape(Nd, Ld, -1).transpose(1, 0, 2)
    out = jnp.concatenate([proj, agg_in, agg_out], axis=-1)
    if pe_conv:
        return jnp.tanh(jnp.tanh(out) @ p['W2'] + p['b2'])
    h = _ln(_silu(out), p['g1'], p['be1'])
    h = h @ p['W2'] + p['b2']
    return _ln(_silu(h), p['g2'], p['be2'])


def _linformer(x, p):
    # single segment (lengths = [N]) -> no split needed
    k = jax.nn.elu(x @ p['Wk'] + p['bk']) + 1.0
    q = jax.nn.elu(x @ p['Wq'] + p['bq']) + 1.0
    v = x @ p['Wv']
    ktv = jnp.einsum('lnk,lnv->lkv', k, v)
    return jnp.einsum('lnk,lkv->lnv', q, ktv)


def _forward(features, params, op_code, edge_index):
    src, dst = edge_index[0], edge_index[1]
    normal = features[..., :N_NORMAL - 1]
    pe = features[..., N_NORMAL - 1:]
    emb = jnp.take(params['emb'], op_code, axis=0)
    x = jnp.concatenate([emb, normal], axis=-1)
    x = _ln(_silu(x @ params['W_in'] + params['b_in']), params['g_in'], params['be_in'])
    pe_emb = jnp.tanh(pe @ params['W_pe'] + params['b_pe'])
    for lp in params['layers']:
        h = jnp.concatenate([pe_emb, x], axis=-1)
        x_new = _sage(h, src, dst, lp['feat'], False)
        pe_emb = _sage(pe_emb, src, dst, lp['pe'], True)
        att = _linformer(x_new, lp['lin'])
        x = _silu(jnp.concatenate([x_new, att], axis=-1) @ lp['comb']['Wc'] + lp['comb']['bc'])
    return x


def reference(op_code, features, edge_index, lengths, params):
    return _forward(features, params, op_code, edge_index)

if __name__ == "__main__":
    import jax
    _d = setup_inputs()
    print(jax.jit(kernel)(*tuple(_d.values())))

</pallas_src>

<mosaic_0001>
#map = affine_map<(d0, d1) -> (0, 0)>
#map1 = affine_map<(d0, d1) -> (0, 0, 0)>
module attributes {stable_mosaic.version = 14 : i64} {
  func.func @_sc_body(%arg0: i32, %arg1: i32, %arg2: memref<10000x128xf32, #tpu.memory_space<hbm>>, %arg3: memref<10000x128xf32, #tpu.memory_space<hbm>>, %arg4: memref<1280x128xi32, #tpu.memory_space<hbm>>, %arg5: memref<1280x128xi32, #tpu.memory_space<hbm>>, %arg6: memref<1280x128xi32, #tpu.memory_space<hbm>>, %arg7: memref<1280x128xi32, #tpu.memory_space<hbm>>, %arg8: memref<10000x128xf32, #tpu.memory_space<hbm>>, %arg9: memref<2x10000x128xf32, #tpu.memory_space<hbm>>, %arg10: memref<2x10000x128xf32, #tpu.memory_space<hbm>>, %arg11: memref<2x10000x128xf32, #tpu.memory_space<hbm>>, %arg12: memref<40x128xi32, #tpu.memory_space<vmem>>, %arg13: memref<40x128xi32, #tpu.memory_space<vmem>>, %arg14: memref<128x128xf32, #tpu.memory_space<vmem>>, %arg15: memref<128x128xf32, #tpu.memory_space<vmem>>, %arg16: memref<10128x128xf32, #tpu.memory_space<vmem_shared>>, %arg17: memref<!tpu.dma_semaphore, #tpu.memory_space<semaphore_mem>>, %arg18: memref<!tpu.dma_semaphore, #tpu.memory_space<semaphore_mem>>, %arg19: memref<!tpu.dma_semaphore, #tpu.memory_space<semaphore_mem>>, %arg20: memref<!tpu.dma_semaphore, #tpu.memory_space<semaphore_mem>>) attributes {dimension_semantics = [#tpu.dimension_semantics<core_parallel>, #tpu.dimension_semantics<subcore_parallel>], iteration_bounds = array<i64: 2, 16>, scalar_prefetch = 0 : i64, scratch_operands = 9 : i64, tpu.core_type = #tpu.core_type<sc_vector_subcore>, window_params = [{transform_indices = #map}, {transform_indices = #map}, {transform_indices = #map}, {transform_indices = #map}, {transform_indices = #map}, {transform_indices = #map}, {transform_indices = #map}, {transform_indices = #map1}, {transform_indices = #map1}, {transform_indices = #map1}]} {
    %mul3A = arith.constant 640 : i32
    %mul3A_0 = arith.muli %arg0, %mul3A : i32
    %mul3A_1 = arith.constant 40 : i32
    %mul3A_2 = arith.muli %arg1, %mul3A_1 : i32
    %add3A = arith.addi %mul3A_0, %mul3A_2 : i32
    %mul3A_3 = arith.constant 624 : i32
    %mul3A_4 = arith.muli %arg1, %mul3A_3 : i32
    "tpu.region"() ({
      %run_scoped3A = tpu.sem_alloc : memref<!tpu.dma_semaphore, #tpu.memory_space<semaphore_mem>>
      %dma_start3A_61 = arith.constant 0 : i32
      %dma_start3A_62 = tpu.memref_slice %arg16[%mul3A_4, %dma_start3A_61] : memref<10128x128xf32, #tpu.memory_space<vmem_shared>> -> memref<640x128xf32, #tpu.memory_space<vmem_shared>>
      %dma_start3A_63 = arith.constant 0 : i32
      %dma_start3A_64 = tpu.memref_slice %arg8[%mul3A_4, %dma_start3A_63] : memref<10000x128xf32, #tpu.memory_space<hbm>> -> memref<640x128xf32, #tpu.memory_space<hbm>>
      tpu.enqueue_dma source(%dma_start3A_64 : memref<640x128xf32, #tpu.memory_space<hbm>>) target(%dma_start3A_62 : memref<640x128xf32, #tpu.memory_space<vmem_shared>>) target_semaphore(%run_scoped3A : memref<!tpu.dma_semaphore, #tpu.memory_space<semaphore_mem>>)
      %dma_wait3A_65 = arith.constant 0 : i32
      %dma_wait3A_66 = tpu.memref_slice %arg16[%mul3A_4, %dma_wait3A_65] : memref<10128x128xf32, #tpu.memory_space<vmem_shared>> -> memref<640x128xf32, #tpu.memory_space<vmem_shared>>
      %dma_wait3A_67 = arith.constant 0 : i32
      %dma_wait3A_68 = tpu.memref_slice %arg8[%mul3A_4, %dma_wait3A_67] : memref<10000x128xf32, #tpu.memory_space<hbm>> -> memref<640x128xf32, #tpu.memory_space<hbm>>
      tpu.wait_dma2 semaphore(%run_scoped3A : memref<!tpu.dma_semaphore, #tpu.memory_space<semaphore_mem>>) src(%dma_wait3A_68 : memref<640x128xf32, #tpu.memory_space<hbm>>) dst(%dma_wait3A_66 : memref<640x128xf32, #tpu.memory_space<vmem_shared>>)
      tpu.yield
    }) : () -> ()
    "tpu.region"() ({
      %run_scoped3A = tpu.sem_alloc : memref<!tpu.dma_semaphore, #tpu.memory_space<semaphore_mem>>
      %dma_start3A_61 = arith.constant 0 : i32
      %dma_start3A_62 = tpu.memref_slice %arg4[%add3A, %dma_start3A_61] : memref<1280x128xi32, #tpu.memory_space<hbm>> -> memref<40x128xi32, #tpu.memory_space<hbm>>
      %dma_start3A_63 = arith.constant 0 : i32
      %dma_start3A_64 = tpu.memref_slice %arg4[%add3A, %dma_start3A_63] : memref<1280x128xi32, #tpu.memory_space<hbm>> -> memref<40x128xi32, #tpu.memory_space<hbm>>
      tpu.enqueue_dma source(%dma_start3A_64 : memref<40x128xi32, #tpu.memory_space<hbm>>) target(%arg12 : memref<40x128xi32, #tpu.memory_space<vmem>>) target_semaphore(%run_scoped3A : memref<!tpu.dma_semaphore, #tpu.memory_space<semaphore_mem>>)
      %dma_wait3A_65 = arith.constant 0 : i32
      %dma_wait3A_66 = tpu.memref_slice %arg4[%add3A, %dma_wait3A_65] : memref<1280x128xi32, #tpu.memory_space<hbm>> -> memref<40x128xi32, #tpu.memory_space<hbm>>
      %dma_wait3A_67 = arith.constant 0 : i32
      %dma_wait3A_68 = tpu.memref_slice %arg4[%add3A, %dma_wait3A_67] : memref<1280x128xi32, #tpu.memory_space<hbm>> -> memref<40x128xi32, #tpu.memory_space<hbm>>
      tpu.wait_dma2 semaphore(%run_scoped3A : memref<!tpu.dma_semaphore, #tpu.memory_space<semaphore_mem>>) src(%dma_wait3A_68 : memref<40x128xi32, #tpu.memory_space<hbm>>) dst(%arg12 : memref<40x128xi32, #tpu.memory_space<vmem>>)
      tpu.yield
    }) : () -> ()
    "tpu.region"() ({
      %run_scoped3A = tpu.sem_alloc : memref<!tpu.dma_semaphore, #tpu.memory_space<semaphore_mem>>
      %dma_start3A_61 = arith.constant 0 : i32
      %dma_start3A_62 = tpu.memref_slice %arg7[%add3A, %dma_start3A_61] : memref<1280x128xi32, #tpu.memory_space<hbm>> -> memref<40x128xi32, #tpu.memory_space<hbm>>
      %dma_start3A_63 = arith.constant 0 : i32
      %dma_start3A_64 = tpu.memref_slice %arg7[%add3A, %dma_start3A_63] : memref<1280x128xi32, #tpu.memory_space<hbm>> -> memref<40x128xi32, #tpu.memory_space<hbm>>
      tpu.enqueue_dma source(%dma_start3A_64 : memref<40x128xi32, #tpu.memory_space<hbm>>) target(%arg13 : memref<40x128xi32, #tpu.memory_space<vmem>>) target_semaphore(%run_scoped3A : memref<!tpu.dma_semaphore, #tpu.memory_space<semaphore_mem>>)
      %dma_wait3A_65 = arith.constant 0 : i32
      %dma_wait3A_66 = tpu.memref_slice %arg7[%add3A, %dma_wait3A_65] : memref<1280x128xi32, #tpu.memory_space<hbm>> -> memref<40x128xi32, #tpu.memory_space<hbm>>
      %dma_wait3A_67 = arith.constant 0 : i32
      %dma_wait3A_68 = tpu.memref_slice %arg7[%add3A, %dma_wait3A_67] : memref<1280x128xi32, #tpu.memory_space<hbm>> -> memref<40x128xi32, #tpu.memory_space<hbm>>
      tpu.wait_dma2 semaphore(%run_scoped3A : memref<!tpu.dma_semaphore, #tpu.memory_space<semaphore_mem>>) src(%dma_wait3A_68 : memref<40x128xi32, #tpu.memory_space<hbm>>) dst(%arg13 : memref<40x128xi32, #tpu.memory_space<vmem>>)
      tpu.yield
    }) : () -> ()
    %barrier3A = arith.constant 0 : index
    tpu.barrier barrier_id(%barrier3A)
    %dma_start3A = arith.constant 0 : i32
    %dma_start3A_5 = arith.constant 0 : i32
    %dma_start3A_6 = tpu.memref_slice %arg12[%dma_start3A, %dma_start3A_5] : memref<40x128xi32, #tpu.memory_space<vmem>> -> memref<1x128xi32, #tpu.memory_space<vmem>>
    %dma_start3A_7 = tpu.memref_squeeze %dma_start3A_6 : memref<1x128xi32, #tpu.memory_space<vmem>> -> memref<128xi32, #tpu.memory_space<vmem>>
    %dma_start3A_8 = arith.constant 0 : i32
    %dma_start3A_9 = arith.constant 0 : i32
    %dma_start3A_10 = tpu.memref_slice %arg2[%dma_start3A_8, %dma_start3A_9] : memref<10000x128xf32, #tpu.memory_space<hbm>> -> memref<10000x128xf32, #tpu.memory_space<hbm>>
    tpu.enqueue_indirect_dma source(%dma_start3A_10 : memref<10000x128xf32, #tpu.memory_space<hbm>>) target(%arg14 : memref<128x128xf32, #tpu.memory_space<vmem>>) offsets(%dma_start3A_7 : memref<128xi32, #tpu.memory_space<vmem>>) semaphore(%arg17 : memref<!tpu.dma_semaphore, #tpu.memory_space<semaphore_mem>>)
    %scan3A = arith.constant 0 : i32
    %scan3A_11 = arith.constant 0 : i32
    %scan3A_12 = arith.constant 20 : i32
    %scan3A_13 = arith.addi %scan3A_11, %scan3A_12 : i32
    %scan3A_14 = arith.constant 1 : i32
    scf.for %scan3A_61 = %scan3A_11 to %scan3A_13 step %scan3A_14  : i32 {
      %mul3A_62 = arith.constant 2 : i32
      %mul3A_63 = arith.muli %mul3A_62, %scan3A_61 : i32
      %mul3A_64 = arith.constant 2 : i32
      %mul3A_65 = arith.muli %mul3A_64, %scan3A_61 : i32
      %add3A_66 = arith.constant 1 : i32
      %add3A_67 = arith.addi %mul3A_65, %add3A_66 : i32
      %dma_wait3A_68 = arith.constant 0 : i32
      %dma_wait3A_69 = tpu.memref_slice %arg12[%mul3A_63, %dma_wait3A_68] : memref<40x128xi32, #tpu.memory_space<vmem>> -> memref<1x128xi32, #tpu.memory_space<vmem>>
      %dma_wait3A_70 = tpu.memref_squeeze %dma_wait3A_69 : memref<1x128xi32, #tpu.memory_space<vmem>> -> memref<128xi32, #tpu.memory_space<vmem>>
      %dma_wait3A_71 = arith.constant 0 : i32
      %dma_wait3A_72 = arith.constant 0 : i32
      %dma_wait3A_73 = tpu.memref_slice %arg2[%dma_wait3A_71, %dma_wait3A_72] : memref<10000x128xf32, #tpu.memory_space<hbm>> -> memref<10000x128xf32, #tpu.memory_space<hbm>>
      tpu.wait_indirect_dma semaphore(%arg17 : memref<!tpu.dma_semaphore, #tpu.memory_space<semaphore_mem>>) src(%dma_wait3A_73 : memref<10000x128xf32, #tpu.memory_space<hbm>>) dst(%arg14 : memref<128x128xf32, #tpu.memory_space<vmem>>)
      %dma_start3A_74 = arith.constant 0 : i32
      %dma_start3A_75 = tpu.memref_slice %arg13[%mul3A_63, %dma_start3A_74] : memref<40x128xi32, #tpu.memory_space<vmem>> -> memref<1x128xi32, #tpu.memory_space<vmem>>
      %dma_start3A_76 = tpu.memref_squeeze %dma_start3A_75 : memref<1x128xi32, #tpu.memory_space<vmem>> -> memref<128xi32, #tpu.memory_space<vmem>>
      %dma_start3A_77 = arith.constant 0 : i32
      %dma_start3A_78 = arith.constant 0 : i32
      %dma_start3A_79 = tpu.memref_slice %arg16[%dma_start3A_77, %dma_start3A_78] : memref<10128x128xf32, #tpu.memory_space<vmem_shared>> -> memref<10128x128xf32, #tpu.memory_space<vmem_shared>>
      tpu.enqueue_indirect_dma source(%arg14 : memref<128x128xf32, #tpu.memory_space<vmem>>) target(%dma_start3A_79 : memref<10128x128xf32, #tpu.memory_space<vmem_shared>>) offsets(%dma_start3A_76 : memref<128xi32, #tpu.memory_space<vmem>>) semaphore(%arg19 : memref<!tpu.dma_semaphore, #tpu.memory_space<semaphore_mem>>) {add = true}
      %gt3A = arith.constant 0 : i32
      %gt3A_80 = arith.cmpi sgt, %scan3A_61, %gt3A : i32
      %convert_element_type3A = arith.extui %gt3A_80 : i1 to i32
      %cond3A = arith.constant 0 : i32
      %cond3A_81 = arith.cmpi ne, %convert_element_type3A, %cond3A : i32
      scf.if %cond3A_81 {
        %dma_wait3A_106 = arith.constant 0 : i32
        %dma_wait3A_107 = tpu.memref_slice %arg13[%add3A_67, %dma_wait3A_106] : memref<40x128xi32, #tpu.memory_space<vmem>> -> memref<1x128xi32, #tpu.memory_space<vmem>>
        %dma_wait3A_108 = tpu.memref_squeeze %dma_wait3A_107 : memref<1x128xi32, #tpu.memory_space<vmem>> -> memref<128xi32, #tpu.memory_space<vmem>>
        %dma_wait3A_109 = arith.constant 0 : i32
        %dma_wait3A_110 = arith.constant 0 : i32
        %dma_wait3A_111 = tpu.memref_slice %arg16[%dma_wait3A_109, %dma_wait3A_110] : memref<10128x128xf32, #tpu.memory_space<vmem_shared>> -> memref<10128x128xf32, #tpu.memory_space<vmem_shared>>
        tpu.wait_indirect_dma semaphore(%arg20 : memref<!tpu.dma_semaphore, #tpu.memory_space<semaphore_mem>>) src(%arg15 : memref<128x128xf32, #tpu.memory_space<vmem>>) dst(%dma_wait3A_111 : memref<10128x128xf32, #tpu.memory_space<vmem_shared>>)
      } else {
      }
      %dma_start3A_82 = arith.constant 0 : i32
      %dma_start3A_83 = tpu.memref_slice %arg12[%add3A_67, %dma_start3A_82] : memref<40x128xi32, #tpu.memory_space<vmem>> -> memref<1x128xi32, #tpu.memory_space<vmem>>
      %dma_start3A_84 = tpu.memref_squeeze %dma_start3A_83 : memref<1x128xi32, #tpu.memory_space<vmem>> -> memref<128xi32, #tpu.memory_space<vmem>>
      %dma_start3A_85 = arith.constant 0 : i32
      %dma_start3A_86 = arith.constant 0 : i32
      %dma_start3A_87 = tpu.memref_slice %arg2[%dma_start3A_85, %dma_start3A_86] : memref<10000x128xf32, #tpu.memory_space<hbm>> -> memref<10000x128xf32, #tpu.memory_space<hbm>>
      tpu.enqueue_indirect_dma source(%dma_start3A_87 : memref<10000x128xf32, #tpu.memory_space<hbm>>) target(%arg15 : memref<128x128xf32, #tpu.memory_space<vmem>>) offsets(%dma_start3A_84 : memref<128xi32, #tpu.memory_space<vmem>>) semaphore(%arg18 : memref<!tpu.dma_semaphore, #tpu.memory_space<semaphore_mem>>)
      %dma_wait3A_88 = arith.constant 0 : i32
      %dma_wait3A_89 = tpu.memref_slice %arg12[%add3A_67, %dma_wait3A_88] : memref<40x128xi32, #tpu.memory_space<vmem>> -> memref<1x128xi32, #tpu.memory_space<vmem>>
      %dma_wait3A_90 = tpu.memref_squeeze %dma_wait3A_89 : memref<1x128xi32, #tpu.memory_space<vmem>> -> memref<128xi32, #tpu.memory_space<vmem>>
      %dma_wait3A_91 = arith.constant 0 : i32
      %dma_wait3A_92 = arith.constant 0 : i32
      %dma_wait3A_93 = tpu.memref_slice %arg2[%dma_wait3A_91, %dma_wait3A_92] : memref<10000x128xf32, #tpu.memory_space<hbm>> -> memref<10000x128xf32, #tpu.memory_space<hbm>>
      tpu.wait_indirect_dma semaphore(%arg18 : memref<!tpu.dma_semaphore, #tpu.memory_space<semaphore_mem>>) src(%dma_wait3A_93 : memref<10000x128xf32, #tpu.memory_space<hbm>>) dst(%arg15 : memref<128x128xf32, #tpu.memory_space<vmem>>)
      %dma_start3A_94 = arith.constant 0 : i32
      %dma_start3A_95 = tpu.memref_slice %arg13[%add3A_67, %dma_start3A_94] : memref<40x128xi32, #tpu.memory_space<vmem>> -> memref<1x128xi32, #tpu.memory_space<vmem>>
      %dma_start3A_96 = tpu.memref_squeeze %dma_start3A_95 : memref<1x128xi32, #tpu.memory_space<vmem>> -> memref<128xi32, #tpu.memory_space<vmem>>
      %dma_start3A_97 = arith.constant 0 : i32
      %dma_start3A_98 = arith.constant 0 : i32
      %dma_start3A_99 = tpu.memref_slice %arg16[%dma_start3A_97, %dma_start3A_98] : memref<10128x128xf32, #tpu.memory_space<vmem_shared>> -> memref<10128x128xf32, #tpu.memory_space<vmem_shared>>
      tpu.enqueue_indirect_dma source(%arg15 : memref<128x128xf32, #tpu.memory_space<vmem>>) target(%dma_start3A_99 : memref<10128x128xf32, #tpu.memory_space<vmem_shared>>) offsets(%dma_start3A_96 : memref<128xi32, #tpu.memory_space<vmem>>) semaphore(%arg20 : memref<!tpu.dma_semaphore, #tpu.memory_space<semaphore_mem>>) {add = true}
      %add3A_100 = arith.constant 1 : i32
      %add3A_101 = arith.addi %add3A_67, %add3A_100 : i32
      %lt3A = arith.constant 40 : i32
      %lt3A_102 = arith.cmpi slt, %add3A_101, %lt3A : i32
      %convert_element_type3A_103 = arith.extui %lt3A_102 : i1 to i32
      %cond3A_104 = arith.constant 0 : i32
      %cond3A_105 = arith.cmpi ne, %convert_element_type3A_103, %cond3A_104 : i32
      scf.if %cond3A_105 {
        %dma_wait3A_106 = arith.constant 0 : i32
        %dma_wait3A_107 = tpu.memref_slice %arg13[%mul3A_63, %dma_wait3A_106] : memref<40x128xi32, #tpu.memory_space<vmem>> -> memref<1x128xi32, #tpu.memory_space<vmem>>
        %dma_wait3A_108 = tpu.memref_squeeze %dma_wait3A_107 : memref<1x128xi32, #tpu.memory_space<vmem>> -> memref<128xi32, #tpu.memory_space<vmem>>
        %dma_wait3A_109 = arith.constant 0 : i32
        %dma_wait3A_110 = arith.constant 0 : i32
        %dma_wait3A_111 = tpu.memref_slice %arg16[%dma_wait3A_109, %dma_wait3A_110] : memref<10128x128xf32, #tpu.memory_space<vmem_shared>> -> memref<10128x128xf32, #tpu.memory_space<vmem_shared>>
        tpu.wait_indirect_dma semaphore(%arg19 : memref<!tpu.dma_semaphore, #tpu.memory_space<semaphore_mem>>) src(%arg14 : memref<128x128xf32, #tpu.memory_space<vmem>>) dst(%dma_wait3A_111 : memref<10128x128xf32, #tpu.memory_space<vmem_shared>>)
        %add3A_112 = arith.constant 1 : i32
        %add3A_113 = arith.addi %add3A_67, %add3A_112 : i32
        %dma_start3A_114 = arith.constant 0 : i32
        %dma_start3A_115 = tpu.memref_slice %arg12[%add3A_113, %dma_start3A_114] : memref<40x128xi32, #tpu.memory_space<vmem>> -> memref<1x128xi32, #tpu.memory_space<vmem>>
        %dma_start3A_116 = tpu.memref_squeeze %dma_start3A_115 : memref<1x128xi32, #tpu.memory_space<vmem>> -> memref<128xi32, #tpu.memory_space<vmem>>
        %dma_start3A_117 = arith.constant 0 : i32
        %dma_start3A_118 = arith.constant 0 : i32
        %dma_start3A_119 = tpu.memref_slice %arg2[%dma_start3A_117, %dma_start3A_118] : memref<10000x128xf32, #tpu.memory_space<hbm>> -> memref<10000x128xf32, #tpu.memory_space<hbm>>
        tpu.enqueue_indirect_dma source(%dma_start3A_119 : memref<10000x128xf32, #tpu.memory_space<hbm>>) target(%arg14 : memref<128x128xf32, #tpu.memory_space<vmem>>) offsets(%dma_start3A_116 : memref<128xi32, #tpu.memory_space<vmem>>) semaphore(%arg17 : memref<!tpu.dma_semaphore, #tpu.memory_space<semaphore_mem>>)
      } else {
      }
    }
    %scan3A_15 = arith.constant 20 : i32
    %dma_wait3A = arith.constant 0 : i32
    %dma_wait3A_16 = arith.constant 0 : i32
    %dma_wait3A_17 = tpu.memref_slice %arg13[%dma_wait3A, %dma_wait3A_16] : memref<40x128xi32, #tpu.memory_space<vmem>> -> memref<1x128xi32, #tpu.memory_space<vmem>>
    %dma_wait3A_18 = tpu.memref_squeeze %dma_wait3A_17 : memref<1x128xi32, #tpu.memory_space<vmem>> -> memref<128xi32, #tpu.memory_space<vmem>>
    %dma_wait3A_19 = arith.constant 0 : i32
    %dma_wait3A_20 = arith.constant 0 : i32
    %dma_wait3A_21 = tpu.memref_slice %arg16[%dma_wait3A_19, %dma_wait3A_20] : memref<10128x128xf32, #tpu.memory_space<vmem_shared>> -> memref<10128x128xf32, #tpu.memory_space<vmem_shared>>
    tpu.wait_indirect_dma semaphore(%arg19 : memref<!tpu.dma_semaphore, #tpu.memory_space<semaphore_mem>>) src(%arg14 : memref<128x128xf32, #tpu.memory_space<vmem>>) dst(%dma_wait3A_21 : memref<10128x128xf32, #tpu.memory_space<vmem_shared>>)
    %dma_wait3A_22 = arith.constant 0 : i32
    %dma_wait3A_23 = arith.constant 0 : i32
    %dma_wait3A_24 = tpu.memref_slice %arg13[%dma_wait3A_22, %dma_wait3A_23] : memref<40x128xi32, #tpu.memory_space<vmem>> -> memref<1x128xi32, #tpu.memory_space<vmem>>
    %dma_wait3A_25 = tpu.memref_squeeze %dma_wait3A_24 : memref<1x128xi32, #tpu.memory_space<vmem>> -> memref<128xi32, #tpu.memory_space<vmem>>
    %dma_wait3A_26 = arith.constant 0 : i32
    %dma_wait3A_27 = arith.constant 0 : i32
    %dma_wait3A_28 = tpu.memref_slice %arg16[%dma_wait3A_26, %dma_wait3A_27] : memref<10128x128xf32, #tpu.memory_space<vmem_shared>> -> memref<10128x128xf32, #tpu.memory_space<vmem_shared>>
    tpu.wait_indirect_dma semaphore(%arg20 : memref<!tpu.dma_semaphore, #tpu.memory_space<semaphore_mem>>) src(%arg15 : memref<128x128xf32, #tpu.memory_space<vmem>>) dst(%dma_wait3A_28 : memref<10128x128xf32, #tpu.memory_space<vmem_shared>>)
    %barrier3A_29 = arith.constant 0 : index
    tpu.barrier barrier_id(%barrier3A_29)
    "tpu.region"() ({
      %run_scoped3A = tpu.sem_alloc : memref<!tpu.dma_semaphore, #tpu.memory_space<semaphore_mem>>
      %dma_start3A_61 = arith.constant 0 : i32
      %dma_start3A_62 = arith.constant 0 : i32
      %dma_start3A_63 = tpu.memref_slice %arg10[%arg0, %dma_start3A_61, %dma_start3A_62] : memref<2x10000x128xf32, #tpu.memory_space<hbm>> -> memref<1x10000x128xf32, #tpu.memory_space<hbm>>
      %dma_start3A_64 = tpu.memref_squeeze %dma_start3A_63 : memref<1x10000x128xf32, #tpu.memory_space<hbm>> -> memref<10000x128xf32, #tpu.memory_space<hbm>>
      %dma_start3A_65 = arith.constant 0 : i32
      %dma_start3A_66 = tpu.memref_slice %dma_start3A_64[%mul3A_4, %dma_start3A_65] : memref<10000x128xf32, #tpu.memory_space<hbm>> -> memref<640x128xf32, #tpu.memory_space<hbm>>
      %dma_start3A_67 = arith.constant 0 : i32
      %dma_start3A_68 = tpu.memref_slice %arg16[%mul3A_4, %dma_start3A_67] : memref<10128x128xf32, #tpu.memory_space<vmem_shared>> -> memref<640x128xf32, #tpu.memory_space<vmem_shared>>
      tpu.enqueue_dma source(%dma_start3A_68 : memref<640x128xf32, #tpu.memory_space<vmem_shared>>) target(%dma_start3A_66 : memref<640x128xf32, #tpu.memory_space<hbm>>) target_semaphore(%run_scoped3A : memref<!tpu.dma_semaphore, #tpu.memory_space<semaphore_mem>>)
      %dma_wait3A_69 = arith.constant 0 : i32
      %dma_wait3A_70 = arith.constant 0 : i32
      %dma_wait3A_71 = tpu.memref_slice %arg10[%arg0, %dma_wait3A_69, %dma_wait3A_70] : memref<2x10000x128xf32, #tpu.memory_space<hbm>> -> memref<1x10000x128xf32, #tpu.memory_space<hbm>>
      %dma_wait3A_72 = tpu.memref_squeeze %dma_wait3A_71 : memref<1x10000x128xf32, #tpu.memory_space<hbm>> -> memref<10000x128xf32, #tpu.memory_space<hbm>>
      %dma_wait3A_73 = arith.constant 0 : i32
      %dma_wait3A_74 = tpu.memref_slice %dma_wait3A_72[%mul3A_4, %dma_wait3A_73] : memref<10000x128xf32, #tpu.memory_space<hbm>> -> memref<640x128xf32, #tpu.memory_space<hbm>>
      %dma_wait3A_75 = arith.constant 0 : i32
      %dma_wait3A_76 = tpu.memref_slice %arg16[%mul3A_4, %dma_wait3A_75] : memref<10128x128xf32, #tpu.memory_space<vmem_shared>> -> memref<640x128xf32, #tpu.memory_space<vmem_shared>>
      tpu.wait_dma2 semaphore(%run_scoped3A : memref<!tpu.dma_semaphore, #tpu.memory_space<semaphore_mem>>) src(%dma_wait3A_76 : memref<640x128xf32, #tpu.memory_space<vmem_shared>>) dst(%dma_wait3A_74 : memref<640x128xf32, #tpu.memory_space<hbm>>)
      tpu.yield
    }) : () -> ()
    %barrier3A_30 = arith.constant 0 : index
    tpu.barrier barrier_id(%barrier3A_30)
    "tpu.region"() ({
      %run_scoped3A = tpu.sem_alloc : memref<!tpu.dma_semaphore, #tpu.memory_space<semaphore_mem>>
      %dma_start3A_61 = arith.constant 0 : i32
      %dma_start3A_62 = tpu.memref_slice %arg16[%mul3A_4, %dma_start3A_61] : memref<10128x128xf32, #tpu.memory_space<vmem_shared>> -> memref<640x128xf32, #tpu.memory_space<vmem_shared>>
      %dma_start3A_63 = arith.constant 0 : i32
      %dma_start3A_64 = tpu.memref_slice %arg8[%mul3A_4, %dma_start3A_63] : memref<10000x128xf32, #tpu.memory_space<hbm>> -> memref<640x128xf32, #tpu.memory_space<hbm>>
      tpu.enqueue_dma source(%dma_start3A_64 : memref<640x128xf32, #tpu.memory_space<hbm>>) target(%dma_start3A_62 : memref<640x128xf32, #tpu.memory_space<vmem_shared>>) target_semaphore(%run_scoped3A : memref<!tpu.dma_semaphore, #tpu.memory_space<semaphore_mem>>)
      %dma_wait3A_65 = arith.constant 0 : i32
      %dma_wait3A_66 = tpu.memref_slice %arg16[%mul3A_4, %dma_wait3A_65] : memref<10128x128xf32, #tpu.memory_space<vmem_shared>> -> memref<640x128xf32, #tpu.memory_space<vmem_shared>>
      %dma_wait3A_67 = arith.constant 0 : i32
      %dma_wait3A_68 = tpu.memref_slice %arg8[%mul3A_4, %dma_wait3A_67] : memref<10000x128xf32, #tpu.memory_space<hbm>> -> memref<640x128xf32, #tpu.memory_space<hbm>>
      tpu.wait_dma2 semaphore(%run_scoped3A : memref<!tpu.dma_semaphore, #tpu.memory_space<semaphore_mem>>) src(%dma_wait3A_68 : memref<640x128xf32, #tpu.memory_space<hbm>>) dst(%dma_wait3A_66 : memref<640x128xf32, #tpu.memory_space<vmem_shared>>)
      tpu.yield
    }) : () -> ()
    "tpu.region"() ({
      %run_scoped3A = tpu.sem_alloc : memref<!tpu.dma_semaphore, #tpu.memory_space<semaphore_mem>>
      %dma_start3A_61 = arith.constant 0 : i32
      %dma_start3A_62 = tpu.memref_slice %arg6[%add3A, %dma_start3A_61] : memref<1280x128xi32, #tpu.memory_space<hbm>> -> memref<40x128xi32, #tpu.memory_space<hbm>>
      %dma_start3A_63 = arith.constant 0 : i32
      %dma_start3A_64 = tpu.memref_slice %arg6[%add3A, %dma_start3A_63] : memref<1280x128xi32, #tpu.memory_space<hbm>> -> memref<40x128xi32, #tpu.memory_space<hbm>>
      tpu.enqueue_dma source(%dma_start3A_64 : memref<40x128xi32, #tpu.memory_space<hbm>>) target(%arg12 : memref<40x128xi32, #tpu.memory_space<vmem>>) target_semaphore(%run_scoped3A : memref<!tpu.dma_semaphore, #tpu.memory_space<semaphore_mem>>)
      %dma_wait3A_65 = arith.constant 0 : i32
      %dma_wait3A_66 = tpu.memref_slice %arg6[%add3A, %dma_wait3A_65] : memref<1280x128xi32, #tpu.memory_space<hbm>> -> memref<40x128xi32, #tpu.memory_space<hbm>>
      %dma_wait3A_67 = arith.constant 0 : i32
      %dma_wait3A_68 = tpu.memref_slice %arg6[%add3A, %dma_wait3A_67] : memref<1280x128xi32, #tpu.memory_space<hbm>> -> memref<40x128xi32, #tpu.memory_space<hbm>>
      tpu.wait_dma2 semaphore(%run_scoped3A : memref<!tpu.dma_semaphore, #tpu.memory_space<semaphore_mem>>) src(%dma_wait3A_68 : memref<40x128xi32, #tpu.memory_space<hbm>>) dst(%arg12 : memref<40x128xi32, #tpu.memory_space<vmem>>)
      tpu.yield
    }) : () -> ()
    "tpu.region"() ({
      %run_scoped3A = tpu.sem_alloc : memref<!tpu.dma_semaphore, #tpu.memory_space<semaphore_mem>>
      %dma_start3A_61 = arith.constant 0 : i32
      %dma_start3A_62 = tpu.memref_slice %arg5[%add3A, %dma_start3A_61] : memref<1280x128xi32, #tpu.memory_space<hbm>> -> memref<40x128xi32, #tpu.memory_space<hbm>>
      %dma_start3A_63 = arith.constant 0 : i32
      %dma_start3A_64 = tpu.memref_slice %arg5[%add3A, %dma_start3A_63] : memref<1280x128xi32, #tpu.memory_space<hbm>> -> memref<40x128xi32, #tpu.memory_space<hbm>>
      tpu.enqueue_dma source(%dma_start3A_64 : memref<40x128xi32, #tpu.memory_space<hbm>>) target(%arg13 : memref<40x128xi32, #tpu.memory_space<vmem>>) target_semaphore(%run_scoped3A : memref<!tpu.dma_semaphore, #tpu.memory_space<semaphore_mem>>)
      %dma_wait3A_65 = arith.constant 0 : i32
      %dma_wait3A_66 = tpu.memref_slice %arg5[%add3A, %dma_wait3A_65] : memref<1280x128xi32, #tpu.memory_space<hbm>> -> memref<40x128xi32, #tpu.memory_space<hbm>>
      %dma_wait3A_67 = arith.constant 0 : i32
      %dma_wait3A_68 = tpu.memref_slice %arg5[%add3A, %dma_wait3A_67] : memref<1280x128xi32, #tpu.memory_space<hbm>> -> memref<40x128xi32, #tpu.memory_space<hbm>>
      tpu.wait_dma2 semaphore(%run_scoped3A : memref<!tpu.dma_semaphore, #tpu.memory_space<semaphore_mem>>) src(%dma_wait3A_68 : memref<40x128xi32, #tpu.memory_space<hbm>>) dst(%arg13 : memref<40x128xi32, #tpu.memory_space<vmem>>)
      tpu.yield
    }) : () -> ()
    %barrier3A_31 = arith.constant 0 : index
    tpu.barrier barrier_id(%barrier3A_31)
    %dma_start3A_32 = arith.constant 0 : i32
    %dma_start3A_33 = arith.constant 0 : i32
    %dma_start3A_34 = tpu.memref_slice %arg12[%dma_start3A_32, %dma_start3A_33] : memref<40x128xi32, #tpu.memory_space<vmem>> -> memref<1x128xi32, #tpu.memory_space<vmem>>
    %dma_start3A_35 = tpu.memref_squeeze %dma_start3A_34 : memref<1x128xi32, #tpu.memory_space<vmem>> -> memref<128xi32, #tpu.memory_space<vmem>>
    %dma_start3A_36 = arith.constant 0 : i32
    %dma_start3A_37 = arith.constant 0 : i32
    %dma_start3A_38 = tpu.memref_slice %arg3[%dma_start3A_36, %dma_start3A_37] : memref<10000x128xf32, #tpu.memory_space<hbm>> -> memref<10000x128xf32, #tpu.memory_space<hbm>>
    tpu.enqueue_indirect_dma source(%dma_start3A_38 : memref<10000x128xf32, #tpu.memory_space<hbm>>) target(%arg14 : memref<128x128xf32, #tpu.memory_space<vmem>>) offsets(%dma_start3A_35 : memref<128xi32, #tpu.memory_space<vmem>>) semaphore(%arg17 : memref<!tpu.dma_semaphore, #tpu.memory_space<semaphore_mem>>)
    %scan3A_39 = arith.constant 0 : i32
    %scan3A_40 = arith.constant 0 : i32
    %scan3A_41 = arith.constant 20 : i32
    %scan3A_42 = arith.addi %scan3A_40, %scan3A_41 : i32
    %scan3A_43 = arith.constant 1 : i32
    scf.for %scan3A_61 = %scan3A_40 to %scan3A_42 step %scan3A_43  : i32 {
      %mul3A_62 = arith.constant 2 : i32
      %mul3A_63 = arith.muli %mul3A_62, %scan3A_61 : i32
      %mul3A_64 = arith.constant 2 : i32
      %mul3A_65 = arith.muli %mul3A_64, %scan3A_61 : i32
      %add3A_66 = arith.constant 1 : i32
      %add3A_67 = arith.addi %mul3A_65, %add3A_66 : i32
      %dma_wait3A_68 = arith.constant 0 : i32
      %dma_wait3A_69 = tpu.memref_slice %arg12[%mul3A_63, %dma_wait3A_68] : memref<40x128xi32, #tpu.memory_space<vmem>> -> memref<1x128xi32, #tpu.memory_space<vmem>>
      %dma_wait3A_70 = tpu.memref_squeeze %dma_wait3A_69 : memref<1x128xi32, #tpu.memory_space<vmem>> -> memref<128xi32, #tpu.memory_space<vmem>>
      %dma_wait3A_71 = arith.constant 0 : i32
      %dma_wait3A_72 = arith.constant 0 : i32
      %dma_wait3A_73 = tpu.memref_slice %arg3[%dma_wait3A_71, %dma_wait3A_72] : memref<10000x128xf32, #tpu.memory_space<hbm>> -> memref<10000x128xf32, #tpu.memory_space<hbm>>
      tpu.wait_indirect_dma semaphore(%arg17 : memref<!tpu.dma_semaphore, #tpu.memory_space<semaphore_mem>>) src(%dma_wait3A_73 : memref<10000x128xf32, #tpu.memory_space<hbm>>) dst(%arg14 : memref<128x128xf32, #tpu.memory_space<vmem>>)
      %dma_start3A_74 = arith.constant 0 : i32
      %dma_start3A_75 = tpu.memref_slice %arg13[%mul3A_63, %dma_start3A_74] : memref<40x128xi32, #tpu.memory_space<vmem>> -> memref<1x128xi32, #tpu.memory_space<vmem>>
      %dma_start3A_76 = tpu.memref_squeeze %dma_start3A_75 : memref<1x128xi32, #tpu.memory_space<vmem>> -> memref<128xi32, #tpu.memory_space<vmem>>
      %dma_start3A_77 = arith.constant 0 : i32
      %dma_start3A_78 = arith.constant 0 : i32
      %dma_start3A_79 = tpu.memref_slice %arg16[%dma_start3A_77, %dma_start3A_78] : memref<10128x128xf32, #tpu.memory_space<vmem_shared>> -> memref<10128x128xf32, #tpu.memory_space<vmem_shared>>
      tpu.enqueue_indirect_dma source(%arg14 : memref<128x128xf32, #tpu.memory_space<vmem>>) target(%dma_start3A_79 : memref<10128x128xf32, #tpu.memory_space<vmem_shared>>) offsets(%dma_start3A_76 : memref<128xi32, #tpu.memory_space<vmem>>) semaphore(%arg19 : memref<!tpu.dma_semaphore, #tpu.memory_space<semaphore_mem>>) {add = true}
      %gt3A = arith.constant 0 : i32
      %gt3A_80 = arith.cmpi sgt, %scan3A_61, %gt3A : i32
      %convert_element_type3A = arith.extui %gt3A_80 : i1 to i32
      %cond3A = arith.constant 0 : i32
      %cond3A_81 = arith.cmpi ne, %convert_element_type3A, %cond3A : i32
      scf.if %cond3A_81 {
        %dma_wait3A_106 = arith.constant 0 : i32
        %dma_wait3A_107 = tpu.memref_slice %arg13[%add3A_67, %dma_wait3A_106] : memref<40x128xi32, #tpu.memory_space<vmem>> -> memref<1x128xi32, #tpu.memory_space<vmem>>
        %dma_wait3A_108 = tpu.memref_squeeze %dma_wait3A_107 : memref<1x128xi32, #tpu.memory_space<vmem>> -> memref<128xi32, #tpu.memory_space<vmem>>
        %dma_wait3A_109 = arith.constant 0 : i32
        %dma_wait3A_110 = arith.constant 0 : i32
        %dma_wait3A_111 = tpu.memref_slice %arg16[%dma_wait3A_109, %dma_wait3A_110] : memref<10128x128xf32, #tpu.memory_space<vmem_shared>> -> memref<10128x128xf32, #tpu.memory_space<vmem_shared>>
        tpu.wait_indirect_dma semaphore(%arg20 : memref<!tpu.dma_semaphore, #tpu.memory_space<semaphore_mem>>) src(%arg15 : memref<128x128xf32, #tpu.memory_space<vmem>>) dst(%dma_wait3A_111 : memref<10128x128xf32, #tpu.memory_space<vmem_shared>>)
      } else {
      }
      %dma_start3A_82 = arith.constant 0 : i32
      %dma_start3A_83 = tpu.memref_slice %arg12[%add3A_67, %dma_start3A_82] : memref<40x128xi32, #tpu.memory_space<vmem>> -> memref<1x128xi32, #tpu.memory_space<vmem>>
      %dma_start3A_84 = tpu.memref_squeeze %dma_start3A_83 : memref<1x128xi32, #tpu.memory_space<vmem>> -> memref<128xi32, #tpu.memory_space<vmem>>
      %dma_start3A_85 = arith.constant 0 : i32
      %dma_start3A_86 = arith.constant 0 : i32
      %dma_start3A_87 = tpu.memref_slice %arg3[%dma_start3A_85, %dma_start3A_86] : memref<10000x128xf32, #tpu.memory_space<hbm>> -> memref<10000x128xf32, #tpu.memory_space<hbm>>
      tpu.enqueue_indirect_dma source(%dma_start3A_87 : memref<10000x128xf32, #tpu.memory_space<hbm>>) target(%arg15 : memref<128x128xf32, #tpu.memory_space<vmem>>) offsets(%dma_start3A_84 : memref<128xi32, #tpu.memory_space<vmem>>) semaphore(%arg18 : memref<!tpu.dma_semaphore, #tpu.memory_space<semaphore_mem>>)
      %dma_wait3A_88 = arith.constant 0 : i32
      %dma_wait3A_89 = tpu.memref_slice %arg12[%add3A_67, %dma_wait3A_88] : memref<40x128xi32, #tpu.memory_space<vmem>> -> memref<1x128xi32, #tpu.memory_space<vmem>>
      %dma_wait3A_90 = tpu.memref_squeeze %dma_wait3A_89 : memref<1x128xi32, #tpu.memory_space<vmem>> -> memref<128xi32, #tpu.memory_space<vmem>>
      %dma_wait3A_91 = arith.constant 0 : i32
      %dma_wait3A_92 = arith.constant 0 : i32
      %dma_wait3A_93 = tpu.memref_slice %arg3[%dma_wait3A_91, %dma_wait3A_92] : memref<10000x128xf32, #tpu.memory_space<hbm>> -> memref<10000x128xf32, #tpu.memory_space<hbm>>
      tpu.wait_indirect_dma semaphore(%arg18 : memref<!tpu.dma_semaphore, #tpu.memory_space<semaphore_mem>>) src(%dma_wait3A_93 : memref<10000x128xf32, #tpu.memory_space<hbm>>) dst(%arg15 : memref<128x128xf32, #tpu.memory_space<vmem>>)
      %dma_start3A_94 = arith.constant 0 : i32
      %dma_start3A_95 = tpu.memref_slice %arg13[%add3A_67, %dma_start3A_94] : memref<40x128xi32, #tpu.memory_space<vmem>> -> memref<1x128xi32, #tpu.memory_space<vmem>>
      %dma_start3A_96 = tpu.memref_squeeze %dma_start3A_95 : memref<1x128xi32, #tpu.memory_space<vmem>> -> memref<128xi32, #tpu.memory_space<vmem>>
      %dma_start3A_97 = arith.constant 0 : i32
      %dma_start3A_98 = arith.constant 0 : i32
      %dma_start3A_99 = tpu.memref_slice %arg16[%dma_start3A_97, %dma_start3A_98] : memref<10128x128xf32, #tpu.memory_space<vmem_shared>> -> memref<10128x128xf32, #tpu.memory_space<vmem_shared>>
      tpu.enqueue_indirect_dma source(%arg15 : memref<128x128xf32, #tpu.memory_space<vmem>>) target(%dma_start3A_99 : memref<10128x128xf32, #tpu.memory_space<vmem_shared>>) offsets(%dma_start3A_96 : memref<128xi32, #tpu.memory_space<vmem>>) semaphore(%arg20 : memref<!tpu.dma_semaphore, #tpu.memory_space<semaphore_mem>>) {add = true}
      %add3A_100 = arith.constant 1 : i32
      %add3A_101 = arith.addi %add3A_67, %add3A_100 : i32
      %lt3A = arith.constant 40 : i32
      %lt3A_102 = arith.cmpi slt, %add3A_101, %lt3A : i32
      %convert_element_type3A_103 = arith.extui %lt3A_102 : i1 to i32
      %cond3A_104 = arith.constant 0 : i32
      %cond3A_105 = arith.cmpi ne, %convert_element_type3A_103, %cond3A_104 : i32
      scf.if %cond3A_105 {
        %dma_wait3A_106 = arith.constant 0 : i32
        %dma_wait3A_107 = tpu.memref_slice %arg13[%mul3A_63, %dma_wait3A_106] : memref<40x128xi32, #tpu.memory_space<vmem>> -> memref<1x128xi32, #tpu.memory_space<vmem>>
        %dma_wait3A_108 = tpu.memref_squeeze %dma_wait3A_107 : memref<1x128xi32, #tpu.memory_space<vmem>> -> memref<128xi32, #tpu.memory_space<vmem>>
        %dma_wait3A_109 = arith.constant 0 : i32
        %dma_wait3A_110 = arith.constant 0 : i32
        %dma_wait3A_111 = tpu.memref_slice %arg16[%dma_wait3A_109, %dma_wait3A_110] : memref<10128x128xf32, #tpu.memory_space<vmem_shared>> -> memref<10128x128xf32, #tpu.memory_space<vmem_shared>>
        tpu.wait_indirect_dma semaphore(%arg19 : memref<!tpu.dma_semaphore, #tpu.memory_space<semaphore_mem>>) src(%arg14 : memref<128x128xf32, #tpu.memory_space<vmem>>) dst(%dma_wait3A_111 : memref<10128x128xf32, #tpu.memory_space<vmem_shared>>)
        %add3A_112 = arith.constant 1 : i32
        %add3A_113 = arith.addi %add3A_67, %add3A_112 : i32
        %dma_start3A_114 = arith.constant 0 : i32
        %dma_start3A_115 = tpu.memref_slice %arg12[%add3A_113, %dma_start3A_114] : memref<40x128xi32, #tpu.memory_space<vmem>> -> memref<1x128xi32, #tpu.memory_space<vmem>>
        %dma_start3A_116 = tpu.memref_squeeze %dma_start3A_115 : memref<1x128xi32, #tpu.memory_space<vmem>> -> memref<128xi32, #tpu.memory_space<vmem>>
        %dma_start3A_117 = arith.constant 0 : i32
        %dma_start3A_118 = arith.constant 0 : i32
        %dma_start3A_119 = tpu.memref_slice %arg3[%dma_start3A_117, %dma_start3A_118] : memref<10000x128xf32, #tpu.memory_space<hbm>> -> memref<10000x128xf32, #tpu.memory_space<hbm>>
        tpu.enqueue_indirect_dma source(%dma_start3A_119 : memref<10000x128xf32, #tpu.memory_space<hbm>>) target(%arg14 : memref<128x128xf32, #tpu.memory_space<vmem>>) offsets(%dma_start3A_116 : memref<128xi32, #tpu.memory_space<vmem>>) semaphore(%arg17 : memref<!tpu.dma_semaphore, #tpu.memory_space<semaphore_mem>>)
      } else {
      }
    }
    %scan3A_44 = arith.constant 20 : i32
    %dma_wait3A_45 = arith.constant 0 : i32
    %dma_wait3A_46 = arith.constant 0 : i32
    %dma_wait3A_47 = tpu.memref_slice %arg13[%dma_wait3A_45, %dma_wait3A_46] : memref<40x128xi32, #tpu.memory_space<vmem>> -> memref<1x128xi32, #tpu.memory_space<vmem>>
    %dma_wait3A_48 = tpu.memref_squeeze %dma_wait3A_47 : memref<1x128xi32, #tpu.memory_space<vmem>> -> memref<128xi32, #tpu.memory_space<vmem>>
    %dma_wait3A_49 = arith.constant 0 : i32
    %dma_wait3A_50 = arith.constant 0 : i32
    %dma_wait3A_51 = tpu.memref_slice %arg16[%dma_wait3A_49, %dma_wait3A_50] : memref<10128x128xf32, #tpu.memory_space<vmem_shared>> -> memref<10128x128xf32, #tpu.memory_space<vmem_shared>>
    tpu.wait_indirect_dma semaphore(%arg19 : memref<!tpu.dma_semaphore, #tpu.memory_space<semaphore_mem>>) src(%arg14 : memref<128x128xf32, #tpu.memory_space<vmem>>) dst(%dma_wait3A_51 : memref<10128x128xf32, #tpu.memory_space<vmem_shared>>)
    %dma_wait3A_52 = arith.constant 0 : i32
    %dma_wait3A_53 = arith.constant 0 : i32
    %dma_wait3A_54 = tpu.memref_slice %arg13[%dma_wait3A_52, %dma_wait3A_53] : memref<40x128xi32, #tpu.memory_space<vmem>> -> memref<1x128xi32, #tpu.memory_space<vmem>>
    %dma_wait3A_55 = tpu.memref_squeeze %dma_wait3A_54 : memref<1x128xi32, #tpu.memory_space<vmem>> -> memref<128xi32, #tpu.memory_space<vmem>>
    %dma_wait3A_56 = arith.constant 0 : i32
    %dma_wait3A_57 = arith.constant 0 : i32
    %dma_wait3A_58 = tpu.memref_slice %arg16[%dma_wait3A_56, %dma_wait3A_57] : memref<10128x128xf32, #tpu.memory_space<vmem_shared>> -> memref<10128x128xf32, #tpu.memory_space<vmem_shared>>
    tpu.wait_indirect_dma semaphore(%arg20 : memref<!tpu.dma_semaphore, #tpu.memory_space<semaphore_mem>>) src(%arg15 : memref<128x128xf32, #tpu.memory_space<vmem>>) dst(%dma_wait3A_58 : memref<10128x128xf32, #tpu.memory_space<vmem_shared>>)
    %barrier3A_59 = arith.constant 0 : index
    tpu.barrier barrier_id(%barrier3A_59)
    "tpu.region"() ({
      %run_scoped3A = tpu.sem_alloc : memref<!tpu.dma_semaphore, #tpu.memory_space<semaphore_mem>>
      %dma_start3A_61 = arith.constant 0 : i32
      %dma_start3A_62 = arith.constant 0 : i32
      %dma_start3A_63 = tpu.memref_slice %arg11[%arg0, %dma_start3A_61, %dma_start3A_62] : memref<2x10000x128xf32, #tpu.memory_space<hbm>> -> memref<1x10000x128xf32, #tpu.memory_space<hbm>>
      %dma_start3A_64 = tpu.memref_squeeze %dma_start3A_63 : memref<1x10000x128xf32, #tpu.memory_space<hbm>> -> memref<10000x128xf32, #tpu.memory_space<hbm>>
      %dma_start3A_65 = arith.constant 0 : i32
      %dma_start3A_66 = tpu.memref_slice %dma_start3A_64[%mul3A_4, %dma_start3A_65] : memref<10000x128xf32, #tpu.memory_space<hbm>> -> memref<640x128xf32, #tpu.memory_space<hbm>>
      %dma_start3A_67 = arith.constant 0 : i32
      %dma_start3A_68 = tpu.memref_slice %arg16[%mul3A_4, %dma_start3A_67] : memref<10128x128xf32, #tpu.memory_space<vmem_shared>> -> memref<640x128xf32, #tpu.memory_space<vmem_shared>>
      tpu.enqueue_dma source(%dma_start3A_68 : memref<640x128xf32, #tpu.memory_space<vmem_shared>>) target(%dma_start3A_66 : memref<640x128xf32, #tpu.memory_space<hbm>>) target_semaphore(%run_scoped3A : memref<!tpu.dma_semaphore, #tpu.memory_space<semaphore_mem>>)
      %dma_wait3A_69 = arith.constant 0 : i32
      %dma_wait3A_70 = arith.constant 0 : i32
      %dma_wait3A_71 = tpu.memref_slice %arg11[%arg0, %dma_wait3A_69, %dma_wait3A_70] : memref<2x10000x128xf32, #tpu.memory_space<hbm>> -> memref<1x10000x128xf32, #tpu.memory_space<hbm>>
      %dma_wait3A_72 = tpu.memref_squeeze %dma_wait3A_71 : memref<1x10000x128xf32, #tpu.memory_space<hbm>> -> memref<10000x128xf32, #tpu.memory_space<hbm>>
      %dma_wait3A_73 = arith.constant 0 : i32
      %dma_wait3A_74 = tpu.memref_slice %dma_wait3A_72[%mul3A_4, %dma_wait3A_73] : memref<10000x128xf32, #tpu.memory_space<hbm>> -> memref<640x128xf32, #tpu.memory_space<hbm>>
      %dma_wait3A_75 = arith.constant 0 : i32
      %dma_wait3A_76 = tpu.memref_slice %arg16[%mul3A_4, %dma_wait3A_75] : memref<10128x128xf32, #tpu.memory_space<vmem_shared>> -> memref<640x128xf32, #tpu.memory_space<vmem_shared>>
      tpu.wait_dma2 semaphore(%run_scoped3A : memref<!tpu.dma_semaphore, #tpu.memory_space<semaphore_mem>>) src(%dma_wait3A_76 : memref<640x128xf32, #tpu.memory_space<vmem_shared>>) dst(%dma_wait3A_74 : memref<640x128xf32, #tpu.memory_space<hbm>>)
      tpu.yield
    }) : () -> ()
    %barrier3A_60 = arith.constant 0 : index
    tpu.barrier barrier_id(%barrier3A_60)
    return
  }
}

#map = affine_map<(d0, d1) -> (0, 0)>
#map1 = affine_map<(d0, d1) -> (0, 0, 0)>
module attributes {stable_mosaic.version = 14 : i64} {
  func.func @_sc_body(%arg0: i32, %arg1: i32, %arg2: memref<10000x128xf32, #tpu.memory_space<hbm>>, %arg3: memref<10000x128xf32, #tpu.memory_space<hbm>>, %arg4: memref<1280x128xi32, #tpu.memory_space<hbm>>, %arg5: memref<1280x128xi32, #tpu.memory_space<hbm>>, %arg6: memref<1280x128xi32, #tpu.memory_space<hbm>>, %arg7: memref<1280x128xi32, #tpu.memory_space<hbm>>, %arg8: memref<10000x128xf32, #tpu.memory_space<hbm>>, %arg9: memref<10000x128xf32, #tpu.memory_space<hbm>>, %arg10: memref<2x10000x128xf32, #tpu.memory_space<hbm>>, %arg11: memref<2x10000x128xf32, #tpu.memory_space<hbm>>, %arg12: memref<40x128xi32, #tpu.memory_space<vmem>>, %arg13: memref<40x128xi32, #tpu.memory_space<vmem>>, %arg14: memref<128x128xf32, #tpu.memory_space<vmem>>, %arg15: memref<128x128xf32, #tpu.memory_space<vmem>>, %arg16: memref<10128x128xf32, #tpu.memory_space<vmem_shared>>, %arg17: memref<!tpu.dma_semaphore, #tpu.memory_space<semaphore_mem>>, %arg18: memref<!tpu.dma_semaphore, #tpu.memory_space<semaphore_mem>>, %arg19: memref<!tpu.dma_semaphore, #tpu.memory_space<semaphore_mem>>, %arg20: memref<!tpu.dma_semaphore, #tpu.memory_space<semaphore_mem>>) attributes {dimension_semantics = [#tpu.dimension_semantics<core_parallel>, #tpu.dimension_semantics<subcore_parallel>], iteration_bounds = array<i64: 2, 16>, scalar_prefetch = 0 : i64, scratch_operands = 9 : i64, tpu.core_type = #tpu.core_type<sc_vector_subcore>, window_params = [{transform_indices = #map}, {transform_indices = #map}, {transform_indices = #map}, {transform_indices = #map}, {transform_indices = #map}, {transform_indices = #map}, {transform_indices = #map}, {transform_indices = #map}, {transform_indices = #map1}, {transform_indices = #map1}]} {
    %mul3A = arith.constant 640 : i32
    %mul3A_0 = arith.muli %arg0, %mul3A : i32
    %mul3A_1 = arith.constant 40 : i32
    %mul3A_2 = arith.muli %arg1, %mul3A_1 : i32
    %add3A = arith.addi %mul3A_0, %mul3A_2 : i32
    %mul3A_3 = arith.constant 624 : i32
    %mul3A_4 = arith.muli %arg1, %mul3A_3 : i32
    "tpu.region"() ({
      %run_scoped3A = tpu.sem_alloc : memref<!tpu.dma_semaphore, #tpu.memory_space<semaphore_mem>>
      %dma_start3A_61 = arith.constant 0 : i32
      %dma_start3A_62 = tpu.memref_slice %arg16[%mul3A_4, %dma_start3A_61] : memref<10128x128xf32, #tpu.memory_space<vmem_shared>> -> memref<640x128xf32, #tpu.memory_space<vmem_shared>>
      %dma_start3A_63 = arith.constant 0 : i32
      %dma_start3A_64 = tpu.memref_slice %arg8[%mul3A_4, %dma_start3A_63] : memref<10000x128xf32, #tpu.memory_space<hbm>> -> memref<640x128xf32, #tpu.memory_space<hbm>>
      tpu.enqueue_dma source(%dma_start3A_64 : memref<640x128xf32, #tpu.memory_space<hbm>>) target(%dma_start3A_62 : memref<640x128xf32, #tpu.memory_space<vmem_shared>>) target_semaphore(%run_scoped3A : memref<!tpu.dma_semaphore, #tpu.memory_space<semaphore_mem>>)
      %dma_wait3A_65 = arith.constant 0 : i32
      %dma_wait3A_66 = tpu.memref_slice %arg16[%mul3A_4, %dma_wait3A_65] : memref<10128x128xf32, #tpu.memory_space<vmem_shared>> -> memref<640x128xf32, #tpu.memory_space<vmem_shared>>
      %dma_wait3A_67 = arith.constant 0 : i32
      %dma_wait3A_68 = tpu.memref_slice %arg8[%mul3A_4, %dma_wait3A_67] : memref<10000x128xf32, #tpu.memory_space<hbm>> -> memref<640x128xf32, #tpu.memory_space<hbm>>
      tpu.wait_dma2 semaphore(%run_scoped3A : memref<!tpu.dma_semaphore, #tpu.memory_space<semaphore_mem>>) src(%dma_wait3A_68 : memref<640x128xf32, #tpu.memory_space<hbm>>) dst(%dma_wait3A_66 : memref<640x128xf32, #tpu.memory_space<vmem_shared>>)
      tpu.yield
    }) : () -> ()
    "tpu.region"() ({
      %run_scoped3A = tpu.sem_alloc : memref<!tpu.dma_semaphore, #tpu.memory_space<semaphore_mem>>
      %dma_start3A_61 = arith.constant 0 : i32
      %dma_start3A_62 = tpu.memref_slice %arg4[%add3A, %dma_start3A_61] : memref<1280x128xi32, #tpu.memory_space<hbm>> -> memref<40x128xi32, #tpu.memory_space<hbm>>
      %dma_start3A_63 = arith.constant 0 : i32
      %dma_start3A_64 = tpu.memref_slice %arg4[%add3A, %dma_start3A_63] : memref<1280x128xi32, #tpu.memory_space<hbm>> -> memref<40x128xi32, #tpu.memory_space<hbm>>
      tpu.enqueue_dma source(%dma_start3A_64 : memref<40x128xi32, #tpu.memory_space<hbm>>) target(%arg12 : memref<40x128xi32, #tpu.memory_space<vmem>>) target_semaphore(%run_scoped3A : memref<!tpu.dma_semaphore, #tpu.memory_space<semaphore_mem>>)
      %dma_wait3A_65 = arith.constant 0 : i32
      %dma_wait3A_66 = tpu.memref_slice %arg4[%add3A, %dma_wait3A_65] : memref<1280x128xi32, #tpu.memory_space<hbm>> -> memref<40x128xi32, #tpu.memory_space<hbm>>
      %dma_wait3A_67 = arith.constant 0 : i32
      %dma_wait3A_68 = tpu.memref_slice %arg4[%add3A, %dma_wait3A_67] : memref<1280x128xi32, #tpu.memory_space<hbm>> -> memref<40x128xi32, #tpu.memory_space<hbm>>
      tpu.wait_dma2 semaphore(%run_scoped3A : memref<!tpu.dma_semaphore, #tpu.memory_space<semaphore_mem>>) src(%dma_wait3A_68 : memref<40x128xi32, #tpu.memory_space<hbm>>) dst(%arg12 : memref<40x128xi32, #tpu.memory_space<vmem>>)
      tpu.yield
    }) : () -> ()
    "tpu.region"() ({
      %run_scoped3A = tpu.sem_alloc : memref<!tpu.dma_semaphore, #tpu.memory_space<semaphore_mem>>
      %dma_start3A_61 = arith.constant 0 : i32
      %dma_start3A_62 = tpu.memref_slice %arg7[%add3A, %dma_start3A_61] : memref<1280x128xi32, #tpu.memory_space<hbm>> -> memref<40x128xi32, #tpu.memory_space<hbm>>
      %dma_start3A_63 = arith.constant 0 : i32
      %dma_start3A_64 = tpu.memref_slice %arg7[%add3A, %dma_start3A_63] : memref<1280x128xi32, #tpu.memory_space<hbm>> -> memref<40x128xi32, #tpu.memory_space<hbm>>
      tpu.enqueue_dma source(%dma_start3A_64 : memref<40x128xi32, #tpu.memory_space<hbm>>) target(%arg13 : memref<40x128xi32, #tpu.memory_space<vmem>>) target_semaphore(%run_scoped3A : memref<!tpu.dma_semaphore, #tpu.memory_space<semaphore_mem>>)
      %dma_wait3A_65 = arith.constant 0 : i32
      %dma_wait3A_66 = tpu.memref_slice %arg7[%add3A, %dma_wait3A_65] : memref<1280x128xi32, #tpu.memory_space<hbm>> -> memref<40x128xi32, #tpu.memory_space<hbm>>
      %dma_wait3A_67 = arith.constant 0 : i32
      %dma_wait3A_68 = tpu.memref_slice %arg7[%add3A, %dma_wait3A_67] : memref<1280x128xi32, #tpu.memory_space<hbm>> -> memref<40x128xi32, #tpu.memory_space<hbm>>
      tpu.wait_dma2 semaphore(%run_scoped3A : memref<!tpu.dma_semaphore, #tpu.memory_space<semaphore_mem>>) src(%dma_wait3A_68 : memref<40x128xi32, #tpu.memory_space<hbm>>) dst(%arg13 : memref<40x128xi32, #tpu.memory_space<vmem>>)
      tpu.yield
    }) : () -> ()
    %barrier3A = arith.constant 0 : index
    tpu.barrier barrier_id(%barrier3A)
    %dma_start3A = arith.constant 0 : i32
    %dma_start3A_5 = arith.constant 0 : i32
    %dma_start3A_6 = tpu.memref_slice %arg12[%dma_start3A, %dma_start3A_5] : memref<40x128xi32, #tpu.memory_space<vmem>> -> memref<1x128xi32, #tpu.memory_space<vmem>>
    %dma_start3A_7 = tpu.memref_squeeze %dma_start3A_6 : memref<1x128xi32, #tpu.memory_space<vmem>> -> memref<128xi32, #tpu.memory_space<vmem>>
    %dma_start3A_8 = arith.constant 0 : i32
    %dma_start3A_9 = arith.constant 0 : i32
    %dma_start3A_10 = tpu.memref_slice %arg2[%dma_start3A_8, %dma_start3A_9] : memref<10000x128xf32, #tpu.memory_space<hbm>> -> memref<10000x128xf32, #tpu.memory_space<hbm>>
    tpu.enqueue_indirect_dma source(%dma_start3A_10 : memref<10000x128xf32, #tpu.memory_space<hbm>>) target(%arg14 : memref<128x128xf32, #tpu.memory_space<vmem>>) offsets(%dma_start3A_7 : memref<128xi32, #tpu.memory_space<vmem>>) semaphore(%arg17 : memref<!tpu.dma_semaphore, #tpu.memory_space<semaphore_mem>>)
    %scan3A = arith.constant 0 : i32
    %scan3A_11 = arith.constant 0 : i32
    %scan3A_12 = arith.constant 20 : i32
    %scan3A_13 = arith.addi %scan3A_11, %scan3A_12 : i32
    %scan3A_14 = arith.constant 1 : i32
    scf.for %scan3A_61 = %scan3A_11 to %scan3A_13 step %scan3A_14  : i32 {
      %mul3A_62 = arith.constant 2 : i32
      %mul3A_63 = arith.muli %mul3A_62, %scan3A_61 : i32
      %mul3A_64 = arith.constant 2 : i32
      %mul3A_65 = arith.muli %mul3A_64, %scan3A_61 : i32
      %add3A_66 = arith.constant 1 : i32
      %add3A_67 = arith.addi %mul3A_65, %add3A_66 : i32
      %dma_wait3A_68 = arith.constant 0 : i32
      %dma_wait3A_69 = tpu.memref_slice %arg12[%mul3A_63, %dma_wait3A_68] : memref<40x128xi32, #tpu.memory_space<vmem>> -> memref<1x128xi32, #tpu.memory_space<vmem>>
      %dma_wait3A_70 = tpu.memref_squeeze %dma_wait3A_69 : memref<1x128xi32, #tpu.memory_space<vmem>> -> memref<128xi32, #tpu.memory_space<vmem>>
      %dma_wait3A_71 = arith.constant 0 : i32
      %dma_wait3A_72 = arith.constant 0 : i32
      %dma_wait3A_73 = tpu.memref_slice %arg2[%dma_wait3A_71, %dma_wait3A_72] : memref<10000x128xf32, #tpu.memory_space<hbm>> -> memref<10000x128xf32, #tpu.memory_space<hbm>>
      tpu.wait_indirect_dma semaphore(%arg17 : memref<!tpu.dma_semaphore, #tpu.memory_space<semaphore_mem>>) src(%dma_wait3A_73 : memref<10000x128xf32, #tpu.memory_space<hbm>>) dst(%arg14 : memref<128x128xf32, #tpu.memory_space<vmem>>)
      %dma_start3A_74 = arith.constant 0 : i32
      %dma_start3A_75 = tpu.memref_slice %arg13[%mul3A_63, %dma_start3A_74] : memref<40x128xi32, #tpu.memory_space<vmem>> -> memref<1x128xi32, #tpu.memory_space<vmem>>
      %dma_start3A_76 = tpu.memref_squeeze %dma_start3A_75 : memref<1x128xi32, #tpu.memory_space<vmem>> -> memref<128xi32, #tpu.memory_space<vmem>>
      %dma_start3A_77 = arith.constant 0 : i32
      %dma_start3A_78 = arith.constant 0 : i32
      %dma_start3A_79 = tpu.memref_slice %arg16[%dma_start3A_77, %dma_start3A_78] : memref<10128x128xf32, #tpu.memory_space<vmem_shared>> -> memref<10128x128xf32, #tpu.memory_space<vmem_shared>>
      tpu.enqueue_indirect_dma source(%arg14 : memref<128x128xf32, #tpu.memory_space<vmem>>) target(%dma_start3A_79 : memref<10128x128xf32, #tpu.memory_space<vmem_shared>>) offsets(%dma_start3A_76 : memref<128xi32, #tpu.memory_space<vmem>>) semaphore(%arg19 : memref<!tpu.dma_semaphore, #tpu.memory_space<semaphore_mem>>) {add = true}
      %gt3A = arith.constant 0 : i32
      %gt3A_80 = arith.cmpi sgt, %scan3A_61, %gt3A : i32
      %convert_element_type3A = arith.extui %gt3A_80 : i1 to i32
      %cond3A = arith.constant 0 : i32
      %cond3A_81 = arith.cmpi ne, %convert_element_type3A, %cond3A : i32
      scf.if %cond3A_81 {
        %dma_wait3A_106 = arith.constant 0 : i32
        %dma_wait3A_107 = tpu.memref_slice %arg13[%add3A_67, %dma_wait3A_106] : memref<40x128xi32, #tpu.memory_space<vmem>> -> memref<1x128xi32, #tpu.memory_space<vmem>>
        %dma_wait3A_108 = tpu.memref_squeeze %dma_wait3A_107 : memref<1x128xi32, #tpu.memory_space<vmem>> -> memref<128xi32, #tpu.memory_space<vmem>>
        %dma_wait3A_109 = arith.constant 0 : i32
        %dma_wait3A_110 = arith.constant 0 : i32
        %dma_wait3A_111 = tpu.memref_slice %arg16[%dma_wait3A_109, %dma_wait3A_110] : memref<10128x128xf32, #tpu.memory_space<vmem_shared>> -> memref<10128x128xf32, #tpu.memory_space<vmem_shared>>
        tpu.wait_indirect_dma semaphore(%arg20 : memref<!tpu.dma_semaphore, #tpu.memory_space<semaphore_mem>>) src(%arg15 : memref<128x128xf32, #tpu.memory_space<vmem>>) dst(%dma_wait3A_111 : memref<10128x128xf32, #tpu.memory_space<vmem_shared>>)
      } else {
      }
      %dma_start3A_82 = arith.constant 0 : i32
      %dma_start3A_83 = tpu.memref_slice %arg12[%add3A_67, %dma_start3A_82] : memref<40x128xi32, #tpu.memory_space<vmem>> -> memref<1x128xi32, #tpu.memory_space<vmem>>
      %dma_start3A_84 = tpu.memref_squeeze %dma_start3A_83 : memref<1x128xi32, #tpu.memory_space<vmem>> -> memref<128xi32, #tpu.memory_space<vmem>>
      %dma_start3A_85 = arith.constant 0 : i32
      %dma_start3A_86 = arith.constant 0 : i32
      %dma_start3A_87 = tpu.memref_slice %arg2[%dma_start3A_85, %dma_start3A_86] : memref<10000x128xf32, #tpu.memory_space<hbm>> -> memref<10000x128xf32, #tpu.memory_space<hbm>>
      tpu.enqueue_indirect_dma source(%dma_start3A_87 : memref<10000x128xf32, #tpu.memory_space<hbm>>) target(%arg15 : memref<128x128xf32, #tpu.memory_space<vmem>>) offsets(%dma_start3A_84 : memref<128xi32, #tpu.memory_space<vmem>>) semaphore(%arg18 : memref<!tpu.dma_semaphore, #tpu.memory_space<semaphore_mem>>)
      %dma_wait3A_88 = arith.constant 0 : i32
      %dma_wait3A_89 = tpu.memref_slice %arg12[%add3A_67, %dma_wait3A_88] : memref<40x128xi32, #tpu.memory_space<vmem>> -> memref<1x128xi32, #tpu.memory_space<vmem>>
      %dma_wait3A_90 = tpu.memref_squeeze %dma_wait3A_89 : memref<1x128xi32, #tpu.memory_space<vmem>> -> memref<128xi32, #tpu.memory_space<vmem>>
      %dma_wait3A_91 = arith.constant 0 : i32
      %dma_wait3A_92 = arith.constant 0 : i32
      %dma_wait3A_93 = tpu.memref_slice %arg2[%dma_wait3A_91, %dma_wait3A_92] : memref<10000x128xf32, #tpu.memory_space<hbm>> -> memref<10000x128xf32, #tpu.memory_space<hbm>>
      tpu.wait_indirect_dma semaphore(%arg18 : memref<!tpu.dma_semaphore, #tpu.memory_space<semaphore_mem>>) src(%dma_wait3A_93 : memref<10000x128xf32, #tpu.memory_space<hbm>>) dst(%arg15 : memref<128x128xf32, #tpu.memory_space<vmem>>)
      %dma_start3A_94 = arith.constant 0 : i32
      %dma_start3A_95 = tpu.memref_slice %arg13[%add3A_67, %dma_start3A_94] : memref<40x128xi32, #tpu.memory_space<vmem>> -> memref<1x128xi32, #tpu.memory_space<vmem>>
      %dma_start3A_96 = tpu.memref_squeeze %dma_start3A_95 : memref<1x128xi32, #tpu.memory_space<vmem>> -> memref<128xi32, #tpu.memory_space<vmem>>
      %dma_start3A_97 = arith.constant 0 : i32
      %dma_start3A_98 = arith.constant 0 : i32
      %dma_start3A_99 = tpu.memref_slice %arg16[%dma_start3A_97, %dma_start3A_98] : memref<10128x128xf32, #tpu.memory_space<vmem_shared>> -> memref<10128x128xf32, #tpu.memory_space<vmem_shared>>
      tpu.enqueue_indirect_dma source(%arg15 : memref<128x128xf32, #tpu.memory_space<vmem>>) target(%dma_start3A_99 : memref<10128x128xf32, #tpu.memory_space<vmem_shared>>) offsets(%dma_start3A_96 : memref<128xi32, #tpu.memory_space<vmem>>) semaphore(%arg20 : memref<!tpu.dma_semaphore, #tpu.memory_space<semaphore_mem>>) {add = true}
      %add3A_100 = arith.constant 1 : i32
      %add3A_101 = arith.addi %add3A_67, %add3A_100 : i32
      %lt3A = arith.constant 40 : i32
      %lt3A_102 = arith.cmpi slt, %add3A_101, %lt3A : i32
      %convert_element_type3A_103 = arith.extui %lt3A_102 : i1 to i32
      %cond3A_104 = arith.constant 0 : i32
      %cond3A_105 = arith.cmpi ne, %convert_element_type3A_103, %cond3A_104 : i32
      scf.if %cond3A_105 {
        %dma_wait3A_106 = arith.constant 0 : i32
        %dma_wait3A_107 = tpu.memref_slice %arg13[%mul3A_63, %dma_wait3A_106] : memref<40x128xi32, #tpu.memory_space<vmem>> -> memref<1x128xi32, #tpu.memory_space<vmem>>
        %dma_wait3A_108 = tpu.memref_squeeze %dma_wait3A_107 : memref<1x128xi32, #tpu.memory_space<vmem>> -> memref<128xi32, #tpu.memory_space<vmem>>
        %dma_wait3A_109 = arith.constant 0 : i32
        %dma_wait3A_110 = arith.constant 0 : i32
        %dma_wait3A_111 = tpu.memref_slice %arg16[%dma_wait3A_109, %dma_wait3A_110] : memref<10128x128xf32, #tpu.memory_space<vmem_shared>> -> memref<10128x128xf32, #tpu.memory_space<vmem_shared>>
        tpu.wait_indirect_dma semaphore(%arg19 : memref<!tpu.dma_semaphore, #tpu.memory_space<semaphore_mem>>) src(%arg14 : memref<128x128xf32, #tpu.memory_space<vmem>>) dst(%dma_wait3A_111 : memref<10128x128xf32, #tpu.memory_space<vmem_shared>>)
        %add3A_112 = arith.constant 1 : i32
        %add3A_113 = arith.addi %add3A_67, %add3A_112 : i32
        %dma_start3A_114 = arith.constant 0 : i32
        %dma_start3A_115 = tpu.memref_slice %arg12[%add3A_113, %dma_start3A_114] : memref<40x128xi32, #tpu.memory_space<vmem>> -> memref<1x128xi32, #tpu.memory_space<vmem>>
        %dma_start3A_116 = tpu.memref_squeeze %dma_start3A_115 : memref<1x128xi32, #tpu.memory_space<vmem>> -> memref<128xi32, #tpu.memory_space<vmem>>
        %dma_start3A_117 = arith.constant 0 : i32
        %dma_start3A_118 = arith.constant 0 : i32
        %dma_start3A_119 = tpu.memref_slice %arg2[%dma_start3A_117, %dma_start3A_118] : memref<10000x128xf32, #tpu.memory_space<hbm>> -> memref<10000x128xf32, #tpu.memory_space<hbm>>
        tpu.enqueue_indirect_dma source(%dma_start3A_119 : memref<10000x128xf32, #tpu.memory_space<hbm>>) target(%arg14 : memref<128x128xf32, #tpu.memory_space<vmem>>) offsets(%dma_start3A_116 : memref<128xi32, #tpu.memory_space<vmem>>) semaphore(%arg17 : memref<!tpu.dma_semaphore, #tpu.memory_space<semaphore_mem>>)
      } else {
      }
    }
    %scan3A_15 = arith.constant 20 : i32
    %dma_wait3A = arith.constant 0 : i32
    %dma_wait3A_16 = arith.constant 0 : i32
    %dma_wait3A_17 = tpu.memref_slice %arg13[%dma_wait3A, %dma_wait3A_16] : memref<40x128xi32, #tpu.memory_space<vmem>> -> memref<1x128xi32, #tpu.memory_space<vmem>>
    %dma_wait3A_18 = tpu.memref_squeeze %dma_wait3A_17 : memref<1x128xi32, #tpu.memory_space<vmem>> -> memref<128xi32, #tpu.memory_space<vmem>>
    %dma_wait3A_19 = arith.constant 0 : i32
    %dma_wait3A_20 = arith.constant 0 : i32
    %dma_wait3A_21 = tpu.memref_slice %arg16[%dma_wait3A_19, %dma_wait3A_20] : memref<10128x128xf32, #tpu.memory_space<vmem_shared>> -> memref<10128x128xf32, #tpu.memory_space<vmem_shared>>
    tpu.wait_indirect_dma semaphore(%arg19 : memref<!tpu.dma_semaphore, #tpu.memory_space<semaphore_mem>>) src(%arg14 : memref<128x128xf32, #tpu.memory_space<vmem>>) dst(%dma_wait3A_21 : memref<10128x128xf32, #tpu.memory_space<vmem_shared>>)
    %dma_wait3A_22 = arith.constant 0 : i32
    %dma_wait3A_23 = arith.constant 0 : i32
    %dma_wait3A_24 = tpu.memref_slice %arg13[%dma_wait3A_22, %dma_wait3A_23] : memref<40x128xi32, #tpu.memory_space<vmem>> -> memref<1x128xi32, #tpu.memory_space<vmem>>
    %dma_wait3A_25 = tpu.memref_squeeze %dma_wait3A_24 : memref<1x128xi32, #tpu.memory_space<vmem>> -> memref<128xi32, #tpu.memory_space<vmem>>
    %dma_wait3A_26 = arith.constant 0 : i32
    %dma_wait3A_27 = arith.constant 0 : i32
    %dma_wait3A_28 = tpu.memref_slice %arg16[%dma_wait3A_26, %dma_wait3A_27] : memref<10128x128xf32, #tpu.memory_space<vmem_shared>> -> memref<10128x128xf32, #tpu.memory_space<vmem_shared>>
    tpu.wait_indirect_dma semaphore(%arg20 : memref<!tpu.dma_semaphore, #tpu.memory_space<semaphore_mem>>) src(%arg15 : memref<128x128xf32, #tpu.memory_space<vmem>>) dst(%dma_wait3A_28 : memref<10128x128xf32, #tpu.memory_space<vmem_shared>>)
    %barrier3A_29 = arith.constant 0 : index
    tpu.barrier barrier_id(%barrier3A_29)
    "tpu.region"() ({
      %run_scoped3A = tpu.sem_alloc : memref<!tpu.dma_semaphore, #tpu.memory_space<semaphore_mem>>
      %dma_start3A_61 = arith.constant 0 : i32
      %dma_start3A_62 = arith.constant 0 : i32
      %dma_start3A_63 = tpu.memref_slice %arg10[%arg0, %dma_start3A_61, %dma_start3A_62] : memref<2x10000x128xf32, #tpu.memory_space<hbm>> -> memref<1x10000x128xf32, #tpu.memory_space<hbm>>
      %dma_start3A_64 = tpu.memref_squeeze %dma_start3A_63 : memref<1x10000x128xf32, #tpu.memory_space<hbm>> -> memref<10000x128xf32, #tpu.memory_space<hbm>>
      %dma_start3A_65 = arith.constant 0 : i32
      %dma_start3A_66 = tpu.memref_slice %dma_start3A_64[%mul3A_4, %dma_start3A_65] : memref<10000x128xf32, #tpu.memory_space<hbm>> -> memref<640x128xf32, #tpu.memory_space<hbm>>
      %dma_start3A_67 = arith.constant 0 : i32
      %dma_start3A_68 = tpu.memref_slice %arg16[%mul3A_4, %dma_start3A_67] : memref<10128x128xf32, #tpu.memory_space<vmem_shared>> -> memref<640x128xf32, #tpu.memory_space<vmem_shared>>
      tpu.enqueue_dma source(%dma_start3A_68 : memref<640x128xf32, #tpu.memory_space<vmem_shared>>) target(%dma_start3A_66 : memref<640x128xf32, #tpu.memory_space<hbm>>) target_semaphore(%run_scoped3A : memref<!tpu.dma_semaphore, #tpu.memory_space<semaphore_mem>>)
      %dma_wait3A_69 = arith.constant 0 : i32
      %dma_wait3A_70 = arith.constant 0 : i32
      %dma_wait3A_71 = tpu.memref_slice %arg10[%arg0, %dma_wait3A_69, %dma_wait3A_70] : memref<2x10000x128xf32, #tpu.memory_space<hbm>> -> memref<1x10000x128xf32, #tpu.memory_space<hbm>>
      %dma_wait3A_72 = tpu.memref_squeeze %dma_wait3A_71 : memref<1x10000x128xf32, #tpu.memory_space<hbm>> -> memref<10000x128xf32, #tpu.memory_space<hbm>>
      %dma_wait3A_73 = arith.constant 0 : i32
      %dma_wait3A_74 = tpu.memref_slice %dma_wait3A_72[%mul3A_4, %dma_wait3A_73] : memref<10000x128xf32, #tpu.memory_space<hbm>> -> memref<640x128xf32, #tpu.memory_space<hbm>>
      %dma_wait3A_75 = arith.constant 0 : i32
      %dma_wait3A_76 = tpu.memref_slice %arg16[%mul3A_4, %dma_wait3A_75] : memref<10128x128xf32, #tpu.memory_space<vmem_shared>> -> memref<640x128xf32, #tpu.memory_space<vmem_shared>>
      tpu.wait_dma2 semaphore(%run_scoped3A : memref<!tpu.dma_semaphore, #tpu.memory_space<semaphore_mem>>) src(%dma_wait3A_76 : memref<640x128xf32, #tpu.memory_space<vmem_shared>>) dst(%dma_wait3A_74 : memref<640x128xf32, #tpu.memory_space<hbm>>)
      tpu.yield
    }) : () -> ()
    %barrier3A_30 = arith.constant 0 : index
    tpu.barrier barrier_id(%barrier3A_30)
    "tpu.region"() ({
      %run_scoped3A = tpu.sem_alloc : memref<!tpu.dma_semaphore, #tpu.memory_space<semaphore_mem>>
      %dma_start3A_61 = arith.constant 0 : i32
      %dma_start3A_62 = tpu.memref_slice %arg16[%mul3A_4, %dma_start3A_61] : memref<10128x128xf32, #tpu.memory_space<vmem_shared>> -> memref<640x128xf32, #tpu.memory_space<vmem_shared>>
      %dma_start3A_63 = arith.constant 0 : i32
      %dma_start3A_64 = tpu.memref_slice %arg8[%mul3A_4, %dma_start3A_63] : memref<10000x128xf32, #tpu.memory_space<hbm>> -> memref<640x128xf32, #tpu.memory_space<hbm>>
      tpu.enqueue_dma source(%dma_start3A_64 : memref<640x128xf32, #tpu.memory_space<hbm>>) target(%dma_start3A_62 : memref<640x128xf32, #tpu.memory_space<vmem_shared>>) target_semaphore(%run_scoped3A : memref<!tpu.dma_semaphore, #tpu.memory_space<semaphore_mem>>)
      %dma_wait3A_65 = arith.constant 0 : i32
      %dma_wait3A_66 = tpu.memref_slice %arg16[%mul3A_4, %dma_wait3A_65] : memref<10128x128xf32, #tpu.memory_space<vmem_shared>> -> memref<640x128xf32, #tpu.memory_space<vmem_shared>>
      %dma_wait3A_67 = arith.constant 0 : i32
      %dma_wait3A_68 = tpu.memref_slice %arg8[%mul3A_4, %dma_wait3A_67] : memref<10000x128xf32, #tpu.memory_space<hbm>> -> memref<640x128xf32, #tpu.memory_space<hbm>>
      tpu.wait_dma2 semaphore(%run_scoped3A : memref<!tpu.dma_semaphore, #tpu.memory_space<semaphore_mem>>) src(%dma_wait3A_68 : memref<640x128xf32, #tpu.memory_space<hbm>>) dst(%dma_wait3A_66 : memref<640x128xf32, #tpu.memory_space<vmem_shared>>)
      tpu.yield
    }) : () -> ()
    "tpu.region"() ({
      %run_scoped3A = tpu.sem_alloc : memref<!tpu.dma_semaphore, #tpu.memory_space<semaphore_mem>>
      %dma_start3A_61 = arith.constant 0 : i32
      %dma_start3A_62 = tpu.memref_slice %arg6[%add3A, %dma_start3A_61] : memref<1280x128xi32, #tpu.memory_space<hbm>> -> memref<40x128xi32, #tpu.memory_space<hbm>>
      %dma_start3A_63 = arith.constant 0 : i32
      %dma_start3A_64 = tpu.memref_slice %arg6[%add3A, %dma_start3A_63] : memref<1280x128xi32, #tpu.memory_space<hbm>> -> memref<40x128xi32, #tpu.memory_space<hbm>>
      tpu.enqueue_dma source(%dma_start3A_64 : memref<40x128xi32, #tpu.memory_space<hbm>>) target(%arg12 : memref<40x128xi32, #tpu.memory_space<vmem>>) target_semaphore(%run_scoped3A : memref<!tpu.dma_semaphore, #tpu.memory_space<semaphore_mem>>)
      %dma_wait3A_65 = arith.constant 0 : i32
      %dma_wait3A_66 = tpu.memref_slice %arg6[%add3A, %dma_wait3A_65] : memref<1280x128xi32, #tpu.memory_space<hbm>> -> memref<40x128xi32, #tpu.memory_space<hbm>>
      %dma_wait3A_67 = arith.constant 0 : i32
      %dma_wait3A_68 = tpu.memref_slice %arg6[%add3A, %dma_wait3A_67] : memref<1280x128xi32, #tpu.memory_space<hbm>> -> memref<40x128xi32, #tpu.memory_space<hbm>>
      tpu.wait_dma2 semaphore(%run_scoped3A : memref<!tpu.dma_semaphore, #tpu.memory_space<semaphore_mem>>) src(%dma_wait3A_68 : memref<40x128xi32, #tpu.memory_space<hbm>>) dst(%arg12 : memref<40x128xi32, #tpu.memory_space<vmem>>)
      tpu.yield
    }) : () -> ()
    "tpu.region"() ({
      %run_scoped3A = tpu.sem_alloc : memref<!tpu.dma_semaphore, #tpu.memory_space<semaphore_mem>>
      %dma_start3A_61 = arith.constant 0 : i32
      %dma_start3A_62 = tpu.memref_slice %arg5[%add3A, %dma_start3A_61] : memref<1280x128xi32, #tpu.memory_space<hbm>> -> memref<40x128xi32, #tpu.memory_space<hbm>>
      %dma_start3A_63 = arith.constant 0 : i32
      %dma_start3A_64 = tpu.memref_slice %arg5[%add3A, %dma_start3A_63] : memref<1280x128xi32, #tpu.memory_space<hbm>> -> memref<40x128xi32, #tpu.memory_space<hbm>>
      tpu.enqueue_dma source(%dma_start3A_64 : memref<40x128xi32, #tpu.memory_space<hbm>>) target(%arg13 : memref<40x128xi32, #tpu.memory_space<vmem>>) target_semaphore(%run_scoped3A : memref<!tpu.dma_semaphore, #tpu.memory_space<semaphore_mem>>)
      %dma_wait3A_65 = arith.constant 0 : i32
      %dma_wait3A_66 = tpu.memref_slice %arg5[%add3A, %dma_wait3A_65] : memref<1280x128xi32, #tpu.memory_space<hbm>> -> memref<40x128xi32, #tpu.memory_space<hbm>>
      %dma_wait3A_67 = arith.constant 0 : i32
      %dma_wait3A_68 = tpu.memref_slice %arg5[%add3A, %dma_wait3A_67] : memref<1280x128xi32, #tpu.memory_space<hbm>> -> memref<40x128xi32, #tpu.memory_space<hbm>>
      tpu.wait_dma2 semaphore(%run_scoped3A : memref<!tpu.dma_semaphore, #tpu.memory_space<semaphore_mem>>) src(%dma_wait3A_68 : memref<40x128xi32, #tpu.memory_space<hbm>>) dst(%arg13 : memref<40x128xi32, #tpu.memory_space<vmem>>)
      tpu.yield
    }) : () -> ()
    %barrier3A_31 = arith.constant 0 : index
    tpu.barrier barrier_id(%barrier3A_31)
    %dma_start3A_32 = arith.constant 0 : i32
    %dma_start3A_33 = arith.constant 0 : i32
    %dma_start3A_34 = tpu.memref_slice %arg12[%dma_start3A_32, %dma_start3A_33] : memref<40x128xi32, #tpu.memory_space<vmem>> -> memref<1x128xi32, #tpu.memory_space<vmem>>
    %dma_start3A_35 = tpu.memref_squeeze %dma_start3A_34 : memref<1x128xi32, #tpu.memory_space<vmem>> -> memref<128xi32, #tpu.memory_space<vmem>>
    %dma_start3A_36 = arith.constant 0 : i32
    %dma_start3A_37 = arith.constant 0 : i32
    %dma_start3A_38 = tpu.memref_slice %arg3[%dma_start3A_36, %dma_start3A_37] : memref<10000x128xf32, #tpu.memory_space<hbm>> -> memref<10000x128xf32, #tpu.memory_space<hbm>>
    tpu.enqueue_indirect_dma source(%dma_start3A_38 : memref<10000x128xf32, #tpu.memory_space<hbm>>) target(%arg14 : memref<128x128xf32, #tpu.memory_space<vmem>>) offsets(%dma_start3A_35 : memref<128xi32, #tpu.memory_space<vmem>>) semaphore(%arg17 : memref<!tpu.dma_semaphore, #tpu.memory_space<semaphore_mem>>)
    %scan3A_39 = arith.constant 0 : i32
    %scan3A_40 = arith.constant 0 : i32
    %scan3A_41 = arith.constant 20 : i32
    %scan3A_42 = arith.addi %scan3A_40, %scan3A_41 : i32
    %scan3A_43 = arith.constant 1 : i32
    scf.for %scan3A_61 = %scan3A_40 to %scan3A_42 step %scan3A_43  : i32 {
      %mul3A_62 = arith.constant 2 : i32
      %mul3A_63 = arith.muli %mul3A_62, %scan3A_61 : i32
      %mul3A_64 = arith.constant 2 : i32
      %mul3A_65 = arith.muli %mul3A_64, %scan3A_61 : i32
      %add3A_66 = arith.constant 1 : i32
      %add3A_67 = arith.addi %mul3A_65, %add3A_66 : i32
      %dma_wait3A_68 = arith.constant 0 : i32
      %dma_wait3A_69 = tpu.memref_slice %arg12[%mul3A_63, %dma_wait3A_68] : memref<40x128xi32, #tpu.memory_space<vmem>> -> memref<1x128xi32, #tpu.memory_space<vmem>>
      %dma_wait3A_70 = tpu.memref_squeeze %dma_wait3A_69 : memref<1x128xi32, #tpu.memory_space<vmem>> -> memref<128xi32, #tpu.memory_space<vmem>>
      %dma_wait3A_71 = arith.constant 0 : i32
      %dma_wait3A_72 = arith.constant 0 : i32
      %dma_wait3A_73 = tpu.memref_slice %arg3[%dma_wait3A_71, %dma_wait3A_72] : memref<10000x128xf32, #tpu.memory_space<hbm>> -> memref<10000x128xf32, #tpu.memory_space<hbm>>
      tpu.wait_indirect_dma semaphore(%arg17 : memref<!tpu.dma_semaphore, #tpu.memory_space<semaphore_mem>>) src(%dma_wait3A_73 : memref<10000x128xf32, #tpu.memory_space<hbm>>) dst(%arg14 : memref<128x128xf32, #tpu.memory_space<vmem>>)
      %dma_start3A_74 = arith.constant 0 : i32
      %dma_start3A_75 = tpu.memref_slice %arg13[%mul3A_63, %dma_start3A_74] : memref<40x128xi32, #tpu.memory_space<vmem>> -> memref<1x128xi32, #tpu.memory_space<vmem>>
      %dma_start3A_76 = tpu.memref_squeeze %dma_start3A_75 : memref<1x128xi32, #tpu.memory_space<vmem>> -> memref<128xi32, #tpu.memory_space<vmem>>
      %dma_start3A_77 = arith.constant 0 : i32
      %dma_start3A_78 = arith.constant 0 : i32
      %dma_start3A_79 = tpu.memref_slice %arg16[%dma_start3A_77, %dma_start3A_78] : memref<10128x128xf32, #tpu.memory_space<vmem_shared>> -> memref<10128x128xf32, #tpu.memory_space<vmem_shared>>
      tpu.enqueue_indirect_dma source(%arg14 : memref<128x128xf32, #tpu.memory_space<vmem>>) target(%dma_start3A_79 : memref<10128x128xf32, #tpu.memory_space<vmem_shared>>) offsets(%dma_start3A_76 : memref<128xi32, #tpu.memory_space<vmem>>) semaphore(%arg19 : memref<!tpu.dma_semaphore, #tpu.memory_space<semaphore_mem>>) {add = true}
      %gt3A = arith.constant 0 : i32
      %gt3A_80 = arith.cmpi sgt, %scan3A_61, %gt3A : i32
      %convert_element_type3A = arith.extui %gt3A_80 : i1 to i32
      %cond3A = arith.constant 0 : i32
      %cond3A_81 = arith.cmpi ne, %convert_element_type3A, %cond3A : i32
      scf.if %cond3A_81 {
        %dma_wait3A_106 = arith.constant 0 : i32
        %dma_wait3A_107 = tpu.memref_slice %arg13[%add3A_67, %dma_wait3A_106] : memref<40x128xi32, #tpu.memory_space<vmem>> -> memref<1x128xi32, #tpu.memory_space<vmem>>
        %dma_wait3A_108 = tpu.memref_squeeze %dma_wait3A_107 : memref<1x128xi32, #tpu.memory_space<vmem>> -> memref<128xi32, #tpu.memory_space<vmem>>
        %dma_wait3A_109 = arith.constant 0 : i32
        %dma_wait3A_110 = arith.constant 0 : i32
        %dma_wait3A_111 = tpu.memref_slice %arg16[%dma_wait3A_109, %dma_wait3A_110] : memref<10128x128xf32, #tpu.memory_space<vmem_shared>> -> memref<10128x128xf32, #tpu.memory_space<vmem_shared>>
        tpu.wait_indirect_dma semaphore(%arg20 : memref<!tpu.dma_semaphore, #tpu.memory_space<semaphore_mem>>) src(%arg15 : memref<128x128xf32, #tpu.memory_space<vmem>>) dst(%dma_wait3A_111 : memref<10128x128xf32, #tpu.memory_space<vmem_shared>>)
      } else {
      }
      %dma_start3A_82 = arith.constant 0 : i32
      %dma_start3A_83 = tpu.memref_slice %arg12[%add3A_67, %dma_start3A_82] : memref<40x128xi32, #tpu.memory_space<vmem>> -> memref<1x128xi32, #tpu.memory_space<vmem>>
      %dma_start3A_84 = tpu.memref_squeeze %dma_start3A_83 : memref<1x128xi32, #tpu.memory_space<vmem>> -> memref<128xi32, #tpu.memory_space<vmem>>
      %dma_start3A_85 = arith.constant 0 : i32
      %dma_start3A_86 = arith.constant 0 : i32
      %dma_start3A_87 = tpu.memref_slice %arg3[%dma_start3A_85, %dma_start3A_86] : memref<10000x128xf32, #tpu.memory_space<hbm>> -> memref<10000x128xf32, #tpu.memory_space<hbm>>
      tpu.enqueue_indirect_dma source(%dma_start3A_87 : memref<10000x128xf32, #tpu.memory_space<hbm>>) target(%arg15 : memref<128x128xf32, #tpu.memory_space<vmem>>) offsets(%dma_start3A_84 : memref<128xi32, #tpu.memory_space<vmem>>) semaphore(%arg18 : memref<!tpu.dma_semaphore, #tpu.memory_space<semaphore_mem>>)
      %dma_wait3A_88 = arith.constant 0 : i32
      %dma_wait3A_89 = tpu.memref_slice %arg12[%add3A_67, %dma_wait3A_88] : memref<40x128xi32, #tpu.memory_space<vmem>> -> memref<1x128xi32, #tpu.memory_space<vmem>>
      %dma_wait3A_90 = tpu.memref_squeeze %dma_wait3A_89 : memref<1x128xi32, #tpu.memory_space<vmem>> -> memref<128xi32, #tpu.memory_space<vmem>>
      %dma_wait3A_91 = arith.constant 0 : i32
      %dma_wait3A_92 = arith.constant 0 : i32
      %dma_wait3A_93 = tpu.memref_slice %arg3[%dma_wait3A_91, %dma_wait3A_92] : memref<10000x128xf32, #tpu.memory_space<hbm>> -> memref<10000x128xf32, #tpu.memory_space<hbm>>
      tpu.wait_indirect_dma semaphore(%arg18 : memref<!tpu.dma_semaphore, #tpu.memory_space<semaphore_mem>>) src(%dma_wait3A_93 : memref<10000x128xf32, #tpu.memory_space<hbm>>) dst(%arg15 : memref<128x128xf32, #tpu.memory_space<vmem>>)
      %dma_start3A_94 = arith.constant 0 : i32
      %dma_start3A_95 = tpu.memref_slice %arg13[%add3A_67, %dma_start3A_94] : memref<40x128xi32, #tpu.memory_space<vmem>> -> memref<1x128xi32, #tpu.memory_space<vmem>>
      %dma_start3A_96 = tpu.memref_squeeze %dma_start3A_95 : memref<1x128xi32, #tpu.memory_space<vmem>> -> memref<128xi32, #tpu.memory_space<vmem>>
      %dma_start3A_97 = arith.constant 0 : i32
      %dma_start3A_98 = arith.constant 0 : i32
      %dma_start3A_99 = tpu.memref_slice %arg16[%dma_start3A_97, %dma_start3A_98] : memref<10128x128xf32, #tpu.memory_space<vmem_shared>> -> memref<10128x128xf32, #tpu.memory_space<vmem_shared>>
      tpu.enqueue_indirect_dma source(%arg15 : memref<128x128xf32, #tpu.memory_space<vmem>>) target(%dma_start3A_99 : memref<10128x128xf32, #tpu.memory_space<vmem_shared>>) offsets(%dma_start3A_96 : memref<128xi32, #tpu.memory_space<vmem>>) semaphore(%arg20 : memref<!tpu.dma_semaphore, #tpu.memory_space<semaphore_mem>>) {add = true}
      %add3A_100 = arith.constant 1 : i32
      %add3A_101 = arith.addi %add3A_67, %add3A_100 : i32
      %lt3A = arith.constant 40 : i32
      %lt3A_102 = arith.cmpi slt, %add3A_101, %lt3A : i32
      %convert_element_type3A_103 = arith.extui %lt3A_102 : i1 to i32
      %cond3A_104 = arith.constant 0 : i32
      %cond3A_105 = arith.cmpi ne, %convert_element_type3A_103, %cond3A_104 : i32
      scf.if %cond3A_105 {
        %dma_wait3A_106 = arith.constant 0 : i32
        %dma_wait3A_107 = tpu.memref_slice %arg13[%mul3A_63, %dma_wait3A_106] : memref<40x128xi32, #tpu.memory_space<vmem>> -> memref<1x128xi32, #tpu.memory_space<vmem>>
        %dma_wait3A_108 = tpu.memref_squeeze %dma_wait3A_107 : memref<1x128xi32, #tpu.memory_space<vmem>> -> memref<128xi32, #tpu.memory_space<vmem>>
        %dma_wait3A_109 = arith.constant 0 : i32
        %dma_wait3A_110 = arith.constant 0 : i32
        %dma_wait3A_111 = tpu.memref_slice %arg16[%dma_wait3A_109, %dma_wait3A_110] : memref<10128x128xf32, #tpu.memory_space<vmem_shared>> -> memref<10128x128xf32, #tpu.memory_space<vmem_shared>>
        tpu.wait_indirect_dma semaphore(%arg19 : memref<!tpu.dma_semaphore, #tpu.memory_space<semaphore_mem>>) src(%arg14 : memref<128x128xf32, #tpu.memory_space<vmem>>) dst(%dma_wait3A_111 : memref<10128x128xf32, #tpu.memory_space<vmem_shared>>)
        %add3A_112 = arith.constant 1 : i32
        %add3A_113 = arith.addi %add3A_67, %add3A_112 : i32
        %dma_start3A_114 = arith.constant 0 : i32
        %dma_start3A_115 = tpu.memref_slice %arg12[%add3A_113, %dma_start3A_114] : memref<40x128xi32, #tpu.memory_space<vmem>> -> memref<1x128xi32, #tpu.memory_space<vmem>>
        %dma_start3A_116 = tpu.memref_squeeze %dma_start3A_115 : memref<1x128xi32, #tpu.memory_space<vmem>> -> memref<128xi32, #tpu.memory_space<vmem>>
        %dma_start3A_117 = arith.constant 0 : i32
        %dma_start3A_118 = arith.constant 0 : i32
        %dma_start3A_119 = tpu.memref_slice %arg3[%dma_start3A_117, %dma_start3A_118] : memref<10000x128xf32, #tpu.memory_space<hbm>> -> memref<10000x128xf32, #tpu.memory_space<hbm>>
        tpu.enqueue_indirect_dma source(%dma_start3A_119 : memref<10000x128xf32, #tpu.memory_space<hbm>>) target(%arg14 : memref<128x128xf32, #tpu.memory_space<vmem>>) offsets(%dma_start3A_116 : memref<128xi32, #tpu.memory_space<vmem>>) semaphore(%arg17 : memref<!tpu.dma_semaphore, #tpu.memory_space<semaphore_mem>>)
      } else {
      }
    }
    %scan3A_44 = arith.constant 20 : i32
    %dma_wait3A_45 = arith.constant 0 : i32
    %dma_wait3A_46 = arith.constant 0 : i32
    %dma_wait3A_47 = tpu.memref_slice %arg13[%dma_wait3A_45, %dma_wait3A_46] : memref<40x128xi32, #tpu.memory_space<vmem>> -> memref<1x128xi32, #tpu.memory_space<vmem>>
    %dma_wait3A_48 = tpu.memref_squeeze %dma_wait3A_47 : memref<1x128xi32, #tpu.memory_space<vmem>> -> memref<128xi32, #tpu.memory_space<vmem>>
    %dma_wait3A_49 = arith.constant 0 : i32
    %dma_wait3A_50 = arith.constant 0 : i32
    %dma_wait3A_51 = tpu.memref_slice %arg16[%dma_wait3A_49, %dma_wait3A_50] : memref<10128x128xf32, #tpu.memory_space<vmem_shared>> -> memref<10128x128xf32, #tpu.memory_space<vmem_shared>>
    tpu.wait_indirect_dma semaphore(%arg19 : memref<!tpu.dma_semaphore, #tpu.memory_space<semaphore_mem>>) src(%arg14 : memref<128x128xf32, #tpu.memory_space<vmem>>) dst(%dma_wait3A_51 : memref<10128x128xf32, #tpu.memory_space<vmem_shared>>)
    %dma_wait3A_52 = arith.constant 0 : i32
    %dma_wait3A_53 = arith.constant 0 : i32
    %dma_wait3A_54 = tpu.memref_slice %arg13[%dma_wait3A_52, %dma_wait3A_53] : memref<40x128xi32, #tpu.memory_space<vmem>> -> memref<1x128xi32, #tpu.memory_space<vmem>>
    %dma_wait3A_55 = tpu.memref_squeeze %dma_wait3A_54 : memref<1x128xi32, #tpu.memory_space<vmem>> -> memref<128xi32, #tpu.memory_space<vmem>>
    %dma_wait3A_56 = arith.constant 0 : i32
    %dma_wait3A_57 = arith.constant 0 : i32
    %dma_wait3A_58 = tpu.memref_slice %arg16[%dma_wait3A_56, %dma_wait3A_57] : memref<10128x128xf32, #tpu.memory_space<vmem_shared>> -> memref<10128x128xf32, #tpu.memory_space<vmem_shared>>
    tpu.wait_indirect_dma semaphore(%arg20 : memref<!tpu.dma_semaphore, #tpu.memory_space<semaphore_mem>>) src(%arg15 : memref<128x128xf32, #tpu.memory_space<vmem>>) dst(%dma_wait3A_58 : memref<10128x128xf32, #tpu.memory_space<vmem_shared>>)
    %barrier3A_59 = arith.constant 0 : index
    tpu.barrier barrier_id(%barrier3A_59)
    "tpu.region"() ({
      %run_scoped3A = tpu.sem_alloc : memref<!tpu.dma_semaphore, #tpu.memory_space<semaphore_mem>>
      %dma_start3A_61 = arith.constant 0 : i32
      %dma_start3A_62 = arith.constant 0 : i32
      %dma_start3A_63 = tpu.memref_slice %arg11[%arg0, %dma_start3A_61, %dma_start3A_62] : memref<2x10000x128xf32, #tpu.memory_space<hbm>> -> memref<1x10000x128xf32, #tpu.memory_space<hbm>>
      %dma_start3A_64 = tpu.memref_squeeze %dma_start3A_63 : memref<1x10000x128xf32, #tpu.memory_space<hbm>> -> memref<10000x128xf32, #tpu.memory_space<hbm>>
      %dma_start3A_65 = arith.constant 0 : i32
      %dma_start3A_66 = tpu.memref_slice %dma_start3A_64[%mul3A_4, %dma_start3A_65] : memref<10000x128xf32, #tpu.memory_space<hbm>> -> memref<640x128xf32, #tpu.memory_space<hbm>>
      %dma_start3A_67 = arith.constant 0 : i32
      %dma_start3A_68 = tpu.memref_slice %arg16[%mul3A_4, %dma_start3A_67] : memref<10128x128xf32, #tpu.memory_space<vmem_shared>> -> memref<640x128xf32, #tpu.memory_space<vmem_shared>>
      tpu.enqueue_dma source(%dma_start3A_68 : memref<640x128xf32, #tpu.memory_space<vmem_shared>>) target(%dma_start3A_66 : memref<640x128xf32, #tpu.memory_space<hbm>>) target_semaphore(%run_scoped3A : memref<!tpu.dma_semaphore, #tpu.memory_space<semaphore_mem>>)
      %dma_wait3A_69 = arith.constant 0 : i32
      %dma_wait3A_70 = arith.constant 0 : i32
      %dma_wait3A_71 = tpu.memref_slice %arg11[%arg0, %dma_wait3A_69, %dma_wait3A_70] : memref<2x10000x128xf32, #tpu.memory_space<hbm>> -> memref<1x10000x128xf32, #tpu.memory_space<hbm>>
      %dma_wait3A_72 = tpu.memref_squeeze %dma_wait3A_71 : memref<1x10000x128xf32, #tpu.memory_space<hbm>> -> memref<10000x128xf32, #tpu.memory_space<hbm>>
      %dma_wait3A_73 = arith.constant 0 : i32
      %dma_wait3A_74 = tpu.memref_slice %dma_wait3A_72[%mul3A_4, %dma_wait3A_73] : memref<10000x128xf32, #tpu.memory_space<hbm>> -> memref<640x128xf32, #tpu.memory_space<hbm>>
      %dma_wait3A_75 = arith.constant 0 : i32
      %dma_wait3A_76 = tpu.memref_slice %arg16[%mul3A_4, %dma_wait3A_75] : memref<10128x128xf32, #tpu.memory_space<vmem_shared>> -> memref<640x128xf32, #tpu.memory_space<vmem_shared>>
      tpu.wait_dma2 semaphore(%run_scoped3A : memref<!tpu.dma_semaphore, #tpu.memory_space<semaphore_mem>>) src(%dma_wait3A_76 : memref<640x128xf32, #tpu.memory_space<vmem_shared>>) dst(%dma_wait3A_74 : memref<640x128xf32, #tpu.memory_space<hbm>>)
      tpu.yield
    }) : () -> ()
    %barrier3A_60 = arith.constant 0 : index
    tpu.barrier barrier_id(%barrier3A_60)
    return
  }
}

#map = affine_map<(d0, d1) -> (0, 0)>
#map1 = affine_map<(d0, d1) -> (0, 0, 0)>
module attributes {stable_mosaic.version = 14 : i64} {
  func.func @_sc_body(%arg0: i32, %arg1: i32, %arg2: memref<10000x128xf32, #tpu.memory_space<hbm>>, %arg3: memref<10000x128xf32, #tpu.memory_space<hbm>>, %arg4: memref<1280x128xi32, #tpu.memory_space<hbm>>, %arg5: memref<1280x128xi32, #tpu.memory_space<hbm>>, %arg6: memref<1280x128xi32, #tpu.memory_space<hbm>>, %arg7: memref<1280x128xi32, #tpu.memory_space<hbm>>, %arg8: memref<10000x128xf32, #tpu.memory_space<hbm>>, %arg9: memref<10000x128xf32, #tpu.memory_space<hbm>>, %arg10: memref<2x10000x128xf32, #tpu.memory_space<hbm>>, %arg11: memref<2x10000x128xf32, #tpu.memory_space<hbm>>, %arg12: memref<40x128xi32, #tpu.memory_space<vmem>>, %arg13: memref<40x128xi32, #tpu.memory_space<vmem>>, %arg14: memref<128x128xf32, #tpu.memory_space<vmem>>, %arg15: memref<128x128xf32, #tpu.memory_space<vmem>>, %arg16: memref<10128x128xf32, #tpu.memory_space<vmem_shared>>, %arg17: memref<!tpu.dma_semaphore, #tpu.memory_space<semaphore_mem>>, %arg18: memref<!tpu.dma_semaphore, #tpu.memory_space<semaphore_mem>>, %arg19: memref<!tpu.dma_semaphore, #tpu.memory_space<semaphore_mem>>, %arg20: memref<!tpu.dma_semaphore, #tpu.memory_space<semaphore_mem>>) attributes {dimension_semantics = [#tpu.dimension_semantics<core_parallel>, #tpu.dimension_semantics<subcore_parallel>], iteration_bounds = array<i64: 2, 16>, scalar_prefetch = 0 : i64, scratch_operands = 9 : i64, tpu.core_type = #tpu.core_type<sc_vector_subcore>, window_params = [{transform_indices = #map}, {transform_indices = #map}, {transform_indices = #map}, {transform_indices = #map}, {transform_indices = #map}, {transform_indices = #map}, {transform_indices = #map}, {transform_indices = #map}, {transform_indices = #map1}, {transform_indices = #map1}]} {
    %mul3A = arith.constant 640 : i32
    %mul3A_0 = arith.muli %arg0, %mul3A : i32
    %mul3A_1 = arith.constant 40 : i32
    %mul3A_2 = arith.muli %arg1, %mul3A_1 : i32
    %add3A = arith.addi %mul3A_0, %mul3A_2 : i32
    %mul3A_3 = arith.constant 624 : i32
    %mul3A_4 = arith.muli %arg1, %mul3A_3 : i32
    "tpu.region"() ({
      %run_scoped3A = tpu.sem_alloc : memref<!tpu.dma_semaphore, #tpu.memory_space<semaphore_mem>>
      %dma_start3A_61 = arith.constant 0 : i32
      %dma_start3A_62 = tpu.memref_slice %arg16[%mul3A_4, %dma_start3A_61] : memref<10128x128xf32, #tpu.memory_space<vmem_shared>> -> memref<640x128xf32, #tpu.memory_space<vmem_shared>>
      %dma_start3A_63 = arith.constant 0 : i32
      %dma_start3A_64 = tpu.memref_slice %arg8[%mul3A_4, %dma_start3A_63] : memref<10000x128xf32, #tpu.memory_space<hbm>> -> memref<640x128xf32, #tpu.memory_space<hbm>>
      tpu.enqueue_dma source(%dma_start3A_64 : memref<640x128xf32, #tpu.memory_space<hbm>>) target(%dma_start3A_62 : memref<640x128xf32, #tpu.memory_space<vmem_shared>>) target_semaphore(%run_scoped3A : memref<!tpu.dma_semaphore, #tpu.memory_space<semaphore_mem>>)
      %dma_wait3A_65 = arith.constant 0 : i32
      %dma_wait3A_66 = tpu.memref_slice %arg16[%mul3A_4, %dma_wait3A_65] : memref<10128x128xf32, #tpu.memory_space<vmem_shared>> -> memref<640x128xf32, #tpu.memory_space<vmem_shared>>
      %dma_wait3A_67 = arith.constant 0 : i32
      %dma_wait3A_68 = tpu.memref_slice %arg8[%mul3A_4, %dma_wait3A_67] : memref<10000x128xf32, #tpu.memory_space<hbm>> -> memref<640x128xf32, #tpu.memory_space<hbm>>
      tpu.wait_dma2 semaphore(%run_scoped3A : memref<!tpu.dma_semaphore, #tpu.memory_space<semaphore_mem>>) src(%dma_wait3A_68 : memref<640x128xf32, #tpu.memory_space<hbm>>) dst(%dma_wait3A_66 : memref<640x128xf32, #tpu.memory_space<vmem_shared>>)
      tpu.yield
    }) : () -> ()
    "tpu.region"() ({
      %run_scoped3A = tpu.sem_alloc : memref<!tpu.dma_semaphore, #tpu.memory_space<semaphore_mem>>
      %dma_start3A_61 = arith.constant 0 : i32
      %dma_start3A_62 = tpu.memref_slice %arg4[%add3A, %dma_start3A_61] : memref<1280x128xi32, #tpu.memory_space<hbm>> -> memref<40x128xi32, #tpu.memory_space<hbm>>
      %dma_start3A_63 = arith.constant 0 : i32
      %dma_start3A_64 = tpu.memref_slice %arg4[%add3A, %dma_start3A_63] : memref<1280x128xi32, #tpu.memory_space<hbm>> -> memref<40x128xi32, #tpu.memory_space<hbm>>
      tpu.enqueue_dma source(%dma_start3A_64 : memref<40x128xi32, #tpu.memory_space<hbm>>) target(%arg12 : memref<40x128xi32, #tpu.memory_space<vmem>>) target_semaphore(%run_scoped3A : memref<!tpu.dma_semaphore, #tpu.memory_space<semaphore_mem>>)
      %dma_wait3A_65 = arith.constant 0 : i32
      %dma_wait3A_66 = tpu.memref_slice %arg4[%add3A, %dma_wait3A_65] : memref<1280x128xi32, #tpu.memory_space<hbm>> -> memref<40x128xi32, #tpu.memory_space<hbm>>
      %dma_wait3A_67 = arith.constant 0 : i32
      %dma_wait3A_68 = tpu.memref_slice %arg4[%add3A, %dma_wait3A_67] : memref<1280x128xi32, #tpu.memory_space<hbm>> -> memref<40x128xi32, #tpu.memory_space<hbm>>
      tpu.wait_dma2 semaphore(%run_scoped3A : memref<!tpu.dma_semaphore, #tpu.memory_space<semaphore_mem>>) src(%dma_wait3A_68 : memref<40x128xi32, #tpu.memory_space<hbm>>) dst(%arg12 : memref<40x128xi32, #tpu.memory_space<vmem>>)
      tpu.yield
    }) : () -> ()
    "tpu.region"() ({
      %run_scoped3A = tpu.sem_alloc : memref<!tpu.dma_semaphore, #tpu.memory_space<semaphore_mem>>
      %dma_start3A_61 = arith.constant 0 : i32
      %dma_start3A_62 = tpu.memref_slice %arg7[%add3A, %dma_start3A_61] : memref<1280x128xi32, #tpu.memory_space<hbm>> -> memref<40x128xi32, #tpu.memory_space<hbm>>
      %dma_start3A_63 = arith.constant 0 : i32
      %dma_start3A_64 = tpu.memref_slice %arg7[%add3A, %dma_start3A_63] : memref<1280x128xi32, #tpu.memory_space<hbm>> -> memref<40x128xi32, #tpu.memory_space<hbm>>
      tpu.enqueue_dma source(%dma_start3A_64 : memref<40x128xi32, #tpu.memory_space<hbm>>) target(%arg13 : memref<40x128xi32, #tpu.memory_space<vmem>>) target_semaphore(%run_scoped3A : memref<!tpu.dma_semaphore, #tpu.memory_space<semaphore_mem>>)
      %dma_wait3A_65 = arith.constant 0 : i32
      %dma_wait3A_66 = tpu.memref_slice %arg7[%add3A, %dma_wait3A_65] : memref<1280x128xi32, #tpu.memory_space<hbm>> -> memref<40x128xi32, #tpu.memory_space<hbm>>
      %dma_wait3A_67 = arith.constant 0 : i32
      %dma_wait3A_68 = tpu.memref_slice %arg7[%add3A, %dma_wait3A_67] : memref<1280x128xi32, #tpu.memory_space<hbm>> -> memref<40x128xi32, #tpu.memory_space<hbm>>
      tpu.wait_dma2 semaphore(%run_scoped3A : memref<!tpu.dma_semaphore, #tpu.memory_space<semaphore_mem>>) src(%dma_wait3A_68 : memref<40x128xi32, #tpu.memory_space<hbm>>) dst(%arg13 : memref<40x128xi32, #tpu.memory_space<vmem>>)
      tpu.yield
    }) : () -> ()
    %barrier3A = arith.constant 0 : index
    tpu.barrier barrier_id(%barrier3A)
    %dma_start3A = arith.constant 0 : i32
    %dma_start3A_5 = arith.constant 0 : i32
    %dma_start3A_6 = tpu.memref_slice %arg12[%dma_start3A, %dma_start3A_5] : memref<40x128xi32, #tpu.memory_space<vmem>> -> memref<1x128xi32, #tpu.memory_space<vmem>>
    %dma_start3A_7 = tpu.memref_squeeze %dma_start3A_6 : memref<1x128xi32, #tpu.memory_space<vmem>> -> memref<128xi32, #tpu.memory_space<vmem>>
    %dma_start3A_8 = arith.constant 0 : i32
    %dma_start3A_9 = arith.constant 0 : i32
    %dma_start3A_10 = tpu.memref_slice %arg2[%dma_start3A_8, %dma_start3A_9] : memref<10000x128xf32, #tpu.memory_space<hbm>> -> memref<10000x128xf32, #tpu.memory_space<hbm>>
    tpu.enqueue_indirect_dma source(%dma_start3A_10 : memref<10000x128xf32, #tpu.memory_space<hbm>>) target(%arg14 : memref<128x128xf32, #tpu.memory_space<vmem>>) offsets(%dma_start3A_7 : memref<128xi32, #tpu.memory_space<vmem>>) semaphore(%arg17 : memref<!tpu.dma_semaphore, #tpu.memory_space<semaphore_mem>>)
    %scan3A = arith.constant 0 : i32
    %scan3A_11 = arith.constant 0 : i32
    %scan3A_12 = arith.constant 20 : i32
    %scan3A_13 = arith.addi %scan3A_11, %scan3A_12 : i32
    %scan3A_14 = arith.constant 1 : i32
    scf.for %scan3A_61 = %scan3A_11 to %scan3A_13 step %scan3A_14  : i32 {
      %mul3A_62 = arith.constant 2 : i32
      %mul3A_63 = arith.muli %mul3A_62, %scan3A_61 : i32
      %mul3A_64 = arith.constant 2 : i32
      %mul3A_65 = arith.muli %mul3A_64, %scan3A_61 : i32
      %add3A_66 = arith.constant 1 : i32
      %add3A_67 = arith.addi %mul3A_65, %add3A_66 : i32
      %dma_wait3A_68 = arith.constant 0 : i32
      %dma_wait3A_69 = tpu.memref_slice %arg12[%mul3A_63, %dma_wait3A_68] : memref<40x128xi32, #tpu.memory_space<vmem>> -> memref<1x128xi32, #tpu.memory_space<vmem>>
      %dma_wait3A_70 = tpu.memref_squeeze %dma_wait3A_69 : memref<1x128xi32, #tpu.memory_space<vmem>> -> memref<128xi32, #tpu.memory_space<vmem>>
      %dma_wait3A_71 = arith.constant 0 : i32
      %dma_wait3A_72 = arith.constant 0 : i32
      %dma_wait3A_73 = tpu.memref_slice %arg2[%dma_wait3A_71, %dma_wait3A_72] : memref<10000x128xf32, #tpu.memory_space<hbm>> -> memref<10000x128xf32, #tpu.memory_space<hbm>>
      tpu.wait_indirect_dma semaphore(%arg17 : memref<!tpu.dma_semaphore, #tpu.memory_space<semaphore_mem>>) src(%dma_wait3A_73 : memref<10000x128xf32, #tpu.memory_space<hbm>>) dst(%arg14 : memref<128x128xf32, #tpu.memory_space<vmem>>)
      %dma_start3A_74 = arith.constant 0 : i32
      %dma_start3A_75 = tpu.memref_slice %arg13[%mul3A_63, %dma_start3A_74] : memref<40x128xi32, #tpu.memory_space<vmem>> -> memref<1x128xi32, #tpu.memory_space<vmem>>
      %dma_start3A_76 = tpu.memref_squeeze %dma_start3A_75 : memref<1x128xi32, #tpu.memory_space<vmem>> -> memref<128xi32, #tpu.memory_space<vmem>>
      %dma_start3A_77 = arith.constant 0 : i32
      %dma_start3A_78 = arith.constant 0 : i32
      %dma_start3A_79 = tpu.memref_slice %arg16[%dma_start3A_77, %dma_start3A_78] : memref<10128x128xf32, #tpu.memory_space<vmem_shared>> -> memref<10128x128xf32, #tpu.memory_space<vmem_shared>>
      tpu.enqueue_indirect_dma source(%arg14 : memref<128x128xf32, #tpu.memory_space<vmem>>) target(%dma_start3A_79 : memref<10128x128xf32, #tpu.memory_space<vmem_shared>>) offsets(%dma_start3A_76 : memref<128xi32, #tpu.memory_space<vmem>>) semaphore(%arg19 : memref<!tpu.dma_semaphore, #tpu.memory_space<semaphore_mem>>) {add = true}
      %gt3A = arith.constant 0 : i32
      %gt3A_80 = arith.cmpi sgt, %scan3A_61, %gt3A : i32
      %convert_element_type3A = arith.extui %gt3A_80 : i1 to i32
      %cond3A = arith.constant 0 : i32
      %cond3A_81 = arith.cmpi ne, %convert_element_type3A, %cond3A : i32
      scf.if %cond3A_81 {
        %dma_wait3A_106 = arith.constant 0 : i32
        %dma_wait3A_107 = tpu.memref_slice %arg13[%add3A_67, %dma_wait3A_106] : memref<40x128xi32, #tpu.memory_space<vmem>> -> memref<1x128xi32, #tpu.memory_space<vmem>>
        %dma_wait3A_108 = tpu.memref_squeeze %dma_wait3A_107 : memref<1x128xi32, #tpu.memory_space<vmem>> -> memref<128xi32, #tpu.memory_space<vmem>>
        %dma_wait3A_109 = arith.constant 0 : i32
        %dma_wait3A_110 = arith.constant 0 : i32
        %dma_wait3A_111 = tpu.memref_slice %arg16[%dma_wait3A_109, %dma_wait3A_110] : memref<10128x128xf32, #tpu.memory_space<vmem_shared>> -> memref<10128x128xf32, #tpu.memory_space<vmem_shared>>
        tpu.wait_indirect_dma semaphore(%arg20 : memref<!tpu.dma_semaphore, #tpu.memory_space<semaphore_mem>>) src(%arg15 : memref<128x128xf32, #tpu.memory_space<vmem>>) dst(%dma_wait3A_111 : memref<10128x128xf32, #tpu.memory_space<vmem_shared>>)
      } else {
      }
      %dma_start3A_82 = arith.constant 0 : i32
      %dma_start3A_83 = tpu.memref_slice %arg12[%add3A_67, %dma_start3A_82] : memref<40x128xi32, #tpu.memory_space<vmem>> -> memref<1x128xi32, #tpu.memory_space<vmem>>
      %dma_start3A_84 = tpu.memref_squeeze %dma_start3A_83 : memref<1x128xi32, #tpu.memory_space<vmem>> -> memref<128xi32, #tpu.memory_space<vmem>>
      %dma_start3A_85 = arith.constant 0 : i32
      %dma_start3A_86 = arith.constant 0 : i32
      %dma_start3A_87 = tpu.memref_slice %arg2[%dma_start3A_85, %dma_start3A_86] : memref<10000x128xf32, #tpu.memory_space<hbm>> -> memref<10000x128xf32, #tpu.memory_space<hbm>>
      tpu.enqueue_indirect_dma source(%dma_start3A_87 : memref<10000x128xf32, #tpu.memory_space<hbm>>) target(%arg15 : memref<128x128xf32, #tpu.memory_space<vmem>>) offsets(%dma_start3A_84 : memref<128xi32, #tpu.memory_space<vmem>>) semaphore(%arg18 : memref<!tpu.dma_semaphore, #tpu.memory_space<semaphore_mem>>)
      %dma_wait3A_88 = arith.constant 0 : i32
      %dma_wait3A_89 = tpu.memref_slice %arg12[%add3A_67, %dma_wait3A_88] : memref<40x128xi32, #tpu.memory_space<vmem>> -> memref<1x128xi32, #tpu.memory_space<vmem>>
      %dma_wait3A_90 = tpu.memref_squeeze %dma_wait3A_89 : memref<1x128xi32, #tpu.memory_space<vmem>> -> memref<128xi32, #tpu.memory_space<vmem>>
      %dma_wait3A_91 = arith.constant 0 : i32
      %dma_wait3A_92 = arith.constant 0 : i32
      %dma_wait3A_93 = tpu.memref_slice %arg2[%dma_wait3A_91, %dma_wait3A_92] : memref<10000x128xf32, #tpu.memory_space<hbm>> -> memref<10000x128xf32, #tpu.memory_space<hbm>>
      tpu.wait_indirect_dma semaphore(%arg18 : memref<!tpu.dma_semaphore, #tpu.memory_space<semaphore_mem>>) src(%dma_wait3A_93 : memref<10000x128xf32, #tpu.memory_space<hbm>>) dst(%arg15 : memref<128x128xf32, #tpu.memory_space<vmem>>)
      %dma_start3A_94 = arith.constant 0 : i32
      %dma_start3A_95 = tpu.memref_slice %arg13[%add3A_67, %dma_start3A_94] : memref<40x128xi32, #tpu.memory_space<vmem>> -> memref<1x128xi32, #tpu.memory_space<vmem>>
      %dma_start3A_96 = tpu.memref_squeeze %dma_start3A_95 : memref<1x128xi32, #tpu.memory_space<vmem>> -> memref<128xi32, #tpu.memory_space<vmem>>
      %dma_start3A_97 = arith.constant 0 : i32
      %dma_start3A_98 = arith.constant 0 : i32
      %dma_start3A_99 = tpu.memref_slice %arg16[%dma_start3A_97, %dma_start3A_98] : memref<10128x128xf32, #tpu.memory_space<vmem_shared>> -> memref<10128x128xf32, #tpu.memory_space<vmem_shared>>
      tpu.enqueue_indirect_dma source(%arg15 : memref<128x128xf32, #tpu.memory_space<vmem>>) target(%dma_start3A_99 : memref<10128x128xf32, #tpu.memory_space<vmem_shared>>) offsets(%dma_start3A_96 : memref<128xi32, #tpu.memory_space<vmem>>) semaphore(%arg20 : memref<!tpu.dma_semaphore, #tpu.memory_space<semaphore_mem>>) {add = true}
      %add3A_100 = arith.constant 1 : i32
      %add3A_101 = arith.addi %add3A_67, %add3A_100 : i32
      %lt3A = arith.constant 40 : i32
      %lt3A_102 = arith.cmpi slt, %add3A_101, %lt3A : i32
      %convert_element_type3A_103 = arith.extui %lt3A_102 : i1 to i32
      %cond3A_104 = arith.constant 0 : i32
      %cond3A_105 = arith.cmpi ne, %convert_element_type3A_103, %cond3A_104 : i32
      scf.if %cond3A_105 {
        %dma_wait3A_106 = arith.constant 0 : i32
        %dma_wait3A_107 = tpu.memref_slice %arg13[%mul3A_63, %dma_wait3A_106] : memref<40x128xi32, #tpu.memory_space<vmem>> -> memref<1x128xi32, #tpu.memory_space<vmem>>
        %dma_wait3A_108 = tpu.memref_squeeze %dma_wait3A_107 : memref<1x128xi32, #tpu.memory_space<vmem>> -> memref<128xi32, #tpu.memory_space<vmem>>
        %dma_wait3A_109 = arith.constant 0 : i32
        %dma_wait3A_110 = arith.constant 0 : i32
        %dma_wait3A_111 = tpu.memref_slice %arg16[%dma_wait3A_109, %dma_wait3A_110] : memref<10128x128xf32, #tpu.memory_space<vmem_shared>> -> memref<10128x128xf32, #tpu.memory_space<vmem_shared>>
        tpu.wait_indirect_dma semaphore(%arg19 : memref<!tpu.dma_semaphore, #tpu.memory_space<semaphore_mem>>) src(%arg14 : memref<128x128xf32, #tpu.memory_space<vmem>>) dst(%dma_wait3A_111 : memref<10128x128xf32, #tpu.memory_space<vmem_shared>>)
        %add3A_112 = arith.constant 1 : i32
        %add3A_113 = arith.addi %add3A_67, %add3A_112 : i32
        %dma_start3A_114 = arith.constant 0 : i32
        %dma_start3A_115 = tpu.memref_slice %arg12[%add3A_113, %dma_start3A_114] : memref<40x128xi32, #tpu.memory_space<vmem>> -> memref<1x128xi32, #tpu.memory_space<vmem>>
        %dma_start3A_116 = tpu.memref_squeeze %dma_start3A_115 : memref<1x128xi32, #tpu.memory_space<vmem>> -> memref<128xi32, #tpu.memory_space<vmem>>
        %dma_start3A_117 = arith.constant 0 : i32
        %dma_start3A_118 = arith.constant 0 : i32
        %dma_start3A_119 = tpu.memref_slice %arg2[%dma_start3A_117, %dma_start3A_118] : memref<10000x128xf32, #tpu.memory_space<hbm>> -> memref<10000x128xf32, #tpu.memory_space<hbm>>
        tpu.enqueue_indirect_dma source(%dma_start3A_119 : memref<10000x128xf32, #tpu.memory_space<hbm>>) target(%arg14 : memref<128x128xf32, #tpu.memory_space<vmem>>) offsets(%dma_start3A_116 : memref<128xi32, #tpu.memory_space<vmem>>) semaphore(%arg17 : memref<!tpu.dma_semaphore, #tpu.memory_space<semaphore_mem>>)
      } else {
      }
    }
    %scan3A_15 = arith.constant 20 : i32
    %dma_wait3A = arith.constant 0 : i32
    %dma_wait3A_16 = arith.constant 0 : i32
    %dma_wait3A_17 = tpu.memref_slice %arg13[%dma_wait3A, %dma_wait3A_16] : memref<40x128xi32, #tpu.memory_space<vmem>> -> memref<1x128xi32, #tpu.memory_space<vmem>>
    %dma_wait3A_18 = tpu.memref_squeeze %dma_wait3A_17 : memref<1x128xi32, #tpu.memory_space<vmem>> -> memref<128xi32, #tpu.memory_space<vmem>>
    %dma_wait3A_19 = arith.constant 0 : i32
    %dma_wait3A_20 = arith.constant 0 : i32
    %dma_wait3A_21 = tpu.memref_slice %arg16[%dma_wait3A_19, %dma_wait3A_20] : memref<10128x128xf32, #tpu.memory_space<vmem_shared>> -> memref<10128x128xf32, #tpu.memory_space<vmem_shared>>
    tpu.wait_indirect_dma semaphore(%arg19 : memref<!tpu.dma_semaphore, #tpu.memory_space<semaphore_mem>>) src(%arg14 : memref<128x128xf32, #tpu.memory_space<vmem>>) dst(%dma_wait3A_21 : memref<10128x128xf32, #tpu.memory_space<vmem_shared>>)
    %dma_wait3A_22 = arith.constant 0 : i32
    %dma_wait3A_23 = arith.constant 0 : i32
    %dma_wait3A_24 = tpu.memref_slice %arg13[%dma_wait3A_22, %dma_wait3A_23] : memref<40x128xi32, #tpu.memory_space<vmem>> -> memref<1x128xi32, #tpu.memory_space<vmem>>
    %dma_wait3A_25 = tpu.memref_squeeze %dma_wait3A_24 : memref<1x128xi32, #tpu.memory_space<vmem>> -> memref<128xi32, #tpu.memory_space<vmem>>
    %dma_wait3A_26 = arith.constant 0 : i32
    %dma_wait3A_27 = arith.constant 0 : i32
    %dma_wait3A_28 = tpu.memref_slice %arg16[%dma_wait3A_26, %dma_wait3A_27] : memref<10128x128xf32, #tpu.memory_space<vmem_shared>> -> memref<10128x128xf32, #tpu.memory_space<vmem_shared>>
    tpu.wait_indirect_dma semaphore(%arg20 : memref<!tpu.dma_semaphore, #tpu.memory_space<semaphore_mem>>) src(%arg15 : memref<128x128xf32, #tpu.memory_space<vmem>>) dst(%dma_wait3A_28 : memref<10128x128xf32, #tpu.memory_space<vmem_shared>>)
    %barrier3A_29 = arith.constant 0 : index
    tpu.barrier barrier_id(%barrier3A_29)
    "tpu.region"() ({
      %run_scoped3A = tpu.sem_alloc : memref<!tpu.dma_semaphore, #tpu.memory_space<semaphore_mem>>
      %dma_start3A_61 = arith.constant 0 : i32
      %dma_start3A_62 = arith.constant 0 : i32
      %dma_start3A_63 = tpu.memref_slice %arg10[%arg0, %dma_start3A_61, %dma_start3A_62] : memref<2x10000x128xf32, #tpu.memory_space<hbm>> -> memref<1x10000x128xf32, #tpu.memory_space<hbm>>
      %dma_start3A_64 = tpu.memref_squeeze %dma_start3A_63 : memref<1x10000x128xf32, #tpu.memory_space<hbm>> -> memref<10000x128xf32, #tpu.memory_space<hbm>>
      %dma_start3A_65 = arith.constant 0 : i32
      %dma_start3A_66 = tpu.memref_slice %dma_start3A_64[%mul3A_4, %dma_start3A_65] : memref<10000x128xf32, #tpu.memory_space<hbm>> -> memref<640x128xf32, #tpu.memory_space<hbm>>
      %dma_start3A_67 = arith.constant 0 : i32
      %dma_start3A_68 = tpu.memref_slice %arg16[%mul3A_4, %dma_start3A_67] : memref<10128x128xf32, #tpu.memory_space<vmem_shared>> -> memref<640x128xf32, #tpu.memory_space<vmem_shared>>
      tpu.enqueue_dma source(%dma_start3A_68 : memref<640x128xf32, #tpu.memory_space<vmem_shared>>) target(%dma_start3A_66 : memref<640x128xf32, #tpu.memory_space<hbm>>) target_semaphore(%run_scoped3A : memref<!tpu.dma_semaphore, #tpu.memory_space<semaphore_mem>>)
      %dma_wait3A_69 = arith.constant 0 : i32
      %dma_wait3A_70 = arith.constant 0 : i32
      %dma_wait3A_71 = tpu.memref_slice %arg10[%arg0, %dma_wait3A_69, %dma_wait3A_70] : memref<2x10000x128xf32, #tpu.memory_space<hbm>> -> memref<1x10000x128xf32, #tpu.memory_space<hbm>>
      %dma_wait3A_72 = tpu.memref_squeeze %dma_wait3A_71 : memref<1x10000x128xf32, #tpu.memory_space<hbm>> -> memref<10000x128xf32, #tpu.memory_space<hbm>>
      %dma_wait3A_73 = arith.constant 0 : i32
      %dma_wait3A_74 = tpu.memref_slice %dma_wait3A_72[%mul3A_4, %dma_wait3A_73] : memref<10000x128xf32, #tpu.memory_space<hbm>> -> memref<640x128xf32, #tpu.memory_space<hbm>>
      %dma_wait3A_75 = arith.constant 0 : i32
      %dma_wait3A_76 = tpu.memref_slice %arg16[%mul3A_4, %dma_wait3A_75] : memref<10128x128xf32, #tpu.memory_space<vmem_shared>> -> memref<640x128xf32, #tpu.memory_space<vmem_shared>>
      tpu.wait_dma2 semaphore(%run_scoped3A : memref<!tpu.dma_semaphore, #tpu.memory_space<semaphore_mem>>) src(%dma_wait3A_76 : memref<640x128xf32, #tpu.memory_space<vmem_shared>>) dst(%dma_wait3A_74 : memref<640x128xf32, #tpu.memory_space<hbm>>)
      tpu.yield
    }) : () -> ()
    %barrier3A_30 = arith.constant 0 : index
    tpu.barrier barrier_id(%barrier3A_30)
    "tpu.region"() ({
      %run_scoped3A = tpu.sem_alloc : memref<!tpu.dma_semaphore, #tpu.memory_space<semaphore_mem>>
      %dma_start3A_61 = arith.constant 0 : i32
      %dma_start3A_62 = tpu.memref_slice %arg16[%mul3A_4, %dma_start3A_61] : memref<10128x128xf32, #tpu.memory_space<vmem_shared>> -> memref<640x128xf32, #tpu.memory_space<vmem_shared>>
      %dma_start3A_63 = arith.constant 0 : i32
      %dma_start3A_64 = tpu.memref_slice %arg8[%mul3A_4, %dma_start3A_63] : memref<10000x128xf32, #tpu.memory_space<hbm>> -> memref<640x128xf32, #tpu.memory_space<hbm>>
      tpu.enqueue_dma source(%dma_start3A_64 : memref<640x128xf32, #tpu.memory_space<hbm>>) target(%dma_start3A_62 : memref<640x128xf32, #tpu.memory_space<vmem_shared>>) target_semaphore(%run_scoped3A : memref<!tpu.dma_semaphore, #tpu.memory_space<semaphore_mem>>)
      %dma_wait3A_65 = arith.constant 0 : i32
      %dma_wait3A_66 = tpu.memref_slice %arg16[%mul3A_4, %dma_wait3A_65] : memref<10128x128xf32, #tpu.memory_space<vmem_shared>> -> memref<640x128xf32, #tpu.memory_space<vmem_shared>>
      %dma_wait3A_67 = arith.constant 0 : i32
      %dma_wait3A_68 = tpu.memref_slice %arg8[%mul3A_4, %dma_wait3A_67] : memref<10000x128xf32, #tpu.memory_space<hbm>> -> memref<640x128xf32, #tpu.memory_space<hbm>>
      tpu.wait_dma2 semaphore(%run_scoped3A : memref<!tpu.dma_semaphore, #tpu.memory_space<semaphore_mem>>) src(%dma_wait3A_68 : memref<640x128xf32, #tpu.memory_space<hbm>>) dst(%dma_wait3A_66 : memref<640x128xf32, #tpu.memory_space<vmem_shared>>)
      tpu.yield
    }) : () -> ()
    "tpu.region"() ({
      %run_scoped3A = tpu.sem_alloc : memref<!tpu.dma_semaphore, #tpu.memory_space<semaphore_mem>>
      %dma_start3A_61 = arith.constant 0 : i32
      %dma_start3A_62 = tpu.memref_slice %arg6[%add3A, %dma_start3A_61] : memref<1280x128xi32, #tpu.memory_space<hbm>> -> memref<40x128xi32, #tpu.memory_space<hbm>>
      %dma_start3A_63 = arith.constant 0 : i32
      %dma_start3A_64 = tpu.memref_slice %arg6[%add3A, %dma_start3A_63] : memref<1280x128xi32, #tpu.memory_space<hbm>> -> memref<40x128xi32, #tpu.memory_space<hbm>>
      tpu.enqueue_dma source(%dma_start3A_64 : memref<40x128xi32, #tpu.memory_space<hbm>>) target(%arg12 : memref<40x128xi32, #tpu.memory_space<vmem>>) target_semaphore(%run_scoped3A : memref<!tpu.dma_semaphore, #tpu.memory_space<semaphore_mem>>)
      %dma_wait3A_65 = arith.constant 0 : i32
      %dma_wait3A_66 = tpu.memref_slice %arg6[%add3A, %dma_wait3A_65] : memref<1280x128xi32, #tpu.memory_space<hbm>> -> memref<40x128xi32, #tpu.memory_space<hbm>>
      %dma_wait3A_67 = arith.constant 0 : i32
      %dma_wait3A_68 = tpu.memref_slice %arg6[%add3A, %dma_wait3A_67] : memref<1280x128xi32, #tpu.memory_space<hbm>> -> memref<40x128xi32, #tpu.memory_space<hbm>>
      tpu.wait_dma2 semaphore(%run_scoped3A : memref<!tpu.dma_semaphore, #tpu.memory_space<semaphore_mem>>) src(%dma_wait3A_68 : memref<40x128xi32, #tpu.memory_space<hbm>>) dst(%arg12 : memref<40x128xi32, #tpu.memory_space<vmem>>)
      tpu.yield
    }) : () -> ()
    "tpu.region"() ({
      %run_scoped3A = tpu.sem_alloc : memref<!tpu.dma_semaphore, #tpu.memory_space<semaphore_mem>>
      %dma_start3A_61 = arith.constant 0 : i32
      %dma_start3A_62 = tpu.memref_slice %arg5[%add3A, %dma_start3A_61] : memref<1280x128xi32, #tpu.memory_space<hbm>> -> memref<40x128xi32, #tpu.memory_space<hbm>>
      %dma_start3A_63 = arith.constant 0 : i32
      %dma_start3A_64 = tpu.memref_slice %arg5[%add3A, %dma_start3A_63] : memref<1280x128xi32, #tpu.memory_space<hbm>> -> memref<40x128xi32, #tpu.memory_space<hbm>>
      tpu.enqueue_dma source(%dma_start3A_64 : memref<40x128xi32, #tpu.memory_space<hbm>>) target(%arg13 : memref<40x128xi32, #tpu.memory_space<vmem>>) target_semaphore(%run_scoped3A : memref<!tpu.dma_semaphore, #tpu.memory_space<semaphore_mem>>)
      %dma_wait3A_65 = arith.constant 0 : i32
      %dma_wait3A_66 = tpu.memref_slice %arg5[%add3A, %dma_wait3A_65] : memref<1280x128xi32, #tpu.memory_space<hbm>> -> memref<40x128xi32, #tpu.memory_space<hbm>>
      %dma_wait3A_67 = arith.constant 0 : i32
      %dma_wait3A_68 = tpu.memref_slice %arg5[%add3A, %dma_wait3A_67] : memref<1280x128xi32, #tpu.memory_space<hbm>> -> memref<40x128xi32, #tpu.memory_space<hbm>>
      tpu.wait_dma2 semaphore(%run_scoped3A : memref<!tpu.dma_semaphore, #tpu.memory_space<semaphore_mem>>) src(%dma_wait3A_68 : memref<40x128xi32, #tpu.memory_space<hbm>>) dst(%arg13 : memref<40x128xi32, #tpu.memory_space<vmem>>)
      tpu.yield
    }) : () -> ()
    %barrier3A_31 = arith.constant 0 : index
    tpu.barrier barrier_id(%barrier3A_31)
    %dma_start3A_32 = arith.constant 0 : i32
    %dma_start3A_33 = arith.constant 0 : i32
    %dma_start3A_34 = tpu.memref_slice %arg12[%dma_start3A_32, %dma_start3A_33] : memref<40x128xi32, #tpu.memory_space<vmem>> -> memref<1x128xi32, #tpu.memory_space<vmem>>
    %dma_start3A_35 = tpu.memref_squeeze %dma_start3A_34 : memref<1x128xi32, #tpu.memory_space<vmem>> -> memref<128xi32, #tpu.memory_space<vmem>>
    %dma_start3A_36 = arith.constant 0 : i32
    %dma_start3A_37 = arith.constant 0 : i32
    %dma_start3A_38 = tpu.memref_slice %arg3[%dma_start3A_36, %dma_start3A_37] : memref<10000x128xf32, #tpu.memory_space<hbm>> -> memref<10000x128xf32, #tpu.memory_space<hbm>>
    tpu.enqueue_indirect_dma source(%dma_start3A_38 : memref<10000x128xf32, #tpu.memory_space<hbm>>) target(%arg14 : memref<128x128xf32, #tpu.memory_space<vmem>>) offsets(%dma_start3A_35 : memref<128xi32, #tpu.memory_space<vmem>>) semaphore(%arg17 : memref<!tpu.dma_semaphore, #tpu.memory_space<semaphore_mem>>)
    %scan3A_39 = arith.constant 0 : i32
    %scan3A_40 = arith.constant 0 : i32
    %scan3A_41 = arith.constant 20 : i32
    %scan3A_42 = arith.addi %scan3A_40, %scan3A_41 : i32
    %scan3A_43 = arith.constant 1 : i32
    scf.for %scan3A_61 = %scan3A_40 to %scan3A_42 step %scan3A_43  : i32 {
      %mul3A_62 = arith.constant 2 : i32
      %mul3A_63 = arith.muli %mul3A_62, %scan3A_61 : i32
      %mul3A_64 = arith.constant 2 : i32
      %mul3A_65 = arith.muli %mul3A_64, %scan3A_61 : i32
      %add3A_66 = arith.constant 1 : i32
      %add3A_67 = arith.addi %mul3A_65, %add3A_66 : i32
      %dma_wait3A_68 = arith.constant 0 : i32
      %dma_wait3A_69 = tpu.memref_slice %arg12[%mul3A_63, %dma_wait3A_68] : memref<40x128xi32, #tpu.memory_space<vmem>> -> memref<1x128xi32, #tpu.memory_space<vmem>>
      %dma_wait3A_70 = tpu.memref_squeeze %dma_wait3A_69 : memref<1x128xi32, #tpu.memory_space<vmem>> -> memref<128xi32, #tpu.memory_space<vmem>>
      %dma_wait3A_71 = arith.constant 0 : i32
      %dma_wait3A_72 = arith.constant 0 : i32
      %dma_wait3A_73 = tpu.memref_slice %arg3[%dma_wait3A_71, %dma_wait3A_72] : memref<10000x128xf32, #tpu.memory_space<hbm>> -> memref<10000x128xf32, #tpu.memory_space<hbm>>
      tpu.wait_indirect_dma semaphore(%arg17 : memref<!tpu.dma_semaphore, #tpu.memory_space<semaphore_mem>>) src(%dma_wait3A_73 : memref<10000x128xf32, #tpu.memory_space<hbm>>) dst(%arg14 : memref<128x128xf32, #tpu.memory_space<vmem>>)
      %dma_start3A_74 = arith.constant 0 : i32
      %dma_start3A_75 = tpu.memref_slice %arg13[%mul3A_63, %dma_start3A_74] : memref<40x128xi32, #tpu.memory_space<vmem>> -> memref<1x128xi32, #tpu.memory_space<vmem>>
      %dma_start3A_76 = tpu.memref_squeeze %dma_start3A_75 : memref<1x128xi32, #tpu.memory_space<vmem>> -> memref<128xi32, #tpu.memory_space<vmem>>
      %dma_start3A_77 = arith.constant 0 : i32
      %dma_start3A_78 = arith.constant 0 : i32
      %dma_start3A_79 = tpu.memref_slice %arg16[%dma_start3A_77, %dma_start3A_78] : memref<10128x128xf32, #tpu.memory_space<vmem_shared>> -> memref<10128x128xf32, #tpu.memory_space<vmem_shared>>
      tpu.enqueue_indirect_dma source(%arg14 : memref<128x128xf32, #tpu.memory_space<vmem>>) target(%dma_start3A_79 : memref<10128x128xf32, #tpu.memory_space<vmem_shared>>) offsets(%dma_start3A_76 : memref<128xi32, #tpu.memory_space<vmem>>) semaphore(%arg19 : memref<!tpu.dma_semaphore, #tpu.memory_space<semaphore_mem>>) {add = true}
      %gt3A = arith.constant 0 : i32
      %gt3A_80 = arith.cmpi sgt, %scan3A_61, %gt3A : i32
      %convert_element_type3A = arith.extui %gt3A_80 : i1 to i32
      %cond3A = arith.constant 0 : i32
      %cond3A_81 = arith.cmpi ne, %convert_element_type3A, %cond3A : i32
      scf.if %cond3A_81 {
        %dma_wait3A_106 = arith.constant 0 : i32
        %dma_wait3A_107 = tpu.memref_slice %arg13[%add3A_67, %dma_wait3A_106] : memref<40x128xi32, #tpu.memory_space<vmem>> -> memref<1x128xi32, #tpu.memory_space<vmem>>
        %dma_wait3A_108 = tpu.memref_squeeze %dma_wait3A_107 : memref<1x128xi32, #tpu.memory_space<vmem>> -> memref<128xi32, #tpu.memory_space<vmem>>
        %dma_wait3A_109 = arith.constant 0 : i32
        %dma_wait3A_110 = arith.constant 0 : i32
        %dma_wait3A_111 = tpu.memref_slice %arg16[%dma_wait3A_109, %dma_wait3A_110] : memref<10128x128xf32, #tpu.memory_space<vmem_shared>> -> memref<10128x128xf32, #tpu.memory_space<vmem_shared>>
        tpu.wait_indirect_dma semaphore(%arg20 : memref<!tpu.dma_semaphore, #tpu.memory_space<semaphore_mem>>) src(%arg15 : memref<128x128xf32, #tpu.memory_space<vmem>>) dst(%dma_wait3A_111 : memref<10128x128xf32, #tpu.memory_space<vmem_shared>>)
      } else {
      }
      %dma_start3A_82 = arith.constant 0 : i32
      %dma_start3A_83 = tpu.memref_slice %arg12[%add3A_67, %dma_start3A_82] : memref<40x128xi32, #tpu.memory_space<vmem>> -> memref<1x128xi32, #tpu.memory_space<vmem>>
      %dma_start3A_84 = tpu.memref_squeeze %dma_start3A_83 : memref<1x128xi32, #tpu.memory_space<vmem>> -> memref<128xi32, #tpu.memory_space<vmem>>
      %dma_start3A_85 = arith.constant 0 : i32
      %dma_start3A_86 = arith.constant 0 : i32
      %dma_start3A_87 = tpu.memref_slice %arg3[%dma_start3A_85, %dma_start3A_86] : memref<10000x128xf32, #tpu.memory_space<hbm>> -> memref<10000x128xf32, #tpu.memory_space<hbm>>
      tpu.enqueue_indirect_dma source(%dma_start3A_87 : memref<10000x128xf32, #tpu.memory_space<hbm>>) target(%arg15 : memref<128x128xf32, #tpu.memory_space<vmem>>) offsets(%dma_start3A_84 : memref<128xi32, #tpu.memory_space<vmem>>) semaphore(%arg18 : memref<!tpu.dma_semaphore, #tpu.memory_space<semaphore_mem>>)
      %dma_wait3A_88 = arith.constant 0 : i32
      %dma_wait3A_89 = tpu.memref_slice %arg12[%add3A_67, %dma_wait3A_88] : memref<40x128xi32, #tpu.memory_space<vmem>> -> memref<1x128xi32, #tpu.memory_space<vmem>>
      %dma_wait3A_90 = tpu.memref_squeeze %dma_wait3A_89 : memref<1x128xi32, #tpu.memory_space<vmem>> -> memref<128xi32, #tpu.memory_space<vmem>>
      %dma_wait3A_91 = arith.constant 0 : i32
      %dma_wait3A_92 = arith.constant 0 : i32
      %dma_wait3A_93 = tpu.memref_slice %arg3[%dma_wait3A_91, %dma_wait3A_92] : memref<10000x128xf32, #tpu.memory_space<hbm>> -> memref<10000x128xf32, #tpu.memory_space<hbm>>
      tpu.wait_indirect_dma semaphore(%arg18 : memref<!tpu.dma_semaphore, #tpu.memory_space<semaphore_mem>>) src(%dma_wait3A_93 : memref<10000x128xf32, #tpu.memory_space<hbm>>) dst(%arg15 : memref<128x128xf32, #tpu.memory_space<vmem>>)
      %dma_start3A_94 = arith.constant 0 : i32
      %dma_start3A_95 = tpu.memref_slice %arg13[%add3A_67, %dma_start3A_94] : memref<40x128xi32, #tpu.memory_space<vmem>> -> memref<1x128xi32, #tpu.memory_space<vmem>>
      %dma_start3A_96 = tpu.memref_squeeze %dma_start3A_95 : memref<1x128xi32, #tpu.memory_space<vmem>> -> memref<128xi32, #tpu.memory_space<vmem>>
      %dma_start3A_97 = arith.constant 0 : i32
      %dma_start3A_98 = arith.constant 0 : i32
      %dma_start3A_99 = tpu.memref_slice %arg16[%dma_start3A_97, %dma_start3A_98] : memref<10128x128xf32, #tpu.memory_space<vmem_shared>> -> memref<10128x128xf32, #tpu.memory_space<vmem_shared>>
      tpu.enqueue_indirect_dma source(%arg15 : memref<128x128xf32, #tpu.memory_space<vmem>>) target(%dma_start3A_99 : memref<10128x128xf32, #tpu.memory_space<vmem_shared>>) offsets(%dma_start3A_96 : memref<128xi32, #tpu.memory_space<vmem>>) semaphore(%arg20 : memref<!tpu.dma_semaphore, #tpu.memory_space<semaphore_mem>>) {add = true}
      %add3A_100 = arith.constant 1 : i32
      %add3A_101 = arith.addi %add3A_67, %add3A_100 : i32
      %lt3A = arith.constant 40 : i32
      %lt3A_102 = arith.cmpi slt, %add3A_101, %lt3A : i32
      %convert_element_type3A_103 = arith.extui %lt3A_102 : i1 to i32
      %cond3A_104 = arith.constant 0 : i32
      %cond3A_105 = arith.cmpi ne, %convert_element_type3A_103, %cond3A_104 : i32
      scf.if %cond3A_105 {
        %dma_wait3A_106 = arith.constant 0 : i32
        %dma_wait3A_107 = tpu.memref_slice %arg13[%mul3A_63, %dma_wait3A_106] : memref<40x128xi32, #tpu.memory_space<vmem>> -> memref<1x128xi32, #tpu.memory_space<vmem>>
        %dma_wait3A_108 = tpu.memref_squeeze %dma_wait3A_107 : memref<1x128xi32, #tpu.memory_space<vmem>> -> memref<128xi32, #tpu.memory_space<vmem>>
        %dma_wait3A_109 = arith.constant 0 : i32
        %dma_wait3A_110 = arith.constant 0 : i32
        %dma_wait3A_111 = tpu.memref_slice %arg16[%dma_wait3A_109, %dma_wait3A_110] : memref<10128x128xf32, #tpu.memory_space<vmem_shared>> -> memref<10128x128xf32, #tpu.memory_space<vmem_shared>>
        tpu.wait_indirect_dma semaphore(%arg19 : memref<!tpu.dma_semaphore, #tpu.memory_space<semaphore_mem>>) src(%arg14 : memref<128x128xf32, #tpu.memory_space<vmem>>) dst(%dma_wait3A_111 : memref<10128x128xf32, #tpu.memory_space<vmem_shared>>)
        %add3A_112 = arith.constant 1 : i32
        %add3A_113 = arith.addi %add3A_67, %add3A_112 : i32
        %dma_start3A_114 = arith.constant 0 : i32
        %dma_start3A_115 = tpu.memref_slice %arg12[%add3A_113, %dma_start3A_114] : memref<40x128xi32, #tpu.memory_space<vmem>> -> memref<1x128xi32, #tpu.memory_space<vmem>>
        %dma_start3A_116 = tpu.memref_squeeze %dma_start3A_115 : memref<1x128xi32, #tpu.memory_space<vmem>> -> memref<128xi32, #tpu.memory_space<vmem>>
        %dma_start3A_117 = arith.constant 0 : i32
        %dma_start3A_118 = arith.constant 0 : i32
        %dma_start3A_119 = tpu.memref_slice %arg3[%dma_start3A_117, %dma_start3A_118] : memref<10000x128xf32, #tpu.memory_space<hbm>> -> memref<10000x128xf32, #tpu.memory_space<hbm>>
        tpu.enqueue_indirect_dma source(%dma_start3A_119 : memref<10000x128xf32, #tpu.memory_space<hbm>>) target(%arg14 : memref<128x128xf32, #tpu.memory_space<vmem>>) offsets(%dma_start3A_116 : memref<128xi32, #tpu.memory_space<vmem>>) semaphore(%arg17 : memref<!tpu.dma_semaphore, #tpu.memory_space<semaphore_mem>>)
      } else {
      }
    }
    %scan3A_44 = arith.constant 20 : i32
    %dma_wait3A_45 = arith.constant 0 : i32
    %dma_wait3A_46 = arith.constant 0 : i32
    %dma_wait3A_47 = tpu.memref_slice %arg13[%dma_wait3A_45, %dma_wait3A_46] : memref<40x128xi32, #tpu.memory_space<vmem>> -> memref<1x128xi32, #tpu.memory_space<vmem>>
    %dma_wait3A_48 = tpu.memref_squeeze %dma_wait3A_47 : memref<1x128xi32, #tpu.memory_space<vmem>> -> memref<128xi32, #tpu.memory_space<vmem>>
    %dma_wait3A_49 = arith.constant 0 : i32
    %dma_wait3A_50 = arith.constant 0 : i32
    %dma_wait3A_51 = tpu.memref_slice %arg16[%dma_wait3A_49, %dma_wait3A_50] : memref<10128x128xf32, #tpu.memory_space<vmem_shared>> -> memref<10128x128xf32, #tpu.memory_space<vmem_shared>>
    tpu.wait_indirect_dma semaphore(%arg19 : memref<!tpu.dma_semaphore, #tpu.memory_space<semaphore_mem>>) src(%arg14 : memref<128x128xf32, #tpu.memory_space<vmem>>) dst(%dma_wait3A_51 : memref<10128x128xf32, #tpu.memory_space<vmem_shared>>)
    %dma_wait3A_52 = arith.constant 0 : i32
    %dma_wait3A_53 = arith.constant 0 : i32
    %dma_wait3A_54 = tpu.memref_slice %arg13[%dma_wait3A_52, %dma_wait3A_53] : memref<40x128xi32, #tpu.memory_space<vmem>> -> memref<1x128xi32, #tpu.memory_space<vmem>>
    %dma_wait3A_55 = tpu.memref_squeeze %dma_wait3A_54 : memref<1x128xi32, #tpu.memory_space<vmem>> -> memref<128xi32, #tpu.memory_space<vmem>>
    %dma_wait3A_56 = arith.constant 0 : i32
    %dma_wait3A_57 = arith.constant 0 : i32
    %dma_wait3A_58 = tpu.memref_slice %arg16[%dma_wait3A_56, %dma_wait3A_57] : memref<10128x128xf32, #tpu.memory_space<vmem_shared>> -> memref<10128x128xf32, #tpu.memory_space<vmem_shared>>
    tpu.wait_indirect_dma semaphore(%arg20 : memref<!tpu.dma_semaphore, #tpu.memory_space<semaphore_mem>>) src(%arg15 : memref<128x128xf32, #tpu.memory_space<vmem>>) dst(%dma_wait3A_58 : memref<10128x128xf32, #tpu.memory_space<vmem_shared>>)
    %barrier3A_59 = arith.constant 0 : index
    tpu.barrier barrier_id(%barrier3A_59)
    "tpu.region"() ({
      %run_scoped3A = tpu.sem_alloc : memref<!tpu.dma_semaphore, #tpu.memory_space<semaphore_mem>>
      %dma_start3A_61 = arith.constant 0 : i32
      %dma_start3A_62 = arith.constant 0 : i32
      %dma_start3A_63 = tpu.memref_slice %arg11[%arg0, %dma_start3A_61, %dma_start3A_62] : memref<2x10000x128xf32, #tpu.memory_space<hbm>> -> memref<1x10000x128xf32, #tpu.memory_space<hbm>>
      %dma_start3A_64 = tpu.memref_squeeze %dma_start3A_63 : memref<1x10000x128xf32, #tpu.memory_space<hbm>> -> memref<10000x128xf32, #tpu.memory_space<hbm>>
      %dma_start3A_65 = arith.constant 0 : i32
      %dma_start3A_66 = tpu.memref_slice %dma_start3A_64[%mul3A_4, %dma_start3A_65] : memref<10000x128xf32, #tpu.memory_space<hbm>> -> memref<640x128xf32, #tpu.memory_space<hbm>>
      %dma_start3A_67 = arith.constant 0 : i32
      %dma_start3A_68 = tpu.memref_slice %arg16[%mul3A_4, %dma_start3A_67] : memref<10128x128xf32, #tpu.memory_space<vmem_shared>> -> memref<640x128xf32, #tpu.memory_space<vmem_shared>>
      tpu.enqueue_dma source(%dma_start3A_68 : memref<640x128xf32, #tpu.memory_space<vmem_shared>>) target(%dma_start3A_66 : memref<640x128xf32, #tpu.memory_space<hbm>>) target_semaphore(%run_scoped3A : memref<!tpu.dma_semaphore, #tpu.memory_space<semaphore_mem>>)
      %dma_wait3A_69 = arith.constant 0 : i32
      %dma_wait3A_70 = arith.constant 0 : i32
      %dma_wait3A_71 = tpu.memref_slice %arg11[%arg0, %dma_wait3A_69, %dma_wait3A_70] : memref<2x10000x128xf32, #tpu.memory_space<hbm>> -> memref<1x10000x128xf32, #tpu.memory_space<hbm>>
      %dma_wait3A_72 = tpu.memref_squeeze %dma_wait3A_71 : memref<1x10000x128xf32, #tpu.memory_space<hbm>> -> memref<10000x128xf32, #tpu.memory_space<hbm>>
      %dma_wait3A_73 = arith.constant 0 : i32
      %dma_wait3A_74 = tpu.memref_slice %dma_wait3A_72[%mul3A_4, %dma_wait3A_73] : memref<10000x128xf32, #tpu.memory_space<hbm>> -> memref<640x128xf32, #tpu.memory_space<hbm>>
      %dma_wait3A_75 = arith.constant 0 : i32
      %dma_wait3A_76 = tpu.memref_slice %arg16[%mul3A_4, %dma_wait3A_75] : memref<10128x128xf32, #tpu.memory_space<vmem_shared>> -> memref<640x128xf32, #tpu.memory_space<vmem_shared>>
      tpu.wait_dma2 semaphore(%run_scoped3A : memref<!tpu.dma_semaphore, #tpu.memory_space<semaphore_mem>>) src(%dma_wait3A_76 : memref<640x128xf32, #tpu.memory_space<vmem_shared>>) dst(%dma_wait3A_74 : memref<640x128xf32, #tpu.memory_space<hbm>>)
      tpu.yield
    }) : () -> ()
    %barrier3A_60 = arith.constant 0 : index
    tpu.barrier barrier_id(%barrier3A_60)
    return
  }
}

module attributes {stable_mosaic.version = 14 : i64} {
  func.func @_k0_body(%arg0: i32, %arg1: memref<4x1000x1xf32, #tpu.memory_space<vmem>>, %arg2: memref<4x1000x143xf32, #tpu.memory_space<vmem>>, %arg3: memref<128x32xf32, #tpu.memory_space<vmem>>, %arg4: memref<32x128xf32, #tpu.memory_space<vmem>>, %arg5: memref<143x128xf32, #tpu.memory_space<vmem>>, %arg6: memref<1x128xf32, #tpu.memory_space<vmem>>, %arg7: memref<1x128xf32, #tpu.memory_space<vmem>>, %arg8: memref<1x128xf32, #tpu.memory_space<vmem>>, %arg9: memref<143x32xf32, #tpu.memory_space<vmem>>, %arg10: memref<1x32xf32, #tpu.memory_space<vmem>>, %arg11: memref<4x1000x128xf32, #tpu.memory_space<vmem>>, %arg12: memref<4x1000x32xf32, #tpu.memory_space<vmem>>) attributes {dimension_semantics = [#tpu.dimension_semantics<arbitrary>], iteration_bounds = array<i64: 10>, scalar_prefetch = 0 : i64, scratch_operands = 0 : i64, tpu.core_type = #tpu.core_type<tc>, window_params = [{transform_indices = @transform_0, window_bounds = array<i64: 4, 1000, 1>}, {transform_indices = @transform_1, window_bounds = array<i64: 4, 1000, 143>}, {pipeline_mode = #tpu.pipeline_mode<synchronous>, transform_indices = @transform_2, window_bounds = array<i64: 128, 32>}, {pipeline_mode = #tpu.pipeline_mode<synchronous>, transform_indices = @transform_3, window_bounds = array<i64: 32, 128>}, {pipeline_mode = #tpu.pipeline_mode<synchronous>, transform_indices = @transform_4, window_bounds = array<i64: 143, 128>}, {pipeline_mode = #tpu.pipeline_mode<synchronous>, transform_indices = @transform_5, window_bounds = array<i64: 1, 128>}, {pipeline_mode = #tpu.pipeline_mode<synchronous>, transform_indices = @transform_6, window_bounds = array<i64: 1, 128>}, {pipeline_mode = #tpu.pipeline_mode<synchronous>, transform_indices = @transform_7, window_bounds = array<i64: 1, 128>}, {pipeline_mode = #tpu.pipeline_mode<synchronous>, transform_indices = @transform_8, window_bounds = array<i64: 143, 32>}, {pipeline_mode = #tpu.pipeline_mode<synchronous>, transform_indices = @transform_9, window_bounds = array<i64: 1, 32>}, {transform_indices = @transform_10, window_bounds = array<i64: 4, 1000, 128>}, {transform_indices = @transform_11, window_bounds = array<i64: 4, 1000, 32>}]} {
    %iota3A = tpu.iota {dimensions = array<i32: 1>} : vector<1000x128xi32>
    %convert_element_type3A = arith.sitofp %iota3A : vector<1000x128xi32> to vector<1000x128xf32>
    %get3A = arith.constant 0 : index
    %get3A_0 = arith.constant 0 : index
    %get3A_1 = arith.constant 0 : index
    %get3A_2 = vector.load %arg1[%get3A, %get3A_0, %get3A_1] : memref<4x1000x1xf32, #tpu.memory_space<vmem>>, vector<1x1000x1xf32>
    %get3A_3 = vector.shape_cast %get3A_2 : vector<1x1000x1xf32> to vector<1000x1xf32>
    %eq3A = vector.broadcast %get3A_3 : vector<1000x1xf32> to vector<1000x128xf32>
    %eq3A_4 = arith.cmpf oeq, %eq3A, %convert_element_type3A : vector<1000x128xf32>
    %jit3A = arith.constant 1.000000e+00 : f32
    %jit3A_5 = arith.constant 0.000000e+00 : f32
    %broadcast_in_dim3A = vector.broadcast %jit3A : f32 to vector<1000x128xf32>
    %broadcast_in_dim3A_6 = vector.broadcast %jit3A_5 : f32 to vector<1000x128xf32>
    %select_n3A = arith.select %eq3A_4, %broadcast_in_dim3A, %broadcast_in_dim3A_6 : vector<1000x128xi1>, vector<1000x128xf32>
    %get3A_7 = arith.constant 0 : index
    %get3A_8 = arith.constant 0 : index
    %get3A_9 = vector.load %arg3[%get3A_7, %get3A_8] : memref<128x32xf32, #tpu.memory_space<vmem>>, vector<128x32xf32>
    %dot_general3A = arith.constant dense<0.000000e+00> : vector<1000x32xf32>
    %dot_general3A_10 = tpu.matmul %select_n3A, %get3A_9, %dot_general3A {dimension_numbers = #tpu.dot_dimension_numbers<[1], [0], [0], [1], [0, 0, 1, 1], [], []>, transpose_lhs_hint = false} : vector<1000x128xf32>, vector<128x32xf32>, vector<1000x32xf32> -> vector<1000x32xf32>
    %get3A_11 = arith.constant 0 : index
    %get3A_12 = arith.constant 0 : index
    %get3A_13 = arith.constant 0 : index
    %get3A_14 = vector.load %arg2[%get3A_11, %get3A_12, %get3A_13] : memref<4x1000x143xf32, #tpu.memory_space<vmem>>, vector<1x1000x143xf32>
    %get3A_15 = vector.shape_cast %get3A_14 : vector<1x1000x143xf32> to vector<1000x143xf32>
    %get3A_16 = arith.constant 0 : index
    %get3A_17 = arith.constant 0 : index
    %get3A_18 = vector.load %arg4[%get3A_16, %get3A_17] : memref<32x128xf32, #tpu.memory_space<vmem>>, vector<32x128xf32>
    %dot_general3A_19 = arith.constant dense<0.000000e+00> : vector<1000x128xf32>
    %dot_general3A_20 = tpu.matmul %dot_general3A_10, %get3A_18, %dot_general3A_19 {dimension_numbers = #tpu.dot_dimension_numbers<[1], [0], [0], [1], [0, 0, 1, 1], [], []>, transpose_lhs_hint = false} : vector<1000x32xf32>, vector<32x128xf32>, vector<1000x128xf32> -> vector<1000x128xf32>
    %get3A_21 = arith.constant 0 : index
    %get3A_22 = arith.constant 0 : index
    %get3A_23 = vector.load %arg5[%get3A_21, %get3A_22] : memref<143x128xf32, #tpu.memory_space<vmem>>, vector<143x128xf32>
    %dot_general3A_24 = arith.constant dense<0.000000e+00> : vector<1000x128xf32>
    %dot_general3A_25 = tpu.matmul %get3A_15, %get3A_23, %dot_general3A_24 {dimension_numbers = #tpu.dot_dimension_numbers<[1], [0], [0], [1], [0, 0, 1, 1], [], []>, transpose_lhs_hint = false} : vector<1000x143xf32>, vector<143x128xf32>, vector<1000x128xf32> -> vector<1000x128xf32>
    %add3A = arith.addf %dot_general3A_20, %dot_general3A_25 : vector<1000x128xf32>
    %get3A_26 = arith.constant 0 : index
    %get3A_27 = arith.constant 0 : index
    %get3A_28 = vector.load %arg6[%get3A_26, %get3A_27] : memref<1x128xf32, #tpu.memory_space<vmem>>, vector<1x128xf32>
    %add3A_29 = vector.broadcast %get3A_28 : vector<1x128xf32> to vector<1000x128xf32>
    %add3A_30 = arith.addf %add3A, %add3A_29 : vector<1000x128xf32>
    %logistic3A = arith.negf %add3A_30 : vector<1000x128xf32>
    %logistic3A_31 = math.exp %logistic3A : vector<1000x128xf32>
    %logistic3A_32 = arith.constant 1.000000e+00 : f32
    %logistic3A_33 = vector.broadcast %logistic3A_32 : f32 to vector<1000x128xf32>
    %logistic3A_34 = arith.addf %logistic3A_33, %logistic3A_31 : vector<1000x128xf32>
    %logistic3A_35 = arith.divf %logistic3A_33, %logistic3A_34 : vector<1000x128xf32>
    %mul3A = arith.mulf %add3A_30, %logistic3A_35 : vector<1000x128xf32>
    %get3A_36 = arith.constant 0 : index
    %get3A_37 = arith.constant 0 : index
    %get3A_38 = vector.load %arg7[%get3A_36, %get3A_37] : memref<1x128xf32, #tpu.memory_space<vmem>>, vector<1x128xf32>
    %get3A_39 = arith.constant 0 : index
    %get3A_40 = arith.constant 0 : index
    %get3A_41 = vector.load %arg8[%get3A_39, %get3A_40] : memref<1x128xf32, #tpu.memory_space<vmem>>, vector<1x128xf32>
    %reduce_sum3A = arith.constant dense<0.000000e+00> : vector<1000xf32>
    %reduce_sum3A_42 = vector.multi_reduction <add>, %mul3A, %reduce_sum3A [1] : vector<1000x128xf32> to vector<1000xf32>
    %broadcast_in_dim3A_43 = vector.shape_cast %reduce_sum3A_42 : vector<1000xf32> to vector<1000x1xf32>
    %div3A = arith.constant 1.280000e+02 : f32
    %div3A_44 = vector.broadcast %div3A : f32 to vector<1000x1xf32>
    %div3A_45 = arith.divf %broadcast_in_dim3A_43, %div3A_44 : vector<1000x1xf32>
    %jit3A_46 = arith.constant 0 : i32
    %reduce_sum3A_47 = arith.constant dense<0.000000e+00> : vector<1000xf32>
    %reduce_sum3A_48 = vector.multi_reduction <add>, %mul3A, %reduce_sum3A_47 [1] : vector<1000x128xf32> to vector<1000xf32>
    %broadcast_in_dim3A_49 = vector.shape_cast %reduce_sum3A_48 : vector<1000xf32> to vector<1000x1xf32>
    %div3A_50 = arith.constant 1.280000e+02 : f32
    %div3A_51 = vector.broadcast %div3A_50 : f32 to vector<1000x1xf32>
    %div3A_52 = arith.divf %broadcast_in_dim3A_49, %div3A_51 : vector<1000x1xf32>
    %sub3A = vector.broadcast %div3A_52 : vector<1000x1xf32> to vector<1000x128xf32>
    %sub3A_53 = arith.subf %mul3A, %sub3A : vector<1000x128xf32>
    %square3A = arith.mulf %sub3A_53, %sub3A_53 : vector<1000x128xf32>
    %convert_element_type3A_54 = arith.sitofp %jit3A_46 : i32 to f32
    %sub3A_55 = arith.constant 1.280000e+02 : f32
    %sub3A_56 = arith.subf %sub3A_55, %convert_element_type3A_54 : f32
    %reduce_sum3A_57 = arith.constant dense<0.000000e+00> : vector<1000xf32>
    %reduce_sum3A_58 = vector.multi_reduction <add>, %square3A, %reduce_sum3A_57 [1] : vector<1000x128xf32> to vector<1000xf32>
    %broadcast_in_dim3A_59 = vector.shape_cast %reduce_sum3A_58 : vector<1000xf32> to vector<1000x1xf32>
    %div3A_60 = vector.broadcast %sub3A_56 : f32 to vector<1000x1xf32>
    %div3A_61 = arith.divf %broadcast_in_dim3A_59, %div3A_60 : vector<1000x1xf32>
    %gt3A = arith.constant 0.000000e+00 : f32
    %gt3A_62 = arith.cmpf ogt, %sub3A_56, %gt3A : f32
    %jit3A_63 = arith.constant 0x7FC00000 : f32
    %broadcast_in_dim3A_64 = vector.broadcast %jit3A_63 : f32 to vector<1000x1xf32>
    %select_n3A_65 = arith.select %gt3A_62, %div3A_61, %broadcast_in_dim3A_64 : vector<1000x1xf32>
    %sub3A_66 = vector.broadcast %div3A_45 : vector<1000x1xf32> to vector<1000x128xf32>
    %sub3A_67 = arith.subf %mul3A, %sub3A_66 : vector<1000x128xf32>
    %add3A_68 = arith.constant 9.99999974E-6 : f32
    %add3A_69 = vector.broadcast %add3A_68 : f32 to vector<1000x1xf32>
    %add3A_70 = arith.addf %select_n3A_65, %add3A_69 : vector<1000x1xf32>
    %sqrt3A = math.sqrt %add3A_70 : vector<1000x1xf32>
    %div3A_71 = vector.broadcast %sqrt3A : vector<1000x1xf32> to vector<1000x128xf32>
    %div3A_72 = arith.divf %sub3A_67, %div3A_71 : vector<1000x128xf32>
    %mul3A_73 = vector.broadcast %get3A_38 : vector<1x128xf32> to vector<1000x128xf32>
    %mul3A_74 = arith.mulf %div3A_72, %mul3A_73 : vector<1000x128xf32>
    %add3A_75 = vector.broadcast %get3A_41 : vector<1x128xf32> to vector<1000x128xf32>
    %add3A_76 = arith.addf %mul3A_74, %add3A_75 : vector<1000x128xf32>
    %swap3A = arith.constant 0 : index
    %swap3A_77 = arith.constant 0 : index
    %swap3A_78 = arith.constant 0 : index
    %swap3A_79 = vector.load %arg11[%swap3A, %swap3A_77, %swap3A_78] : memref<4x1000x128xf32, #tpu.memory_space<vmem>>, vector<1x1000x128xf32>
    %swap3A_80 = vector.shape_cast %swap3A_79 : vector<1x1000x128xf32> to vector<1000x128xf32>
    %swap3A_81 = vector.shape_cast %add3A_76 : vector<1000x128xf32> to vector<1x1000x128xf32>
    tpu.vector_store %arg11[%swap3A, %swap3A_77, %swap3A_78], %swap3A_81 {strides = array<i32>} : memref<4x1000x128xf32, #tpu.memory_space<vmem>>, vector<1x1000x128xf32>,
    %get3A_82 = arith.constant 0 : index
    %get3A_83 = arith.constant 0 : index
    %get3A_84 = vector.load %arg9[%get3A_82, %get3A_83] : memref<143x32xf32, #tpu.memory_space<vmem>>, vector<143x32xf32>
    %dot_general3A_85 = arith.constant dense<0.000000e+00> : vector<1000x32xf32>
    %dot_general3A_86 = tpu.matmul %get3A_15, %get3A_84, %dot_general3A_85 {dimension_numbers = #tpu.dot_dimension_numbers<[1], [0], [0], [1], [0, 0, 1, 1], [], []>, transpose_lhs_hint = false} : vector<1000x143xf32>, vector<143x32xf32>, vector<1000x32xf32> -> vector<1000x32xf32>
    %get3A_87 = arith.constant 0 : index
    %get3A_88 = arith.constant 0 : index
    %get3A_89 = vector.load %arg10[%get3A_87, %get3A_88] : memref<1x32xf32, #tpu.memory_space<vmem>>, vector<1x32xf32>
    %add3A_90 = vector.broadcast %get3A_89 : vector<1x32xf32> to vector<1000x32xf32>
    %add3A_91 = arith.addf %dot_general3A_86, %add3A_90 : vector<1000x32xf32>
    %tanh3A = math.tanh %add3A_91 : vector<1000x32xf32>
    %swap3A_92 = arith.constant 0 : index
    %swap3A_93 = arith.constant 0 : index
    %swap3A_94 = arith.constant 0 : index
    %swap3A_95 = vector.load %arg12[%swap3A_92, %swap3A_93, %swap3A_94] : memref<4x1000x32xf32, #tpu.memory_space<vmem>>, vector<1x1000x32xf32>
    %swap3A_96 = vector.shape_cast %swap3A_95 : vector<1x1000x32xf32> to vector<1000x32xf32>
    %swap3A_97 = vector.shape_cast %tanh3A : vector<1000x32xf32> to vector<1x1000x32xf32>
    tpu.vector_store %arg12[%swap3A_92, %swap3A_93, %swap3A_94], %swap3A_97 {strides = array<i32>} : memref<4x1000x32xf32, #tpu.memory_space<vmem>>, vector<1x1000x32xf32>,
    %get3A_98 = arith.constant 1 : index
    %get3A_99 = arith.constant 0 : index
    %get3A_100 = arith.constant 0 : index
    %get3A_101 = vector.load %arg1[%get3A_98, %get3A_99, %get3A_100] : memref<4x1000x1xf32, #tpu.memory_space<vmem>>, vector<1x1000x1xf32>
    %get3A_102 = vector.shape_cast %get3A_101 : vector<1x1000x1xf32> to vector<1000x1xf32>
    %eq3A_103 = vector.broadcast %get3A_102 : vector<1000x1xf32> to vector<1000x128xf32>
    %eq3A_104 = arith.cmpf oeq, %eq3A_103, %convert_element_type3A : vector<1000x128xf32>
    %jit3A_105 = arith.constant 1.000000e+00 : f32
    %jit3A_106 = arith.constant 0.000000e+00 : f32
    %broadcast_in_dim3A_107 = vector.broadcast %jit3A_105 : f32 to vector<1000x128xf32>
    %broadcast_in_dim3A_108 = vector.broadcast %jit3A_106 : f32 to vector<1000x128xf32>
    %select_n3A_109 = arith.select %eq3A_104, %broadcast_in_dim3A_107, %broadcast_in_dim3A_108 : vector<1000x128xi1>, vector<1000x128xf32>
    %get3A_110 = arith.constant 0 : index
    %get3A_111 = arith.constant 0 : index
    %get3A_112 = vector.load %arg3[%get3A_110, %get3A_111] : memref<128x32xf32, #tpu.memory_space<vmem>>, vector<128x32xf32>
    %dot_general3A_113 = arith.constant dense<0.000000e+00> : vector<1000x32xf32>
    %dot_general3A_114 = tpu.matmul %select_n3A_109, %get3A_112, %dot_general3A_113 {dimension_numbers = #tpu.dot_dimension_numbers<[1], [0], [0], [1], [0, 0, 1, 1], [], []>, transpose_lhs_hint = false} : vector<1000x128xf32>, vector<128x32xf32>, vector<1000x32xf32> -> vector<1000x32xf32>
    %get3A_115 = arith.constant 1 : index
    %get3A_116 = arith.constant 0 : index
    %get3A_117 = arith.constant 0 : index
    %get3A_118 = vector.load %arg2[%get3A_115, %get3A_116, %get3A_117] : memref<4x1000x143xf32, #tpu.memory_space<vmem>>, vector<1x1000x143xf32>
    %get3A_119 = vector.shape_cast %get3A_118 : vector<1x1000x143xf32> to vector<1000x143xf32>
    %get3A_120 = arith.constant 0 : index
    %get3A_121 = arith.constant 0 : index
    %get3A_122 = vector.load %arg4[%get3A_120, %get3A_121] : memref<32x128xf32, #tpu.memory_space<vmem>>, vector<32x128xf32>
    %dot_general3A_123 = arith.constant dense<0.000000e+00> : vector<1000x128xf32>
    %dot_general3A_124 = tpu.matmul %dot_general3A_114, %get3A_122, %dot_general3A_123 {dimension_numbers = #tpu.dot_dimension_numbers<[1], [0], [0], [1], [0, 0, 1, 1], [], []>, transpose_lhs_hint = false} : vector<1000x32xf32>, vector<32x128xf32>, vector<1000x128xf32> -> vector<1000x128xf32>
    %get3A_125 = arith.constant 0 : index
    %get3A_126 = arith.constant 0 : index
    %get3A_127 = vector.load %arg5[%get3A_125, %get3A_126] : memref<143x128xf32, #tpu.memory_space<vmem>>, vector<143x128xf32>
    %dot_general3A_128 = arith.constant dense<0.000000e+00> : vector<1000x128xf32>
    %dot_general3A_129 = tpu.matmul %get3A_119, %get3A_127, %dot_general3A_128 {dimension_numbers = #tpu.dot_dimension_numbers<[1], [0], [0], [1], [0, 0, 1, 1], [], []>, transpose_lhs_hint = false} : vector<1000x143xf32>, vector<143x128xf32>, vector<1000x128xf32> -> vector<1000x128xf32>
    %add3A_130 = arith.addf %dot_general3A_124, %dot_general3A_129 : vector<1000x128xf32>
    %get3A_131 = arith.constant 0 : index
    %get3A_132 = arith.constant 0 : index
    %get3A_133 = vector.load %arg6[%get3A_131, %get3A_132] : memref<1x128xf32, #tpu.memory_space<vmem>>, vector<1x128xf32>
    %add3A_134 = vector.broadcast %get3A_133 : vector<1x128xf32> to vector<1000x128xf32>
    %add3A_135 = arith.addf %add3A_130, %add3A_134 : vector<1000x128xf32>
    %logistic3A_136 = arith.negf %add3A_135 : vector<1000x128xf32>
    %logistic3A_137 = math.exp %logistic3A_136 : vector<1000x128xf32>
    %logistic3A_138 = arith.constant 1.000000e+00 : f32
    %logistic3A_139 = vector.broadcast %logistic3A_138 : f32 to vector<1000x128xf32>
    %logistic3A_140 = arith.addf %logistic3A_139, %logistic3A_137 : vector<1000x128xf32>
    %logistic3A_141 = arith.divf %logistic3A_139, %logistic3A_140 : vector<1000x128xf32>
    %mul3A_142 = arith.mulf %add3A_135, %logistic3A_141 : vector<1000x128xf32>
    %get3A_143 = arith.constant 0 : index
    %get3A_144 = arith.constant 0 : index
    %get3A_145 = vector.load %arg7[%get3A_143, %get3A_144] : memref<1x128xf32, #tpu.memory_space<vmem>>, vector<1x128xf32>
    %get3A_146 = arith.constant 0 : index
    %get3A_147 = arith.constant 0 : index
    %get3A_148 = vector.load %arg8[%get3A_146, %get3A_147] : memref<1x128xf32, #tpu.memory_space<vmem>>, vector<1x128xf32>
    %reduce_sum3A_149 = arith.constant dense<0.000000e+00> : vector<1000xf32>
    %reduce_sum3A_150 = vector.multi_reduction <add>, %mul3A_142, %reduce_sum3A_149 [1] : vector<1000x128xf32> to vector<1000xf32>
    %broadcast_in_dim3A_151 = vector.shape_cast %reduce_sum3A_150 : vector<1000xf32> to vector<1000x1xf32>
    %div3A_152 = arith.constant 1.280000e+02 : f32
    %div3A_153 = vector.broadcast %div3A_152 : f32 to vector<1000x1xf32>
    %div3A_154 = arith.divf %broadcast_in_dim3A_151, %div3A_153 : vector<1000x1xf32>
    %jit3A_155 = arith.constant 0 : i32
    %reduce_sum3A_156 = arith.constant dense<0.000000e+00> : vector<1000xf32>
    %reduce_sum3A_157 = vector.multi_reduction <add>, %mul3A_142, %reduce_sum3A_156 [1] : vector<1000x128xf32> to vector<1000xf32>
    %broadcast_in_dim3A_158 = vector.shape_cast %reduce_sum3A_157 : vector<1000xf32> to vector<1000x1xf32>
    %div3A_159 = arith.constant 1.280000e+02 : f32
    %div3A_160 = vector.broadcast %div3A_159 : f32 to vector<1000x1xf32>
    %div3A_161 = arith.divf %broadcast_in_dim3A_158, %div3A_160 : vector<1000x1xf32>
    %sub3A_162 = vector.broadcast %div3A_161 : vector<1000x1xf32> to vector<1000x128xf32>
    %sub3A_163 = arith.subf %mul3A_142, %sub3A_162 : vector<1000x128xf32>
    %square3A_164 = arith.mulf %sub3A_163, %sub3A_163 : vector<1000x128xf32>
    %convert_element_type3A_165 = arith.sitofp %jit3A_155 : i32 to f32
    %sub3A_166 = arith.constant 1.280000e+02 : f32
    %sub3A_167 = arith.subf %sub3A_166, %convert_element_type3A_165 : f32
    %reduce_sum3A_168 = arith.constant dense<0.000000e+00> : vector<1000xf32>
    %reduce_sum3A_169 = vector.multi_reduction <add>, %square3A_164, %reduce_sum3A_168 [1] : vector<1000x128xf32> to vector<1000xf32>
    %broadcast_in_dim3A_170 = vector.shape_cast %reduce_sum3A_169 : vector<1000xf32> to vector<1000x1xf32>
    %div3A_171 = vector.broadcast %sub3A_167 : f32 to vector<1000x1xf32>
    %div3A_172 = arith.divf %broadcast_in_dim3A_170, %div3A_171 : vector<1000x1xf32>
    %gt3A_173 = arith.constant 0.000000e+00 : f32
    %gt3A_174 = arith.cmpf ogt, %sub3A_167, %gt3A_173 : f32
    %jit3A_175 = arith.constant 0x7FC00000 : f32
    %broadcast_in_dim3A_176 = vector.broadcast %jit3A_175 : f32 to vector<1000x1xf32>
    %select_n3A_177 = arith.select %gt3A_174, %div3A_172, %broadcast_in_dim3A_176 : vector<1000x1xf32>
    %sub3A_178 = vector.broadcast %div3A_154 : vector<1000x1xf32> to vector<1000x128xf32>
    %sub3A_179 = arith.subf %mul3A_142, %sub3A_178 : vector<1000x128xf32>
    %add3A_180 = arith.constant 9.99999974E-6 : f32
    %add3A_181 = vector.broadcast %add3A_180 : f32 to vector<1000x1xf32>
    %add3A_182 = arith.addf %select_n3A_177, %add3A_181 : vector<1000x1xf32>
    %sqrt3A_183 = math.sqrt %add3A_182 : vector<1000x1xf32>
    %div3A_184 = vector.broadcast %sqrt3A_183 : vector<1000x1xf32> to vector<1000x128xf32>
    %div3A_185 = arith.divf %sub3A_179, %div3A_184 : vector<1000x128xf32>
    %mul3A_186 = vector.broadcast %get3A_145 : vector<1x128xf32> to vector<1000x128xf32>
    %mul3A_187 = arith.mulf %div3A_185, %mul3A_186 : vector<1000x128xf32>
    %add3A_188 = vector.broadcast %get3A_148 : vector<1x128xf32> to vector<1000x128xf32>
    %add3A_189 = arith.addf %mul3A_187, %add3A_188 : vector<1000x128xf32>
    %swap3A_190 = arith.constant 1 : index
    %swap3A_191 = arith.constant 0 : index
    %swap3A_192 = arith.constant 0 : index
    %swap3A_193 = vector.load %arg11[%swap3A_190, %swap3A_191, %swap3A_192] : memref<4x1000x128xf32, #tpu.memory_space<vmem>>, vector<1x1000x128xf32>
    %swap3A_194 = vector.shape_cast %swap3A_193 : vector<1x1000x128xf32> to vector<1000x128xf32>
    %swap3A_195 = vector.shape_cast %add3A_189 : vector<1000x128xf32> to vector<1x1000x128xf32>
    tpu.vector_store %arg11[%swap3A_190, %swap3A_191, %swap3A_192], %swap3A_195 {strides = array<i32>} : memref<4x1000x128xf32, #tpu.memory_space<vmem>>, vector<1x1000x128xf32>,
    %get3A_196 = arith.constant 0 : index
    %get3A_197 = arith.constant 0 : index
    %get3A_198 = vector.load %arg9[%get3A_196, %get3A_197] : memref<143x32xf32, #tpu.memory_space<vmem>>, vector<143x32xf32>
    %dot_general3A_199 = arith.constant dense<0.000000e+00> : vector<1000x32xf32>
    %dot_general3A_200 = tpu.matmul %get3A_119, %get3A_198, %dot_general3A_199 {dimension_numbers = #tpu.dot_dimension_numbers<[1], [0], [0], [1], [0, 0, 1, 1], [], []>, transpose_lhs_hint = false} : vector<1000x143xf32>, vector<143x32xf32>, vector<1000x32xf32> -> vector<1000x32xf32>
    %get3A_201 = arith.constant 0 : index
    %get3A_202 = arith.constant 0 : index
    %get3A_203 = vector.load %arg10[%get3A_201, %get3A_202] : memref<1x32xf32, #tpu.memory_space<vmem>>, vector<1x32xf32>
    %add3A_204 = vector.broadcast %get3A_203 : vector<1x32xf32> to vector<1000x32xf32>
    %add3A_205 = arith.addf %dot_general3A_200, %add3A_204 : vector<1000x32xf32>
    %tanh3A_206 = math.tanh %add3A_205 : vector<1000x32xf32>
    %swap3A_207 = arith.constant 1 : index
    %swap3A_208 = arith.constant 0 : index
    %swap3A_209 = arith.constant 0 : index
    %swap3A_210 = vector.load %arg12[%swap3A_207, %swap3A_208, %swap3A_209] : memref<4x1000x32xf32, #tpu.memory_space<vmem>>, vector<1x1000x32xf32>
    %swap3A_211 = vector.shape_cast %swap3A_210 : vector<1x1000x32xf32> to vector<1000x32xf32>
    %swap3A_212 = vector.shape_cast %tanh3A_206 : vector<1000x32xf32> to vector<1x1000x32xf32>
    tpu.vector_store %arg12[%swap3A_207, %swap3A_208, %swap3A_209], %swap3A_212 {strides = array<i32>} : memref<4x1000x32xf32, #tpu.memory_space<vmem>>, vector<1x1000x32xf32>,
    %get3A_213 = arith.constant 2 : index
    %get3A_214 = arith.constant 0 : index
    %get3A_215 = arith.constant 0 : index
    %get3A_216 = vector.load %arg1[%get3A_213, %get3A_214, %get3A_215] : memref<4x1000x1xf32, #tpu.memory_space<vmem>>, vector<1x1000x1xf32>
    %get3A_217 = vector.shape_cast %get3A_216 : vector<1x1000x1xf32> to vector<1000x1xf32>
    %eq3A_218 = vector.broadcast %get3A_217 : vector<1000x1xf32> to vector<1000x128xf32>
    %eq3A_219 = arith.cmpf oeq, %eq3A_218, %convert_element_type3A : vector<1000x128xf32>
    %jit3A_220 = arith.constant 1.000000e+00 : f32
    %jit3A_221 = arith.constant 0.000000e+00 : f32
    %broadcast_in_dim3A_222 = vector.broadcast %jit3A_220 : f32 to vector<1000x128xf32>
    %broadcast_in_dim3A_223 = vector.broadcast %jit3A_221 : f32 to vector<1000x128xf32>
    %select_n3A_224 = arith.select %eq3A_219, %broadcast_in_dim3A_222, %broadcast_in_dim3A_223 : vector<1000x128xi1>, vector<1000x128xf32>
    %get3A_225 = arith.constant 0 : index
    %get3A_226 = arith.constant 0 : index
    %get3A_227 = vector.load %arg3[%get3A_225, %get3A_226] : memref<128x32xf32, #tpu.memory_space<vmem>>, vector<128x32xf32>
    %dot_general3A_228 = arith.constant dense<0.000000e+00> : vector<1000x32xf32>
    %dot_general3A_229 = tpu.matmul %select_n3A_224, %get3A_227, %dot_general3A_228 {dimension_numbers = #tpu.dot_dimension_numbers<[1], [0], [0], [1], [0, 0, 1, 1], [], []>, transpose_lhs_hint = false} : vector<1000x128xf32>, vector<128x32xf32>, vector<1000x32xf32> -> vector<1000x32xf32>
    %get3A_230 = arith.constant 2 : index
    %get3A_231 = arith.constant 0 : index
    %get3A_232 = arith.constant 0 : index
    %get3A_233 = vector.load %arg2[%get3A_230, %get3A_231, %get3A_232] : memref<4x1000x143xf32, #tpu.memory_space<vmem>>, vector<1x1000x143xf32>
    %get3A_234 = vector.shape_cast %get3A_233 : vector<1x1000x143xf32> to vector<1000x143xf32>
    %get3A_235 = arith.constant 0 : index
    %get3A_236 = arith.constant 0 : index
    %get3A_237 = vector.load %arg4[%get3A_235, %get3A_236] : memref<32x128xf32, #tpu.memory_space<vmem>>, vector<32x128xf32>
    %dot_general3A_238 = arith.constant dense<0.000000e+00> : vector<1000x128xf32>
    %dot_general3A_239 = tpu.matmul %dot_general3A_229, %get3A_237, %dot_general3A_238 {dimension_numbers = #tpu.dot_dimension_numbers<[1], [0], [0], [1], [0, 0, 1, 1], [], []>, transpose_lhs_hint = false} : vector<1000x32xf32>, vector<32x128xf32>, vector<1000x128xf32> -> vector<1000x128xf32>
    %get3A_240 = arith.constant 0 : index
    %get3A_241 = arith.constant 0 : index
    %get3A_242 = vector.load %arg5[%get3A_240, %get3A_241] : memref<143x128xf32, #tpu.memory_space<vmem>>, vector<143x128xf32>
    %dot_general3A_243 = arith.constant dense<0.000000e+00> : vector<1000x128xf32>
    %dot_general3A_244 = tpu.matmul %get3A_234, %get3A_242, %dot_general3A_243 {dimension_numbers = #tpu.dot_dimension_numbers<[1], [0], [0], [1], [0, 0, 1, 1], [], []>, transpose_lhs_hint = false} : vector<1000x143xf32>, vector<143x128xf32>, vector<1000x128xf32> -> vector<1000x128xf32>
    %add3A_245 = arith.addf %dot_general3A_239, %dot_general3A_244 : vector<1000x128xf32>
    %get3A_246 = arith.constant 0 : index
    %get3A_247 = arith.constant 0 : index
    %get3A_248 = vector.load %arg6[%get3A_246, %get3A_247] : memref<1x128xf32, #tpu.memory_space<vmem>>, vector<1x128xf32>
    %add3A_249 = vector.broadcast %get3A_248 : vector<1x128xf32> to vector<1000x128xf32>
    %add3A_250 = arith.addf %add3A_245, %add3A_249 : vector<1000x128xf32>
    %logistic3A_251 = arith.negf %add3A_250 : vector<1000x128xf32>
    %logistic3A_252 = math.exp %logistic3A_251 : vector<1000x128xf32>
    %logistic3A_253 = arith.constant 1.000000e+00 : f32
    %logistic3A_254 = vector.broadcast %logistic3A_253 : f32 to vector<1000x128xf32>
    %logistic3A_255 = arith.addf %logistic3A_254, %logistic3A_252 : vector<1000x128xf32>
    %logistic3A_256 = arith.divf %logistic3A_254, %logistic3A_255 : vector<1000x128xf32>
    %mul3A_257 = arith.mulf %add3A_250, %logistic3A_256 : vector<1000x128xf32>
    %get3A_258 = arith.constant 0 : index
    %get3A_259 = arith.constant 0 : index
    %get3A_260 = vector.load %arg7[%get3A_258, %get3A_259] : memref<1x128xf32, #tpu.memory_space<vmem>>, vector<1x128xf32>
    %get3A_261 = arith.constant 0 : index
    %get3A_262 = arith.constant 0 : index
    %get3A_263 = vector.load %arg8[%get3A_261, %get3A_262] : memref<1x128xf32, #tpu.memory_space<vmem>>, vector<1x128xf32>
    %reduce_sum3A_264 = arith.constant dense<0.000000e+00> : vector<1000xf32>
    %reduce_sum3A_265 = vector.multi_reduction <add>, %mul3A_257, %reduce_sum3A_264 [1] : vector<1000x128xf32> to vector<1000xf32>
    %broadcast_in_dim3A_266 = vector.shape_cast %reduce_sum3A_265 : vector<1000xf32> to vector<1000x1xf32>
    %div3A_267 = arith.constant 1.280000e+02 : f32
    %div3A_268 = vector.broadcast %div3A_267 : f32 to vector<1000x1xf32>
    %div3A_269 = arith.divf %broadcast_in_dim3A_266, %div3A_268 : vector<1000x1xf32>
    %jit3A_270 = arith.constant 0 : i32
    %reduce_sum3A_271 = arith.constant dense<0.000000e+00> : vector<1000xf32>
    %reduce_sum3A_272 = vector.multi_reduction <add>, %mul3A_257, %reduce_sum3A_271 [1] : vector<1000x128xf32> to vector<1000xf32>
    %broadcast_in_dim3A_273 = vector.shape_cast %reduce_sum3A_272 : vector<1000xf32> to vector<1000x1xf32>
    %div3A_274 = arith.constant 1.280000e+02 : f32
    %div3A_275 = vector.broadcast %div3A_274 : f32 to vector<1000x1xf32>
    %div3A_276 = arith.divf %broadcast_in_dim3A_273, %div3A_275 : vector<1000x1xf32>
    %sub3A_277 = vector.broadcast %div3A_276 : vector<1000x1xf32> to vector<1000x128xf32>
    %sub3A_278 = arith.subf %mul3A_257, %sub3A_277 : vector<1000x128xf32>
    %square3A_279 = arith.mulf %sub3A_278, %sub3A_278 : vector<1000x128xf32>
    %convert_element_type3A_280 = arith.sitofp %jit3A_270 : i32 to f32
    %sub3A_281 = arith.constant 1.280000e+02 : f32
    %sub3A_282 = arith.subf %sub3A_281, %convert_element_type3A_280 : f32
    %reduce_sum3A_283 = arith.constant dense<0.000000e+00> : vector<1000xf32>
    %reduce_sum3A_284 = vector.multi_reduction <add>, %square3A_279, %reduce_sum3A_283 [1] : vector<1000x128xf32> to vector<1000xf32>
    %broadcast_in_dim3A_285 = vector.shape_cast %reduce_sum3A_284 : vector<1000xf32> to vector<1000x1xf32>
    %div3A_286 = vector.broadcast %sub3A_282 : f32 to vector<1000x1xf32>
    %div3A_287 = arith.divf %broadcast_in_dim3A_285, %div3A_286 : vector<1000x1xf32>
    %gt3A_288 = arith.constant 0.000000e+00 : f32
    %gt3A_289 = arith.cmpf ogt, %sub3A_282, %gt3A_288 : f32
    %jit3A_290 = arith.constant 0x7FC00000 : f32
    %broadcast_in_dim3A_291 = vector.broadcast %jit3A_290 : f32 to vector<1000x1xf32>
    %select_n3A_292 = arith.select %gt3A_289, %div3A_287, %broadcast_in_dim3A_291 : vector<1000x1xf32>
    %sub3A_293 = vector.broadcast %div3A_269 : vector<1000x1xf32> to vector<1000x128xf32>
    %sub3A_294 = arith.subf %mul3A_257, %sub3A_293 : vector<1000x128xf32>
    %add3A_295 = arith.constant 9.99999974E-6 : f32
    %add3A_296 = vector.broadcast %add3A_295 : f32 to vector<1000x1xf32>
    %add3A_297 = arith.addf %select_n3A_292, %add3A_296 : vector<1000x1xf32>
    %sqrt3A_298 = math.sqrt %add3A_297 : vector<1000x1xf32>
    %div3A_299 = vector.broadcast %sqrt3A_298 : vector<1000x1xf32> to vector<1000x128xf32>
    %div3A_300 = arith.divf %sub3A_294, %div3A_299 : vector<1000x128xf32>
    %mul3A_301 = vector.broadcast %get3A_260 : vector<1x128xf32> to vector<1000x128xf32>
    %mul3A_302 = arith.mulf %div3A_300, %mul3A_301 : vector<1000x128xf32>
    %add3A_303 = vector.broadcast %get3A_263 : vector<1x128xf32> to vector<1000x128xf32>
    %add3A_304 = arith.addf %mul3A_302, %add3A_303 : vector<1000x128xf32>
    %swap3A_305 = arith.constant 2 : index
    %swap3A_306 = arith.constant 0 : index
    %swap3A_307 = arith.constant 0 : index
    %swap3A_308 = vector.load %arg11[%swap3A_305, %swap3A_306, %swap3A_307] : memref<4x1000x128xf32, #tpu.memory_space<vmem>>, vector<1x1000x128xf32>
    %swap3A_309 = vector.shape_cast %swap3A_308 : vector<1x1000x128xf32> to vector<1000x128xf32>
    %swap3A_310 = vector.shape_cast %add3A_304 : vector<1000x128xf32> to vector<1x1000x128xf32>
    tpu.vector_store %arg11[%swap3A_305, %swap3A_306, %swap3A_307], %swap3A_310 {strides = array<i32>} : memref<4x1000x128xf32, #tpu.memory_space<vmem>>, vector<1x1000x128xf32>,
    %get3A_311 = arith.constant 0 : index
    %get3A_312 = arith.constant 0 : index
    %get3A_313 = vector.load %arg9[%get3A_311, %get3A_312] : memref<143x32xf32, #tpu.memory_space<vmem>>, vector<143x32xf32>
    %dot_general3A_314 = arith.constant dense<0.000000e+00> : vector<1000x32xf32>
    %dot_general3A_315 = tpu.matmul %get3A_234, %get3A_313, %dot_general3A_314 {dimension_numbers = #tpu.dot_dimension_numbers<[1], [0], [0], [1], [0, 0, 1, 1], [], []>, transpose_lhs_hint = false} : vector<1000x143xf32>, vector<143x32xf32>, vector<1000x32xf32> -> vector<1000x32xf32>
    %get3A_316 = arith.constant 0 : index
    %get3A_317 = arith.constant 0 : index
    %get3A_318 = vector.load %arg10[%get3A_316, %get3A_317] : memref<1x32xf32, #tpu.memory_space<vmem>>, vector<1x32xf32>
    %add3A_319 = vector.broadcast %get3A_318 : vector<1x32xf32> to vector<1000x32xf32>
    %add3A_320 = arith.addf %dot_general3A_315, %add3A_319 : vector<1000x32xf32>
    %tanh3A_321 = math.tanh %add3A_320 : vector<1000x32xf32>
    %swap3A_322 = arith.constant 2 : index
    %swap3A_323 = arith.constant 0 : index
    %swap3A_324 = arith.constant 0 : index
    %swap3A_325 = vector.load %arg12[%swap3A_322, %swap3A_323, %swap3A_324] : memref<4x1000x32xf32, #tpu.memory_space<vmem>>, vector<1x1000x32xf32>
    %swap3A_326 = vector.shape_cast %swap3A_325 : vector<1x1000x32xf32> to vector<1000x32xf32>
    %swap3A_327 = vector.shape_cast %tanh3A_321 : vector<1000x32xf32> to vector<1x1000x32xf32>
    tpu.vector_store %arg12[%swap3A_322, %swap3A_323, %swap3A_324], %swap3A_327 {strides = array<i32>} : memref<4x1000x32xf32, #tpu.memory_space<vmem>>, vector<1x1000x32xf32>,
    %get3A_328 = arith.constant 3 : index
    %get3A_329 = arith.constant 0 : index
    %get3A_330 = arith.constant 0 : index
    %get3A_331 = vector.load %arg1[%get3A_328, %get3A_329, %get3A_330] : memref<4x1000x1xf32, #tpu.memory_space<vmem>>, vector<1x1000x1xf32>
    %get3A_332 = vector.shape_cast %get3A_331 : vector<1x1000x1xf32> to vector<1000x1xf32>
    %eq3A_333 = vector.broadcast %get3A_332 : vector<1000x1xf32> to vector<1000x128xf32>
    %eq3A_334 = arith.cmpf oeq, %eq3A_333, %convert_element_type3A : vector<1000x128xf32>
    %jit3A_335 = arith.constant 1.000000e+00 : f32
    %jit3A_336 = arith.constant 0.000000e+00 : f32
    %broadcast_in_dim3A_337 = vector.broadcast %jit3A_335 : f32 to vector<1000x128xf32>
    %broadcast_in_dim3A_338 = vector.broadcast %jit3A_336 : f32 to vector<1000x128xf32>
    %select_n3A_339 = arith.select %eq3A_334, %broadcast_in_dim3A_337, %broadcast_in_dim3A_338 : vector<1000x128xi1>, vector<1000x128xf32>
    %get3A_340 = arith.constant 0 : index
    %get3A_341 = arith.constant 0 : index
    %get3A_342 = vector.load %arg3[%get3A_340, %get3A_341] : memref<128x32xf32, #tpu.memory_space<vmem>>, vector<128x32xf32>
    %dot_general3A_343 = arith.constant dense<0.000000e+00> : vector<1000x32xf32>
    %dot_general3A_344 = tpu.matmul %select_n3A_339, %get3A_342, %dot_general3A_343 {dimension_numbers = #tpu.dot_dimension_numbers<[1], [0], [0], [1], [0, 0, 1, 1], [], []>, transpose_lhs_hint = false} : vector<1000x128xf32>, vector<128x32xf32>, vector<1000x32xf32> -> vector<1000x32xf32>
    %get3A_345 = arith.constant 3 : index
    %get3A_346 = arith.constant 0 : index
    %get3A_347 = arith.constant 0 : index
    %get3A_348 = vector.load %arg2[%get3A_345, %get3A_346, %get3A_347] : memref<4x1000x143xf32, #tpu.memory_space<vmem>>, vector<1x1000x143xf32>
    %get3A_349 = vector.shape_cast %get3A_348 : vector<1x1000x143xf32> to vector<1000x143xf32>
    %get3A_350 = arith.constant 0 : index
    %get3A_351 = arith.constant 0 : index
    %get3A_352 = vector.load %arg4[%get3A_350, %get3A_351] : memref<32x128xf32, #tpu.memory_space<vmem>>, vector<32x128xf32>
    %dot_general3A_353 = arith.constant dense<0.000000e+00> : vector<1000x128xf32>
    %dot_general3A_354 = tpu.matmul %dot_general3A_344, %get3A_352, %dot_general3A_353 {dimension_numbers = #tpu.dot_dimension_numbers<[1], [0], [0], [1], [0, 0, 1, 1], [], []>, transpose_lhs_hint = false} : vector<1000x32xf32>, vector<32x128xf32>, vector<1000x128xf32> -> vector<1000x128xf32>
    %get3A_355 = arith.constant 0 : index
    %get3A_356 = arith.constant 0 : index
    %get3A_357 = vector.load %arg5[%get3A_355, %get3A_356] : memref<143x128xf32, #tpu.memory_space<vmem>>, vector<143x128xf32>
    %dot_general3A_358 = arith.constant dense<0.000000e+00> : vector<1000x128xf32>
    %dot_general3A_359 = tpu.matmul %get3A_349, %get3A_357, %dot_general3A_358 {dimension_numbers = #tpu.dot_dimension_numbers<[1], [0], [0], [1], [0, 0, 1, 1], [], []>, transpose_lhs_hint = false} : vector<1000x143xf32>, vector<143x128xf32>, vector<1000x128xf32> -> vector<1000x128xf32>
    %add3A_360 = arith.addf %dot_general3A_354, %dot_general3A_359 : vector<1000x128xf32>
    %get3A_361 = arith.constant 0 : index
    %get3A_362 = arith.constant 0 : index
    %get3A_363 = vector.load %arg6[%get3A_361, %get3A_362] : memref<1x128xf32, #tpu.memory_space<vmem>>, vector<1x128xf32>
    %add3A_364 = vector.broadcast %get3A_363 : vector<1x128xf32> to vector<1000x128xf32>
    %add3A_365 = arith.addf %add3A_360, %add3A_364 : vector<1000x128xf32>
    %logistic3A_366 = arith.negf %add3A_365 : vector<1000x128xf32>
    %logistic3A_367 = math.exp %logistic3A_366 : vector<1000x128xf32>
    %logistic3A_368 = arith.constant 1.000000e+00 : f32
    %logistic3A_369 = vector.broadcast %logistic3A_368 : f32 to vector<1000x128xf32>
    %logistic3A_370 = arith.addf %logistic3A_369, %logistic3A_367 : vector<1000x128xf32>
    %logistic3A_371 = arith.divf %logistic3A_369, %logistic3A_370 : vector<1000x128xf32>
    %mul3A_372 = arith.mulf %add3A_365, %logistic3A_371 : vector<1000x128xf32>
    %get3A_373 = arith.constant 0 : index
    %get3A_374 = arith.constant 0 : index
    %get3A_375 = vector.load %arg7[%get3A_373, %get3A_374] : memref<1x128xf32, #tpu.memory_space<vmem>>, vector<1x128xf32>
    %get3A_376 = arith.constant 0 : index
    %get3A_377 = arith.constant 0 : index
    %get3A_378 = vector.load %arg8[%get3A_376, %get3A_377] : memref<1x128xf32, #tpu.memory_space<vmem>>, vector<1x128xf32>
    %reduce_sum3A_379 = arith.constant dense<0.000000e+00> : vector<1000xf32>
    %reduce_sum3A_380 = vector.multi_reduction <add>, %mul3A_372, %reduce_sum3A_379 [1] : vector<1000x128xf32> to vector<1000xf32>
    %broadcast_in_dim3A_381 = vector.shape_cast %reduce_sum3A_380 : vector<1000xf32> to vector<1000x1xf32>
    %div3A_382 = arith.constant 1.280000e+02 : f32
    %div3A_383 = vector.broadcast %div3A_382 : f32 to vector<1000x1xf32>
    %div3A_384 = arith.divf %broadcast_in_dim3A_381, %div3A_383 : vector<1000x1xf32>
    %jit3A_385 = arith.constant 0 : i32
    %reduce_sum3A_386 = arith.constant dense<0.000000e+00> : vector<1000xf32>
    %reduce_sum3A_387 = vector.multi_reduction <add>, %mul3A_372, %reduce_sum3A_386 [1] : vector<1000x128xf32> to vector<1000xf32>
    %broadcast_in_dim3A_388 = vector.shape_cast %reduce_sum3A_387 : vector<1000xf32> to vector<1000x1xf32>
    %div3A_389 = arith.constant 1.280000e+02 : f32
    %div3A_390 = vector.broadcast %div3A_389 : f32 to vector<1000x1xf32>
    %div3A_391 = arith.divf %broadcast_in_dim3A_388, %div3A_390 : vector<1000x1xf32>
    %sub3A_392 = vector.broadcast %div3A_391 : vector<1000x1xf32> to vector<1000x128xf32>
    %sub3A_393 = arith.subf %mul3A_372, %sub3A_392 : vector<1000x128xf32>
    %square3A_394 = arith.mulf %sub3A_393, %sub3A_393 : vector<1000x128xf32>
    %convert_element_type3A_395 = arith.sitofp %jit3A_385 : i32 to f32
    %sub3A_396 = arith.constant 1.280000e+02 : f32
    %sub3A_397 = arith.subf %sub3A_396, %convert_element_type3A_395 : f32
    %reduce_sum3A_398 = arith.constant dense<0.000000e+00> : vector<1000xf32>
    %reduce_sum3A_399 = vector.multi_reduction <add>, %square3A_394, %reduce_sum3A_398 [1] : vector<1000x128xf32> to vector<1000xf32>
    %broadcast_in_dim3A_400 = vector.shape_cast %reduce_sum3A_399 : vector<1000xf32> to vector<1000x1xf32>
    %div3A_401 = vector.broadcast %sub3A_397 : f32 to vector<1000x1xf32>
    %div3A_402 = arith.divf %broadcast_in_dim3A_400, %div3A_401 : vector<1000x1xf32>
    %gt3A_403 = arith.constant 0.000000e+00 : f32
    %gt3A_404 = arith.cmpf ogt, %sub3A_397, %gt3A_403 : f32
    %jit3A_405 = arith.constant 0x7FC00000 : f32
    %broadcast_in_dim3A_406 = vector.broadcast %jit3A_405 : f32 to vector<1000x1xf32>
    %select_n3A_407 = arith.select %gt3A_404, %div3A_402, %broadcast_in_dim3A_406 : vector<1000x1xf32>
    %sub3A_408 = vector.broadcast %div3A_384 : vector<1000x1xf32> to vector<1000x128xf32>
    %sub3A_409 = arith.subf %mul3A_372, %sub3A_408 : vector<1000x128xf32>
    %add3A_410 = arith.constant 9.99999974E-6 : f32
    %add3A_411 = vector.broadcast %add3A_410 : f32 to vector<1000x1xf32>
    %add3A_412 = arith.addf %select_n3A_407, %add3A_411 : vector<1000x1xf32>
    %sqrt3A_413 = math.sqrt %add3A_412 : vector<1000x1xf32>
    %div3A_414 = vector.broadcast %sqrt3A_413 : vector<1000x1xf32> to vector<1000x128xf32>
    %div3A_415 = arith.divf %sub3A_409, %div3A_414 : vector<1000x128xf32>
    %mul3A_416 = vector.broadcast %get3A_375 : vector<1x128xf32> to vector<1000x128xf32>
    %mul3A_417 = arith.mulf %div3A_415, %mul3A_416 : vector<1000x128xf32>
    %add3A_418 = vector.broadcast %get3A_378 : vector<1x128xf32> to vector<1000x128xf32>
    %add3A_419 = arith.addf %mul3A_417, %add3A_418 : vector<1000x128xf32>
    %swap3A_420 = arith.constant 3 : index
    %swap3A_421 = arith.constant 0 : index
    %swap3A_422 = arith.constant 0 : index
    %swap3A_423 = vector.load %arg11[%swap3A_420, %swap3A_421, %swap3A_422] : memref<4x1000x128xf32, #tpu.memory_space<vmem>>, vector<1x1000x128xf32>
    %swap3A_424 = vector.shape_cast %swap3A_423 : vector<1x1000x128xf32> to vector<1000x128xf32>
    %swap3A_425 = vector.shape_cast %add3A_419 : vector<1000x128xf32> to vector<1x1000x128xf32>
    tpu.vector_store %arg11[%swap3A_420, %swap3A_421, %swap3A_422], %swap3A_425 {strides = array<i32>} : memref<4x1000x128xf32, #tpu.memory_space<vmem>>, vector<1x1000x128xf32>,
    %get3A_426 = arith.constant 0 : index
    %get3A_427 = arith.constant 0 : index
    %get3A_428 = vector.load %arg9[%get3A_426, %get3A_427] : memref<143x32xf32, #tpu.memory_space<vmem>>, vector<143x32xf32>
    %dot_general3A_429 = arith.constant dense<0.000000e+00> : vector<1000x32xf32>
    %dot_general3A_430 = tpu.matmul %get3A_349, %get3A_428, %dot_general3A_429 {dimension_numbers = #tpu.dot_dimension_numbers<[1], [0], [0], [1], [0, 0, 1, 1], [], []>, transpose_lhs_hint = false} : vector<1000x143xf32>, vector<143x32xf32>, vector<1000x32xf32> -> vector<1000x32xf32>
    %get3A_431 = arith.constant 0 : index
    %get3A_432 = arith.constant 0 : index
    %get3A_433 = vector.load %arg10[%get3A_431, %get3A_432] : memref<1x32xf32, #tpu.memory_space<vmem>>, vector<1x32xf32>
    %add3A_434 = vector.broadcast %get3A_433 : vector<1x32xf32> to vector<1000x32xf32>
    %add3A_435 = arith.addf %dot_general3A_430, %add3A_434 : vector<1000x32xf32>
    %tanh3A_436 = math.tanh %add3A_435 : vector<1000x32xf32>
    %swap3A_437 = arith.constant 3 : index
    %swap3A_438 = arith.constant 0 : index
    %swap3A_439 = arith.constant 0 : index
    %swap3A_440 = vector.load %arg12[%swap3A_437, %swap3A_438, %swap3A_439] : memref<4x1000x32xf32, #tpu.memory_space<vmem>>, vector<1x1000x32xf32>
    %swap3A_441 = vector.shape_cast %swap3A_440 : vector<1x1000x32xf32> to vector<1000x32xf32>
    %swap3A_442 = vector.shape_cast %tanh3A_436 : vector<1000x32xf32> to vector<1x1000x32xf32>
    tpu.vector_store %arg12[%swap3A_437, %swap3A_438, %swap3A_439], %swap3A_442 {strides = array<i32>} : memref<4x1000x32xf32, #tpu.memory_space<vmem>>, vector<1x1000x32xf32>,
    return
  }
  func.func @transform_0(%arg0: i32) -> (i32, i32, i32) {
    %c0_i32 = arith.constant 0 : i32
    %c0_i32_0 = arith.constant 0 : i32
    %c0_i32_1 = arith.constant 0 : i32
    return %c0_i32, %arg0, %c0_i32_0 : i32, i32, i32
  }
  func.func @transform_1(%arg0: i32) -> (i32, i32, i32) {
    %c0_i32 = arith.constant 0 : i32
    %c0_i32_0 = arith.constant 0 : i32
    %c0_i32_1 = arith.constant 0 : i32
    return %c0_i32, %arg0, %c0_i32_0 : i32, i32, i32
  }
  func.func @transform_2(%arg0: i32) -> (i32, i32) {
    %c0_i32 = arith.constant 0 : i32
    %c0_i32_0 = arith.constant 0 : i32
    %c0_i32_1 = arith.constant 0 : i32
    return %c0_i32, %c0_i32_0 : i32, i32
  }
  func.func @transform_3(%arg0: i32) -> (i32, i32) {
    %c0_i32 = arith.constant 0 : i32
    %c0_i32_0 = arith.constant 0 : i32
    %c0_i32_1 = arith.constant 0 : i32
    return %c0_i32, %c0_i32_0 : i32, i32
  }
  func.func @transform_4(%arg0: i32) -> (i32, i32) {
    %c0_i32 = arith.constant 0 : i32
    %c0_i32_0 = arith.constant 0 : i32
    %c0_i32_1 = arith.constant 0 : i32
    return %c0_i32, %c0_i32_0 : i32, i32
  }
  func.func @transform_5(%arg0: i32) -> (i32, i32) {
    %c0_i32 = arith.constant 0 : i32
    %c0_i32_0 = arith.constant 0 : i32
    %c0_i32_1 = arith.constant 0 : i32
    return %c0_i32, %c0_i32_0 : i32, i32
  }
  func.func @transform_6(%arg0: i32) -> (i32, i32) {
    %c0_i32 = arith.constant 0 : i32
    %c0_i32_0 = arith.constant 0 : i32
    %c0_i32_1 = arith.constant 0 : i32
    return %c0_i32, %c0_i32_0 : i32, i32
  }
  func.func @transform_7(%arg0: i32) -> (i32, i32) {
    %c0_i32 = arith.constant 0 : i32
    %c0_i32_0 = arith.constant 0 : i32
    %c0_i32_1 = arith.constant 0 : i32
    return %c0_i32, %c0_i32_0 : i32, i32
  }
  func.func @transform_8(%arg0: i32) -> (i32, i32) {
    %c0_i32 = arith.constant 0 : i32
    %c0_i32_0 = arith.constant 0 : i32
    %c0_i32_1 = arith.constant 0 : i32
    return %c0_i32, %c0_i32_0 : i32, i32
  }
  func.func @transform_9(%arg0: i32) -> (i32, i32) {
    %c0_i32 = arith.constant 0 : i32
    %c0_i32_0 = arith.constant 0 : i32
    %c0_i32_1 = arith.constant 0 : i32
    return %c0_i32, %c0_i32_0 : i32, i32
  }
  func.func @transform_10(%arg0: i32) -> (i32, i32, i32) {
    %c0_i32 = arith.constant 0 : i32
    %c0_i32_0 = arith.constant 0 : i32
    %c0_i32_1 = arith.constant 0 : i32
    return %c0_i32, %arg0, %c0_i32_0 : i32, i32, i32
  }
  func.func @transform_11(%arg0: i32) -> (i32, i32, i32) {
    %c0_i32 = arith.constant 0 : i32
    %c0_i32_0 = arith.constant 0 : i32
    %c0_i32_1 = arith.constant 0 : i32
    return %c0_i32, %arg0, %c0_i32_0 : i32, i32, i32
  }
}

module attributes {stable_mosaic.version = 14 : i64} {
  func.func @_k1b_body(%arg0: i32, %arg1: memref<4x1000x32xf32, #tpu.memory_space<vmem>>, %arg2: memref<4x1000x128xf32, #tpu.memory_space<vmem>>, %arg3: memref<32x128xf32, #tpu.memory_space<vmem>>, %arg4: memref<128x128xf32, #tpu.memory_space<vmem>>, %arg5: memref<1x128xf32, #tpu.memory_space<vmem>>, %arg6: memref<32x32xf32, #tpu.memory_space<vmem>>, %arg7: memref<1x32xf32, #tpu.memory_space<vmem>>, %arg8: memref<32x32xf32, #tpu.memory_space<vmem>>, %arg9: memref<1x32xf32, #tpu.memory_space<vmem>>, %arg10: memref<32x32xf32, #tpu.memory_space<vmem>>, %arg11: memref<1x32xf32, #tpu.memory_space<vmem>>, %arg12: memref<4x1000x128xf32, #tpu.memory_space<vmem>>, %arg13: memref<4x1000x32xf32, #tpu.memory_space<vmem>>, %arg14: memref<1000x128xf32, #tpu.memory_space<vmem>>, %arg15: memref<1000x128xf32, #tpu.memory_space<vmem>>) attributes {dimension_semantics = [#tpu.dimension_semantics<arbitrary>], iteration_bounds = array<i64: 10>, scalar_prefetch = 0 : i64, scratch_operands = 0 : i64, tpu.core_type = #tpu.core_type<tc>, window_params = [{transform_indices = @transform_0, window_bounds = array<i64: 4, 1000, 32>}, {transform_indices = @transform_1, window_bounds = array<i64: 4, 1000, 128>}, {pipeline_mode = #tpu.pipeline_mode<synchronous>, transform_indices = @transform_2, window_bounds = array<i64: 32, 128>}, {pipeline_mode = #tpu.pipeline_mode<synchronous>, transform_indices = @transform_3, window_bounds = array<i64: 128, 128>}, {pipeline_mode = #tpu.pipeline_mode<synchronous>, transform_indices = @transform_4, window_bounds = array<i64: 1, 128>}, {pipeline_mode = #tpu.pipeline_mode<synchronous>, transform_indices = @transform_5, window_bounds = array<i64: 32, 32>}, {pipeline_mode = #tpu.pipeline_mode<synchronous>, transform_indices = @transform_6, window_bounds = array<i64: 1, 32>}, {pipeline_mode = #tpu.pipeline_mode<synchronous>, transform_indices = @transform_7, window_bounds = array<i64: 32, 32>}, {pipeline_mode = #tpu.pipeline_mode<synchronous>, transform_indices = @transform_8, window_bounds = array<i64: 1, 32>}, {pipeline_mode = #tpu.pipeline_mode<synchronous>, transform_indices = @transform_9, window_bounds = array<i64: 32, 32>}, {pipeline_mode = #tpu.pipeline_mode<synchronous>, transform_indices = @transform_10, window_bounds = array<i64: 1, 32>}, {transform_indices = @transform_11, window_bounds = array<i64: 4, 1000, 128>}, {transform_indices = @transform_12, window_bounds = array<i64: 4, 1000, 32>}, {transform_indices = @transform_13, window_bounds = array<i64: 1000, 128>}, {transform_indices = @transform_14, window_bounds = array<i64: 1000, 128>}]} {
    %get3A = arith.constant 0 : index
    %get3A_0 = arith.constant 0 : index
    %get3A_1 = arith.constant 0 : index
    %get3A_2 = vector.load %arg1[%get3A, %get3A_0, %get3A_1] : memref<4x1000x32xf32, #tpu.memory_space<vmem>>, vector<1x1000x32xf32>
    %get3A_3 = vector.shape_cast %get3A_2 : vector<1x1000x32xf32> to vector<1000x32xf32>
    %get3A_4 = arith.constant 0 : index
    %get3A_5 = arith.constant 0 : index
    %get3A_6 = arith.constant 0 : index
    %get3A_7 = vector.load %arg2[%get3A_4, %get3A_5, %get3A_6] : memref<4x1000x128xf32, #tpu.memory_space<vmem>>, vector<1x1000x128xf32>
    %get3A_8 = vector.shape_cast %get3A_7 : vector<1x1000x128xf32> to vector<1000x128xf32>
    %get3A_9 = arith.constant 0 : index
    %get3A_10 = arith.constant 0 : index
    %get3A_11 = vector.load %arg3[%get3A_9, %get3A_10] : memref<32x128xf32, #tpu.memory_space<vmem>>, vector<32x128xf32>
    %dot_general3A = arith.constant dense<0.000000e+00> : vector<1000x128xf32>
    %dot_general3A_12 = tpu.matmul %get3A_3, %get3A_11, %dot_general3A {dimension_numbers = #tpu.dot_dimension_numbers<[1], [0], [0], [1], [0, 0, 1, 1], [], []>, transpose_lhs_hint = false} : vector<1000x32xf32>, vector<32x128xf32>, vector<1000x128xf32> -> vector<1000x128xf32>
    %get3A_13 = arith.constant 0 : index
    %get3A_14 = arith.constant 0 : index
    %get3A_15 = vector.load %arg4[%get3A_13, %get3A_14] : memref<128x128xf32, #tpu.memory_space<vmem>>, vector<128x128xf32>
    %dot_general3A_16 = arith.constant dense<0.000000e+00> : vector<1000x128xf32>
    %dot_general3A_17 = tpu.matmul %get3A_8, %get3A_15, %dot_general3A_16 {dimension_numbers = #tpu.dot_dimension_numbers<[1], [0], [0], [1], [0, 0, 1, 1], [], []>, transpose_lhs_hint = false} : vector<1000x128xf32>, vector<128x128xf32>, vector<1000x128xf32> -> vector<1000x128xf32>
    %add3A = arith.addf %dot_general3A_12, %dot_general3A_17 : vector<1000x128xf32>
    %get3A_18 = arith.constant 0 : index
    %get3A_19 = arith.constant 0 : index
    %get3A_20 = vector.load %arg5[%get3A_18, %get3A_19] : memref<1x128xf32, #tpu.memory_space<vmem>>, vector<1x128xf32>
    %add3A_21 = vector.broadcast %get3A_20 : vector<1x128xf32> to vector<1000x128xf32>
    %add3A_22 = arith.addf %add3A, %add3A_21 : vector<1000x128xf32>
    %swap3A = arith.constant 0 : index
    %swap3A_23 = arith.constant 0 : index
    %swap3A_24 = arith.constant 0 : index
    %swap3A_25 = vector.load %arg12[%swap3A, %swap3A_23, %swap3A_24] : memref<4x1000x128xf32, #tpu.memory_space<vmem>>, vector<1x1000x128xf32>
    %swap3A_26 = vector.shape_cast %swap3A_25 : vector<1x1000x128xf32> to vector<1000x128xf32>
    %swap3A_27 = vector.shape_cast %add3A_22 : vector<1000x128xf32> to vector<1x1000x128xf32>
    tpu.vector_store %arg12[%swap3A, %swap3A_23, %swap3A_24], %swap3A_27 {strides = array<i32>} : memref<4x1000x128xf32, #tpu.memory_space<vmem>>, vector<1x1000x128xf32>,
    %get3A_28 = arith.constant 0 : index
    %get3A_29 = arith.constant 0 : index
    %get3A_30 = vector.load %arg6[%get3A_28, %get3A_29] : memref<32x32xf32, #tpu.memory_space<vmem>>, vector<32x32xf32>
    %dot_general3A_31 = arith.constant dense<0.000000e+00> : vector<1000x32xf32>
    %dot_general3A_32 = tpu.matmul %get3A_3, %get3A_30, %dot_general3A_31 {dimension_numbers = #tpu.dot_dimension_numbers<[1], [0], [0], [1], [0, 0, 1, 1], [], []>, transpose_lhs_hint = false} : vector<1000x32xf32>, vector<32x32xf32>, vector<1000x32xf32> -> vector<1000x32xf32>
    %get3A_33 = arith.constant 0 : index
    %get3A_34 = arith.constant 0 : index
    %get3A_35 = vector.load %arg7[%get3A_33, %get3A_34] : memref<1x32xf32, #tpu.memory_space<vmem>>, vector<1x32xf32>
    %add3A_36 = vector.broadcast %get3A_35 : vector<1x32xf32> to vector<1000x32xf32>
    %add3A_37 = arith.addf %dot_general3A_32, %add3A_36 : vector<1000x32xf32>
    %swap3A_38 = arith.constant 0 : index
    %swap3A_39 = arith.constant 0 : index
    %swap3A_40 = arith.constant 0 : index
    %swap3A_41 = vector.load %arg13[%swap3A_38, %swap3A_39, %swap3A_40] : memref<4x1000x32xf32, #tpu.memory_space<vmem>>, vector<1x1000x32xf32>
    %swap3A_42 = vector.shape_cast %swap3A_41 : vector<1x1000x32xf32> to vector<1000x32xf32>
    %swap3A_43 = vector.shape_cast %add3A_37 : vector<1000x32xf32> to vector<1x1000x32xf32>
    tpu.vector_store %arg13[%swap3A_38, %swap3A_39, %swap3A_40], %swap3A_43 {strides = array<i32>} : memref<4x1000x32xf32, #tpu.memory_space<vmem>>, vector<1x1000x32xf32>,
    %get3A_44 = arith.constant 0 : index
    %get3A_45 = arith.constant 0 : index
    %get3A_46 = vector.load %arg8[%get3A_44, %get3A_45] : memref<32x32xf32, #tpu.memory_space<vmem>>, vector<32x32xf32>
    %dot_general3A_47 = arith.constant dense<0.000000e+00> : vector<1000x32xf32>
    %dot_general3A_48 = tpu.matmul %get3A_3, %get3A_46, %dot_general3A_47 {dimension_numbers = #tpu.dot_dimension_numbers<[1], [0], [0], [1], [0, 0, 1, 1], [], []>, transpose_lhs_hint = false} : vector<1000x32xf32>, vector<32x32xf32>, vector<1000x32xf32> -> vector<1000x32xf32>
    %get3A_49 = arith.constant 0 : index
    %get3A_50 = arith.constant 0 : index
    %get3A_51 = vector.load %arg9[%get3A_49, %get3A_50] : memref<1x32xf32, #tpu.memory_space<vmem>>, vector<1x32xf32>
    %add3A_52 = vector.broadcast %get3A_51 : vector<1x32xf32> to vector<1000x32xf32>
    %add3A_53 = arith.addf %dot_general3A_48, %add3A_52 : vector<1000x32xf32>
    %get3A_54 = arith.constant 0 : index
    %get3A_55 = arith.constant 0 : index
    %get3A_56 = vector.load %arg10[%get3A_54, %get3A_55] : memref<32x32xf32, #tpu.memory_space<vmem>>, vector<32x32xf32>
    %dot_general3A_57 = arith.constant dense<0.000000e+00> : vector<1000x32xf32>
    %dot_general3A_58 = tpu.matmul %get3A_3, %get3A_56, %dot_general3A_57 {dimension_numbers = #tpu.dot_dimension_numbers<[1], [0], [0], [1], [0, 0, 1, 1], [], []>, transpose_lhs_hint = false} : vector<1000x32xf32>, vector<32x32xf32>, vector<1000x32xf32> -> vector<1000x32xf32>
    %get3A_59 = arith.constant 0 : index
    %get3A_60 = arith.constant 0 : index
    %get3A_61 = vector.load %arg11[%get3A_59, %get3A_60] : memref<1x32xf32, #tpu.memory_space<vmem>>, vector<1x32xf32>
    %add3A_62 = vector.broadcast %get3A_61 : vector<1x32xf32> to vector<1000x32xf32>
    %add3A_63 = arith.addf %dot_general3A_58, %add3A_62 : vector<1000x32xf32>
    %get3A_64 = arith.constant 1 : index
    %get3A_65 = arith.constant 0 : index
    %get3A_66 = arith.constant 0 : index
    %get3A_67 = vector.load %arg1[%get3A_64, %get3A_65, %get3A_66] : memref<4x1000x32xf32, #tpu.memory_space<vmem>>, vector<1x1000x32xf32>
    %get3A_68 = vector.shape_cast %get3A_67 : vector<1x1000x32xf32> to vector<1000x32xf32>
    %get3A_69 = arith.constant 1 : index
    %get3A_70 = arith.constant 0 : index
    %get3A_71 = arith.constant 0 : index
    %get3A_72 = vector.load %arg2[%get3A_69, %get3A_70, %get3A_71] : memref<4x1000x128xf32, #tpu.memory_space<vmem>>, vector<1x1000x128xf32>
    %get3A_73 = vector.shape_cast %get3A_72 : vector<1x1000x128xf32> to vector<1000x128xf32>
    %get3A_74 = arith.constant 0 : index
    %get3A_75 = arith.constant 0 : index
    %get3A_76 = vector.load %arg3[%get3A_74, %get3A_75] : memref<32x128xf32, #tpu.memory_space<vmem>>, vector<32x128xf32>
    %dot_general3A_77 = arith.constant dense<0.000000e+00> : vector<1000x128xf32>
    %dot_general3A_78 = tpu.matmul %get3A_68, %get3A_76, %dot_general3A_77 {dimension_numbers = #tpu.dot_dimension_numbers<[1], [0], [0], [1], [0, 0, 1, 1], [], []>, transpose_lhs_hint = false} : vector<1000x32xf32>, vector<32x128xf32>, vector<1000x128xf32> -> vector<1000x128xf32>
    %get3A_79 = arith.constant 0 : index
    %get3A_80 = arith.constant 0 : index
    %get3A_81 = vector.load %arg4[%get3A_79, %get3A_80] : memref<128x128xf32, #tpu.memory_space<vmem>>, vector<128x128xf32>
    %dot_general3A_82 = arith.constant dense<0.000000e+00> : vector<1000x128xf32>
    %dot_general3A_83 = tpu.matmul %get3A_73, %get3A_81, %dot_general3A_82 {dimension_numbers = #tpu.dot_dimension_numbers<[1], [0], [0], [1], [0, 0, 1, 1], [], []>, transpose_lhs_hint = false} : vector<1000x128xf32>, vector<128x128xf32>, vector<1000x128xf32> -> vector<1000x128xf32>
    %add3A_84 = arith.addf %dot_general3A_78, %dot_general3A_83 : vector<1000x128xf32>
    %get3A_85 = arith.constant 0 : index
    %get3A_86 = arith.constant 0 : index
    %get3A_87 = vector.load %arg5[%get3A_85, %get3A_86] : memref<1x128xf32, #tpu.memory_space<vmem>>, vector<1x128xf32>
    %add3A_88 = vector.broadcast %get3A_87 : vector<1x128xf32> to vector<1000x128xf32>
    %add3A_89 = arith.addf %add3A_84, %add3A_88 : vector<1000x128xf32>
    %swap3A_90 = arith.constant 1 : index
    %swap3A_91 = arith.constant 0 : index
    %swap3A_92 = arith.constant 0 : index
    %swap3A_93 = vector.load %arg12[%swap3A_90, %swap3A_91, %swap3A_92] : memref<4x1000x128xf32, #tpu.memory_space<vmem>>, vector<1x1000x128xf32>
    %swap3A_94 = vector.shape_cast %swap3A_93 : vector<1x1000x128xf32> to vector<1000x128xf32>
    %swap3A_95 = vector.shape_cast %add3A_89 : vector<1000x128xf32> to vector<1x1000x128xf32>
    tpu.vector_store %arg12[%swap3A_90, %swap3A_91, %swap3A_92], %swap3A_95 {strides = array<i32>} : memref<4x1000x128xf32, #tpu.memory_space<vmem>>, vector<1x1000x128xf32>,
    %get3A_96 = arith.constant 0 : index
    %get3A_97 = arith.constant 0 : index
    %get3A_98 = vector.load %arg6[%get3A_96, %get3A_97] : memref<32x32xf32, #tpu.memory_space<vmem>>, vector<32x32xf32>
    %dot_general3A_99 = arith.constant dense<0.000000e+00> : vector<1000x32xf32>
    %dot_general3A_100 = tpu.matmul %get3A_68, %get3A_98, %dot_general3A_99 {dimension_numbers = #tpu.dot_dimension_numbers<[1], [0], [0], [1], [0, 0, 1, 1], [], []>, transpose_lhs_hint = false} : vector<1000x32xf32>, vector<32x32xf32>, vector<1000x32xf32> -> vector<1000x32xf32>
    %get3A_101 = arith.constant 0 : index
    %get3A_102 = arith.constant 0 : index
    %get3A_103 = vector.load %arg7[%get3A_101, %get3A_102] : memref<1x32xf32, #tpu.memory_space<vmem>>, vector<1x32xf32>
    %add3A_104 = vector.broadcast %get3A_103 : vector<1x32xf32> to vector<1000x32xf32>
    %add3A_105 = arith.addf %dot_general3A_100, %add3A_104 : vector<1000x32xf32>
    %swap3A_106 = arith.constant 1 : index
    %swap3A_107 = arith.constant 0 : index
    %swap3A_108 = arith.constant 0 : index
    %swap3A_109 = vector.load %arg13[%swap3A_106, %swap3A_107, %swap3A_108] : memref<4x1000x32xf32, #tpu.memory_space<vmem>>, vector<1x1000x32xf32>
    %swap3A_110 = vector.shape_cast %swap3A_109 : vector<1x1000x32xf32> to vector<1000x32xf32>
    %swap3A_111 = vector.shape_cast %add3A_105 : vector<1000x32xf32> to vector<1x1000x32xf32>
    tpu.vector_store %arg13[%swap3A_106, %swap3A_107, %swap3A_108], %swap3A_111 {strides = array<i32>} : memref<4x1000x32xf32, #tpu.memory_space<vmem>>, vector<1x1000x32xf32>,
    %get3A_112 = arith.constant 0 : index
    %get3A_113 = arith.constant 0 : index
    %get3A_114 = vector.load %arg8[%get3A_112, %get3A_113] : memref<32x32xf32, #tpu.memory_space<vmem>>, vector<32x32xf32>
    %dot_general3A_115 = arith.constant dense<0.000000e+00> : vector<1000x32xf32>
    %dot_general3A_116 = tpu.matmul %get3A_68, %get3A_114, %dot_general3A_115 {dimension_numbers = #tpu.dot_dimension_numbers<[1], [0], [0], [1], [0, 0, 1, 1], [], []>, transpose_lhs_hint = false} : vector<1000x32xf32>, vector<32x32xf32>, vector<1000x32xf32> -> vector<1000x32xf32>
    %get3A_117 = arith.constant 0 : index
    %get3A_118 = arith.constant 0 : index
    %get3A_119 = vector.load %arg9[%get3A_117, %get3A_118] : memref<1x32xf32, #tpu.memory_space<vmem>>, vector<1x32xf32>
    %add3A_120 = vector.broadcast %get3A_119 : vector<1x32xf32> to vector<1000x32xf32>
    %add3A_121 = arith.addf %dot_general3A_116, %add3A_120 : vector<1000x32xf32>
    %get3A_122 = arith.constant 0 : index
    %get3A_123 = arith.constant 0 : index
    %get3A_124 = vector.load %arg10[%get3A_122, %get3A_123] : memref<32x32xf32, #tpu.memory_space<vmem>>, vector<32x32xf32>
    %dot_general3A_125 = arith.constant dense<0.000000e+00> : vector<1000x32xf32>
    %dot_general3A_126 = tpu.matmul %get3A_68, %get3A_124, %dot_general3A_125 {dimension_numbers = #tpu.dot_dimension_numbers<[1], [0], [0], [1], [0, 0, 1, 1], [], []>, transpose_lhs_hint = false} : vector<1000x32xf32>, vector<32x32xf32>, vector<1000x32xf32> -> vector<1000x32xf32>
    %get3A_127 = arith.constant 0 : index
    %get3A_128 = arith.constant 0 : index
    %get3A_129 = vector.load %arg11[%get3A_127, %get3A_128] : memref<1x32xf32, #tpu.memory_space<vmem>>, vector<1x32xf32>
    %add3A_130 = vector.broadcast %get3A_129 : vector<1x32xf32> to vector<1000x32xf32>
    %add3A_131 = arith.addf %dot_general3A_126, %add3A_130 : vector<1000x32xf32>
    %get3A_132 = arith.constant 2 : index
    %get3A_133 = arith.constant 0 : index
    %get3A_134 = arith.constant 0 : index
    %get3A_135 = vector.load %arg1[%get3A_132, %get3A_133, %get3A_134] : memref<4x1000x32xf32, #tpu.memory_space<vmem>>, vector<1x1000x32xf32>
    %get3A_136 = vector.shape_cast %get3A_135 : vector<1x1000x32xf32> to vector<1000x32xf32>
    %get3A_137 = arith.constant 2 : index
    %get3A_138 = arith.constant 0 : index
    %get3A_139 = arith.constant 0 : index
    %get3A_140 = vector.load %arg2[%get3A_137, %get3A_138, %get3A_139] : memref<4x1000x128xf32, #tpu.memory_space<vmem>>, vector<1x1000x128xf32>
    %get3A_141 = vector.shape_cast %get3A_140 : vector<1x1000x128xf32> to vector<1000x128xf32>
    %get3A_142 = arith.constant 0 : index
    %get3A_143 = arith.constant 0 : index
    %get3A_144 = vector.load %arg3[%get3A_142, %get3A_143] : memref<32x128xf32, #tpu.memory_space<vmem>>, vector<32x128xf32>
    %dot_general3A_145 = arith.constant dense<0.000000e+00> : vector<1000x128xf32>
    %dot_general3A_146 = tpu.matmul %get3A_136, %get3A_144, %dot_general3A_145 {dimension_numbers = #tpu.dot_dimension_numbers<[1], [0], [0], [1], [0, 0, 1, 1], [], []>, transpose_lhs_hint = false} : vector<1000x32xf32>, vector<32x128xf32>, vector<1000x128xf32> -> vector<1000x128xf32>
    %get3A_147 = arith.constant 0 : index
    %get3A_148 = arith.constant 0 : index
    %get3A_149 = vector.load %arg4[%get3A_147, %get3A_148] : memref<128x128xf32, #tpu.memory_space<vmem>>, vector<128x128xf32>
    %dot_general3A_150 = arith.constant dense<0.000000e+00> : vector<1000x128xf32>
    %dot_general3A_151 = tpu.matmul %get3A_141, %get3A_149, %dot_general3A_150 {dimension_numbers = #tpu.dot_dimension_numbers<[1], [0], [0], [1], [0, 0, 1, 1], [], []>, transpose_lhs_hint = false} : vector<1000x128xf32>, vector<128x128xf32>, vector<1000x128xf32> -> vector<1000x128xf32>
    %add3A_152 = arith.addf %dot_general3A_146, %dot_general3A_151 : vector<1000x128xf32>
    %get3A_153 = arith.constant 0 : index
    %get3A_154 = arith.constant 0 : index
    %get3A_155 = vector.load %arg5[%get3A_153, %get3A_154] : memref<1x128xf32, #tpu.memory_space<vmem>>, vector<1x128xf32>
    %add3A_156 = vector.broadcast %get3A_155 : vector<1x128xf32> to vector<1000x128xf32>
    %add3A_157 = arith.addf %add3A_152, %add3A_156 : vector<1000x128xf32>
    %swap3A_158 = arith.constant 2 : index
    %swap3A_159 = arith.constant 0 : index
    %swap3A_160 = arith.constant 0 : index
    %swap3A_161 = vector.load %arg12[%swap3A_158, %swap3A_159, %swap3A_160] : memref<4x1000x128xf32, #tpu.memory_space<vmem>>, vector<1x1000x128xf32>
    %swap3A_162 = vector.shape_cast %swap3A_161 : vector<1x1000x128xf32> to vector<1000x128xf32>
    %swap3A_163 = vector.shape_cast %add3A_157 : vector<1000x128xf32> to vector<1x1000x128xf32>
    tpu.vector_store %arg12[%swap3A_158, %swap3A_159, %swap3A_160], %swap3A_163 {strides = array<i32>} : memref<4x1000x128xf32, #tpu.memory_space<vmem>>, vector<1x1000x128xf32>,
    %get3A_164 = arith.constant 0 : index
    %get3A_165 = arith.constant 0 : index
    %get3A_166 = vector.load %arg6[%get3A_164, %get3A_165] : memref<32x32xf32, #tpu.memory_space<vmem>>, vector<32x32xf32>
    %dot_general3A_167 = arith.constant dense<0.000000e+00> : vector<1000x32xf32>
    %dot_general3A_168 = tpu.matmul %get3A_136, %get3A_166, %dot_general3A_167 {dimension_numbers = #tpu.dot_dimension_numbers<[1], [0], [0], [1], [0, 0, 1, 1], [], []>, transpose_lhs_hint = false} : vector<1000x32xf32>, vector<32x32xf32>, vector<1000x32xf32> -> vector<1000x32xf32>
    %get3A_169 = arith.constant 0 : index
    %get3A_170 = arith.constant 0 : index
    %get3A_171 = vector.load %arg7[%get3A_169, %get3A_170] : memref<1x32xf32, #tpu.memory_space<vmem>>, vector<1x32xf32>
    %add3A_172 = vector.broadcast %get3A_171 : vector<1x32xf32> to vector<1000x32xf32>
    %add3A_173 = arith.addf %dot_general3A_168, %add3A_172 : vector<1000x32xf32>
    %swap3A_174 = arith.constant 2 : index
    %swap3A_175 = arith.constant 0 : index
    %swap3A_176 = arith.constant 0 : index
    %swap3A_177 = vector.load %arg13[%swap3A_174, %swap3A_175, %swap3A_176] : memref<4x1000x32xf32, #tpu.memory_space<vmem>>, vector<1x1000x32xf32>
    %swap3A_178 = vector.shape_cast %swap3A_177 : vector<1x1000x32xf32> to vector<1000x32xf32>
    %swap3A_179 = vector.shape_cast %add3A_173 : vector<1000x32xf32> to vector<1x1000x32xf32>
    tpu.vector_store %arg13[%swap3A_174, %swap3A_175, %swap3A_176], %swap3A_179 {strides = array<i32>} : memref<4x1000x32xf32, #tpu.memory_space<vmem>>, vector<1x1000x32xf32>,
    %get3A_180 = arith.constant 0 : index
    %get3A_181 = arith.constant 0 : index
    %get3A_182 = vector.load %arg8[%get3A_180, %get3A_181] : memref<32x32xf32, #tpu.memory_space<vmem>>, vector<32x32xf32>
    %dot_general3A_183 = arith.constant dense<0.000000e+00> : vector<1000x32xf32>
    %dot_general3A_184 = tpu.matmul %get3A_136, %get3A_182, %dot_general3A_183 {dimension_numbers = #tpu.dot_dimension_numbers<[1], [0], [0], [1], [0, 0, 1, 1], [], []>, transpose_lhs_hint = false} : vector<1000x32xf32>, vector<32x32xf32>, vector<1000x32xf32> -> vector<1000x32xf32>
    %get3A_185 = arith.constant 0 : index
    %get3A_186 = arith.constant 0 : index
    %get3A_187 = vector.load %arg9[%get3A_185, %get3A_186] : memref<1x32xf32, #tpu.memory_space<vmem>>, vector<1x32xf32>
    %add3A_188 = vector.broadcast %get3A_187 : vector<1x32xf32> to vector<1000x32xf32>
    %add3A_189 = arith.addf %dot_general3A_184, %add3A_188 : vector<1000x32xf32>
    %get3A_190 = arith.constant 0 : index
    %get3A_191 = arith.constant 0 : index
    %get3A_192 = vector.load %arg10[%get3A_190, %get3A_191] : memref<32x32xf32, #tpu.memory_space<vmem>>, vector<32x32xf32>
    %dot_general3A_193 = arith.constant dense<0.000000e+00> : vector<1000x32xf32>
    %dot_general3A_194 = tpu.matmul %get3A_136, %get3A_192, %dot_general3A_193 {dimension_numbers = #tpu.dot_dimension_numbers<[1], [0], [0], [1], [0, 0, 1, 1], [], []>, transpose_lhs_hint = false} : vector<1000x32xf32>, vector<32x32xf32>, vector<1000x32xf32> -> vector<1000x32xf32>
    %get3A_195 = arith.constant 0 : index
    %get3A_196 = arith.constant 0 : index
    %get3A_197 = vector.load %arg11[%get3A_195, %get3A_196] : memref<1x32xf32, #tpu.memory_space<vmem>>, vector<1x32xf32>
    %add3A_198 = vector.broadcast %get3A_197 : vector<1x32xf32> to vector<1000x32xf32>
    %add3A_199 = arith.addf %dot_general3A_194, %add3A_198 : vector<1000x32xf32>
    %get3A_200 = arith.constant 3 : index
    %get3A_201 = arith.constant 0 : index
    %get3A_202 = arith.constant 0 : index
    %get3A_203 = vector.load %arg1[%get3A_200, %get3A_201, %get3A_202] : memref<4x1000x32xf32, #tpu.memory_space<vmem>>, vector<1x1000x32xf32>
    %get3A_204 = vector.shape_cast %get3A_203 : vector<1x1000x32xf32> to vector<1000x32xf32>
    %get3A_205 = arith.constant 3 : index
    %get3A_206 = arith.constant 0 : index
    %get3A_207 = arith.constant 0 : index
    %get3A_208 = vector.load %arg2[%get3A_205, %get3A_206, %get3A_207] : memref<4x1000x128xf32, #tpu.memory_space<vmem>>, vector<1x1000x128xf32>
    %get3A_209 = vector.shape_cast %get3A_208 : vector<1x1000x128xf32> to vector<1000x128xf32>
    %get3A_210 = arith.constant 0 : index
    %get3A_211 = arith.constant 0 : index
    %get3A_212 = vector.load %arg3[%get3A_210, %get3A_211] : memref<32x128xf32, #tpu.memory_space<vmem>>, vector<32x128xf32>
    %dot_general3A_213 = arith.constant dense<0.000000e+00> : vector<1000x128xf32>
    %dot_general3A_214 = tpu.matmul %get3A_204, %get3A_212, %dot_general3A_213 {dimension_numbers = #tpu.dot_dimension_numbers<[1], [0], [0], [1], [0, 0, 1, 1], [], []>, transpose_lhs_hint = false} : vector<1000x32xf32>, vector<32x128xf32>, vector<1000x128xf32> -> vector<1000x128xf32>
    %get3A_215 = arith.constant 0 : index
    %get3A_216 = arith.constant 0 : index
    %get3A_217 = vector.load %arg4[%get3A_215, %get3A_216] : memref<128x128xf32, #tpu.memory_space<vmem>>, vector<128x128xf32>
    %dot_general3A_218 = arith.constant dense<0.000000e+00> : vector<1000x128xf32>
    %dot_general3A_219 = tpu.matmul %get3A_209, %get3A_217, %dot_general3A_218 {dimension_numbers = #tpu.dot_dimension_numbers<[1], [0], [0], [1], [0, 0, 1, 1], [], []>, transpose_lhs_hint = false} : vector<1000x128xf32>, vector<128x128xf32>, vector<1000x128xf32> -> vector<1000x128xf32>
    %add3A_220 = arith.addf %dot_general3A_214, %dot_general3A_219 : vector<1000x128xf32>
    %get3A_221 = arith.constant 0 : index
    %get3A_222 = arith.constant 0 : index
    %get3A_223 = vector.load %arg5[%get3A_221, %get3A_222] : memref<1x128xf32, #tpu.memory_space<vmem>>, vector<1x128xf32>
    %add3A_224 = vector.broadcast %get3A_223 : vector<1x128xf32> to vector<1000x128xf32>
    %add3A_225 = arith.addf %add3A_220, %add3A_224 : vector<1000x128xf32>
    %swap3A_226 = arith.constant 3 : index
    %swap3A_227 = arith.constant 0 : index
    %swap3A_228 = arith.constant 0 : index
    %swap3A_229 = vector.load %arg12[%swap3A_226, %swap3A_227, %swap3A_228] : memref<4x1000x128xf32, #tpu.memory_space<vmem>>, vector<1x1000x128xf32>
    %swap3A_230 = vector.shape_cast %swap3A_229 : vector<1x1000x128xf32> to vector<1000x128xf32>
    %swap3A_231 = vector.shape_cast %add3A_225 : vector<1000x128xf32> to vector<1x1000x128xf32>
    tpu.vector_store %arg12[%swap3A_226, %swap3A_227, %swap3A_228], %swap3A_231 {strides = array<i32>} : memref<4x1000x128xf32, #tpu.memory_space<vmem>>, vector<1x1000x128xf32>,
    %get3A_232 = arith.constant 0 : index
    %get3A_233 = arith.constant 0 : index
    %get3A_234 = vector.load %arg6[%get3A_232, %get3A_233] : memref<32x32xf32, #tpu.memory_space<vmem>>, vector<32x32xf32>
    %dot_general3A_235 = arith.constant dense<0.000000e+00> : vector<1000x32xf32>
    %dot_general3A_236 = tpu.matmul %get3A_204, %get3A_234, %dot_general3A_235 {dimension_numbers = #tpu.dot_dimension_numbers<[1], [0], [0], [1], [0, 0, 1, 1], [], []>, transpose_lhs_hint = false} : vector<1000x32xf32>, vector<32x32xf32>, vector<1000x32xf32> -> vector<1000x32xf32>
    %get3A_237 = arith.constant 0 : index
    %get3A_238 = arith.constant 0 : index
    %get3A_239 = vector.load %arg7[%get3A_237, %get3A_238] : memref<1x32xf32, #tpu.memory_space<vmem>>, vector<1x32xf32>
    %add3A_240 = vector.broadcast %get3A_239 : vector<1x32xf32> to vector<1000x32xf32>
    %add3A_241 = arith.addf %dot_general3A_236, %add3A_240 : vector<1000x32xf32>
    %swap3A_242 = arith.constant 3 : index
    %swap3A_243 = arith.constant 0 : index
    %swap3A_244 = arith.constant 0 : index
    %swap3A_245 = vector.load %arg13[%swap3A_242, %swap3A_243, %swap3A_244] : memref<4x1000x32xf32, #tpu.memory_space<vmem>>, vector<1x1000x32xf32>
    %swap3A_246 = vector.shape_cast %swap3A_245 : vector<1x1000x32xf32> to vector<1000x32xf32>
    %swap3A_247 = vector.shape_cast %add3A_241 : vector<1000x32xf32> to vector<1x1000x32xf32>
    tpu.vector_store %arg13[%swap3A_242, %swap3A_243, %swap3A_244], %swap3A_247 {strides = array<i32>} : memref<4x1000x32xf32, #tpu.memory_space<vmem>>, vector<1x1000x32xf32>,
    %get3A_248 = arith.constant 0 : index
    %get3A_249 = arith.constant 0 : index
    %get3A_250 = vector.load %arg8[%get3A_248, %get3A_249] : memref<32x32xf32, #tpu.memory_space<vmem>>, vector<32x32xf32>
    %dot_general3A_251 = arith.constant dense<0.000000e+00> : vector<1000x32xf32>
    %dot_general3A_252 = tpu.matmul %get3A_204, %get3A_250, %dot_general3A_251 {dimension_numbers = #tpu.dot_dimension_numbers<[1], [0], [0], [1], [0, 0, 1, 1], [], []>, transpose_lhs_hint = false} : vector<1000x32xf32>, vector<32x32xf32>, vector<1000x32xf32> -> vector<1000x32xf32>
    %get3A_253 = arith.constant 0 : index
    %get3A_254 = arith.constant 0 : index
    %get3A_255 = vector.load %arg9[%get3A_253, %get3A_254] : memref<1x32xf32, #tpu.memory_space<vmem>>, vector<1x32xf32>
    %add3A_256 = vector.broadcast %get3A_255 : vector<1x32xf32> to vector<1000x32xf32>
    %add3A_257 = arith.addf %dot_general3A_252, %add3A_256 : vector<1000x32xf32>
    %get3A_258 = arith.constant 0 : index
    %get3A_259 = arith.constant 0 : index
    %get3A_260 = vector.load %arg10[%get3A_258, %get3A_259] : memref<32x32xf32, #tpu.memory_space<vmem>>, vector<32x32xf32>
    %dot_general3A_261 = arith.constant dense<0.000000e+00> : vector<1000x32xf32>
    %dot_general3A_262 = tpu.matmul %get3A_204, %get3A_260, %dot_general3A_261 {dimension_numbers = #tpu.dot_dimension_numbers<[1], [0], [0], [1], [0, 0, 1, 1], [], []>, transpose_lhs_hint = false} : vector<1000x32xf32>, vector<32x32xf32>, vector<1000x32xf32> -> vector<1000x32xf32>
    %get3A_263 = arith.constant 0 : index
    %get3A_264 = arith.constant 0 : index
    %get3A_265 = vector.load %arg11[%get3A_263, %get3A_264] : memref<1x32xf32, #tpu.memory_space<vmem>>, vector<1x32xf32>
    %add3A_266 = vector.broadcast %get3A_265 : vector<1x32xf32> to vector<1000x32xf32>
    %add3A_267 = arith.addf %dot_general3A_262, %add3A_266 : vector<1000x32xf32>
    %concatenate3A = tpu.concatenate %add3A_53, %add3A_121, %add3A_189, %add3A_257 in 1 : vector<1000x32xf32>, vector<1000x32xf32>, vector<1000x32xf32>, vector<1000x32xf32> -> vector<1000x128xf32>
    %swap3A_268 = arith.constant 0 : index
    %swap3A_269 = arith.constant 0 : index
    %swap3A_270 = vector.load %arg14[%swap3A_268, %swap3A_269] : memref<1000x128xf32, #tpu.memory_space<vmem>>, vector<1000x128xf32>
    tpu.vector_store %arg14[%swap3A_268, %swap3A_269], %concatenate3A {strides = array<i32>} : memref<1000x128xf32, #tpu.memory_space<vmem>>, vector<1000x128xf32>,
    %concatenate3A_271 = tpu.concatenate %add3A_63, %add3A_131, %add3A_199, %add3A_267 in 1 : vector<1000x32xf32>, vector<1000x32xf32>, vector<1000x32xf32>, vector<1000x32xf32> -> vector<1000x128xf32>
    %swap3A_272 = arith.constant 0 : index
    %swap3A_273 = arith.constant 0 : index
    %swap3A_274 = vector.load %arg15[%swap3A_272, %swap3A_273] : memref<1000x128xf32, #tpu.memory_space<vmem>>, vector<1000x128xf32>
    tpu.vector_store %arg15[%swap3A_272, %swap3A_273], %concatenate3A_271 {strides = array<i32>} : memref<1000x128xf32, #tpu.memory_space<vmem>>, vector<1000x128xf32>,
    return
  }
  func.func @transform_0(%arg0: i32) -> (i32, i32, i32) {
    %c0_i32 = arith.constant 0 : i32
    %c0_i32_0 = arith.constant 0 : i32
    %c0_i32_1 = arith.constant 0 : i32
    return %c0_i32, %arg0, %c0_i32_0 : i32, i32, i32
  }
  func.func @transform_1(%arg0: i32) -> (i32, i32, i32) {
    %c0_i32 = arith.constant 0 : i32
    %c0_i32_0 = arith.constant 0 : i32
    %c0_i32_1 = arith.constant 0 : i32
    return %c0_i32, %arg0, %c0_i32_0 : i32, i32, i32
  }
  func.func @transform_2(%arg0: i32) -> (i32, i32) {
    %c0_i32 = arith.constant 0 : i32
    %c0_i32_0 = arith.constant 0 : i32
    %c0_i32_1 = arith.constant 0 : i32
    return %c0_i32, %c0_i32_0 : i32, i32
  }
  func.func @transform_3(%arg0: i32) -> (i32, i32) {
    %c0_i32 = arith.constant 0 : i32
    %c0_i32_0 = arith.constant 0 : i32
    %c0_i32_1 = arith.constant 0 : i32
    return %c0_i32, %c0_i32_0 : i32, i32
  }
  func.func @transform_4(%arg0: i32) -> (i32, i32) {
    %c0_i32 = arith.constant 0 : i32
    %c0_i32_0 = arith.constant 0 : i32
    %c0_i32_1 = arith.constant 0 : i32
    return %c0_i32, %c0_i32_0 : i32, i32
  }
  func.func @transform_5(%arg0: i32) -> (i32, i32) {
    %c0_i32 = arith.constant 0 : i32
    %c0_i32_0 = arith.constant 0 : i32
    %c0_i32_1 = arith.constant 0 : i32
    return %c0_i32, %c0_i32_0 : i32, i32
  }
  func.func @transform_6(%arg0: i32) -> (i32, i32) {
    %c0_i32 = arith.constant 0 : i32
    %c0_i32_0 = arith.constant 0 : i32
    %c0_i32_1 = arith.constant 0 : i32
    return %c0_i32, %c0_i32_0 : i32, i32
  }
  func.func @transform_7(%arg0: i32) -> (i32, i32) {
    %c0_i32 = arith.constant 0 : i32
    %c0_i32_0 = arith.constant 0 : i32
    %c0_i32_1 = arith.constant 0 : i32
    return %c0_i32, %c0_i32_0 : i32, i32
  }
  func.func @transform_8(%arg0: i32) -> (i32, i32) {
    %c0_i32 = arith.constant 0 : i32
    %c0_i32_0 = arith.constant 0 : i32
    %c0_i32_1 = arith.constant 0 : i32
    return %c0_i32, %c0_i32_0 : i32, i32
  }
  func.func @transform_9(%arg0: i32) -> (i32, i32) {
    %c0_i32 = arith.constant 0 : i32
    %c0_i32_0 = arith.constant 0 : i32
    %c0_i32_1 = arith.constant 0 : i32
    return %c0_i32, %c0_i32_0 : i32, i32
  }
  func.func @transform_10(%arg0: i32) -> (i32, i32) {
    %c0_i32 = arith.constant 0 : i32
    %c0_i32_0 = arith.constant 0 : i32
    %c0_i32_1 = arith.constant 0 : i32
    return %c0_i32, %c0_i32_0 : i32, i32
  }
  func.func @transform_11(%arg0: i32) -> (i32, i32, i32) {
    %c0_i32 = arith.constant 0 : i32
    %c0_i32_0 = arith.constant 0 : i32
    %c0_i32_1 = arith.constant 0 : i32
    return %c0_i32, %arg0, %c0_i32_0 : i32, i32, i32
  }
  func.func @transform_12(%arg0: i32) -> (i32, i32, i32) {
    %c0_i32 = arith.constant 0 : i32
    %c0_i32_0 = arith.constant 0 : i32
    %c0_i32_1 = arith.constant 0 : i32
    return %c0_i32, %arg0, %c0_i32_0 : i32, i32, i32
  }
  func.func @transform_13(%arg0: i32) -> (i32, i32) {
    %c0_i32 = arith.constant 0 : i32
    %c0_i32_0 = arith.constant 0 : i32
    return %arg0, %c0_i32 : i32, i32
  }
  func.func @transform_14(%arg0: i32) -> (i32, i32) {
    %c0_i32 = arith.constant 0 : i32
    %c0_i32_0 = arith.constant 0 : i32
    return %arg0, %c0_i32 : i32, i32
  }
}

module attributes {stable_mosaic.version = 14 : i64} {
  func.func @_k1a_body(%arg0: i32, %arg1: memref<4x1000x32xf32, #tpu.memory_space<vmem>>, %arg2: memref<4x1000x128xf32, #tpu.memory_space<vmem>>, %arg3: memref<32x32xf32, #tpu.memory_space<vmem>>, %arg4: memref<128x32xf32, #tpu.memory_space<vmem>>, %arg5: memref<1x32xf32, #tpu.memory_space<vmem>>, %arg6: memref<32x32xf32, #tpu.memory_space<vmem>>, %arg7: memref<128x32xf32, #tpu.memory_space<vmem>>, %arg8: memref<1x32xf32, #tpu.memory_space<vmem>>, %arg9: memref<1000x128xf32, #tpu.memory_space<vmem>>, %arg10: memref<1000x128xf32, #tpu.memory_space<vmem>>) attributes {dimension_semantics = [#tpu.dimension_semantics<arbitrary>], iteration_bounds = array<i64: 10>, scalar_prefetch = 0 : i64, scratch_operands = 0 : i64, tpu.core_type = #tpu.core_type<tc>, window_params = [{transform_indices = @transform_0, window_bounds = array<i64: 4, 1000, 32>}, {transform_indices = @transform_1, window_bounds = array<i64: 4, 1000, 128>}, {pipeline_mode = #tpu.pipeline_mode<synchronous>, transform_indices = @transform_2, window_bounds = array<i64: 32, 32>}, {pipeline_mode = #tpu.pipeline_mode<synchronous>, transform_indices = @transform_3, window_bounds = array<i64: 128, 32>}, {pipeline_mode = #tpu.pipeline_mode<synchronous>, transform_indices = @transform_4, window_bounds = array<i64: 1, 32>}, {pipeline_mode = #tpu.pipeline_mode<synchronous>, transform_indices = @transform_5, window_bounds = array<i64: 32, 32>}, {pipeline_mode = #tpu.pipeline_mode<synchronous>, transform_indices = @transform_6, window_bounds = array<i64: 128, 32>}, {pipeline_mode = #tpu.pipeline_mode<synchronous>, transform_indices = @transform_7, window_bounds = array<i64: 1, 32>}, {transform_indices = @transform_8, window_bounds = array<i64: 1000, 128>}, {transform_indices = @transform_9, window_bounds = array<i64: 1000, 128>}]} {
    %get3A = arith.constant 0 : index
    %get3A_0 = arith.constant 0 : index
    %get3A_1 = arith.constant 0 : index
    %get3A_2 = vector.load %arg1[%get3A, %get3A_0, %get3A_1] : memref<4x1000x32xf32, #tpu.memory_space<vmem>>, vector<1x1000x32xf32>
    %get3A_3 = vector.shape_cast %get3A_2 : vector<1x1000x32xf32> to vector<1000x32xf32>
    %get3A_4 = arith.constant 0 : index
    %get3A_5 = arith.constant 0 : index
    %get3A_6 = arith.constant 0 : index
    %get3A_7 = vector.load %arg2[%get3A_4, %get3A_5, %get3A_6] : memref<4x1000x128xf32, #tpu.memory_space<vmem>>, vector<1x1000x128xf32>
    %get3A_8 = vector.shape_cast %get3A_7 : vector<1x1000x128xf32> to vector<1000x128xf32>
    %get3A_9 = arith.constant 0 : index
    %get3A_10 = arith.constant 0 : index
    %get3A_11 = vector.load %arg3[%get3A_9, %get3A_10] : memref<32x32xf32, #tpu.memory_space<vmem>>, vector<32x32xf32>
    %dot_general3A = arith.constant dense<0.000000e+00> : vector<1000x32xf32>
    %dot_general3A_12 = tpu.matmul %get3A_3, %get3A_11, %dot_general3A {dimension_numbers = #tpu.dot_dimension_numbers<[1], [0], [0], [1], [0, 0, 1, 1], [], []>, transpose_lhs_hint = false} : vector<1000x32xf32>, vector<32x32xf32>, vector<1000x32xf32> -> vector<1000x32xf32>
    %get3A_13 = arith.constant 0 : index
    %get3A_14 = arith.constant 0 : index
    %get3A_15 = vector.load %arg4[%get3A_13, %get3A_14] : memref<128x32xf32, #tpu.memory_space<vmem>>, vector<128x32xf32>
    %dot_general3A_16 = arith.constant dense<0.000000e+00> : vector<1000x32xf32>
    %dot_general3A_17 = tpu.matmul %get3A_8, %get3A_15, %dot_general3A_16 {dimension_numbers = #tpu.dot_dimension_numbers<[1], [0], [0], [1], [0, 0, 1, 1], [], []>, transpose_lhs_hint = false} : vector<1000x128xf32>, vector<128x32xf32>, vector<1000x32xf32> -> vector<1000x32xf32>
    %add3A = arith.addf %dot_general3A_12, %dot_general3A_17 : vector<1000x32xf32>
    %get3A_18 = arith.constant 0 : index
    %get3A_19 = arith.constant 0 : index
    %get3A_20 = vector.load %arg5[%get3A_18, %get3A_19] : memref<1x32xf32, #tpu.memory_space<vmem>>, vector<1x32xf32>
    %add3A_21 = vector.broadcast %get3A_20 : vector<1x32xf32> to vector<1000x32xf32>
    %add3A_22 = arith.addf %add3A, %add3A_21 : vector<1000x32xf32>
    %get3A_23 = arith.constant 0 : index
    %get3A_24 = arith.constant 0 : index
    %get3A_25 = vector.load %arg6[%get3A_23, %get3A_24] : memref<32x32xf32, #tpu.memory_space<vmem>>, vector<32x32xf32>
    %dot_general3A_26 = arith.constant dense<0.000000e+00> : vector<1000x32xf32>
    %dot_general3A_27 = tpu.matmul %get3A_3, %get3A_25, %dot_general3A_26 {dimension_numbers = #tpu.dot_dimension_numbers<[1], [0], [0], [1], [0, 0, 1, 1], [], []>, transpose_lhs_hint = false} : vector<1000x32xf32>, vector<32x32xf32>, vector<1000x32xf32> -> vector<1000x32xf32>
    %get3A_28 = arith.constant 0 : index
    %get3A_29 = arith.constant 0 : index
    %get3A_30 = vector.load %arg7[%get3A_28, %get3A_29] : memref<128x32xf32, #tpu.memory_space<vmem>>, vector<128x32xf32>
    %dot_general3A_31 = arith.constant dense<0.000000e+00> : vector<1000x32xf32>
    %dot_general3A_32 = tpu.matmul %get3A_8, %get3A_30, %dot_general3A_31 {dimension_numbers = #tpu.dot_dimension_numbers<[1], [0], [0], [1], [0, 0, 1, 1], [], []>, transpose_lhs_hint = false} : vector<1000x128xf32>, vector<128x32xf32>, vector<1000x32xf32> -> vector<1000x32xf32>
    %add3A_33 = arith.addf %dot_general3A_27, %dot_general3A_32 : vector<1000x32xf32>
    %get3A_34 = arith.constant 0 : index
    %get3A_35 = arith.constant 0 : index
    %get3A_36 = vector.load %arg8[%get3A_34, %get3A_35] : memref<1x32xf32, #tpu.memory_space<vmem>>, vector<1x32xf32>
    %add3A_37 = vector.broadcast %get3A_36 : vector<1x32xf32> to vector<1000x32xf32>
    %add3A_38 = arith.addf %add3A_33, %add3A_37 : vector<1000x32xf32>
    %get3A_39 = arith.constant 1 : index
    %get3A_40 = arith.constant 0 : index
    %get3A_41 = arith.constant 0 : index
    %get3A_42 = vector.load %arg1[%get3A_39, %get3A_40, %get3A_41] : memref<4x1000x32xf32, #tpu.memory_space<vmem>>, vector<1x1000x32xf32>
    %get3A_43 = vector.shape_cast %get3A_42 : vector<1x1000x32xf32> to vector<1000x32xf32>
    %get3A_44 = arith.constant 1 : index
    %get3A_45 = arith.constant 0 : index
    %get3A_46 = arith.constant 0 : index
    %get3A_47 = vector.load %arg2[%get3A_44, %get3A_45, %get3A_46] : memref<4x1000x128xf32, #tpu.memory_space<vmem>>, vector<1x1000x128xf32>
    %get3A_48 = vector.shape_cast %get3A_47 : vector<1x1000x128xf32> to vector<1000x128xf32>
    %get3A_49 = arith.constant 0 : index
    %get3A_50 = arith.constant 0 : index
    %get3A_51 = vector.load %arg3[%get3A_49, %get3A_50] : memref<32x32xf32, #tpu.memory_space<vmem>>, vector<32x32xf32>
    %dot_general3A_52 = arith.constant dense<0.000000e+00> : vector<1000x32xf32>
    %dot_general3A_53 = tpu.matmul %get3A_43, %get3A_51, %dot_general3A_52 {dimension_numbers = #tpu.dot_dimension_numbers<[1], [0], [0], [1], [0, 0, 1, 1], [], []>, transpose_lhs_hint = false} : vector<1000x32xf32>, vector<32x32xf32>, vector<1000x32xf32> -> vector<1000x32xf32>
    %get3A_54 = arith.constant 0 : index
    %get3A_55 = arith.constant 0 : index
    %get3A_56 = vector.load %arg4[%get3A_54, %get3A_55] : memref<128x32xf32, #tpu.memory_space<vmem>>, vector<128x32xf32>
    %dot_general3A_57 = arith.constant dense<0.000000e+00> : vector<1000x32xf32>
    %dot_general3A_58 = tpu.matmul %get3A_48, %get3A_56, %dot_general3A_57 {dimension_numbers = #tpu.dot_dimension_numbers<[1], [0], [0], [1], [0, 0, 1, 1], [], []>, transpose_lhs_hint = false} : vector<1000x128xf32>, vector<128x32xf32>, vector<1000x32xf32> -> vector<1000x32xf32>
    %add3A_59 = arith.addf %dot_general3A_53, %dot_general3A_58 : vector<1000x32xf32>
    %get3A_60 = arith.constant 0 : index
    %get3A_61 = arith.constant 0 : index
    %get3A_62 = vector.load %arg5[%get3A_60, %get3A_61] : memref<1x32xf32, #tpu.memory_space<vmem>>, vector<1x32xf32>
    %add3A_63 = vector.broadcast %get3A_62 : vector<1x32xf32> to vector<1000x32xf32>
    %add3A_64 = arith.addf %add3A_59, %add3A_63 : vector<1000x32xf32>
    %get3A_65 = arith.constant 0 : index
    %get3A_66 = arith.constant 0 : index
    %get3A_67 = vector.load %arg6[%get3A_65, %get3A_66] : memref<32x32xf32, #tpu.memory_space<vmem>>, vector<32x32xf32>
    %dot_general3A_68 = arith.constant dense<0.000000e+00> : vector<1000x32xf32>
    %dot_general3A_69 = tpu.matmul %get3A_43, %get3A_67, %dot_general3A_68 {dimension_numbers = #tpu.dot_dimension_numbers<[1], [0], [0], [1], [0, 0, 1, 1], [], []>, transpose_lhs_hint = false} : vector<1000x32xf32>, vector<32x32xf32>, vector<1000x32xf32> -> vector<1000x32xf32>
    %get3A_70 = arith.constant 0 : index
    %get3A_71 = arith.constant 0 : index
    %get3A_72 = vector.load %arg7[%get3A_70, %get3A_71] : memref<128x32xf32, #tpu.memory_space<vmem>>, vector<128x32xf32>
    %dot_general3A_73 = arith.constant dense<0.000000e+00> : vector<1000x32xf32>
    %dot_general3A_74 = tpu.matmul %get3A_48, %get3A_72, %dot_general3A_73 {dimension_numbers = #tpu.dot_dimension_numbers<[1], [0], [0], [1], [0, 0, 1, 1], [], []>, transpose_lhs_hint = false} : vector<1000x128xf32>, vector<128x32xf32>, vector<1000x32xf32> -> vector<1000x32xf32>
    %add3A_75 = arith.addf %dot_general3A_69, %dot_general3A_74 : vector<1000x32xf32>
    %get3A_76 = arith.constant 0 : index
    %get3A_77 = arith.constant 0 : index
    %get3A_78 = vector.load %arg8[%get3A_76, %get3A_77] : memref<1x32xf32, #tpu.memory_space<vmem>>, vector<1x32xf32>
    %add3A_79 = vector.broadcast %get3A_78 : vector<1x32xf32> to vector<1000x32xf32>
    %add3A_80 = arith.addf %add3A_75, %add3A_79 : vector<1000x32xf32>
    %get3A_81 = arith.constant 2 : index
    %get3A_82 = arith.constant 0 : index
    %get3A_83 = arith.constant 0 : index
    %get3A_84 = vector.load %arg1[%get3A_81, %get3A_82, %get3A_83] : memref<4x1000x32xf32, #tpu.memory_space<vmem>>, vector<1x1000x32xf32>
    %get3A_85 = vector.shape_cast %get3A_84 : vector<1x1000x32xf32> to vector<1000x32xf32>
    %get3A_86 = arith.constant 2 : index
    %get3A_87 = arith.constant 0 : index
    %get3A_88 = arith.constant 0 : index
    %get3A_89 = vector.load %arg2[%get3A_86, %get3A_87, %get3A_88] : memref<4x1000x128xf32, #tpu.memory_space<vmem>>, vector<1x1000x128xf32>
    %get3A_90 = vector.shape_cast %get3A_89 : vector<1x1000x128xf32> to vector<1000x128xf32>
    %get3A_91 = arith.constant 0 : index
    %get3A_92 = arith.constant 0 : index
    %get3A_93 = vector.load %arg3[%get3A_91, %get3A_92] : memref<32x32xf32, #tpu.memory_space<vmem>>, vector<32x32xf32>
    %dot_general3A_94 = arith.constant dense<0.000000e+00> : vector<1000x32xf32>
    %dot_general3A_95 = tpu.matmul %get3A_85, %get3A_93, %dot_general3A_94 {dimension_numbers = #tpu.dot_dimension_numbers<[1], [0], [0], [1], [0, 0, 1, 1], [], []>, transpose_lhs_hint = false} : vector<1000x32xf32>, vector<32x32xf32>, vector<1000x32xf32> -> vector<1000x32xf32>
    %get3A_96 = arith.constant 0 : index
    %get3A_97 = arith.constant 0 : index
    %get3A_98 = vector.load %arg4[%get3A_96, %get3A_97] : memref<128x32xf32, #tpu.memory_space<vmem>>, vector<128x32xf32>
    %dot_general3A_99 = arith.constant dense<0.000000e+00> : vector<1000x32xf32>
    %dot_general3A_100 = tpu.matmul %get3A_90, %get3A_98, %dot_general3A_99 {dimension_numbers = #tpu.dot_dimension_numbers<[1], [0], [0], [1], [0, 0, 1, 1], [], []>, transpose_lhs_hint = false} : vector<1000x128xf32>, vector<128x32xf32>, vector<1000x32xf32> -> vector<1000x32xf32>
    %add3A_101 = arith.addf %dot_general3A_95, %dot_general3A_100 : vector<1000x32xf32>
    %get3A_102 = arith.constant 0 : index
    %get3A_103 = arith.constant 0 : index
    %get3A_104 = vector.load %arg5[%get3A_102, %get3A_103] : memref<1x32xf32, #tpu.memory_space<vmem>>, vector<1x32xf32>
    %add3A_105 = vector.broadcast %get3A_104 : vector<1x32xf32> to vector<1000x32xf32>
    %add3A_106 = arith.addf %add3A_101, %add3A_105 : vector<1000x32xf32>
    %get3A_107 = arith.constant 0 : index
    %get3A_108 = arith.constant 0 : index
    %get3A_109 = vector.load %arg6[%get3A_107, %get3A_108] : memref<32x32xf32, #tpu.memory_space<vmem>>, vector<32x32xf32>
    %dot_general3A_110 = arith.constant dense<0.000000e+00> : vector<1000x32xf32>
    %dot_general3A_111 = tpu.matmul %get3A_85, %get3A_109, %dot_general3A_110 {dimension_numbers = #tpu.dot_dimension_numbers<[1], [0], [0], [1], [0, 0, 1, 1], [], []>, transpose_lhs_hint = false} : vector<1000x32xf32>, vector<32x32xf32>, vector<1000x32xf32> -> vector<1000x32xf32>
    %get3A_112 = arith.constant 0 : index
    %get3A_113 = arith.constant 0 : index
    %get3A_114 = vector.load %arg7[%get3A_112, %get3A_113] : memref<128x32xf32, #tpu.memory_space<vmem>>, vector<128x32xf32>
    %dot_general3A_115 = arith.constant dense<0.000000e+00> : vector<1000x32xf32>
    %dot_general3A_116 = tpu.matmul %get3A_90, %get3A_114, %dot_general3A_115 {dimension_numbers = #tpu.dot_dimension_numbers<[1], [0], [0], [1], [0, 0, 1, 1], [], []>, transpose_lhs_hint = false} : vector<1000x128xf32>, vector<128x32xf32>, vector<1000x32xf32> -> vector<1000x32xf32>
    %add3A_117 = arith.addf %dot_general3A_111, %dot_general3A_116 : vector<1000x32xf32>
    %get3A_118 = arith.constant 0 : index
    %get3A_119 = arith.constant 0 : index
    %get3A_120 = vector.load %arg8[%get3A_118, %get3A_119] : memref<1x32xf32, #tpu.memory_space<vmem>>, vector<1x32xf32>
    %add3A_121 = vector.broadcast %get3A_120 : vector<1x32xf32> to vector<1000x32xf32>
    %add3A_122 = arith.addf %add3A_117, %add3A_121 : vector<1000x32xf32>
    %get3A_123 = arith.constant 3 : index
    %get3A_124 = arith.constant 0 : index
    %get3A_125 = arith.constant 0 : index
    %get3A_126 = vector.load %arg1[%get3A_123, %get3A_124, %get3A_125] : memref<4x1000x32xf32, #tpu.memory_space<vmem>>, vector<1x1000x32xf32>
    %get3A_127 = vector.shape_cast %get3A_126 : vector<1x1000x32xf32> to vector<1000x32xf32>
    %get3A_128 = arith.constant 3 : index
    %get3A_129 = arith.constant 0 : index
    %get3A_130 = arith.constant 0 : index
    %get3A_131 = vector.load %arg2[%get3A_128, %get3A_129, %get3A_130] : memref<4x1000x128xf32, #tpu.memory_space<vmem>>, vector<1x1000x128xf32>
    %get3A_132 = vector.shape_cast %get3A_131 : vector<1x1000x128xf32> to vector<1000x128xf32>
    %get3A_133 = arith.constant 0 : index
    %get3A_134 = arith.constant 0 : index
    %get3A_135 = vector.load %arg3[%get3A_133, %get3A_134] : memref<32x32xf32, #tpu.memory_space<vmem>>, vector<32x32xf32>
    %dot_general3A_136 = arith.constant dense<0.000000e+00> : vector<1000x32xf32>
    %dot_general3A_137 = tpu.matmul %get3A_127, %get3A_135, %dot_general3A_136 {dimension_numbers = #tpu.dot_dimension_numbers<[1], [0], [0], [1], [0, 0, 1, 1], [], []>, transpose_lhs_hint = false} : vector<1000x32xf32>, vector<32x32xf32>, vector<1000x32xf32> -> vector<1000x32xf32>
    %get3A_138 = arith.constant 0 : index
    %get3A_139 = arith.constant 0 : index
    %get3A_140 = vector.load %arg4[%get3A_138, %get3A_139] : memref<128x32xf32, #tpu.memory_space<vmem>>, vector<128x32xf32>
    %dot_general3A_141 = arith.constant dense<0.000000e+00> : vector<1000x32xf32>
    %dot_general3A_142 = tpu.matmul %get3A_132, %get3A_140, %dot_general3A_141 {dimension_numbers = #tpu.dot_dimension_numbers<[1], [0], [0], [1], [0, 0, 1, 1], [], []>, transpose_lhs_hint = false} : vector<1000x128xf32>, vector<128x32xf32>, vector<1000x32xf32> -> vector<1000x32xf32>
    %add3A_143 = arith.addf %dot_general3A_137, %dot_general3A_142 : vector<1000x32xf32>
    %get3A_144 = arith.constant 0 : index
    %get3A_145 = arith.constant 0 : index
    %get3A_146 = vector.load %arg5[%get3A_144, %get3A_145] : memref<1x32xf32, #tpu.memory_space<vmem>>, vector<1x32xf32>
    %add3A_147 = vector.broadcast %get3A_146 : vector<1x32xf32> to vector<1000x32xf32>
    %add3A_148 = arith.addf %add3A_143, %add3A_147 : vector<1000x32xf32>
    %get3A_149 = arith.constant 0 : index
    %get3A_150 = arith.constant 0 : index
    %get3A_151 = vector.load %arg6[%get3A_149, %get3A_150] : memref<32x32xf32, #tpu.memory_space<vmem>>, vector<32x32xf32>
    %dot_general3A_152 = arith.constant dense<0.000000e+00> : vector<1000x32xf32>
    %dot_general3A_153 = tpu.matmul %get3A_127, %get3A_151, %dot_general3A_152 {dimension_numbers = #tpu.dot_dimension_numbers<[1], [0], [0], [1], [0, 0, 1, 1], [], []>, transpose_lhs_hint = false} : vector<1000x32xf32>, vector<32x32xf32>, vector<1000x32xf32> -> vector<1000x32xf32>
    %get3A_154 = arith.constant 0 : index
    %get3A_155 = arith.constant 0 : index
    %get3A_156 = vector.load %arg7[%get3A_154, %get3A_155] : memref<128x32xf32, #tpu.memory_space<vmem>>, vector<128x32xf32>
    %dot_general3A_157 = arith.constant dense<0.000000e+00> : vector<1000x32xf32>
    %dot_general3A_158 = tpu.matmul %get3A_132, %get3A_156, %dot_general3A_157 {dimension_numbers = #tpu.dot_dimension_numbers<[1], [0], [0], [1], [0, 0, 1, 1], [], []>, transpose_lhs_hint = false} : vector<1000x128xf32>, vector<128x32xf32>, vector<1000x32xf32> -> vector<1000x32xf32>
    %add3A_159 = arith.addf %dot_general3A_153, %dot_general3A_158 : vector<1000x32xf32>
    %get3A_160 = arith.constant 0 : index
    %get3A_161 = arith.constant 0 : index
    %get3A_162 = vector.load %arg8[%get3A_160, %get3A_161] : memref<1x32xf32, #tpu.memory_space<vmem>>, vector<1x32xf32>
    %add3A_163 = vector.broadcast %get3A_162 : vector<1x32xf32> to vector<1000x32xf32>
    %add3A_164 = arith.addf %add3A_159, %add3A_163 : vector<1000x32xf32>
    %concatenate3A = tpu.concatenate %add3A_22, %add3A_64, %add3A_106, %add3A_148 in 1 : vector<1000x32xf32>, vector<1000x32xf32>, vector<1000x32xf32>, vector<1000x32xf32> -> vector<1000x128xf32>
    %swap3A = arith.constant 0 : index
    %swap3A_165 = arith.constant 0 : index
    %swap3A_166 = vector.load %arg9[%swap3A, %swap3A_165] : memref<1000x128xf32, #tpu.memory_space<vmem>>, vector<1000x128xf32>
    tpu.vector_store %arg9[%swap3A, %swap3A_165], %concatenate3A {strides = array<i32>} : memref<1000x128xf32, #tpu.memory_space<vmem>>, vector<1000x128xf32>,
    %concatenate3A_167 = tpu.concatenate %add3A_38, %add3A_80, %add3A_122, %add3A_164 in 1 : vector<1000x32xf32>, vector<1000x32xf32>, vector<1000x32xf32>, vector<1000x32xf32> -> vector<1000x128xf32>
    %swap3A_168 = arith.constant 0 : index
    %swap3A_169 = arith.constant 0 : index
    %swap3A_170 = vector.load %arg10[%swap3A_168, %swap3A_169] : memref<1000x128xf32, #tpu.memory_space<vmem>>, vector<1000x128xf32>
    tpu.vector_store %arg10[%swap3A_168, %swap3A_169], %concatenate3A_167 {strides = array<i32>} : memref<1000x128xf32, #tpu.memory_space<vmem>>, vector<1000x128xf32>,
    return
  }
  func.func @transform_0(%arg0: i32) -> (i32, i32, i32) {
    %c0_i32 = arith.constant 0 : i32
    %c0_i32_0 = arith.constant 0 : i32
    %c0_i32_1 = arith.constant 0 : i32
    return %c0_i32, %arg0, %c0_i32_0 : i32, i32, i32
  }
  func.func @transform_1(%arg0: i32) -> (i32, i32, i32) {
    %c0_i32 = arith.constant 0 : i32
    %c0_i32_0 = arith.constant 0 : i32
    %c0_i32_1 = arith.constant 0 : i32
    return %c0_i32, %arg0, %c0_i32_0 : i32, i32, i32
  }
  func.func @transform_2(%arg0: i32) -> (i32, i32) {
    %c0_i32 = arith.constant 0 : i32
    %c0_i32_0 = arith.constant 0 : i32
    %c0_i32_1 = arith.constant 0 : i32
    return %c0_i32, %c0_i32_0 : i32, i32
  }
  func.func @transform_3(%arg0: i32) -> (i32, i32) {
    %c0_i32 = arith.constant 0 : i32
    %c0_i32_0 = arith.constant 0 : i32
    %c0_i32_1 = arith.constant 0 : i32
    return %c0_i32, %c0_i32_0 : i32, i32
  }
  func.func @transform_4(%arg0: i32) -> (i32, i32) {
    %c0_i32 = arith.constant 0 : i32
    %c0_i32_0 = arith.constant 0 : i32
    %c0_i32_1 = arith.constant 0 : i32
    return %c0_i32, %c0_i32_0 : i32, i32
  }
  func.func @transform_5(%arg0: i32) -> (i32, i32) {
    %c0_i32 = arith.constant 0 : i32
    %c0_i32_0 = arith.constant 0 : i32
    %c0_i32_1 = arith.constant 0 : i32
    return %c0_i32, %c0_i32_0 : i32, i32
  }
  func.func @transform_6(%arg0: i32) -> (i32, i32) {
    %c0_i32 = arith.constant 0 : i32
    %c0_i32_0 = arith.constant 0 : i32
    %c0_i32_1 = arith.constant 0 : i32
    return %c0_i32, %c0_i32_0 : i32, i32
  }
  func.func @transform_7(%arg0: i32) -> (i32, i32) {
    %c0_i32 = arith.constant 0 : i32
    %c0_i32_0 = arith.constant 0 : i32
    %c0_i32_1 = arith.constant 0 : i32
    return %c0_i32, %c0_i32_0 : i32, i32
  }
  func.func @transform_8(%arg0: i32) -> (i32, i32) {
    %c0_i32 = arith.constant 0 : i32
    %c0_i32_0 = arith.constant 0 : i32
    return %arg0, %c0_i32 : i32, i32
  }
  func.func @transform_9(%arg0: i32) -> (i32, i32) {
    %c0_i32 = arith.constant 0 : i32
    %c0_i32_0 = arith.constant 0 : i32
    return %arg0, %c0_i32 : i32, i32
  }
}

module attributes {stable_mosaic.version = 14 : i64} {
  func.func @_k2a_body(%arg0: i32, %arg1: memref<4x1000x128xf32, #tpu.memory_space<vmem>>, %arg2: memref<2x1000x128xf32, #tpu.memory_space<vmem>>, %arg3: memref<2x1000x128xf32, #tpu.memory_space<vmem>>, %arg4: memref<1x192xf32, #tpu.memory_space<vmem>>, %arg5: memref<1x192xf32, #tpu.memory_space<vmem>>, %arg6: memref<192x128xf32, #tpu.memory_space<vmem>>, %arg7: memref<1x128xf32, #tpu.memory_space<vmem>>, %arg8: memref<1x128xf32, #tpu.memory_space<vmem>>, %arg9: memref<1x128xf32, #tpu.memory_space<vmem>>, %arg10: memref<128x64xf32, #tpu.memory_space<vmem>>, %arg11: memref<1x64xf32, #tpu.memory_space<vmem>>, %arg12: memref<128x32xf32, #tpu.memory_space<vmem>>, %arg13: memref<4x1000x128xf32, #tpu.memory_space<vmem>>, %arg14: memref<4x64x32xf32, #tpu.memory_space<vmem>>) attributes {dimension_semantics = [#tpu.dimension_semantics<arbitrary>], iteration_bounds = array<i64: 10>, scalar_prefetch = 0 : i64, scratch_operands = 0 : i64, tpu.core_type = #tpu.core_type<tc>, window_params = [{transform_indices = @transform_0, window_bounds = array<i64: 4, 1000, 128>}, {transform_indices = @transform_1, window_bounds = array<i64: 2, 1000, 128>}, {transform_indices = @transform_2, window_bounds = array<i64: 2, 1000, 128>}, {pipeline_mode = #tpu.pipeline_mode<synchronous>, transform_indices = @transform_3, window_bounds = array<i64: 1, 192>}, {pipeline_mode = #tpu.pipeline_mode<synchronous>, transform_indices = @transform_4, window_bounds = array<i64: 1, 192>}, {pipeline_mode = #tpu.pipeline_mode<synchronous>, transform_indices = @transform_5, window_bounds = array<i64: 192, 128>}, {pipeline_mode = #tpu.pipeline_mode<synchronous>, transform_indices = @transform_6, window_bounds = array<i64: 1, 128>}, {pipeline_mode = #tpu.pipeline_mode<synchronous>, transform_indices = @transform_7, window_bounds = array<i64: 1, 128>}, {pipeline_mode = #tpu.pipeline_mode<synchronous>, transform_indices = @transform_8, window_bounds = array<i64: 1, 128>}, {pipeline_mode = #tpu.pipeline_mode<synchronous>, transform_indices = @transform_9, window_bounds = array<i64: 128, 64>}, {pipeline_mode = #tpu.pipeline_mode<synchronous>, transform_indices = @transform_10, window_bounds = array<i64: 1, 64>}, {pipeline_mode = #tpu.pipeline_mode<synchronous>, transform_indices = @transform_11, window_bounds = array<i64: 128, 32>}, {transform_indices = @transform_12, window_bounds = array<i64: 4, 1000, 128>}, {pipeline_mode = #tpu.pipeline_mode<synchronous>, transform_indices = @transform_13, window_bounds = array<i64: 4, 64, 32>}]} {
    %get3A = arith.constant 0 : index
    %get3A_0 = arith.constant 0 : index
    %get3A_1 = arith.constant 0 : index
    %get3A_2 = vector.load %arg2[%get3A, %get3A_0, %get3A_1] : memref<2x1000x128xf32, #tpu.memory_space<vmem>>, vector<1x1000x128xf32>
    %get3A_3 = vector.shape_cast %get3A_2 : vector<1x1000x128xf32> to vector<1000x128xf32>
    %get3A_4 = arith.constant 1 : index
    %get3A_5 = arith.constant 0 : index
    %get3A_6 = arith.constant 0 : index
    %get3A_7 = vector.load %arg2[%get3A_4, %get3A_5, %get3A_6] : memref<2x1000x128xf32, #tpu.memory_space<vmem>>, vector<1x1000x128xf32>
    %get3A_8 = vector.shape_cast %get3A_7 : vector<1x1000x128xf32> to vector<1000x128xf32>
    %add3A = arith.addf %get3A_3, %get3A_8 : vector<1000x128xf32>
    %get3A_9 = arith.constant 0 : index
    %get3A_10 = arith.constant 0 : index
    %get3A_11 = arith.constant 0 : index
    %get3A_12 = vector.load %arg3[%get3A_9, %get3A_10, %get3A_11] : memref<2x1000x128xf32, #tpu.memory_space<vmem>>, vector<1x1000x128xf32>
    %get3A_13 = vector.shape_cast %get3A_12 : vector<1x1000x128xf32> to vector<1000x128xf32>
    %get3A_14 = arith.constant 1 : index
    %get3A_15 = arith.constant 0 : index
    %get3A_16 = arith.constant 0 : index
    %get3A_17 = vector.load %arg3[%get3A_14, %get3A_15, %get3A_16] : memref<2x1000x128xf32, #tpu.memory_space<vmem>>, vector<1x1000x128xf32>
    %get3A_18 = vector.shape_cast %get3A_17 : vector<1x1000x128xf32> to vector<1000x128xf32>
    %add3A_19 = arith.addf %get3A_13, %get3A_18 : vector<1000x128xf32>
    %slice3A = vector.extract_strided_slice %add3A {offsets = [0, 0], sizes = [1000, 32], strides = [1, 1]} : vector<1000x128xf32> to vector<1000x32xf32>
    %slice3A_20 = vector.extract_strided_slice %add3A_19 {offsets = [0, 0], sizes = [1000, 32], strides = [1, 1]} : vector<1000x128xf32> to vector<1000x32xf32>
    %get3A_21 = arith.constant 0 : index
    %get3A_22 = arith.constant 0 : index
    %get3A_23 = arith.constant 0 : index
    %get3A_24 = vector.load %arg1[%get3A_21, %get3A_22, %get3A_23] : memref<4x1000x128xf32, #tpu.memory_space<vmem>>, vector<1x1000x128xf32>
    %get3A_25 = vector.shape_cast %get3A_24 : vector<1x1000x128xf32> to vector<1000x128xf32>
    %concatenate3A = tpu.concatenate %get3A_25, %slice3A, %slice3A_20 in 1 : vector<1000x128xf32>, vector<1000x32xf32>, vector<1000x32xf32> -> vector<1000x192xf32>
    %logistic3A = arith.negf %concatenate3A : vector<1000x192xf32>
    %logistic3A_26 = math.exp %logistic3A : vector<1000x192xf32>
    %logistic3A_27 = arith.constant 1.000000e+00 : f32
    %logistic3A_28 = vector.broadcast %logistic3A_27 : f32 to vector<1000x192xf32>
    %logistic3A_29 = arith.addf %logistic3A_28, %logistic3A_26 : vector<1000x192xf32>
    %logistic3A_30 = arith.divf %logistic3A_28, %logistic3A_29 : vector<1000x192xf32>
    %mul3A = arith.mulf %concatenate3A, %logistic3A_30 : vector<1000x192xf32>
    %get3A_31 = arith.constant 0 : index
    %get3A_32 = arith.constant 0 : index
    %get3A_33 = vector.load %arg4[%get3A_31, %get3A_32] : memref<1x192xf32, #tpu.memory_space<vmem>>, vector<1x192xf32>
    %get3A_34 = arith.constant 0 : index
    %get3A_35 = arith.constant 0 : index
    %get3A_36 = vector.load %arg5[%get3A_34, %get3A_35] : memref<1x192xf32, #tpu.memory_space<vmem>>, vector<1x192xf32>
    %reduce_sum3A = arith.constant dense<0.000000e+00> : vector<1000xf32>
    %reduce_sum3A_37 = vector.multi_reduction <add>, %mul3A, %reduce_sum3A [1] : vector<1000x192xf32> to vector<1000xf32>
    %broadcast_in_dim3A = vector.shape_cast %reduce_sum3A_37 : vector<1000xf32> to vector<1000x1xf32>
    %div3A = arith.constant 1.920000e+02 : f32
    %div3A_38 = vector.broadcast %div3A : f32 to vector<1000x1xf32>
    %div3A_39 = arith.divf %broadcast_in_dim3A, %div3A_38 : vector<1000x1xf32>
    %jit3A = arith.constant 0 : i32
    %reduce_sum3A_40 = arith.constant dense<0.000000e+00> : vector<1000xf32>
    %reduce_sum3A_41 = vector.multi_reduction <add>, %mul3A, %reduce_sum3A_40 [1] : vector<1000x192xf32> to vector<1000xf32>
    %broadcast_in_dim3A_42 = vector.shape_cast %reduce_sum3A_41 : vector<1000xf32> to vector<1000x1xf32>
    %div3A_43 = arith.constant 1.920000e+02 : f32
    %div3A_44 = vector.broadcast %div3A_43 : f32 to vector<1000x1xf32>
    %div3A_45 = arith.divf %broadcast_in_dim3A_42, %div3A_44 : vector<1000x1xf32>
    %sub3A = vector.broadcast %div3A_45 : vector<1000x1xf32> to vector<1000x192xf32>
    %sub3A_46 = arith.subf %mul3A, %sub3A : vector<1000x192xf32>
    %square3A = arith.mulf %sub3A_46, %sub3A_46 : vector<1000x192xf32>
    %convert_element_type3A = arith.sitofp %jit3A : i32 to f32
    %sub3A_47 = arith.constant 1.920000e+02 : f32
    %sub3A_48 = arith.subf %sub3A_47, %convert_element_type3A : f32
    %reduce_sum3A_49 = arith.constant dense<0.000000e+00> : vector<1000xf32>
    %reduce_sum3A_50 = vector.multi_reduction <add>, %square3A, %reduce_sum3A_49 [1] : vector<1000x192xf32> to vector<1000xf32>
    %broadcast_in_dim3A_51 = vector.shape_cast %reduce_sum3A_50 : vector<1000xf32> to vector<1000x1xf32>
    %div3A_52 = vector.broadcast %sub3A_48 : f32 to vector<1000x1xf32>
    %div3A_53 = arith.divf %broadcast_in_dim3A_51, %div3A_52 : vector<1000x1xf32>
    %gt3A = arith.constant 0.000000e+00 : f32
    %gt3A_54 = arith.cmpf ogt, %sub3A_48, %gt3A : f32
    %jit3A_55 = arith.constant 0x7FC00000 : f32
    %broadcast_in_dim3A_56 = vector.broadcast %jit3A_55 : f32 to vector<1000x1xf32>
    %select_n3A = arith.select %gt3A_54, %div3A_53, %broadcast_in_dim3A_56 : vector<1000x1xf32>
    %sub3A_57 = vector.broadcast %div3A_39 : vector<1000x1xf32> to vector<1000x192xf32>
    %sub3A_58 = arith.subf %mul3A, %sub3A_57 : vector<1000x192xf32>
    %add3A_59 = arith.constant 9.99999974E-6 : f32
    %add3A_60 = vector.broadcast %add3A_59 : f32 to vector<1000x1xf32>
    %add3A_61 = arith.addf %select_n3A, %add3A_60 : vector<1000x1xf32>
    %sqrt3A = math.sqrt %add3A_61 : vector<1000x1xf32>
    %div3A_62 = vector.broadcast %sqrt3A : vector<1000x1xf32> to vector<1000x192xf32>
    %div3A_63 = arith.divf %sub3A_58, %div3A_62 : vector<1000x192xf32>
    %mul3A_64 = vector.broadcast %get3A_33 : vector<1x192xf32> to vector<1000x192xf32>
    %mul3A_65 = arith.mulf %div3A_63, %mul3A_64 : vector<1000x192xf32>
    %add3A_66 = vector.broadcast %get3A_36 : vector<1x192xf32> to vector<1000x192xf32>
    %add3A_67 = arith.addf %mul3A_65, %add3A_66 : vector<1000x192xf32>
    %get3A_68 = arith.constant 0 : index
    %get3A_69 = arith.constant 0 : index
    %get3A_70 = vector.load %arg6[%get3A_68, %get3A_69] : memref<192x128xf32, #tpu.memory_space<vmem>>, vector<192x128xf32>
    %dot_general3A = arith.constant dense<0.000000e+00> : vector<1000x128xf32>
    %dot_general3A_71 = tpu.matmul %add3A_67, %get3A_70, %dot_general3A {dimension_numbers = #tpu.dot_dimension_numbers<[1], [0], [0], [1], [0, 0, 1, 1], [], []>, transpose_lhs_hint = false} : vector<1000x192xf32>, vector<192x128xf32>, vector<1000x128xf32> -> vector<1000x128xf32>
    %get3A_72 = arith.constant 0 : index
    %get3A_73 = arith.constant 0 : index
    %get3A_74 = vector.load %arg7[%get3A_72, %get3A_73] : memref<1x128xf32, #tpu.memory_space<vmem>>, vector<1x128xf32>
    %add3A_75 = vector.broadcast %get3A_74 : vector<1x128xf32> to vector<1000x128xf32>
    %add3A_76 = arith.addf %dot_general3A_71, %add3A_75 : vector<1000x128xf32>
    %logistic3A_77 = arith.negf %add3A_76 : vector<1000x128xf32>
    %logistic3A_78 = math.exp %logistic3A_77 : vector<1000x128xf32>
    %logistic3A_79 = arith.constant 1.000000e+00 : f32
    %logistic3A_80 = vector.broadcast %logistic3A_79 : f32 to vector<1000x128xf32>
    %logistic3A_81 = arith.addf %logistic3A_80, %logistic3A_78 : vector<1000x128xf32>
    %logistic3A_82 = arith.divf %logistic3A_80, %logistic3A_81 : vector<1000x128xf32>
    %mul3A_83 = arith.mulf %add3A_76, %logistic3A_82 : vector<1000x128xf32>
    %get3A_84 = arith.constant 0 : index
    %get3A_85 = arith.constant 0 : index
    %get3A_86 = vector.load %arg8[%get3A_84, %get3A_85] : memref<1x128xf32, #tpu.memory_space<vmem>>, vector<1x128xf32>
    %get3A_87 = arith.constant 0 : index
    %get3A_88 = arith.constant 0 : index
    %get3A_89 = vector.load %arg9[%get3A_87, %get3A_88] : memref<1x128xf32, #tpu.memory_space<vmem>>, vector<1x128xf32>
    %reduce_sum3A_90 = arith.constant dense<0.000000e+00> : vector<1000xf32>
    %reduce_sum3A_91 = vector.multi_reduction <add>, %mul3A_83, %reduce_sum3A_90 [1] : vector<1000x128xf32> to vector<1000xf32>
    %broadcast_in_dim3A_92 = vector.shape_cast %reduce_sum3A_91 : vector<1000xf32> to vector<1000x1xf32>
    %div3A_93 = arith.constant 1.280000e+02 : f32
    %div3A_94 = vector.broadcast %div3A_93 : f32 to vector<1000x1xf32>
    %div3A_95 = arith.divf %broadcast_in_dim3A_92, %div3A_94 : vector<1000x1xf32>
    %jit3A_96 = arith.constant 0 : i32
    %reduce_sum3A_97 = arith.constant dense<0.000000e+00> : vector<1000xf32>
    %reduce_sum3A_98 = vector.multi_reduction <add>, %mul3A_83, %reduce_sum3A_97 [1] : vector<1000x128xf32> to vector<1000xf32>
    %broadcast_in_dim3A_99 = vector.shape_cast %reduce_sum3A_98 : vector<1000xf32> to vector<1000x1xf32>
    %div3A_100 = arith.constant 1.280000e+02 : f32
    %div3A_101 = vector.broadcast %div3A_100 : f32 to vector<1000x1xf32>
    %div3A_102 = arith.divf %broadcast_in_dim3A_99, %div3A_101 : vector<1000x1xf32>
    %sub3A_103 = vector.broadcast %div3A_102 : vector<1000x1xf32> to vector<1000x128xf32>
    %sub3A_104 = arith.subf %mul3A_83, %sub3A_103 : vector<1000x128xf32>
    %square3A_105 = arith.mulf %sub3A_104, %sub3A_104 : vector<1000x128xf32>
    %convert_element_type3A_106 = arith.sitofp %jit3A_96 : i32 to f32
    %sub3A_107 = arith.constant 1.280000e+02 : f32
    %sub3A_108 = arith.subf %sub3A_107, %convert_element_type3A_106 : f32
    %reduce_sum3A_109 = arith.constant dense<0.000000e+00> : vector<1000xf32>
    %reduce_sum3A_110 = vector.multi_reduction <add>, %square3A_105, %reduce_sum3A_109 [1] : vector<1000x128xf32> to vector<1000xf32>
    %broadcast_in_dim3A_111 = vector.shape_cast %reduce_sum3A_110 : vector<1000xf32> to vector<1000x1xf32>
    %div3A_112 = vector.broadcast %sub3A_108 : f32 to vector<1000x1xf32>
    %div3A_113 = arith.divf %broadcast_in_dim3A_111, %div3A_112 : vector<1000x1xf32>
    %gt3A_114 = arith.constant 0.000000e+00 : f32
    %gt3A_115 = arith.cmpf ogt, %sub3A_108, %gt3A_114 : f32
    %jit3A_116 = arith.constant 0x7FC00000 : f32
    %broadcast_in_dim3A_117 = vector.broadcast %jit3A_116 : f32 to vector<1000x1xf32>
    %select_n3A_118 = arith.select %gt3A_115, %div3A_113, %broadcast_in_dim3A_117 : vector<1000x1xf32>
    %sub3A_119 = vector.broadcast %div3A_95 : vector<1000x1xf32> to vector<1000x128xf32>
    %sub3A_120 = arith.subf %mul3A_83, %sub3A_119 : vector<1000x128xf32>
    %add3A_121 = arith.constant 9.99999974E-6 : f32
    %add3A_122 = vector.broadcast %add3A_121 : f32 to vector<1000x1xf32>
    %add3A_123 = arith.addf %select_n3A_118, %add3A_122 : vector<1000x1xf32>
    %sqrt3A_124 = math.sqrt %add3A_123 : vector<1000x1xf32>
    %div3A_125 = vector.broadcast %sqrt3A_124 : vector<1000x1xf32> to vector<1000x128xf32>
    %div3A_126 = arith.divf %sub3A_120, %div3A_125 : vector<1000x128xf32>
    %mul3A_127 = vector.broadcast %get3A_86 : vector<1x128xf32> to vector<1000x128xf32>
    %mul3A_128 = arith.mulf %div3A_126, %mul3A_127 : vector<1000x128xf32>
    %add3A_129 = vector.broadcast %get3A_89 : vector<1x128xf32> to vector<1000x128xf32>
    %add3A_130 = arith.addf %mul3A_128, %add3A_129 : vector<1000x128xf32>
    %swap3A = arith.constant 0 : index
    %swap3A_131 = arith.constant 0 : index
    %swap3A_132 = arith.constant 0 : index
    %swap3A_133 = vector.load %arg13[%swap3A, %swap3A_131, %swap3A_132] : memref<4x1000x128xf32, #tpu.memory_space<vmem>>, vector<1x1000x128xf32>
    %swap3A_134 = vector.shape_cast %swap3A_133 : vector<1x1000x128xf32> to vector<1000x128xf32>
    %swap3A_135 = vector.shape_cast %add3A_130 : vector<1000x128xf32> to vector<1x1000x128xf32>
    tpu.vector_store %arg13[%swap3A, %swap3A_131, %swap3A_132], %swap3A_135 {strides = array<i32>} : memref<4x1000x128xf32, #tpu.memory_space<vmem>>, vector<1x1000x128xf32>,
    %get3A_136 = arith.constant 0 : index
    %get3A_137 = arith.constant 0 : index
    %get3A_138 = vector.load %arg10[%get3A_136, %get3A_137] : memref<128x64xf32, #tpu.memory_space<vmem>>, vector<128x64xf32>
    %dot_general3A_139 = arith.constant dense<0.000000e+00> : vector<1000x64xf32>
    %dot_general3A_140 = tpu.matmul %add3A_130, %get3A_138, %dot_general3A_139 {dimension_numbers = #tpu.dot_dimension_numbers<[1], [0], [0], [1], [0, 0, 1, 1], [], []>, transpose_lhs_hint = false} : vector<1000x128xf32>, vector<128x64xf32>, vector<1000x64xf32> -> vector<1000x64xf32>
    %get3A_141 = arith.constant 0 : index
    %get3A_142 = arith.constant 0 : index
    %get3A_143 = vector.load %arg11[%get3A_141, %get3A_142] : memref<1x64xf32, #tpu.memory_space<vmem>>, vector<1x64xf32>
    %add3A_144 = vector.broadcast %get3A_143 : vector<1x64xf32> to vector<1000x64xf32>
    %add3A_145 = arith.addf %dot_general3A_140, %add3A_144 : vector<1000x64xf32>
    %gt3A_146 = arith.constant 0.000000e+00 : f32
    %gt3A_147 = vector.broadcast %gt3A_146 : f32 to vector<1000x64xf32>
    %gt3A_148 = arith.cmpf ogt, %add3A_145, %gt3A_147 : vector<1000x64xf32>
    %add3A_149 = arith.constant 1.000000e+00 : f32
    %add3A_150 = vector.broadcast %add3A_149 : f32 to vector<1000x64xf32>
    %add3A_151 = arith.addf %add3A_145, %add3A_150 : vector<1000x64xf32>
    %min3A = arith.constant 0.000000e+00 : f32
    %min3A_152 = vector.broadcast %min3A : f32 to vector<1000x64xf32>
    %min3A_153 = arith.minimumf %add3A_145, %min3A_152 : vector<1000x64xf32>
    %exp3A = math.exp %min3A_153 : vector<1000x64xf32>
    %select_n3A_154 = arith.select %gt3A_148, %add3A_151, %exp3A : vector<1000x64xi1>, vector<1000x64xf32>
    %get3A_155 = arith.constant 0 : index
    %get3A_156 = arith.constant 0 : index
    %get3A_157 = vector.load %arg12[%get3A_155, %get3A_156] : memref<128x32xf32, #tpu.memory_space<vmem>>, vector<128x32xf32>
    %dot_general3A_158 = arith.constant dense<0.000000e+00> : vector<1000x32xf32>
    %dot_general3A_159 = tpu.matmul %add3A_130, %get3A_157, %dot_general3A_158 {dimension_numbers = #tpu.dot_dimension_numbers<[1], [0], [0], [1], [0, 0, 1, 1], [], []>, transpose_lhs_hint = false} : vector<1000x128xf32>, vector<128x32xf32>, vector<1000x32xf32> -> vector<1000x32xf32>
    %dot_general3A_160 = arith.constant dense<0.000000e+00> : vector<64x32xf32>
    %dot_general3A_161 = tpu.matmul %select_n3A_154, %dot_general3A_159, %dot_general3A_160 {dimension_numbers = #tpu.dot_dimension_numbers<[0], [0], [1], [1], [0, 1, 1, 1], [], []>, transpose_lhs_hint = false} : vector<1000x64xf32>, vector<1000x32xf32>, vector<64x32xf32> -> vector<64x32xf32>
    %eq3A = arith.constant 0 : i32
    %eq3A_162 = arith.cmpi eq, %arg0, %eq3A : i32
    %convert_element_type3A_163 = arith.extui %eq3A_162 : i1 to i32
    %cond3A = arith.constant 0 : i32
    %cond3A_164 = arith.cmpi ne, %convert_element_type3A_163, %cond3A : i32
    scf.if %cond3A_164 {
      %swap3A_679 = arith.constant 0 : index
      %swap3A_680 = arith.constant 0 : index
      %swap3A_681 = arith.constant 0 : index
      %swap3A_682 = vector.load %arg14[%swap3A_679, %swap3A_680, %swap3A_681] : memref<4x64x32xf32, #tpu.memory_space<vmem>>, vector<1x64x32xf32>
      %swap3A_683 = vector.shape_cast %swap3A_682 : vector<1x64x32xf32> to vector<64x32xf32>
      %swap3A_684 = vector.shape_cast %dot_general3A_161 : vector<64x32xf32> to vector<1x64x32xf32>
      tpu.vector_store %arg14[%swap3A_679, %swap3A_680, %swap3A_681], %swap3A_684 {strides = array<i32>} : memref<4x64x32xf32, #tpu.memory_space<vmem>>, vector<1x64x32xf32>,
    } else {
    }
    %ne3A = arith.constant 0 : i32
    %ne3A_165 = arith.cmpi ne, %arg0, %ne3A : i32
    %convert_element_type3A_166 = arith.extui %ne3A_165 : i1 to i32
    %cond3A_167 = arith.constant 0 : i32
    %cond3A_168 = arith.cmpi ne, %convert_element_type3A_166, %cond3A_167 : i32
    scf.if %cond3A_168 {
      %get3A_679 = arith.constant 0 : index
      %get3A_680 = arith.constant 0 : index
      %get3A_681 = arith.constant 0 : index
      %get3A_682 = vector.load %arg14[%get3A_679, %get3A_680, %get3A_681] : memref<4x64x32xf32, #tpu.memory_space<vmem>>, vector<1x64x32xf32>
      %get3A_683 = vector.shape_cast %get3A_682 : vector<1x64x32xf32> to vector<64x32xf32>
      %add3A_684 = arith.addf %get3A_683, %dot_general3A_161 : vector<64x32xf32>
      %swap3A_685 = arith.constant 0 : index
      %swap3A_686 = arith.constant 0 : index
      %swap3A_687 = arith.constant 0 : index
      %swap3A_688 = vector.load %arg14[%swap3A_685, %swap3A_686, %swap3A_687] : memref<4x64x32xf32, #tpu.memory_space<vmem>>, vector<1x64x32xf32>
      %swap3A_689 = vector.shape_cast %swap3A_688 : vector<1x64x32xf32> to vector<64x32xf32>
      %swap3A_690 = vector.shape_cast %add3A_684 : vector<64x32xf32> to vector<1x64x32xf32>
      tpu.vector_store %arg14[%swap3A_685, %swap3A_686, %swap3A_687], %swap3A_690 {strides = array<i32>} : memref<4x64x32xf32, #tpu.memory_space<vmem>>, vector<1x64x32xf32>,
    } else {
    }
    %slice3A_169 = vector.extract_strided_slice %add3A {offsets = [0, 32], sizes = [1000, 32], strides = [1, 1]} : vector<1000x128xf32> to vector<1000x32xf32>
    %slice3A_170 = vector.extract_strided_slice %add3A_19 {offsets = [0, 32], sizes = [1000, 32], strides = [1, 1]} : vector<1000x128xf32> to vector<1000x32xf32>
    %get3A_171 = arith.constant 1 : index
    %get3A_172 = arith.constant 0 : index
    %get3A_173 = arith.constant 0 : index
    %get3A_174 = vector.load %arg1[%get3A_171, %get3A_172, %get3A_173] : memref<4x1000x128xf32, #tpu.memory_space<vmem>>, vector<1x1000x128xf32>
    %get3A_175 = vector.shape_cast %get3A_174 : vector<1x1000x128xf32> to vector<1000x128xf32>
    %concatenate3A_176 = tpu.concatenate %get3A_175, %slice3A_169, %slice3A_170 in 1 : vector<1000x128xf32>, vector<1000x32xf32>, vector<1000x32xf32> -> vector<1000x192xf32>
    %logistic3A_177 = arith.negf %concatenate3A_176 : vector<1000x192xf32>
    %logistic3A_178 = math.exp %logistic3A_177 : vector<1000x192xf32>
    %logistic3A_179 = arith.constant 1.000000e+00 : f32
    %logistic3A_180 = vector.broadcast %logistic3A_179 : f32 to vector<1000x192xf32>
    %logistic3A_181 = arith.addf %logistic3A_180, %logistic3A_178 : vector<1000x192xf32>
    %logistic3A_182 = arith.divf %logistic3A_180, %logistic3A_181 : vector<1000x192xf32>
    %mul3A_183 = arith.mulf %concatenate3A_176, %logistic3A_182 : vector<1000x192xf32>
    %get3A_184 = arith.constant 0 : index
    %get3A_185 = arith.constant 0 : index
    %get3A_186 = vector.load %arg4[%get3A_184, %get3A_185] : memref<1x192xf32, #tpu.memory_space<vmem>>, vector<1x192xf32>
    %get3A_187 = arith.constant 0 : index
    %get3A_188 = arith.constant 0 : index
    %get3A_189 = vector.load %arg5[%get3A_187, %get3A_188] : memref<1x192xf32, #tpu.memory_space<vmem>>, vector<1x192xf32>
    %reduce_sum3A_190 = arith.constant dense<0.000000e+00> : vector<1000xf32>
    %reduce_sum3A_191 = vector.multi_reduction <add>, %mul3A_183, %reduce_sum3A_190 [1] : vector<1000x192xf32> to vector<1000xf32>
    %broadcast_in_dim3A_192 = vector.shape_cast %reduce_sum3A_191 : vector<1000xf32> to vector<1000x1xf32>
    %div3A_193 = arith.constant 1.920000e+02 : f32
    %div3A_194 = vector.broadcast %div3A_193 : f32 to vector<1000x1xf32>
    %div3A_195 = arith.divf %broadcast_in_dim3A_192, %div3A_194 : vector<1000x1xf32>
    %jit3A_196 = arith.constant 0 : i32
    %reduce_sum3A_197 = arith.constant dense<0.000000e+00> : vector<1000xf32>
    %reduce_sum3A_198 = vector.multi_reduction <add>, %mul3A_183, %reduce_sum3A_197 [1] : vector<1000x192xf32> to vector<1000xf32>
    %broadcast_in_dim3A_199 = vector.shape_cast %reduce_sum3A_198 : vector<1000xf32> to vector<1000x1xf32>
    %div3A_200 = arith.constant 1.920000e+02 : f32
    %div3A_201 = vector.broadcast %div3A_200 : f32 to vector<1000x1xf32>
    %div3A_202 = arith.divf %broadcast_in_dim3A_199, %div3A_201 : vector<1000x1xf32>
    %sub3A_203 = vector.broadcast %div3A_202 : vector<1000x1xf32> to vector<1000x192xf32>
    %sub3A_204 = arith.subf %mul3A_183, %sub3A_203 : vector<1000x192xf32>
    %square3A_205 = arith.mulf %sub3A_204, %sub3A_204 : vector<1000x192xf32>
    %convert_element_type3A_206 = arith.sitofp %jit3A_196 : i32 to f32
    %sub3A_207 = arith.constant 1.920000e+02 : f32
    %sub3A_208 = arith.subf %sub3A_207, %convert_element_type3A_206 : f32
    %reduce_sum3A_209 = arith.constant dense<0.000000e+00> : vector<1000xf32>
    %reduce_sum3A_210 = vector.multi_reduction <add>, %square3A_205, %reduce_sum3A_209 [1] : vector<1000x192xf32> to vector<1000xf32>
    %broadcast_in_dim3A_211 = vector.shape_cast %reduce_sum3A_210 : vector<1000xf32> to vector<1000x1xf32>
    %div3A_212 = vector.broadcast %sub3A_208 : f32 to vector<1000x1xf32>
    %div3A_213 = arith.divf %broadcast_in_dim3A_211, %div3A_212 : vector<1000x1xf32>
    %gt3A_214 = arith.constant 0.000000e+00 : f32
    %gt3A_215 = arith.cmpf ogt, %sub3A_208, %gt3A_214 : f32
    %jit3A_216 = arith.constant 0x7FC00000 : f32
    %broadcast_in_dim3A_217 = vector.broadcast %jit3A_216 : f32 to vector<1000x1xf32>
    %select_n3A_218 = arith.select %gt3A_215, %div3A_213, %broadcast_in_dim3A_217 : vector<1000x1xf32>
    %sub3A_219 = vector.broadcast %div3A_195 : vector<1000x1xf32> to vector<1000x192xf32>
    %sub3A_220 = arith.subf %mul3A_183, %sub3A_219 : vector<1000x192xf32>
    %add3A_221 = arith.constant 9.99999974E-6 : f32
    %add3A_222 = vector.broadcast %add3A_221 : f32 to vector<1000x1xf32>
    %add3A_223 = arith.addf %select_n3A_218, %add3A_222 : vector<1000x1xf32>
    %sqrt3A_224 = math.sqrt %add3A_223 : vector<1000x1xf32>
    %div3A_225 = vector.broadcast %sqrt3A_224 : vector<1000x1xf32> to vector<1000x192xf32>
    %div3A_226 = arith.divf %sub3A_220, %div3A_225 : vector<1000x192xf32>
    %mul3A_227 = vector.broadcast %get3A_186 : vector<1x192xf32> to vector<1000x192xf32>
    %mul3A_228 = arith.mulf %div3A_226, %mul3A_227 : vector<1000x192xf32>
    %add3A_229 = vector.broadcast %get3A_189 : vector<1x192xf32> to vector<1000x192xf32>
    %add3A_230 = arith.addf %mul3A_228, %add3A_229 : vector<1000x192xf32>
    %get3A_231 = arith.constant 0 : index
    %get3A_232 = arith.constant 0 : index
    %get3A_233 = vector.load %arg6[%get3A_231, %get3A_232] : memref<192x128xf32, #tpu.memory_space<vmem>>, vector<192x128xf32>
    %dot_general3A_234 = arith.constant dense<0.000000e+00> : vector<1000x128xf32>
    %dot_general3A_235 = tpu.matmul %add3A_230, %get3A_233, %dot_general3A_234 {dimension_numbers = #tpu.dot_dimension_numbers<[1], [0], [0], [1], [0, 0, 1, 1], [], []>, transpose_lhs_hint = false} : vector<1000x192xf32>, vector<192x128xf32>, vector<1000x128xf32> -> vector<1000x128xf32>
    %get3A_236 = arith.constant 0 : index
    %get3A_237 = arith.constant 0 : index
    %get3A_238 = vector.load %arg7[%get3A_236, %get3A_237] : memref<1x128xf32, #tpu.memory_space<vmem>>, vector<1x128xf32>
    %add3A_239 = vector.broadcast %get3A_238 : vector<1x128xf32> to vector<1000x128xf32>
    %add3A_240 = arith.addf %dot_general3A_235, %add3A_239 : vector<1000x128xf32>
    %logistic3A_241 = arith.negf %add3A_240 : vector<1000x128xf32>
    %logistic3A_242 = math.exp %logistic3A_241 : vector<1000x128xf32>
    %logistic3A_243 = arith.constant 1.000000e+00 : f32
    %logistic3A_244 = vector.broadcast %logistic3A_243 : f32 to vector<1000x128xf32>
    %logistic3A_245 = arith.addf %logistic3A_244, %logistic3A_242 : vector<1000x128xf32>
    %logistic3A_246 = arith.divf %logistic3A_244, %logistic3A_245 : vector<1000x128xf32>
    %mul3A_247 = arith.mulf %add3A_240, %logistic3A_246 : vector<1000x128xf32>
    %get3A_248 = arith.constant 0 : index
    %get3A_249 = arith.constant 0 : index
    %get3A_250 = vector.load %arg8[%get3A_248, %get3A_249] : memref<1x128xf32, #tpu.memory_space<vmem>>, vector<1x128xf32>
    %get3A_251 = arith.constant 0 : index
    %get3A_252 = arith.constant 0 : index
    %get3A_253 = vector.load %arg9[%get3A_251, %get3A_252] : memref<1x128xf32, #tpu.memory_space<vmem>>, vector<1x128xf32>
    %reduce_sum3A_254 = arith.constant dense<0.000000e+00> : vector<1000xf32>
    %reduce_sum3A_255 = vector.multi_reduction <add>, %mul3A_247, %reduce_sum3A_254 [1] : vector<1000x128xf32> to vector<1000xf32>
    %broadcast_in_dim3A_256 = vector.shape_cast %reduce_sum3A_255 : vector<1000xf32> to vector<1000x1xf32>
    %div3A_257 = arith.constant 1.280000e+02 : f32
    %div3A_258 = vector.broadcast %div3A_257 : f32 to vector<1000x1xf32>
    %div3A_259 = arith.divf %broadcast_in_dim3A_256, %div3A_258 : vector<1000x1xf32>
    %jit3A_260 = arith.constant 0 : i32
    %reduce_sum3A_261 = arith.constant dense<0.000000e+00> : vector<1000xf32>
    %reduce_sum3A_262 = vector.multi_reduction <add>, %mul3A_247, %reduce_sum3A_261 [1] : vector<1000x128xf32> to vector<1000xf32>
    %broadcast_in_dim3A_263 = vector.shape_cast %reduce_sum3A_262 : vector<1000xf32> to vector<1000x1xf32>
    %div3A_264 = arith.constant 1.280000e+02 : f32
    %div3A_265 = vector.broadcast %div3A_264 : f32 to vector<1000x1xf32>
    %div3A_266 = arith.divf %broadcast_in_dim3A_263, %div3A_265 : vector<1000x1xf32>
    %sub3A_267 = vector.broadcast %div3A_266 : vector<1000x1xf32> to vector<1000x128xf32>
    %sub3A_268 = arith.subf %mul3A_247, %sub3A_267 : vector<1000x128xf32>
    %square3A_269 = arith.mulf %sub3A_268, %sub3A_268 : vector<1000x128xf32>
    %convert_element_type3A_270 = arith.sitofp %jit3A_260 : i32 to f32
    %sub3A_271 = arith.constant 1.280000e+02 : f32
    %sub3A_272 = arith.subf %sub3A_271, %convert_element_type3A_270 : f32
    %reduce_sum3A_273 = arith.constant dense<0.000000e+00> : vector<1000xf32>
    %reduce_sum3A_274 = vector.multi_reduction <add>, %square3A_269, %reduce_sum3A_273 [1] : vector<1000x128xf32> to vector<1000xf32>
    %broadcast_in_dim3A_275 = vector.shape_cast %reduce_sum3A_274 : vector<1000xf32> to vector<1000x1xf32>
    %div3A_276 = vector.broadcast %sub3A_272 : f32 to vector<1000x1xf32>
    %div3A_277 = arith.divf %broadcast_in_dim3A_275, %div3A_276 : vector<1000x1xf32>
    %gt3A_278 = arith.constant 0.000000e+00 : f32
    %gt3A_279 = arith.cmpf ogt, %sub3A_272, %gt3A_278 : f32
    %jit3A_280 = arith.constant 0x7FC00000 : f32
    %broadcast_in_dim3A_281 = vector.broadcast %jit3A_280 : f32 to vector<1000x1xf32>
    %select_n3A_282 = arith.select %gt3A_279, %div3A_277, %broadcast_in_dim3A_281 : vector<1000x1xf32>
    %sub3A_283 = vector.broadcast %div3A_259 : vector<1000x1xf32> to vector<1000x128xf32>
    %sub3A_284 = arith.subf %mul3A_247, %sub3A_283 : vector<1000x128xf32>
    %add3A_285 = arith.constant 9.99999974E-6 : f32
    %add3A_286 = vector.broadcast %add3A_285 : f32 to vector<1000x1xf32>
    %add3A_287 = arith.addf %select_n3A_282, %add3A_286 : vector<1000x1xf32>
    %sqrt3A_288 = math.sqrt %add3A_287 : vector<1000x1xf32>
    %div3A_289 = vector.broadcast %sqrt3A_288 : vector<1000x1xf32> to vector<1000x128xf32>
    %div3A_290 = arith.divf %sub3A_284, %div3A_289 : vector<1000x128xf32>
    %mul3A_291 = vector.broadcast %get3A_250 : vector<1x128xf32> to vector<1000x128xf32>
    %mul3A_292 = arith.mulf %div3A_290, %mul3A_291 : vector<1000x128xf32>
    %add3A_293 = vector.broadcast %get3A_253 : vector<1x128xf32> to vector<1000x128xf32>
    %add3A_294 = arith.addf %mul3A_292, %add3A_293 : vector<1000x128xf32>
    %swap3A_295 = arith.constant 1 : index
    %swap3A_296 = arith.constant 0 : index
    %swap3A_297 = arith.constant 0 : index
    %swap3A_298 = vector.load %arg13[%swap3A_295, %swap3A_296, %swap3A_297] : memref<4x1000x128xf32, #tpu.memory_space<vmem>>, vector<1x1000x128xf32>
    %swap3A_299 = vector.shape_cast %swap3A_298 : vector<1x1000x128xf32> to vector<1000x128xf32>
    %swap3A_300 = vector.shape_cast %add3A_294 : vector<1000x128xf32> to vector<1x1000x128xf32>
    tpu.vector_store %arg13[%swap3A_295, %swap3A_296, %swap3A_297], %swap3A_300 {strides = array<i32>} : memref<4x1000x128xf32, #tpu.memory_space<vmem>>, vector<1x1000x128xf32>,
    %get3A_301 = arith.constant 0 : index
    %get3A_302 = arith.constant 0 : index
    %get3A_303 = vector.load %arg10[%get3A_301, %get3A_302] : memref<128x64xf32, #tpu.memory_space<vmem>>, vector<128x64xf32>
    %dot_general3A_304 = arith.constant dense<0.000000e+00> : vector<1000x64xf32>
    %dot_general3A_305 = tpu.matmul %add3A_294, %get3A_303, %dot_general3A_304 {dimension_numbers = #tpu.dot_dimension_numbers<[1], [0], [0], [1], [0, 0, 1, 1], [], []>, transpose_lhs_hint = false} : vector<1000x128xf32>, vector<128x64xf32>, vector<1000x64xf32> -> vector<1000x64xf32>
    %get3A_306 = arith.constant 0 : index
    %get3A_307 = arith.constant 0 : index
    %get3A_308 = vector.load %arg11[%get3A_306, %get3A_307] : memref<1x64xf32, #tpu.memory_space<vmem>>, vector<1x64xf32>
    %add3A_309 = vector.broadcast %get3A_308 : vector<1x64xf32> to vector<1000x64xf32>
    %add3A_310 = arith.addf %dot_general3A_305, %add3A_309 : vector<1000x64xf32>
    %gt3A_311 = arith.constant 0.000000e+00 : f32
    %gt3A_312 = vector.broadcast %gt3A_311 : f32 to vector<1000x64xf32>
    %gt3A_313 = arith.cmpf ogt, %add3A_310, %gt3A_312 : vector<1000x64xf32>
    %add3A_314 = arith.constant 1.000000e+00 : f32
    %add3A_315 = vector.broadcast %add3A_314 : f32 to vector<1000x64xf32>
    %add3A_316 = arith.addf %add3A_310, %add3A_315 : vector<1000x64xf32>
    %min3A_317 = arith.constant 0.000000e+00 : f32
    %min3A_318 = vector.broadcast %min3A_317 : f32 to vector<1000x64xf32>
    %min3A_319 = arith.minimumf %add3A_310, %min3A_318 : vector<1000x64xf32>
    %exp3A_320 = math.exp %min3A_319 : vector<1000x64xf32>
    %select_n3A_321 = arith.select %gt3A_313, %add3A_316, %exp3A_320 : vector<1000x64xi1>, vector<1000x64xf32>
    %get3A_322 = arith.constant 0 : index
    %get3A_323 = arith.constant 0 : index
    %get3A_324 = vector.load %arg12[%get3A_322, %get3A_323] : memref<128x32xf32, #tpu.memory_space<vmem>>, vector<128x32xf32>
    %dot_general3A_325 = arith.constant dense<0.000000e+00> : vector<1000x32xf32>
    %dot_general3A_326 = tpu.matmul %add3A_294, %get3A_324, %dot_general3A_325 {dimension_numbers = #tpu.dot_dimension_numbers<[1], [0], [0], [1], [0, 0, 1, 1], [], []>, transpose_lhs_hint = false} : vector<1000x128xf32>, vector<128x32xf32>, vector<1000x32xf32> -> vector<1000x32xf32>
    %dot_general3A_327 = arith.constant dense<0.000000e+00> : vector<64x32xf32>
    %dot_general3A_328 = tpu.matmul %select_n3A_321, %dot_general3A_326, %dot_general3A_327 {dimension_numbers = #tpu.dot_dimension_numbers<[0], [0], [1], [1], [0, 1, 1, 1], [], []>, transpose_lhs_hint = false} : vector<1000x64xf32>, vector<1000x32xf32>, vector<64x32xf32> -> vector<64x32xf32>
    %eq3A_329 = arith.constant 0 : i32
    %eq3A_330 = arith.cmpi eq, %arg0, %eq3A_329 : i32
    %convert_element_type3A_331 = arith.extui %eq3A_330 : i1 to i32
    %cond3A_332 = arith.constant 0 : i32
    %cond3A_333 = arith.cmpi ne, %convert_element_type3A_331, %cond3A_332 : i32
    scf.if %cond3A_333 {
      %swap3A_679 = arith.constant 1 : index
      %swap3A_680 = arith.constant 0 : index
      %swap3A_681 = arith.constant 0 : index
      %swap3A_682 = vector.load %arg14[%swap3A_679, %swap3A_680, %swap3A_681] : memref<4x64x32xf32, #tpu.memory_space<vmem>>, vector<1x64x32xf32>
      %swap3A_683 = vector.shape_cast %swap3A_682 : vector<1x64x32xf32> to vector<64x32xf32>
      %swap3A_684 = vector.shape_cast %dot_general3A_328 : vector<64x32xf32> to vector<1x64x32xf32>
      tpu.vector_store %arg14[%swap3A_679, %swap3A_680, %swap3A_681], %swap3A_684 {strides = array<i32>} : memref<4x64x32xf32, #tpu.memory_space<vmem>>, vector<1x64x32xf32>,
    } else {
    }
    %ne3A_334 = arith.constant 0 : i32
    %ne3A_335 = arith.cmpi ne, %arg0, %ne3A_334 : i32
    %convert_element_type3A_336 = arith.extui %ne3A_335 : i1 to i32
    %cond3A_337 = arith.constant 0 : i32
    %cond3A_338 = arith.cmpi ne, %convert_element_type3A_336, %cond3A_337 : i32
    scf.if %cond3A_338 {
      %get3A_679 = arith.constant 1 : index
      %get3A_680 = arith.constant 0 : index
      %get3A_681 = arith.constant 0 : index
      %get3A_682 = vector.load %arg14[%get3A_679, %get3A_680, %get3A_681] : memref<4x64x32xf32, #tpu.memory_space<vmem>>, vector<1x64x32xf32>
      %get3A_683 = vector.shape_cast %get3A_682 : vector<1x64x32xf32> to vector<64x32xf32>
      %add3A_684 = arith.addf %get3A_683, %dot_general3A_328 : vector<64x32xf32>
      %swap3A_685 = arith.constant 1 : index
      %swap3A_686 = arith.constant 0 : index
      %swap3A_687 = arith.constant 0 : index
      %swap3A_688 = vector.load %arg14[%swap3A_685, %swap3A_686, %swap3A_687] : memref<4x64x32xf32, #tpu.memory_space<vmem>>, vector<1x64x32xf32>
      %swap3A_689 = vector.shape_cast %swap3A_688 : vector<1x64x32xf32> to vector<64x32xf32>
      %swap3A_690 = vector.shape_cast %add3A_684 : vector<64x32xf32> to vector<1x64x32xf32>
      tpu.vector_store %arg14[%swap3A_685, %swap3A_686, %swap3A_687], %swap3A_690 {strides = array<i32>} : memref<4x64x32xf32, #tpu.memory_space<vmem>>, vector<1x64x32xf32>,
    } else {
    }
    %slice3A_339 = vector.extract_strided_slice %add3A {offsets = [0, 64], sizes = [1000, 32], strides = [1, 1]} : vector<1000x128xf32> to vector<1000x32xf32>
    %slice3A_340 = vector.extract_strided_slice %add3A_19 {offsets = [0, 64], sizes = [1000, 32], strides = [1, 1]} : vector<1000x128xf32> to vector<1000x32xf32>
    %get3A_341 = arith.constant 2 : index
    %get3A_342 = arith.constant 0 : index
    %get3A_343 = arith.constant 0 : index
    %get3A_344 = vector.load %arg1[%get3A_341, %get3A_342, %get3A_343] : memref<4x1000x128xf32, #tpu.memory_space<vmem>>, vector<1x1000x128xf32>
    %get3A_345 = vector.shape_cast %get3A_344 : vector<1x1000x128xf32> to vector<1000x128xf32>
    %concatenate3A_346 = tpu.concatenate %get3A_345, %slice3A_339, %slice3A_340 in 1 : vector<1000x128xf32>, vector<1000x32xf32>, vector<1000x32xf32> -> vector<1000x192xf32>
    %logistic3A_347 = arith.negf %concatenate3A_346 : vector<1000x192xf32>
    %logistic3A_348 = math.exp %logistic3A_347 : vector<1000x192xf32>
    %logistic3A_349 = arith.constant 1.000000e+00 : f32
    %logistic3A_350 = vector.broadcast %logistic3A_349 : f32 to vector<1000x192xf32>
    %logistic3A_351 = arith.addf %logistic3A_350, %logistic3A_348 : vector<1000x192xf32>
    %logistic3A_352 = arith.divf %logistic3A_350, %logistic3A_351 : vector<1000x192xf32>
    %mul3A_353 = arith.mulf %concatenate3A_346, %logistic3A_352 : vector<1000x192xf32>
    %get3A_354 = arith.constant 0 : index
    %get3A_355 = arith.constant 0 : index
    %get3A_356 = vector.load %arg4[%get3A_354, %get3A_355] : memref<1x192xf32, #tpu.memory_space<vmem>>, vector<1x192xf32>
    %get3A_357 = arith.constant 0 : index
    %get3A_358 = arith.constant 0 : index
    %get3A_359 = vector.load %arg5[%get3A_357, %get3A_358] : memref<1x192xf32, #tpu.memory_space<vmem>>, vector<1x192xf32>
    %reduce_sum3A_360 = arith.constant dense<0.000000e+00> : vector<1000xf32>
    %reduce_sum3A_361 = vector.multi_reduction <add>, %mul3A_353, %reduce_sum3A_360 [1] : vector<1000x192xf32> to vector<1000xf32>
    %broadcast_in_dim3A_362 = vector.shape_cast %reduce_sum3A_361 : vector<1000xf32> to vector<1000x1xf32>
    %div3A_363 = arith.constant 1.920000e+02 : f32
    %div3A_364 = vector.broadcast %div3A_363 : f32 to vector<1000x1xf32>
    %div3A_365 = arith.divf %broadcast_in_dim3A_362, %div3A_364 : vector<1000x1xf32>
    %jit3A_366 = arith.constant 0 : i32
    %reduce_sum3A_367 = arith.constant dense<0.000000e+00> : vector<1000xf32>
    %reduce_sum3A_368 = vector.multi_reduction <add>, %mul3A_353, %reduce_sum3A_367 [1] : vector<1000x192xf32> to vector<1000xf32>
    %broadcast_in_dim3A_369 = vector.shape_cast %reduce_sum3A_368 : vector<1000xf32> to vector<1000x1xf32>
    %div3A_370 = arith.constant 1.920000e+02 : f32
    %div3A_371 = vector.broadcast %div3A_370 : f32 to vector<1000x1xf32>
    %div3A_372 = arith.divf %broadcast_in_dim3A_369, %div3A_371 : vector<1000x1xf32>
    %sub3A_373 = vector.broadcast %div3A_372 : vector<1000x1xf32> to vector<1000x192xf32>
    %sub3A_374 = arith.subf %mul3A_353, %sub3A_373 : vector<1000x192xf32>
    %square3A_375 = arith.mulf %sub3A_374, %sub3A_374 : vector<1000x192xf32>
    %convert_element_type3A_376 = arith.sitofp %jit3A_366 : i32 to f32
    %sub3A_377 = arith.constant 1.920000e+02 : f32
    %sub3A_378 = arith.subf %sub3A_377, %convert_element_type3A_376 : f32
    %reduce_sum3A_379 = arith.constant dense<0.000000e+00> : vector<1000xf32>
    %reduce_sum3A_380 = vector.multi_reduction <add>, %square3A_375, %reduce_sum3A_379 [1] : vector<1000x192xf32> to vector<1000xf32>
    %broadcast_in_dim3A_381 = vector.shape_cast %reduce_sum3A_380 : vector<1000xf32> to vector<1000x1xf32>
    %div3A_382 = vector.broadcast %sub3A_378 : f32 to vector<1000x1xf32>
    %div3A_383 = arith.divf %broadcast_in_dim3A_381, %div3A_382 : vector<1000x1xf32>
    %gt3A_384 = arith.constant 0.000000e+00 : f32
    %gt3A_385 = arith.cmpf ogt, %sub3A_378, %gt3A_384 : f32
    %jit3A_386 = arith.constant 0x7FC00000 : f32
    %broadcast_in_dim3A_387 = vector.broadcast %jit3A_386 : f32 to vector<1000x1xf32>
    %select_n3A_388 = arith.select %gt3A_385, %div3A_383, %broadcast_in_dim3A_387 : vector<1000x1xf32>
    %sub3A_389 = vector.broadcast %div3A_365 : vector<1000x1xf32> to vector<1000x192xf32>
    %sub3A_390 = arith.subf %mul3A_353, %sub3A_389 : vector<1000x192xf32>
    %add3A_391 = arith.constant 9.99999974E-6 : f32
    %add3A_392 = vector.broadcast %add3A_391 : f32 to vector<1000x1xf32>
    %add3A_393 = arith.addf %select_n3A_388, %add3A_392 : vector<1000x1xf32>
    %sqrt3A_394 = math.sqrt %add3A_393 : vector<1000x1xf32>
    %div3A_395 = vector.broadcast %sqrt3A_394 : vector<1000x1xf32> to vector<1000x192xf32>
    %div3A_396 = arith.divf %sub3A_390, %div3A_395 : vector<1000x192xf32>
    %mul3A_397 = vector.broadcast %get3A_356 : vector<1x192xf32> to vector<1000x192xf32>
    %mul3A_398 = arith.mulf %div3A_396, %mul3A_397 : vector<1000x192xf32>
    %add3A_399 = vector.broadcast %get3A_359 : vector<1x192xf32> to vector<1000x192xf32>
    %add3A_400 = arith.addf %mul3A_398, %add3A_399 : vector<1000x192xf32>
    %get3A_401 = arith.constant 0 : index
    %get3A_402 = arith.constant 0 : index
    %get3A_403 = vector.load %arg6[%get3A_401, %get3A_402] : memref<192x128xf32, #tpu.memory_space<vmem>>, vector<192x128xf32>
    %dot_general3A_404 = arith.constant dense<0.000000e+00> : vector<1000x128xf32>
    %dot_general3A_405 = tpu.matmul %add3A_400, %get3A_403, %dot_general3A_404 {dimension_numbers = #tpu.dot_dimension_numbers<[1], [0], [0], [1], [0, 0, 1, 1], [], []>, transpose_lhs_hint = false} : vector<1000x192xf32>, vector<192x128xf32>, vector<1000x128xf32> -> vector<1000x128xf32>
    %get3A_406 = arith.constant 0 : index
    %get3A_407 = arith.constant 0 : index
    %get3A_408 = vector.load %arg7[%get3A_406, %get3A_407] : memref<1x128xf32, #tpu.memory_space<vmem>>, vector<1x128xf32>
    %add3A_409 = vector.broadcast %get3A_408 : vector<1x128xf32> to vector<1000x128xf32>
    %add3A_410 = arith.addf %dot_general3A_405, %add3A_409 : vector<1000x128xf32>
    %logistic3A_411 = arith.negf %add3A_410 : vector<1000x128xf32>
    %logistic3A_412 = math.exp %logistic3A_411 : vector<1000x128xf32>
    %logistic3A_413 = arith.constant 1.000000e+00 : f32
    %logistic3A_414 = vector.broadcast %logistic3A_413 : f32 to vector<1000x128xf32>
    %logistic3A_415 = arith.addf %logistic3A_414, %logistic3A_412 : vector<1000x128xf32>
    %logistic3A_416 = arith.divf %logistic3A_414, %logistic3A_415 : vector<1000x128xf32>
    %mul3A_417 = arith.mulf %add3A_410, %logistic3A_416 : vector<1000x128xf32>
    %get3A_418 = arith.constant 0 : index
    %get3A_419 = arith.constant 0 : index
    %get3A_420 = vector.load %arg8[%get3A_418, %get3A_419] : memref<1x128xf32, #tpu.memory_space<vmem>>, vector<1x128xf32>
    %get3A_421 = arith.constant 0 : index
    %get3A_422 = arith.constant 0 : index
    %get3A_423 = vector.load %arg9[%get3A_421, %get3A_422] : memref<1x128xf32, #tpu.memory_space<vmem>>, vector<1x128xf32>
    %reduce_sum3A_424 = arith.constant dense<0.000000e+00> : vector<1000xf32>
    %reduce_sum3A_425 = vector.multi_reduction <add>, %mul3A_417, %reduce_sum3A_424 [1] : vector<1000x128xf32> to vector<1000xf32>
    %broadcast_in_dim3A_426 = vector.shape_cast %reduce_sum3A_425 : vector<1000xf32> to vector<1000x1xf32>
    %div3A_427 = arith.constant 1.280000e+02 : f32
    %div3A_428 = vector.broadcast %div3A_427 : f32 to vector<1000x1xf32>
    %div3A_429 = arith.divf %broadcast_in_dim3A_426, %div3A_428 : vector<1000x1xf32>
    %jit3A_430 = arith.constant 0 : i32
    %reduce_sum3A_431 = arith.constant dense<0.000000e+00> : vector<1000xf32>
    %reduce_sum3A_432 = vector.multi_reduction <add>, %mul3A_417, %reduce_sum3A_431 [1] : vector<1000x128xf32> to vector<1000xf32>
    %broadcast_in_dim3A_433 = vector.shape_cast %reduce_sum3A_432 : vector<1000xf32> to vector<1000x1xf32>
    %div3A_434 = arith.constant 1.280000e+02 : f32
    %div3A_435 = vector.broadcast %div3A_434 : f32 to vector<1000x1xf32>
    %div3A_436 = arith.divf %broadcast_in_dim3A_433, %div3A_435 : vector<1000x1xf32>
    %sub3A_437 = vector.broadcast %div3A_436 : vector<1000x1xf32> to vector<1000x128xf32>
    %sub3A_438 = arith.subf %mul3A_417, %sub3A_437 : vector<1000x128xf32>
    %square3A_439 = arith.mulf %sub3A_438, %sub3A_438 : vector<1000x128xf32>
    %convert_element_type3A_440 = arith.sitofp %jit3A_430 : i32 to f32
    %sub3A_441 = arith.constant 1.280000e+02 : f32
    %sub3A_442 = arith.subf %sub3A_441, %convert_element_type3A_440 : f32
    %reduce_sum3A_443 = arith.constant dense<0.000000e+00> : vector<1000xf32>
    %reduce_sum3A_444 = vector.multi_reduction <add>, %square3A_439, %reduce_sum3A_443 [1] : vector<1000x128xf32> to vector<1000xf32>
    %broadcast_in_dim3A_445 = vector.shape_cast %reduce_sum3A_444 : vector<1000xf32> to vector<1000x1xf32>
    %div3A_446 = vector.broadcast %sub3A_442 : f32 to vector<1000x1xf32>
    %div3A_447 = arith.divf %broadcast_in_dim3A_445, %div3A_446 : vector<1000x1xf32>
    %gt3A_448 = arith.constant 0.000000e+00 : f32
    %gt3A_449 = arith.cmpf ogt, %sub3A_442, %gt3A_448 : f32
    %jit3A_450 = arith.constant 0x7FC00000 : f32
    %broadcast_in_dim3A_451 = vector.broadcast %jit3A_450 : f32 to vector<1000x1xf32>
    %select_n3A_452 = arith.select %gt3A_449, %div3A_447, %broadcast_in_dim3A_451 : vector<1000x1xf32>
    %sub3A_453 = vector.broadcast %div3A_429 : vector<1000x1xf32> to vector<1000x128xf32>
    %sub3A_454 = arith.subf %mul3A_417, %sub3A_453 : vector<1000x128xf32>
    %add3A_455 = arith.constant 9.99999974E-6 : f32
    %add3A_456 = vector.broadcast %add3A_455 : f32 to vector<1000x1xf32>
    %add3A_457 = arith.addf %select_n3A_452, %add3A_456 : vector<1000x1xf32>
    %sqrt3A_458 = math.sqrt %add3A_457 : vector<1000x1xf32>
    %div3A_459 = vector.broadcast %sqrt3A_458 : vector<1000x1xf32> to vector<1000x128xf32>
    %div3A_460 = arith.divf %sub3A_454, %div3A_459 : vector<1000x128xf32>
    %mul3A_461 = vector.broadcast %get3A_420 : vector<1x128xf32> to vector<1000x128xf32>
    %mul3A_462 = arith.mulf %div3A_460, %mul3A_461 : vector<1000x128xf32>
    %add3A_463 = vector.broadcast %get3A_423 : vector<1x128xf32> to vector<1000x128xf32>
    %add3A_464 = arith.addf %mul3A_462, %add3A_463 : vector<1000x128xf32>
    %swap3A_465 = arith.constant 2 : index
    %swap3A_466 = arith.constant 0 : index
    %swap3A_467 = arith.constant 0 : index
    %swap3A_468 = vector.load %arg13[%swap3A_465, %swap3A_466, %swap3A_467] : memref<4x1000x128xf32, #tpu.memory_space<vmem>>, vector<1x1000x128xf32>
    %swap3A_469 = vector.shape_cast %swap3A_468 : vector<1x1000x128xf32> to vector<1000x128xf32>
    %swap3A_470 = vector.shape_cast %add3A_464 : vector<1000x128xf32> to vector<1x1000x128xf32>
    tpu.vector_store %arg13[%swap3A_465, %swap3A_466, %swap3A_467], %swap3A_470 {strides = array<i32>} : memref<4x1000x128xf32, #tpu.memory_space<vmem>>, vector<1x1000x128xf32>,
    %get3A_471 = arith.constant 0 : index
    %get3A_472 = arith.constant 0 : index
    %get3A_473 = vector.load %arg10[%get3A_471, %get3A_472] : memref<128x64xf32, #tpu.memory_space<vmem>>, vector<128x64xf32>
    %dot_general3A_474 = arith.constant dense<0.000000e+00> : vector<1000x64xf32>
    %dot_general3A_475 = tpu.matmul %add3A_464, %get3A_473, %dot_general3A_474 {dimension_numbers = #tpu.dot_dimension_numbers<[1], [0], [0], [1], [0, 0, 1, 1], [], []>, transpose_lhs_hint = false} : vector<1000x128xf32>, vector<128x64xf32>, vector<1000x64xf32> -> vector<1000x64xf32>
    %get3A_476 = arith.constant 0 : index
    %get3A_477 = arith.constant 0 : index
    %get3A_478 = vector.load %arg11[%get3A_476, %get3A_477] : memref<1x64xf32, #tpu.memory_space<vmem>>, vector<1x64xf32>
    %add3A_479 = vector.broadcast %get3A_478 : vector<1x64xf32> to vector<1000x64xf32>
    %add3A_480 = arith.addf %dot_general3A_475, %add3A_479 : vector<1000x64xf32>
    %gt3A_481 = arith.constant 0.000000e+00 : f32
    %gt3A_482 = vector.broadcast %gt3A_481 : f32 to vector<1000x64xf32>
    %gt3A_483 = arith.cmpf ogt, %add3A_480, %gt3A_482 : vector<1000x64xf32>
    %add3A_484 = arith.constant 1.000000e+00 : f32
    %add3A_485 = vector.broadcast %add3A_484 : f32 to vector<1000x64xf32>
    %add3A_486 = arith.addf %add3A_480, %add3A_485 : vector<1000x64xf32>
    %min3A_487 = arith.constant 0.000000e+00 : f32
    %min3A_488 = vector.broadcast %min3A_487 : f32 to vector<1000x64xf32>
    %min3A_489 = arith.minimumf %add3A_480, %min3A_488 : vector<1000x64xf32>
    %exp3A_490 = math.exp %min3A_489 : vector<1000x64xf32>
    %select_n3A_491 = arith.select %gt3A_483, %add3A_486, %exp3A_490 : vector<1000x64xi1>, vector<1000x64xf32>
    %get3A_492 = arith.constant 0 : index
    %get3A_493 = arith.constant 0 : index
    %get3A_494 = vector.load %arg12[%get3A_492, %get3A_493] : memref<128x32xf32, #tpu.memory_space<vmem>>, vector<128x32xf32>
    %dot_general3A_495 = arith.constant dense<0.000000e+00> : vector<1000x32xf32>
    %dot_general3A_496 = tpu.matmul %add3A_464, %get3A_494, %dot_general3A_495 {dimension_numbers = #tpu.dot_dimension_numbers<[1], [0], [0], [1], [0, 0, 1, 1], [], []>, transpose_lhs_hint = false} : vector<1000x128xf32>, vector<128x32xf32>, vector<1000x32xf32> -> vector<1000x32xf32>
    %dot_general3A_497 = arith.constant dense<0.000000e+00> : vector<64x32xf32>
    %dot_general3A_498 = tpu.matmul %select_n3A_491, %dot_general3A_496, %dot_general3A_497 {dimension_numbers = #tpu.dot_dimension_numbers<[0], [0], [1], [1], [0, 1, 1, 1], [], []>, transpose_lhs_hint = false} : vector<1000x64xf32>, vector<1000x32xf32>, vector<64x32xf32> -> vector<64x32xf32>
    %eq3A_499 = arith.constant 0 : i32
    %eq3A_500 = arith.cmpi eq, %arg0, %eq3A_499 : i32
    %convert_element_type3A_501 = arith.extui %eq3A_500 : i1 to i32
    %cond3A_502 = arith.constant 0 : i32
    %cond3A_503 = arith.cmpi ne, %convert_element_type3A_501, %cond3A_502 : i32
    scf.if %cond3A_503 {
      %swap3A_679 = arith.constant 2 : index
      %swap3A_680 = arith.constant 0 : index
      %swap3A_681 = arith.constant 0 : index
      %swap3A_682 = vector.load %arg14[%swap3A_679, %swap3A_680, %swap3A_681] : memref<4x64x32xf32, #tpu.memory_space<vmem>>, vector<1x64x32xf32>
      %swap3A_683 = vector.shape_cast %swap3A_682 : vector<1x64x32xf32> to vector<64x32xf32>
      %swap3A_684 = vector.shape_cast %dot_general3A_498 : vector<64x32xf32> to vector<1x64x32xf32>
      tpu.vector_store %arg14[%swap3A_679, %swap3A_680, %swap3A_681], %swap3A_684 {strides = array<i32>} : memref<4x64x32xf32, #tpu.memory_space<vmem>>, vector<1x64x32xf32>,
    } else {
    }
    %ne3A_504 = arith.constant 0 : i32
    %ne3A_505 = arith.cmpi ne, %arg0, %ne3A_504 : i32
    %convert_element_type3A_506 = arith.extui %ne3A_505 : i1 to i32
    %cond3A_507 = arith.constant 0 : i32
    %cond3A_508 = arith.cmpi ne, %convert_element_type3A_506, %cond3A_507 : i32
    scf.if %cond3A_508 {
      %get3A_679 = arith.constant 2 : index
      %get3A_680 = arith.constant 0 : index
      %get3A_681 = arith.constant 0 : index
      %get3A_682 = vector.load %arg14[%get3A_679, %get3A_680, %get3A_681] : memref<4x64x32xf32, #tpu.memory_space<vmem>>, vector<1x64x32xf32>
      %get3A_683 = vector.shape_cast %get3A_682 : vector<1x64x32xf32> to vector<64x32xf32>
      %add3A_684 = arith.addf %get3A_683, %dot_general3A_498 : vector<64x32xf32>
      %swap3A_685 = arith.constant 2 : index
      %swap3A_686 = arith.constant 0 : index
      %swap3A_687 = arith.constant 0 : index
      %swap3A_688 = vector.load %arg14[%swap3A_685, %swap3A_686, %swap3A_687] : memref<4x64x32xf32, #tpu.memory_space<vmem>>, vector<1x64x32xf32>
      %swap3A_689 = vector.shape_cast %swap3A_688 : vector<1x64x32xf32> to vector<64x32xf32>
      %swap3A_690 = vector.shape_cast %add3A_684 : vector<64x32xf32> to vector<1x64x32xf32>
      tpu.vector_store %arg14[%swap3A_685, %swap3A_686, %swap3A_687], %swap3A_690 {strides = array<i32>} : memref<4x64x32xf32, #tpu.memory_space<vmem>>, vector<1x64x32xf32>,
    } else {
    }
    %slice3A_509 = vector.extract_strided_slice %add3A {offsets = [0, 96], sizes = [1000, 32], strides = [1, 1]} : vector<1000x128xf32> to vector<1000x32xf32>
    %slice3A_510 = vector.extract_strided_slice %add3A_19 {offsets = [0, 96], sizes = [1000, 32], strides = [1, 1]} : vector<1000x128xf32> to vector<1000x32xf32>
    %get3A_511 = arith.constant 3 : index
    %get3A_512 = arith.constant 0 : index
    %get3A_513 = arith.constant 0 : index
    %get3A_514 = vector.load %arg1[%get3A_511, %get3A_512, %get3A_513] : memref<4x1000x128xf32, #tpu.memory_space<vmem>>, vector<1x1000x128xf32>
    %get3A_515 = vector.shape_cast %get3A_514 : vector<1x1000x128xf32> to vector<1000x128xf32>
    %concatenate3A_516 = tpu.concatenate %get3A_515, %slice3A_509, %slice3A_510 in 1 : vector<1000x128xf32>, vector<1000x32xf32>, vector<1000x32xf32> -> vector<1000x192xf32>
    %logistic3A_517 = arith.negf %concatenate3A_516 : vector<1000x192xf32>
    %logistic3A_518 = math.exp %logistic3A_517 : vector<1000x192xf32>
    %logistic3A_519 = arith.constant 1.000000e+00 : f32
    %logistic3A_520 = vector.broadcast %logistic3A_519 : f32 to vector<1000x192xf32>
    %logistic3A_521 = arith.addf %logistic3A_520, %logistic3A_518 : vector<1000x192xf32>
    %logistic3A_522 = arith.divf %logistic3A_520, %logistic3A_521 : vector<1000x192xf32>
    %mul3A_523 = arith.mulf %concatenate3A_516, %logistic3A_522 : vector<1000x192xf32>
    %get3A_524 = arith.constant 0 : index
    %get3A_525 = arith.constant 0 : index
    %get3A_526 = vector.load %arg4[%get3A_524, %get3A_525] : memref<1x192xf32, #tpu.memory_space<vmem>>, vector<1x192xf32>
    %get3A_527 = arith.constant 0 : index
    %get3A_528 = arith.constant 0 : index
    %get3A_529 = vector.load %arg5[%get3A_527, %get3A_528] : memref<1x192xf32, #tpu.memory_space<vmem>>, vector<1x192xf32>
    %reduce_sum3A_530 = arith.constant dense<0.000000e+00> : vector<1000xf32>
    %reduce_sum3A_531 = vector.multi_reduction <add>, %mul3A_523, %reduce_sum3A_530 [1] : vector<1000x192xf32> to vector<1000xf32>
    %broadcast_in_dim3A_532 = vector.shape_cast %reduce_sum3A_531 : vector<1000xf32> to vector<1000x1xf32>
    %div3A_533 = arith.constant 1.920000e+02 : f32
    %div3A_534 = vector.broadcast %div3A_533 : f32 to vector<1000x1xf32>
    %div3A_535 = arith.divf %broadcast_in_dim3A_532, %div3A_534 : vector<1000x1xf32>
    %jit3A_536 = arith.constant 0 : i32
    %reduce_sum3A_537 = arith.constant dense<0.000000e+00> : vector<1000xf32>
    %reduce_sum3A_538 = vector.multi_reduction <add>, %mul3A_523, %reduce_sum3A_537 [1] : vector<1000x192xf32> to vector<1000xf32>
    %broadcast_in_dim3A_539 = vector.shape_cast %reduce_sum3A_538 : vector<1000xf32> to vector<1000x1xf32>
    %div3A_540 = arith.constant 1.920000e+02 : f32
    %div3A_541 = vector.broadcast %div3A_540 : f32 to vector<1000x1xf32>
    %div3A_542 = arith.divf %broadcast_in_dim3A_539, %div3A_541 : vector<1000x1xf32>
    %sub3A_543 = vector.broadcast %div3A_542 : vector<1000x1xf32> to vector<1000x192xf32>
    %sub3A_544 = arith.subf %mul3A_523, %sub3A_543 : vector<1000x192xf32>
    %square3A_545 = arith.mulf %sub3A_544, %sub3A_544 : vector<1000x192xf32>
    %convert_element_type3A_546 = arith.sitofp %jit3A_536 : i32 to f32
    %sub3A_547 = arith.constant 1.920000e+02 : f32
    %sub3A_548 = arith.subf %sub3A_547, %convert_element_type3A_546 : f32
    %reduce_sum3A_549 = arith.constant dense<0.000000e+00> : vector<1000xf32>
    %reduce_sum3A_550 = vector.multi_reduction <add>, %square3A_545, %reduce_sum3A_549 [1] : vector<1000x192xf32> to vector<1000xf32>
    %broadcast_in_dim3A_551 = vector.shape_cast %reduce_sum3A_550 : vector<1000xf32> to vector<1000x1xf32>
    %div3A_552 = vector.broadcast %sub3A_548 : f32 to vector<1000x1xf32>
    %div3A_553 = arith.divf %broadcast_in_dim3A_551, %div3A_552 : vector<1000x1xf32>
    %gt3A_554 = arith.constant 0.000000e+00 : f32
    %gt3A_555 = arith.cmpf ogt, %sub3A_548, %gt3A_554 : f32
    %jit3A_556 = arith.constant 0x7FC00000 : f32
    %broadcast_in_dim3A_557 = vector.broadcast %jit3A_556 : f32 to vector<1000x1xf32>
    %select_n3A_558 = arith.select %gt3A_555, %div3A_553, %broadcast_in_dim3A_557 : vector<1000x1xf32>
    %sub3A_559 = vector.broadcast %div3A_535 : vector<1000x1xf32> to vector<1000x192xf32>
    %sub3A_560 = arith.subf %mul3A_523, %sub3A_559 : vector<1000x192xf32>
    %add3A_561 = arith.constant 9.99999974E-6 : f32
    %add3A_562 = vector.broadcast %add3A_561 : f32 to vector<1000x1xf32>
    %add3A_563 = arith.addf %select_n3A_558, %add3A_562 : vector<1000x1xf32>
    %sqrt3A_564 = math.sqrt %add3A_563 : vector<1000x1xf32>
    %div3A_565 = vector.broadcast %sqrt3A_564 : vector<1000x1xf32> to vector<1000x192xf32>
    %div3A_566 = arith.divf %sub3A_560, %div3A_565 : vector<1000x192xf32>
    %mul3A_567 = vector.broadcast %get3A_526 : vector<1x192xf32> to vector<1000x192xf32>
    %mul3A_568 = arith.mulf %div3A_566, %mul3A_567 : vector<1000x192xf32>
    %add3A_569 = vector.broadcast %get3A_529 : vector<1x192xf32> to vector<1000x192xf32>
    %add3A_570 = arith.addf %mul3A_568, %add3A_569 : vector<1000x192xf32>
    %get3A_571 = arith.constant 0 : index
    %get3A_572 = arith.constant 0 : index
    %get3A_573 = vector.load %arg6[%get3A_571, %get3A_572] : memref<192x128xf32, #tpu.memory_space<vmem>>, vector<192x128xf32>
    %dot_general3A_574 = arith.constant dense<0.000000e+00> : vector<1000x128xf32>
    %dot_general3A_575 = tpu.matmul %add3A_570, %get3A_573, %dot_general3A_574 {dimension_numbers = #tpu.dot_dimension_numbers<[1], [0], [0], [1], [0, 0, 1, 1], [], []>, transpose_lhs_hint = false} : vector<1000x192xf32>, vector<192x128xf32>, vector<1000x128xf32> -> vector<1000x128xf32>
    %get3A_576 = arith.constant 0 : index
    %get3A_577 = arith.constant 0 : index
    %get3A_578 = vector.load %arg7[%get3A_576, %get3A_577] : memref<1x128xf32, #tpu.memory_space<vmem>>, vector<1x128xf32>
    %add3A_579 = vector.broadcast %get3A_578 : vector<1x128xf32> to vector<1000x128xf32>
    %add3A_580 = arith.addf %dot_general3A_575, %add3A_579 : vector<1000x128xf32>
    %logistic3A_581 = arith.negf %add3A_580 : vector<1000x128xf32>
    %logistic3A_582 = math.exp %logistic3A_581 : vector<1000x128xf32>
    %logistic3A_583 = arith.constant 1.000000e+00 : f32
    %logistic3A_584 = vector.broadcast %logistic3A_583 : f32 to vector<1000x128xf32>
    %logistic3A_585 = arith.addf %logistic3A_584, %logistic3A_582 : vector<1000x128xf32>
    %logistic3A_586 = arith.divf %logistic3A_584, %logistic3A_585 : vector<1000x128xf32>
    %mul3A_587 = arith.mulf %add3A_580, %logistic3A_586 : vector<1000x128xf32>
    %get3A_588 = arith.constant 0 : index
    %get3A_589 = arith.constant 0 : index
    %get3A_590 = vector.load %arg8[%get3A_588, %get3A_589] : memref<1x128xf32, #tpu.memory_space<vmem>>, vector<1x128xf32>
    %get3A_591 = arith.constant 0 : index
    %get3A_592 = arith.constant 0 : index
    %get3A_593 = vector.load %arg9[%get3A_591, %get3A_592] : memref<1x128xf32, #tpu.memory_space<vmem>>, vector<1x128xf32>
    %reduce_sum3A_594 = arith.constant dense<0.000000e+00> : vector<1000xf32>
    %reduce_sum3A_595 = vector.multi_reduction <add>, %mul3A_587, %reduce_sum3A_594 [1] : vector<1000x128xf32> to vector<1000xf32>
    %broadcast_in_dim3A_596 = vector.shape_cast %reduce_sum3A_595 : vector<1000xf32> to vector<1000x1xf32>
    %div3A_597 = arith.constant 1.280000e+02 : f32
    %div3A_598 = vector.broadcast %div3A_597 : f32 to vector<1000x1xf32>
    %div3A_599 = arith.divf %broadcast_in_dim3A_596, %div3A_598 : vector<1000x1xf32>
    %jit3A_600 = arith.constant 0 : i32
    %reduce_sum3A_601 = arith.constant dense<0.000000e+00> : vector<1000xf32>
    %reduce_sum3A_602 = vector.multi_reduction <add>, %mul3A_587, %reduce_sum3A_601 [1] : vector<1000x128xf32> to vector<1000xf32>
    %broadcast_in_dim3A_603 = vector.shape_cast %reduce_sum3A_602 : vector<1000xf32> to vector<1000x1xf32>
    %div3A_604 = arith.constant 1.280000e+02 : f32
    %div3A_605 = vector.broadcast %div3A_604 : f32 to vector<1000x1xf32>
    %div3A_606 = arith.divf %broadcast_in_dim3A_603, %div3A_605 : vector<1000x1xf32>
    %sub3A_607 = vector.broadcast %div3A_606 : vector<1000x1xf32> to vector<1000x128xf32>
    %sub3A_608 = arith.subf %mul3A_587, %sub3A_607 : vector<1000x128xf32>
    %square3A_609 = arith.mulf %sub3A_608, %sub3A_608 : vector<1000x128xf32>
    %convert_element_type3A_610 = arith.sitofp %jit3A_600 : i32 to f32
    %sub3A_611 = arith.constant 1.280000e+02 : f32
    %sub3A_612 = arith.subf %sub3A_611, %convert_element_type3A_610 : f32
    %reduce_sum3A_613 = arith.constant dense<0.000000e+00> : vector<1000xf32>
    %reduce_sum3A_614 = vector.multi_reduction <add>, %square3A_609, %reduce_sum3A_613 [1] : vector<1000x128xf32> to vector<1000xf32>
    %broadcast_in_dim3A_615 = vector.shape_cast %reduce_sum3A_614 : vector<1000xf32> to vector<1000x1xf32>
    %div3A_616 = vector.broadcast %sub3A_612 : f32 to vector<1000x1xf32>
    %div3A_617 = arith.divf %broadcast_in_dim3A_615, %div3A_616 : vector<1000x1xf32>
    %gt3A_618 = arith.constant 0.000000e+00 : f32
    %gt3A_619 = arith.cmpf ogt, %sub3A_612, %gt3A_618 : f32
    %jit3A_620 = arith.constant 0x7FC00000 : f32
    %broadcast_in_dim3A_621 = vector.broadcast %jit3A_620 : f32 to vector<1000x1xf32>
    %select_n3A_622 = arith.select %gt3A_619, %div3A_617, %broadcast_in_dim3A_621 : vector<1000x1xf32>
    %sub3A_623 = vector.broadcast %div3A_599 : vector<1000x1xf32> to vector<1000x128xf32>
    %sub3A_624 = arith.subf %mul3A_587, %sub3A_623 : vector<1000x128xf32>
    %add3A_625 = arith.constant 9.99999974E-6 : f32
    %add3A_626 = vector.broadcast %add3A_625 : f32 to vector<1000x1xf32>
    %add3A_627 = arith.addf %select_n3A_622, %add3A_626 : vector<1000x1xf32>
    %sqrt3A_628 = math.sqrt %add3A_627 : vector<1000x1xf32>
    %div3A_629 = vector.broadcast %sqrt3A_628 : vector<1000x1xf32> to vector<1000x128xf32>
    %div3A_630 = arith.divf %sub3A_624, %div3A_629 : vector<1000x128xf32>
    %mul3A_631 = vector.broadcast %get3A_590 : vector<1x128xf32> to vector<1000x128xf32>
    %mul3A_632 = arith.mulf %div3A_630, %mul3A_631 : vector<1000x128xf32>
    %add3A_633 = vector.broadcast %get3A_593 : vector<1x128xf32> to vector<1000x128xf32>
    %add3A_634 = arith.addf %mul3A_632, %add3A_633 : vector<1000x128xf32>
    %swap3A_635 = arith.constant 3 : index
    %swap3A_636 = arith.constant 0 : index
    %swap3A_637 = arith.constant 0 : index
    %swap3A_638 = vector.load %arg13[%swap3A_635, %swap3A_636, %swap3A_637] : memref<4x1000x128xf32, #tpu.memory_space<vmem>>, vector<1x1000x128xf32>
    %swap3A_639 = vector.shape_cast %swap3A_638 : vector<1x1000x128xf32> to vector<1000x128xf32>
    %swap3A_640 = vector.shape_cast %add3A_634 : vector<1000x128xf32> to vector<1x1000x128xf32>
    tpu.vector_store %arg13[%swap3A_635, %swap3A_636, %swap3A_637], %swap3A_640 {strides = array<i32>} : memref<4x1000x128xf32, #tpu.memory_space<vmem>>, vector<1x1000x128xf32>,
    %get3A_641 = arith.constant 0 : index
    %get3A_642 = arith.constant 0 : index
    %get3A_643 = vector.load %arg10[%get3A_641, %get3A_642] : memref<128x64xf32, #tpu.memory_space<vmem>>, vector<128x64xf32>
    %dot_general3A_644 = arith.constant dense<0.000000e+00> : vector<1000x64xf32>
    %dot_general3A_645 = tpu.matmul %add3A_634, %get3A_643, %dot_general3A_644 {dimension_numbers = #tpu.dot_dimension_numbers<[1], [0], [0], [1], [0, 0, 1, 1], [], []>, transpose_lhs_hint = false} : vector<1000x128xf32>, vector<128x64xf32>, vector<1000x64xf32> -> vector<1000x64xf32>
    %get3A_646 = arith.constant 0 : index
    %get3A_647 = arith.constant 0 : index
    %get3A_648 = vector.load %arg11[%get3A_646, %get3A_647] : memref<1x64xf32, #tpu.memory_space<vmem>>, vector<1x64xf32>
    %add3A_649 = vector.broadcast %get3A_648 : vector<1x64xf32> to vector<1000x64xf32>
    %add3A_650 = arith.addf %dot_general3A_645, %add3A_649 : vector<1000x64xf32>
    %gt3A_651 = arith.constant 0.000000e+00 : f32
    %gt3A_652 = vector.broadcast %gt3A_651 : f32 to vector<1000x64xf32>
    %gt3A_653 = arith.cmpf ogt, %add3A_650, %gt3A_652 : vector<1000x64xf32>
    %add3A_654 = arith.constant 1.000000e+00 : f32
    %add3A_655 = vector.broadcast %add3A_654 : f32 to vector<1000x64xf32>
    %add3A_656 = arith.addf %add3A_650, %add3A_655 : vector<1000x64xf32>
    %min3A_657 = arith.constant 0.000000e+00 : f32
    %min3A_658 = vector.broadcast %min3A_657 : f32 to vector<1000x64xf32>
    %min3A_659 = arith.minimumf %add3A_650, %min3A_658 : vector<1000x64xf32>
    %exp3A_660 = math.exp %min3A_659 : vector<1000x64xf32>
    %select_n3A_661 = arith.select %gt3A_653, %add3A_656, %exp3A_660 : vector<1000x64xi1>, vector<1000x64xf32>
    %get3A_662 = arith.constant 0 : index
    %get3A_663 = arith.constant 0 : index
    %get3A_664 = vector.load %arg12[%get3A_662, %get3A_663] : memref<128x32xf32, #tpu.memory_space<vmem>>, vector<128x32xf32>
    %dot_general3A_665 = arith.constant dense<0.000000e+00> : vector<1000x32xf32>
    %dot_general3A_666 = tpu.matmul %add3A_634, %get3A_664, %dot_general3A_665 {dimension_numbers = #tpu.dot_dimension_numbers<[1], [0], [0], [1], [0, 0, 1, 1], [], []>, transpose_lhs_hint = false} : vector<1000x128xf32>, vector<128x32xf32>, vector<1000x32xf32> -> vector<1000x32xf32>
    %dot_general3A_667 = arith.constant dense<0.000000e+00> : vector<64x32xf32>
    %dot_general3A_668 = tpu.matmul %select_n3A_661, %dot_general3A_666, %dot_general3A_667 {dimension_numbers = #tpu.dot_dimension_numbers<[0], [0], [1], [1], [0, 1, 1, 1], [], []>, transpose_lhs_hint = false} : vector<1000x64xf32>, vector<1000x32xf32>, vector<64x32xf32> -> vector<64x32xf32>
    %eq3A_669 = arith.constant 0 : i32
    %eq3A_670 = arith.cmpi eq, %arg0, %eq3A_669 : i32
    %convert_element_type3A_671 = arith.extui %eq3A_670 : i1 to i32
    %cond3A_672 = arith.constant 0 : i32
    %cond3A_673 = arith.cmpi ne, %convert_element_type3A_671, %cond3A_672 : i32
    scf.if %cond3A_673 {
      %swap3A_679 = arith.constant 3 : index
      %swap3A_680 = arith.constant 0 : index
      %swap3A_681 = arith.constant 0 : index
      %swap3A_682 = vector.load %arg14[%swap3A_679, %swap3A_680, %swap3A_681] : memref<4x64x32xf32, #tpu.memory_space<vmem>>, vector<1x64x32xf32>
      %swap3A_683 = vector.shape_cast %swap3A_682 : vector<1x64x32xf32> to vector<64x32xf32>
      %swap3A_684 = vector.shape_cast %dot_general3A_668 : vector<64x32xf32> to vector<1x64x32xf32>
      tpu.vector_store %arg14[%swap3A_679, %swap3A_680, %swap3A_681], %swap3A_684 {strides = array<i32>} : memref<4x64x32xf32, #tpu.memory_space<vmem>>, vector<1x64x32xf32>,
    } else {
    }
    %ne3A_674 = arith.constant 0 : i32
    %ne3A_675 = arith.cmpi ne, %arg0, %ne3A_674 : i32
    %convert_element_type3A_676 = arith.extui %ne3A_675 : i1 to i32
    %cond3A_677 = arith.constant 0 : i32
    %cond3A_678 = arith.cmpi ne, %convert_element_type3A_676, %cond3A_677 : i32
    scf.if %cond3A_678 {
      %get3A_679 = arith.constant 3 : index
      %get3A_680 = arith.constant 0 : index
      %get3A_681 = arith.constant 0 : index
      %get3A_682 = vector.load %arg14[%get3A_679, %get3A_680, %get3A_681] : memref<4x64x32xf32, #tpu.memory_space<vmem>>, vector<1x64x32xf32>
      %get3A_683 = vector.shape_cast %get3A_682 : vector<1x64x32xf32> to vector<64x32xf32>
      %add3A_684 = arith.addf %get3A_683, %dot_general3A_668 : vector<64x32xf32>
      %swap3A_685 = arith.constant 3 : index
      %swap3A_686 = arith.constant 0 : index
      %swap3A_687 = arith.constant 0 : index
      %swap3A_688 = vector.load %arg14[%swap3A_685, %swap3A_686, %swap3A_687] : memref<4x64x32xf32, #tpu.memory_space<vmem>>, vector<1x64x32xf32>
      %swap3A_689 = vector.shape_cast %swap3A_688 : vector<1x64x32xf32> to vector<64x32xf32>
      %swap3A_690 = vector.shape_cast %add3A_684 : vector<64x32xf32> to vector<1x64x32xf32>
      tpu.vector_store %arg14[%swap3A_685, %swap3A_686, %swap3A_687], %swap3A_690 {strides = array<i32>} : memref<4x64x32xf32, #tpu.memory_space<vmem>>, vector<1x64x32xf32>,
    } else {
    }
    return
  }
  func.func @transform_0(%arg0: i32) -> (i32, i32, i32) {
    %c0_i32 = arith.constant 0 : i32
    %c0_i32_0 = arith.constant 0 : i32
    %c0_i32_1 = arith.constant 0 : i32
    return %c0_i32, %arg0, %c0_i32_0 : i32, i32, i32
  }
  func.func @transform_1(%arg0: i32) -> (i32, i32, i32) {
    %c0_i32 = arith.constant 0 : i32
    %c0_i32_0 = arith.constant 0 : i32
    %c0_i32_1 = arith.constant 0 : i32
    return %c0_i32, %arg0, %c0_i32_0 : i32, i32, i32
  }
  func.func @transform_2(%arg0: i32) -> (i32, i32, i32) {
    %c0_i32 = arith.constant 0 : i32
    %c0_i32_0 = arith.constant 0 : i32
    %c0_i32_1 = arith.constant 0 : i32
    return %c0_i32, %arg0, %c0_i32_0 : i32, i32, i32
  }
  func.func @transform_3(%arg0: i32) -> (i32, i32) {
    %c0_i32 = arith.constant 0 : i32
    %c0_i32_0 = arith.constant 0 : i32
    %c0_i32_1 = arith.constant 0 : i32
    return %c0_i32, %c0_i32_0 : i32, i32
  }
  func.func @transform_4(%arg0: i32) -> (i32, i32) {
    %c0_i32 = arith.constant 0 : i32
    %c0_i32_0 = arith.constant 0 : i32
    %c0_i32_1 = arith.constant 0 : i32
    return %c0_i32, %c0_i32_0 : i32, i32
  }
  func.func @transform_5(%arg0: i32) -> (i32, i32) {
    %c0_i32 = arith.constant 0 : i32
    %c0_i32_0 = arith.constant 0 : i32
    %c0_i32_1 = arith.constant 0 : i32
    return %c0_i32, %c0_i32_0 : i32, i32
  }
  func.func @transform_6(%arg0: i32) -> (i32, i32) {
    %c0_i32 = arith.constant 0 : i32
    %c0_i32_0 = arith.constant 0 : i32
    %c0_i32_1 = arith.constant 0 : i32
    return %c0_i32, %c0_i32_0 : i32, i32
  }
  func.func @transform_7(%arg0: i32) -> (i32, i32) {
    %c0_i32 = arith.constant 0 : i32
    %c0_i32_0 = arith.constant 0 : i32
    %c0_i32_1 = arith.constant 0 : i32
    return %c0_i32, %c0_i32_0 : i32, i32
  }
  func.func @transform_8(%arg0: i32) -> (i32, i32) {
    %c0_i32 = arith.constant 0 : i32
    %c0_i32_0 = arith.constant 0 : i32
    %c0_i32_1 = arith.constant 0 : i32
    return %c0_i32, %c0_i32_0 : i32, i32
  }
  func.func @transform_9(%arg0: i32) -> (i32, i32) {
    %c0_i32 = arith.constant 0 : i32
    %c0_i32_0 = arith.constant 0 : i32
    %c0_i32_1 = arith.constant 0 : i32
    return %c0_i32, %c0_i32_0 : i32, i32
  }
  func.func @transform_10(%arg0: i32) -> (i32, i32) {
    %c0_i32 = arith.constant 0 : i32
    %c0_i32_0 = arith.constant 0 : i32
    %c0_i32_1 = arith.constant 0 : i32
    return %c0_i32, %c0_i32_0 : i32, i32
  }
  func.func @transform_11(%arg0: i32) -> (i32, i32) {
    %c0_i32 = arith.constant 0 : i32
    %c0_i32_0 = arith.constant 0 : i32
    %c0_i32_1 = arith.constant 0 : i32
    return %c0_i32, %c0_i32_0 : i32, i32
  }
  func.func @transform_12(%arg0: i32) -> (i32, i32, i32) {
    %c0_i32 = arith.constant 0 : i32
    %c0_i32_0 = arith.constant 0 : i32
    %c0_i32_1 = arith.constant 0 : i32
    return %c0_i32, %arg0, %c0_i32_0 : i32, i32, i32
  }
  func.func @transform_13(%arg0: i32) -> (i32, i32, i32) {
    %c0_i32 = arith.constant 0 : i32
    %c0_i32_0 = arith.constant 0 : i32
    %c0_i32_1 = arith.constant 0 : i32
    %c0_i32_2 = arith.constant 0 : i32
    return %c0_i32, %c0_i32_0, %c0_i32_1 : i32, i32, i32
  }
}

module attributes {stable_mosaic.version = 14 : i64} {
  func.func @_k3_body(%arg0: i32, %arg1: memref<4x1000x128xf32, #tpu.memory_space<vmem>>, %arg2: memref<4x64x32xf32, #tpu.memory_space<vmem>>, %arg3: memref<128x64xf32, #tpu.memory_space<vmem>>, %arg4: memref<1x64xf32, #tpu.memory_space<vmem>>, %arg5: memref<128x128xf32, #tpu.memory_space<vmem>>, %arg6: memref<32x128xf32, #tpu.memory_space<vmem>>, %arg7: memref<1x128xf32, #tpu.memory_space<vmem>>, %arg8: memref<4x1000x128xf32, #tpu.memory_space<vmem>>) attributes {dimension_semantics = [#tpu.dimension_semantics<arbitrary>], iteration_bounds = array<i64: 10>, scalar_prefetch = 0 : i64, scratch_operands = 0 : i64, tpu.core_type = #tpu.core_type<tc>, window_params = [{transform_indices = @transform_0, window_bounds = array<i64: 4, 1000, 128>}, {pipeline_mode = #tpu.pipeline_mode<synchronous>, transform_indices = @transform_1, window_bounds = array<i64: 4, 64, 32>}, {pipeline_mode = #tpu.pipeline_mode<synchronous>, transform_indices = @transform_2, window_bounds = array<i64: 128, 64>}, {pipeline_mode = #tpu.pipeline_mode<synchronous>, transform_indices = @transform_3, window_bounds = array<i64: 1, 64>}, {pipeline_mode = #tpu.pipeline_mode<synchronous>, transform_indices = @transform_4, window_bounds = array<i64: 128, 128>}, {pipeline_mode = #tpu.pipeline_mode<synchronous>, transform_indices = @transform_5, window_bounds = array<i64: 32, 128>}, {pipeline_mode = #tpu.pipeline_mode<synchronous>, transform_indices = @transform_6, window_bounds = array<i64: 1, 128>}, {transform_indices = @transform_7, window_bounds = array<i64: 4, 1000, 128>}]} {
    %get3A = arith.constant 0 : index
    %get3A_0 = arith.constant 0 : index
    %get3A_1 = arith.constant 0 : index
    %get3A_2 = vector.load %arg1[%get3A, %get3A_0, %get3A_1] : memref<4x1000x128xf32, #tpu.memory_space<vmem>>, vector<1x1000x128xf32>
    %get3A_3 = vector.shape_cast %get3A_2 : vector<1x1000x128xf32> to vector<1000x128xf32>
    %get3A_4 = arith.constant 0 : index
    %get3A_5 = arith.constant 0 : index
    %get3A_6 = vector.load %arg3[%get3A_4, %get3A_5] : memref<128x64xf32, #tpu.memory_space<vmem>>, vector<128x64xf32>
    %dot_general3A = arith.constant dense<0.000000e+00> : vector<1000x64xf32>
    %dot_general3A_7 = tpu.matmul %get3A_3, %get3A_6, %dot_general3A {dimension_numbers = #tpu.dot_dimension_numbers<[1], [0], [0], [1], [0, 0, 1, 1], [], []>, transpose_lhs_hint = false} : vector<1000x128xf32>, vector<128x64xf32>, vector<1000x64xf32> -> vector<1000x64xf32>
    %get3A_8 = arith.constant 0 : index
    %get3A_9 = arith.constant 0 : index
    %get3A_10 = vector.load %arg4[%get3A_8, %get3A_9] : memref<1x64xf32, #tpu.memory_space<vmem>>, vector<1x64xf32>
    %add3A = vector.broadcast %get3A_10 : vector<1x64xf32> to vector<1000x64xf32>
    %add3A_11 = arith.addf %dot_general3A_7, %add3A : vector<1000x64xf32>
    %gt3A = arith.constant 0.000000e+00 : f32
    %gt3A_12 = vector.broadcast %gt3A : f32 to vector<1000x64xf32>
    %gt3A_13 = arith.cmpf ogt, %add3A_11, %gt3A_12 : vector<1000x64xf32>
    %add3A_14 = arith.constant 1.000000e+00 : f32
    %add3A_15 = vector.broadcast %add3A_14 : f32 to vector<1000x64xf32>
    %add3A_16 = arith.addf %add3A_11, %add3A_15 : vector<1000x64xf32>
    %min3A = arith.constant 0.000000e+00 : f32
    %min3A_17 = vector.broadcast %min3A : f32 to vector<1000x64xf32>
    %min3A_18 = arith.minimumf %add3A_11, %min3A_17 : vector<1000x64xf32>
    %exp3A = math.exp %min3A_18 : vector<1000x64xf32>
    %select_n3A = arith.select %gt3A_13, %add3A_16, %exp3A : vector<1000x64xi1>, vector<1000x64xf32>
    %get3A_19 = arith.constant 0 : index
    %get3A_20 = arith.constant 0 : index
    %get3A_21 = arith.constant 0 : index
    %get3A_22 = vector.load %arg2[%get3A_19, %get3A_20, %get3A_21] : memref<4x64x32xf32, #tpu.memory_space<vmem>>, vector<1x64x32xf32>
    %get3A_23 = vector.shape_cast %get3A_22 : vector<1x64x32xf32> to vector<64x32xf32>
    %dot_general3A_24 = arith.constant dense<0.000000e+00> : vector<1000x32xf32>
    %dot_general3A_25 = tpu.matmul %select_n3A, %get3A_23, %dot_general3A_24 {dimension_numbers = #tpu.dot_dimension_numbers<[1], [0], [0], [1], [0, 0, 1, 1], [], []>, transpose_lhs_hint = false} : vector<1000x64xf32>, vector<64x32xf32>, vector<1000x32xf32> -> vector<1000x32xf32>
    %get3A_26 = arith.constant 0 : index
    %get3A_27 = arith.constant 0 : index
    %get3A_28 = vector.load %arg5[%get3A_26, %get3A_27] : memref<128x128xf32, #tpu.memory_space<vmem>>, vector<128x128xf32>
    %dot_general3A_29 = arith.constant dense<0.000000e+00> : vector<1000x128xf32>
    %dot_general3A_30 = tpu.matmul %get3A_3, %get3A_28, %dot_general3A_29 {dimension_numbers = #tpu.dot_dimension_numbers<[1], [0], [0], [1], [0, 0, 1, 1], [], []>, transpose_lhs_hint = false} : vector<1000x128xf32>, vector<128x128xf32>, vector<1000x128xf32> -> vector<1000x128xf32>
    %get3A_31 = arith.constant 0 : index
    %get3A_32 = arith.constant 0 : index
    %get3A_33 = vector.load %arg6[%get3A_31, %get3A_32] : memref<32x128xf32, #tpu.memory_space<vmem>>, vector<32x128xf32>
    %dot_general3A_34 = arith.constant dense<0.000000e+00> : vector<1000x128xf32>
    %dot_general3A_35 = tpu.matmul %dot_general3A_25, %get3A_33, %dot_general3A_34 {dimension_numbers = #tpu.dot_dimension_numbers<[1], [0], [0], [1], [0, 0, 1, 1], [], []>, transpose_lhs_hint = false} : vector<1000x32xf32>, vector<32x128xf32>, vector<1000x128xf32> -> vector<1000x128xf32>
    %add3A_36 = arith.addf %dot_general3A_30, %dot_general3A_35 : vector<1000x128xf32>
    %get3A_37 = arith.constant 0 : index
    %get3A_38 = arith.constant 0 : index
    %get3A_39 = vector.load %arg7[%get3A_37, %get3A_38] : memref<1x128xf32, #tpu.memory_space<vmem>>, vector<1x128xf32>
    %add3A_40 = vector.broadcast %get3A_39 : vector<1x128xf32> to vector<1000x128xf32>
    %add3A_41 = arith.addf %add3A_36, %add3A_40 : vector<1000x128xf32>
    %logistic3A = arith.negf %add3A_41 : vector<1000x128xf32>
    %logistic3A_42 = math.exp %logistic3A : vector<1000x128xf32>
    %logistic3A_43 = arith.constant 1.000000e+00 : f32
    %logistic3A_44 = vector.broadcast %logistic3A_43 : f32 to vector<1000x128xf32>
    %logistic3A_45 = arith.addf %logistic3A_44, %logistic3A_42 : vector<1000x128xf32>
    %logistic3A_46 = arith.divf %logistic3A_44, %logistic3A_45 : vector<1000x128xf32>
    %mul3A = arith.mulf %add3A_41, %logistic3A_46 : vector<1000x128xf32>
    %swap3A = arith.constant 0 : index
    %swap3A_47 = arith.constant 0 : index
    %swap3A_48 = arith.constant 0 : index
    %swap3A_49 = vector.load %arg8[%swap3A, %swap3A_47, %swap3A_48] : memref<4x1000x128xf32, #tpu.memory_space<vmem>>, vector<1x1000x128xf32>
    %swap3A_50 = vector.shape_cast %swap3A_49 : vector<1x1000x128xf32> to vector<1000x128xf32>
    %swap3A_51 = vector.shape_cast %mul3A : vector<1000x128xf32> to vector<1x1000x128xf32>
    tpu.vector_store %arg8[%swap3A, %swap3A_47, %swap3A_48], %swap3A_51 {strides = array<i32>} : memref<4x1000x128xf32, #tpu.memory_space<vmem>>, vector<1x1000x128xf32>,
    %get3A_52 = arith.constant 1 : index
    %get3A_53 = arith.constant 0 : index
    %get3A_54 = arith.constant 0 : index
    %get3A_55 = vector.load %arg1[%get3A_52, %get3A_53, %get3A_54] : memref<4x1000x128xf32, #tpu.memory_space<vmem>>, vector<1x1000x128xf32>
    %get3A_56 = vector.shape_cast %get3A_55 : vector<1x1000x128xf32> to vector<1000x128xf32>
    %get3A_57 = arith.constant 0 : index
    %get3A_58 = arith.constant 0 : index
    %get3A_59 = vector.load %arg3[%get3A_57, %get3A_58] : memref<128x64xf32, #tpu.memory_space<vmem>>, vector<128x64xf32>
    %dot_general3A_60 = arith.constant dense<0.000000e+00> : vector<1000x64xf32>
    %dot_general3A_61 = tpu.matmul %get3A_56, %get3A_59, %dot_general3A_60 {dimension_numbers = #tpu.dot_dimension_numbers<[1], [0], [0], [1], [0, 0, 1, 1], [], []>, transpose_lhs_hint = false} : vector<1000x128xf32>, vector<128x64xf32>, vector<1000x64xf32> -> vector<1000x64xf32>
    %get3A_62 = arith.constant 0 : index
    %get3A_63 = arith.constant 0 : index
    %get3A_64 = vector.load %arg4[%get3A_62, %get3A_63] : memref<1x64xf32, #tpu.memory_space<vmem>>, vector<1x64xf32>
    %add3A_65 = vector.broadcast %get3A_64 : vector<1x64xf32> to vector<1000x64xf32>
    %add3A_66 = arith.addf %dot_general3A_61, %add3A_65 : vector<1000x64xf32>
    %gt3A_67 = arith.constant 0.000000e+00 : f32
    %gt3A_68 = vector.broadcast %gt3A_67 : f32 to vector<1000x64xf32>
    %gt3A_69 = arith.cmpf ogt, %add3A_66, %gt3A_68 : vector<1000x64xf32>
    %add3A_70 = arith.constant 1.000000e+00 : f32
    %add3A_71 = vector.broadcast %add3A_70 : f32 to vector<1000x64xf32>
    %add3A_72 = arith.addf %add3A_66, %add3A_71 : vector<1000x64xf32>
    %min3A_73 = arith.constant 0.000000e+00 : f32
    %min3A_74 = vector.broadcast %min3A_73 : f32 to vector<1000x64xf32>
    %min3A_75 = arith.minimumf %add3A_66, %min3A_74 : vector<1000x64xf32>
    %exp3A_76 = math.exp %min3A_75 : vector<1000x64xf32>
    %select_n3A_77 = arith.select %gt3A_69, %add3A_72, %exp3A_76 : vector<1000x64xi1>, vector<1000x64xf32>
    %get3A_78 = arith.constant 1 : index
    %get3A_79 = arith.constant 0 : index
    %get3A_80 = arith.constant 0 : index
    %get3A_81 = vector.load %arg2[%get3A_78, %get3A_79, %get3A_80] : memref<4x64x32xf32, #tpu.memory_space<vmem>>, vector<1x64x32xf32>
    %get3A_82 = vector.shape_cast %get3A_81 : vector<1x64x32xf32> to vector<64x32xf32>
    %dot_general3A_83 = arith.constant dense<0.000000e+00> : vector<1000x32xf32>
    %dot_general3A_84 = tpu.matmul %select_n3A_77, %get3A_82, %dot_general3A_83 {dimension_numbers = #tpu.dot_dimension_numbers<[1], [0], [0], [1], [0, 0, 1, 1], [], []>, transpose_lhs_hint = false} : vector<1000x64xf32>, vector<64x32xf32>, vector<1000x32xf32> -> vector<1000x32xf32>
    %get3A_85 = arith.constant 0 : index
    %get3A_86 = arith.constant 0 : index
    %get3A_87 = vector.load %arg5[%get3A_85, %get3A_86] : memref<128x128xf32, #tpu.memory_space<vmem>>, vector<128x128xf32>
    %dot_general3A_88 = arith.constant dense<0.000000e+00> : vector<1000x128xf32>
    %dot_general3A_89 = tpu.matmul %get3A_56, %get3A_87, %dot_general3A_88 {dimension_numbers = #tpu.dot_dimension_numbers<[1], [0], [0], [1], [0, 0, 1, 1], [], []>, transpose_lhs_hint = false} : vector<1000x128xf32>, vector<128x128xf32>, vector<1000x128xf32> -> vector<1000x128xf32>
    %get3A_90 = arith.constant 0 : index
    %get3A_91 = arith.constant 0 : index
    %get3A_92 = vector.load %arg6[%get3A_90, %get3A_91] : memref<32x128xf32, #tpu.memory_space<vmem>>, vector<32x128xf32>
    %dot_general3A_93 = arith.constant dense<0.000000e+00> : vector<1000x128xf32>
    %dot_general3A_94 = tpu.matmul %dot_general3A_84, %get3A_92, %dot_general3A_93 {dimension_numbers = #tpu.dot_dimension_numbers<[1], [0], [0], [1], [0, 0, 1, 1], [], []>, transpose_lhs_hint = false} : vector<1000x32xf32>, vector<32x128xf32>, vector<1000x128xf32> -> vector<1000x128xf32>
    %add3A_95 = arith.addf %dot_general3A_89, %dot_general3A_94 : vector<1000x128xf32>
    %get3A_96 = arith.constant 0 : index
    %get3A_97 = arith.constant 0 : index
    %get3A_98 = vector.load %arg7[%get3A_96, %get3A_97] : memref<1x128xf32, #tpu.memory_space<vmem>>, vector<1x128xf32>
    %add3A_99 = vector.broadcast %get3A_98 : vector<1x128xf32> to vector<1000x128xf32>
    %add3A_100 = arith.addf %add3A_95, %add3A_99 : vector<1000x128xf32>
    %logistic3A_101 = arith.negf %add3A_100 : vector<1000x128xf32>
    %logistic3A_102 = math.exp %logistic3A_101 : vector<1000x128xf32>
    %logistic3A_103 = arith.constant 1.000000e+00 : f32
    %logistic3A_104 = vector.broadcast %logistic3A_103 : f32 to vector<1000x128xf32>
    %logistic3A_105 = arith.addf %logistic3A_104, %logistic3A_102 : vector<1000x128xf32>
    %logistic3A_106 = arith.divf %logistic3A_104, %logistic3A_105 : vector<1000x128xf32>
    %mul3A_107 = arith.mulf %add3A_100, %logistic3A_106 : vector<1000x128xf32>
    %swap3A_108 = arith.constant 1 : index
    %swap3A_109 = arith.constant 0 : index
    %swap3A_110 = arith.constant 0 : index
    %swap3A_111 = vector.load %arg8[%swap3A_108, %swap3A_109, %swap3A_110] : memref<4x1000x128xf32, #tpu.memory_space<vmem>>, vector<1x1000x128xf32>
    %swap3A_112 = vector.shape_cast %swap3A_111 : vector<1x1000x128xf32> to vector<1000x128xf32>
    %swap3A_113 = vector.shape_cast %mul3A_107 : vector<1000x128xf32> to vector<1x1000x128xf32>
    tpu.vector_store %arg8[%swap3A_108, %swap3A_109, %swap3A_110], %swap3A_113 {strides = array<i32>} : memref<4x1000x128xf32, #tpu.memory_space<vmem>>, vector<1x1000x128xf32>,
    %get3A_114 = arith.constant 2 : index
    %get3A_115 = arith.constant 0 : index
    %get3A_116 = arith.constant 0 : index
    %get3A_117 = vector.load %arg1[%get3A_114, %get3A_115, %get3A_116] : memref<4x1000x128xf32, #tpu.memory_space<vmem>>, vector<1x1000x128xf32>
    %get3A_118 = vector.shape_cast %get3A_117 : vector<1x1000x128xf32> to vector<1000x128xf32>
    %get3A_119 = arith.constant 0 : index
    %get3A_120 = arith.constant 0 : index
    %get3A_121 = vector.load %arg3[%get3A_119, %get3A_120] : memref<128x64xf32, #tpu.memory_space<vmem>>, vector<128x64xf32>
    %dot_general3A_122 = arith.constant dense<0.000000e+00> : vector<1000x64xf32>
    %dot_general3A_123 = tpu.matmul %get3A_118, %get3A_121, %dot_general3A_122 {dimension_numbers = #tpu.dot_dimension_numbers<[1], [0], [0], [1], [0, 0, 1, 1], [], []>, transpose_lhs_hint = false} : vector<1000x128xf32>, vector<128x64xf32>, vector<1000x64xf32> -> vector<1000x64xf32>
    %get3A_124 = arith.constant 0 : index
    %get3A_125 = arith.constant 0 : index
    %get3A_126 = vector.load %arg4[%get3A_124, %get3A_125] : memref<1x64xf32, #tpu.memory_space<vmem>>, vector<1x64xf32>
    %add3A_127 = vector.broadcast %get3A_126 : vector<1x64xf32> to vector<1000x64xf32>
    %add3A_128 = arith.addf %dot_general3A_123, %add3A_127 : vector<1000x64xf32>
    %gt3A_129 = arith.constant 0.000000e+00 : f32
    %gt3A_130 = vector.broadcast %gt3A_129 : f32 to vector<1000x64xf32>
    %gt3A_131 = arith.cmpf ogt, %add3A_128, %gt3A_130 : vector<1000x64xf32>
    %add3A_132 = arith.constant 1.000000e+00 : f32
    %add3A_133 = vector.broadcast %add3A_132 : f32 to vector<1000x64xf32>
    %add3A_134 = arith.addf %add3A_128, %add3A_133 : vector<1000x64xf32>
    %min3A_135 = arith.constant 0.000000e+00 : f32
    %min3A_136 = vector.broadcast %min3A_135 : f32 to vector<1000x64xf32>
    %min3A_137 = arith.minimumf %add3A_128, %min3A_136 : vector<1000x64xf32>
    %exp3A_138 = math.exp %min3A_137 : vector<1000x64xf32>
    %select_n3A_139 = arith.select %gt3A_131, %add3A_134, %exp3A_138 : vector<1000x64xi1>, vector<1000x64xf32>
    %get3A_140 = arith.constant 2 : index
    %get3A_141 = arith.constant 0 : index
    %get3A_142 = arith.constant 0 : index
    %get3A_143 = vector.load %arg2[%get3A_140, %get3A_141, %get3A_142] : memref<4x64x32xf32, #tpu.memory_space<vmem>>, vector<1x64x32xf32>
    %get3A_144 = vector.shape_cast %get3A_143 : vector<1x64x32xf32> to vector<64x32xf32>
    %dot_general3A_145 = arith.constant dense<0.000000e+00> : vector<1000x32xf32>
    %dot_general3A_146 = tpu.matmul %select_n3A_139, %get3A_144, %dot_general3A_145 {dimension_numbers = #tpu.dot_dimension_numbers<[1], [0], [0], [1], [0, 0, 1, 1], [], []>, transpose_lhs_hint = false} : vector<1000x64xf32>, vector<64x32xf32>, vector<1000x32xf32> -> vector<1000x32xf32>
    %get3A_147 = arith.constant 0 : index
    %get3A_148 = arith.constant 0 : index
    %get3A_149 = vector.load %arg5[%get3A_147, %get3A_148] : memref<128x128xf32, #tpu.memory_space<vmem>>, vector<128x128xf32>
    %dot_general3A_150 = arith.constant dense<0.000000e+00> : vector<1000x128xf32>
    %dot_general3A_151 = tpu.matmul %get3A_118, %get3A_149, %dot_general3A_150 {dimension_numbers = #tpu.dot_dimension_numbers<[1], [0], [0], [1], [0, 0, 1, 1], [], []>, transpose_lhs_hint = false} : vector<1000x128xf32>, vector<128x128xf32>, vector<1000x128xf32> -> vector<1000x128xf32>
    %get3A_152 = arith.constant 0 : index
    %get3A_153 = arith.constant 0 : index
    %get3A_154 = vector.load %arg6[%get3A_152, %get3A_153] : memref<32x128xf32, #tpu.memory_space<vmem>>, vector<32x128xf32>
    %dot_general3A_155 = arith.constant dense<0.000000e+00> : vector<1000x128xf32>
    %dot_general3A_156 = tpu.matmul %dot_general3A_146, %get3A_154, %dot_general3A_155 {dimension_numbers = #tpu.dot_dimension_numbers<[1], [0], [0], [1], [0, 0, 1, 1], [], []>, transpose_lhs_hint = false} : vector<1000x32xf32>, vector<32x128xf32>, vector<1000x128xf32> -> vector<1000x128xf32>
    %add3A_157 = arith.addf %dot_general3A_151, %dot_general3A_156 : vector<1000x128xf32>
    %get3A_158 = arith.constant 0 : index
    %get3A_159 = arith.constant 0 : index
    %get3A_160 = vector.load %arg7[%get3A_158, %get3A_159] : memref<1x128xf32, #tpu.memory_space<vmem>>, vector<1x128xf32>
    %add3A_161 = vector.broadcast %get3A_160 : vector<1x128xf32> to vector<1000x128xf32>
    %add3A_162 = arith.addf %add3A_157, %add3A_161 : vector<1000x128xf32>
    %logistic3A_163 = arith.negf %add3A_162 : vector<1000x128xf32>
    %logistic3A_164 = math.exp %logistic3A_163 : vector<1000x128xf32>
    %logistic3A_165 = arith.constant 1.000000e+00 : f32
    %logistic3A_166 = vector.broadcast %logistic3A_165 : f32 to vector<1000x128xf32>
    %logistic3A_167 = arith.addf %logistic3A_166, %logistic3A_164 : vector<1000x128xf32>
    %logistic3A_168 = arith.divf %logistic3A_166, %logistic3A_167 : vector<1000x128xf32>
    %mul3A_169 = arith.mulf %add3A_162, %logistic3A_168 : vector<1000x128xf32>
    %swap3A_170 = arith.constant 2 : index
    %swap3A_171 = arith.constant 0 : index
    %swap3A_172 = arith.constant 0 : index
    %swap3A_173 = vector.load %arg8[%swap3A_170, %swap3A_171, %swap3A_172] : memref<4x1000x128xf32, #tpu.memory_space<vmem>>, vector<1x1000x128xf32>
    %swap3A_174 = vector.shape_cast %swap3A_173 : vector<1x1000x128xf32> to vector<1000x128xf32>
    %swap3A_175 = vector.shape_cast %mul3A_169 : vector<1000x128xf32> to vector<1x1000x128xf32>
    tpu.vector_store %arg8[%swap3A_170, %swap3A_171, %swap3A_172], %swap3A_175 {strides = array<i32>} : memref<4x1000x128xf32, #tpu.memory_space<vmem>>, vector<1x1000x128xf32>,
    %get3A_176 = arith.constant 3 : index
    %get3A_177 = arith.constant 0 : index
    %get3A_178 = arith.constant 0 : index
    %get3A_179 = vector.load %arg1[%get3A_176, %get3A_177, %get3A_178] : memref<4x1000x128xf32, #tpu.memory_space<vmem>>, vector<1x1000x128xf32>
    %get3A_180 = vector.shape_cast %get3A_179 : vector<1x1000x128xf32> to vector<1000x128xf32>
    %get3A_181 = arith.constant 0 : index
    %get3A_182 = arith.constant 0 : index
    %get3A_183 = vector.load %arg3[%get3A_181, %get3A_182] : memref<128x64xf32, #tpu.memory_space<vmem>>, vector<128x64xf32>
    %dot_general3A_184 = arith.constant dense<0.000000e+00> : vector<1000x64xf32>
    %dot_general3A_185 = tpu.matmul %get3A_180, %get3A_183, %dot_general3A_184 {dimension_numbers = #tpu.dot_dimension_numbers<[1], [0], [0], [1], [0, 0, 1, 1], [], []>, transpose_lhs_hint = false} : vector<1000x128xf32>, vector<128x64xf32>, vector<1000x64xf32> -> vector<1000x64xf32>
    %get3A_186 = arith.constant 0 : index
    %get3A_187 = arith.constant 0 : index
    %get3A_188 = vector.load %arg4[%get3A_186, %get3A_187] : memref<1x64xf32, #tpu.memory_space<vmem>>, vector<1x64xf32>
    %add3A_189 = vector.broadcast %get3A_188 : vector<1x64xf32> to vector<1000x64xf32>
    %add3A_190 = arith.addf %dot_general3A_185, %add3A_189 : vector<1000x64xf32>
    %gt3A_191 = arith.constant 0.000000e+00 : f32
    %gt3A_192 = vector.broadcast %gt3A_191 : f32 to vector<1000x64xf32>
    %gt3A_193 = arith.cmpf ogt, %add3A_190, %gt3A_192 : vector<1000x64xf32>
    %add3A_194 = arith.constant 1.000000e+00 : f32
    %add3A_195 = vector.broadcast %add3A_194 : f32 to vector<1000x64xf32>
    %add3A_196 = arith.addf %add3A_190, %add3A_195 : vector<1000x64xf32>
    %min3A_197 = arith.constant 0.000000e+00 : f32
    %min3A_198 = vector.broadcast %min3A_197 : f32 to vector<1000x64xf32>
    %min3A_199 = arith.minimumf %add3A_190, %min3A_198 : vector<1000x64xf32>
    %exp3A_200 = math.exp %min3A_199 : vector<1000x64xf32>
    %select_n3A_201 = arith.select %gt3A_193, %add3A_196, %exp3A_200 : vector<1000x64xi1>, vector<1000x64xf32>
    %get3A_202 = arith.constant 3 : index
    %get3A_203 = arith.constant 0 : index
    %get3A_204 = arith.constant 0 : index
    %get3A_205 = vector.load %arg2[%get3A_202, %get3A_203, %get3A_204] : memref<4x64x32xf32, #tpu.memory_space<vmem>>, vector<1x64x32xf32>
    %get3A_206 = vector.shape_cast %get3A_205 : vector<1x64x32xf32> to vector<64x32xf32>
    %dot_general3A_207 = arith.constant dense<0.000000e+00> : vector<1000x32xf32>
    %dot_general3A_208 = tpu.matmul %select_n3A_201, %get3A_206, %dot_general3A_207 {dimension_numbers = #tpu.dot_dimension_numbers<[1], [0], [0], [1], [0, 0, 1, 1], [], []>, transpose_lhs_hint = false} : vector<1000x64xf32>, vector<64x32xf32>, vector<1000x32xf32> -> vector<1000x32xf32>
    %get3A_209 = arith.constant 0 : index
    %get3A_210 = arith.constant 0 : index
    %get3A_211 = vector.load %arg5[%get3A_209, %get3A_210] : memref<128x128xf32, #tpu.memory_space<vmem>>, vector<128x128xf32>
    %dot_general3A_212 = arith.constant dense<0.000000e+00> : vector<1000x128xf32>
    %dot_general3A_213 = tpu.matmul %get3A_180, %get3A_211, %dot_general3A_212 {dimension_numbers = #tpu.dot_dimension_numbers<[1], [0], [0], [1], [0, 0, 1, 1], [], []>, transpose_lhs_hint = false} : vector<1000x128xf32>, vector<128x128xf32>, vector<1000x128xf32> -> vector<1000x128xf32>
    %get3A_214 = arith.constant 0 : index
    %get3A_215 = arith.constant 0 : index
    %get3A_216 = vector.load %arg6[%get3A_214, %get3A_215] : memref<32x128xf32, #tpu.memory_space<vmem>>, vector<32x128xf32>
    %dot_general3A_217 = arith.constant dense<0.000000e+00> : vector<1000x128xf32>
    %dot_general3A_218 = tpu.matmul %dot_general3A_208, %get3A_216, %dot_general3A_217 {dimension_numbers = #tpu.dot_dimension_numbers<[1], [0], [0], [1], [0, 0, 1, 1], [], []>, transpose_lhs_hint = false} : vector<1000x32xf32>, vector<32x128xf32>, vector<1000x128xf32> -> vector<1000x128xf32>
    %add3A_219 = arith.addf %dot_general3A_213, %dot_general3A_218 : vector<1000x128xf32>
    %get3A_220 = arith.constant 0 : index
    %get3A_221 = arith.constant 0 : index
    %get3A_222 = vector.load %arg7[%get3A_220, %get3A_221] : memref<1x128xf32, #tpu.memory_space<vmem>>, vector<1x128xf32>
    %add3A_223 = vector.broadcast %get3A_222 : vector<1x128xf32> to vector<1000x128xf32>
    %add3A_224 = arith.addf %add3A_219, %add3A_223 : vector<1000x128xf32>
    %logistic3A_225 = arith.negf %add3A_224 : vector<1000x128xf32>
    %logistic3A_226 = math.exp %logistic3A_225 : vector<1000x128xf32>
    %logistic3A_227 = arith.constant 1.000000e+00 : f32
    %logistic3A_228 = vector.broadcast %logistic3A_227 : f32 to vector<1000x128xf32>
    %logistic3A_229 = arith.addf %logistic3A_228, %logistic3A_226 : vector<1000x128xf32>
    %logistic3A_230 = arith.divf %logistic3A_228, %logistic3A_229 : vector<1000x128xf32>
    %mul3A_231 = arith.mulf %add3A_224, %logistic3A_230 : vector<1000x128xf32>
    %swap3A_232 = arith.constant 3 : index
    %swap3A_233 = arith.constant 0 : index
    %swap3A_234 = arith.constant 0 : index
    %swap3A_235 = vector.load %arg8[%swap3A_232, %swap3A_233, %swap3A_234] : memref<4x1000x128xf32, #tpu.memory_space<vmem>>, vector<1x1000x128xf32>
    %swap3A_236 = vector.shape_cast %swap3A_235 : vector<1x1000x128xf32> to vector<1000x128xf32>
    %swap3A_237 = vector.shape_cast %mul3A_231 : vector<1000x128xf32> to vector<1x1000x128xf32>
    tpu.vector_store %arg8[%swap3A_232, %swap3A_233, %swap3A_234], %swap3A_237 {strides = array<i32>} : memref<4x1000x128xf32, #tpu.memory_space<vmem>>, vector<1x1000x128xf32>,
    return
  }
  func.func @transform_0(%arg0: i32) -> (i32, i32, i32) {
    %c0_i32 = arith.constant 0 : i32
    %c0_i32_0 = arith.constant 0 : i32
    %c0_i32_1 = arith.constant 0 : i32
    return %c0_i32, %arg0, %c0_i32_0 : i32, i32, i32
  }
  func.func @transform_1(%arg0: i32) -> (i32, i32, i32) {
    %c0_i32 = arith.constant 0 : i32
    %c0_i32_0 = arith.constant 0 : i32
    %c0_i32_1 = arith.constant 0 : i32
    %c0_i32_2 = arith.constant 0 : i32
    return %c0_i32, %c0_i32_0, %c0_i32_1 : i32, i32, i32
  }
  func.func @transform_2(%arg0: i32) -> (i32, i32) {
    %c0_i32 = arith.constant 0 : i32
    %c0_i32_0 = arith.constant 0 : i32
    %c0_i32_1 = arith.constant 0 : i32
    return %c0_i32, %c0_i32_0 : i32, i32
  }
  func.func @transform_3(%arg0: i32) -> (i32, i32) {
    %c0_i32 = arith.constant 0 : i32
    %c0_i32_0 = arith.constant 0 : i32
    %c0_i32_1 = arith.constant 0 : i32
    return %c0_i32, %c0_i32_0 : i32, i32
  }
  func.func @transform_4(%arg0: i32) -> (i32, i32) {
    %c0_i32 = arith.constant 0 : i32
    %c0_i32_0 = arith.constant 0 : i32
    %c0_i32_1 = arith.constant 0 : i32
    return %c0_i32, %c0_i32_0 : i32, i32
  }
  func.func @transform_5(%arg0: i32) -> (i32, i32) {
    %c0_i32 = arith.constant 0 : i32
    %c0_i32_0 = arith.constant 0 : i32
    %c0_i32_1 = arith.constant 0 : i32
    return %c0_i32, %c0_i32_0 : i32, i32
  }
  func.func @transform_6(%arg0: i32) -> (i32, i32) {
    %c0_i32 = arith.constant 0 : i32
    %c0_i32_0 = arith.constant 0 : i32
    %c0_i32_1 = arith.constant 0 : i32
    return %c0_i32, %c0_i32_0 : i32, i32
  }
  func.func @transform_7(%arg0: i32) -> (i32, i32, i32) {
    %c0_i32 = arith.constant 0 : i32
    %c0_i32_0 = arith.constant 0 : i32
    %c0_i32_1 = arith.constant 0 : i32
    return %c0_i32, %arg0, %c0_i32_0 : i32, i32, i32
  }
}

module attributes {stable_mosaic.version = 14 : i64} {
  func.func @_k2b_body(%arg0: i32, %arg1: memref<4x1000x32xf32, #tpu.memory_space<vmem>>, %arg2: memref<2x1000x128xf32, #tpu.memory_space<vmem>>, %arg3: memref<2x1000x128xf32, #tpu.memory_space<vmem>>, %arg4: memref<96x32xf32, #tpu.memory_space<vmem>>, %arg5: memref<1x32xf32, #tpu.memory_space<vmem>>, %arg6: memref<4x1000x32xf32, #tpu.memory_space<vmem>>) attributes {dimension_semantics = [#tpu.dimension_semantics<arbitrary>], iteration_bounds = array<i64: 10>, scalar_prefetch = 0 : i64, scratch_operands = 0 : i64, tpu.core_type = #tpu.core_type<tc>, window_params = [{transform_indices = @transform_0, window_bounds = array<i64: 4, 1000, 32>}, {transform_indices = @transform_1, window_bounds = array<i64: 2, 1000, 128>}, {transform_indices = @transform_2, window_bounds = array<i64: 2, 1000, 128>}, {pipeline_mode = #tpu.pipeline_mode<synchronous>, transform_indices = @transform_3, window_bounds = array<i64: 96, 32>}, {pipeline_mode = #tpu.pipeline_mode<synchronous>, transform_indices = @transform_4, window_bounds = array<i64: 1, 32>}, {transform_indices = @transform_5, window_bounds = array<i64: 4, 1000, 32>}]} {
    %get3A = arith.constant 0 : index
    %get3A_0 = arith.constant 0 : index
    %get3A_1 = arith.constant 0 : index
    %get3A_2 = vector.load %arg2[%get3A, %get3A_0, %get3A_1] : memref<2x1000x128xf32, #tpu.memory_space<vmem>>, vector<1x1000x128xf32>
    %get3A_3 = vector.shape_cast %get3A_2 : vector<1x1000x128xf32> to vector<1000x128xf32>
    %get3A_4 = arith.constant 1 : index
    %get3A_5 = arith.constant 0 : index
    %get3A_6 = arith.constant 0 : index
    %get3A_7 = vector.load %arg2[%get3A_4, %get3A_5, %get3A_6] : memref<2x1000x128xf32, #tpu.memory_space<vmem>>, vector<1x1000x128xf32>
    %get3A_8 = vector.shape_cast %get3A_7 : vector<1x1000x128xf32> to vector<1000x128xf32>
    %add3A = arith.addf %get3A_3, %get3A_8 : vector<1000x128xf32>
    %get3A_9 = arith.constant 0 : index
    %get3A_10 = arith.constant 0 : index
    %get3A_11 = arith.constant 0 : index
    %get3A_12 = vector.load %arg3[%get3A_9, %get3A_10, %get3A_11] : memref<2x1000x128xf32, #tpu.memory_space<vmem>>, vector<1x1000x128xf32>
    %get3A_13 = vector.shape_cast %get3A_12 : vector<1x1000x128xf32> to vector<1000x128xf32>
    %get3A_14 = arith.constant 1 : index
    %get3A_15 = arith.constant 0 : index
    %get3A_16 = arith.constant 0 : index
    %get3A_17 = vector.load %arg3[%get3A_14, %get3A_15, %get3A_16] : memref<2x1000x128xf32, #tpu.memory_space<vmem>>, vector<1x1000x128xf32>
    %get3A_18 = vector.shape_cast %get3A_17 : vector<1x1000x128xf32> to vector<1000x128xf32>
    %add3A_19 = arith.addf %get3A_13, %get3A_18 : vector<1000x128xf32>
    %slice3A = vector.extract_strided_slice %add3A {offsets = [0, 0], sizes = [1000, 32], strides = [1, 1]} : vector<1000x128xf32> to vector<1000x32xf32>
    %slice3A_20 = vector.extract_strided_slice %add3A_19 {offsets = [0, 0], sizes = [1000, 32], strides = [1, 1]} : vector<1000x128xf32> to vector<1000x32xf32>
    %get3A_21 = arith.constant 0 : index
    %get3A_22 = arith.constant 0 : index
    %get3A_23 = arith.constant 0 : index
    %get3A_24 = vector.load %arg1[%get3A_21, %get3A_22, %get3A_23] : memref<4x1000x32xf32, #tpu.memory_space<vmem>>, vector<1x1000x32xf32>
    %get3A_25 = vector.shape_cast %get3A_24 : vector<1x1000x32xf32> to vector<1000x32xf32>
    %concatenate3A = tpu.concatenate %get3A_25, %slice3A, %slice3A_20 in 1 : vector<1000x32xf32>, vector<1000x32xf32>, vector<1000x32xf32> -> vector<1000x96xf32>
    %tanh3A = math.tanh %concatenate3A : vector<1000x96xf32>
    %get3A_26 = arith.constant 0 : index
    %get3A_27 = arith.constant 0 : index
    %get3A_28 = vector.load %arg4[%get3A_26, %get3A_27] : memref<96x32xf32, #tpu.memory_space<vmem>>, vector<96x32xf32>
    %dot_general3A = arith.constant dense<0.000000e+00> : vector<1000x32xf32>
    %dot_general3A_29 = tpu.matmul %tanh3A, %get3A_28, %dot_general3A {dimension_numbers = #tpu.dot_dimension_numbers<[1], [0], [0], [1], [0, 0, 1, 1], [], []>, transpose_lhs_hint = false} : vector<1000x96xf32>, vector<96x32xf32>, vector<1000x32xf32> -> vector<1000x32xf32>
    %get3A_30 = arith.constant 0 : index
    %get3A_31 = arith.constant 0 : index
    %get3A_32 = vector.load %arg5[%get3A_30, %get3A_31] : memref<1x32xf32, #tpu.memory_space<vmem>>, vector<1x32xf32>
    %add3A_33 = vector.broadcast %get3A_32 : vector<1x32xf32> to vector<1000x32xf32>
    %add3A_34 = arith.addf %dot_general3A_29, %add3A_33 : vector<1000x32xf32>
    %tanh3A_35 = math.tanh %add3A_34 : vector<1000x32xf32>
    %swap3A = arith.constant 0 : index
    %swap3A_36 = arith.constant 0 : index
    %swap3A_37 = arith.constant 0 : index
    %swap3A_38 = vector.load %arg6[%swap3A, %swap3A_36, %swap3A_37] : memref<4x1000x32xf32, #tpu.memory_space<vmem>>, vector<1x1000x32xf32>
    %swap3A_39 = vector.shape_cast %swap3A_38 : vector<1x1000x32xf32> to vector<1000x32xf32>
    %swap3A_40 = vector.shape_cast %tanh3A_35 : vector<1000x32xf32> to vector<1x1000x32xf32>
    tpu.vector_store %arg6[%swap3A, %swap3A_36, %swap3A_37], %swap3A_40 {strides = array<i32>} : memref<4x1000x32xf32, #tpu.memory_space<vmem>>, vector<1x1000x32xf32>,
    %slice3A_41 = vector.extract_strided_slice %add3A {offsets = [0, 32], sizes = [1000, 32], strides = [1, 1]} : vector<1000x128xf32> to vector<1000x32xf32>
    %slice3A_42 = vector.extract_strided_slice %add3A_19 {offsets = [0, 32], sizes = [1000, 32], strides = [1, 1]} : vector<1000x128xf32> to vector<1000x32xf32>
    %get3A_43 = arith.constant 1 : index
    %get3A_44 = arith.constant 0 : index
    %get3A_45 = arith.constant 0 : index
    %get3A_46 = vector.load %arg1[%get3A_43, %get3A_44, %get3A_45] : memref<4x1000x32xf32, #tpu.memory_space<vmem>>, vector<1x1000x32xf32>
    %get3A_47 = vector.shape_cast %get3A_46 : vector<1x1000x32xf32> to vector<1000x32xf32>
    %concatenate3A_48 = tpu.concatenate %get3A_47, %slice3A_41, %slice3A_42 in 1 : vector<1000x32xf32>, vector<1000x32xf32>, vector<1000x32xf32> -> vector<1000x96xf32>
    %tanh3A_49 = math.tanh %concatenate3A_48 : vector<1000x96xf32>
    %get3A_50 = arith.constant 0 : index
    %get3A_51 = arith.constant 0 : index
    %get3A_52 = vector.load %arg4[%get3A_50, %get3A_51] : memref<96x32xf32, #tpu.memory_space<vmem>>, vector<96x32xf32>
    %dot_general3A_53 = arith.constant dense<0.000000e+00> : vector<1000x32xf32>
    %dot_general3A_54 = tpu.matmul %tanh3A_49, %get3A_52, %dot_general3A_53 {dimension_numbers = #tpu.dot_dimension_numbers<[1], [0], [0], [1], [0, 0, 1, 1], [], []>, transpose_lhs_hint = false} : vector<1000x96xf32>, vector<96x32xf32>, vector<1000x32xf32> -> vector<1000x32xf32>
    %get3A_55 = arith.constant 0 : index
    %get3A_56 = arith.constant 0 : index
    %get3A_57 = vector.load %arg5[%get3A_55, %get3A_56] : memref<1x32xf32, #tpu.memory_space<vmem>>, vector<1x32xf32>
    %add3A_58 = vector.broadcast %get3A_57 : vector<1x32xf32> to vector<1000x32xf32>
    %add3A_59 = arith.addf %dot_general3A_54, %add3A_58 : vector<1000x32xf32>
    %tanh3A_60 = math.tanh %add3A_59 : vector<1000x32xf32>
    %swap3A_61 = arith.constant 1 : index
    %swap3A_62 = arith.constant 0 : index
    %swap3A_63 = arith.constant 0 : index
    %swap3A_64 = vector.load %arg6[%swap3A_61, %swap3A_62, %swap3A_63] : memref<4x1000x32xf32, #tpu.memory_space<vmem>>, vector<1x1000x32xf32>
    %swap3A_65 = vector.shape_cast %swap3A_64 : vector<1x1000x32xf32> to vector<1000x32xf32>
    %swap3A_66 = vector.shape_cast %tanh3A_60 : vector<1000x32xf32> to vector<1x1000x32xf32>
    tpu.vector_store %arg6[%swap3A_61, %swap3A_62, %swap3A_63], %swap3A_66 {strides = array<i32>} : memref<4x1000x32xf32, #tpu.memory_space<vmem>>, vector<1x1000x32xf32>,
    %slice3A_67 = vector.extract_strided_slice %add3A {offsets = [0, 64], sizes = [1000, 32], strides = [1, 1]} : vector<1000x128xf32> to vector<1000x32xf32>
    %slice3A_68 = vector.extract_strided_slice %add3A_19 {offsets = [0, 64], sizes = [1000, 32], strides = [1, 1]} : vector<1000x128xf32> to vector<1000x32xf32>
    %get3A_69 = arith.constant 2 : index
    %get3A_70 = arith.constant 0 : index
    %get3A_71 = arith.constant 0 : index
    %get3A_72 = vector.load %arg1[%get3A_69, %get3A_70, %get3A_71] : memref<4x1000x32xf32, #tpu.memory_space<vmem>>, vector<1x1000x32xf32>
    %get3A_73 = vector.shape_cast %get3A_72 : vector<1x1000x32xf32> to vector<1000x32xf32>
    %concatenate3A_74 = tpu.concatenate %get3A_73, %slice3A_67, %slice3A_68 in 1 : vector<1000x32xf32>, vector<1000x32xf32>, vector<1000x32xf32> -> vector<1000x96xf32>
    %tanh3A_75 = math.tanh %concatenate3A_74 : vector<1000x96xf32>
    %get3A_76 = arith.constant 0 : index
    %get3A_77 = arith.constant 0 : index
    %get3A_78 = vector.load %arg4[%get3A_76, %get3A_77] : memref<96x32xf32, #tpu.memory_space<vmem>>, vector<96x32xf32>
    %dot_general3A_79 = arith.constant dense<0.000000e+00> : vector<1000x32xf32>
    %dot_general3A_80 = tpu.matmul %tanh3A_75, %get3A_78, %dot_general3A_79 {dimension_numbers = #tpu.dot_dimension_numbers<[1], [0], [0], [1], [0, 0, 1, 1], [], []>, transpose_lhs_hint = false} : vector<1000x96xf32>, vector<96x32xf32>, vector<1000x32xf32> -> vector<1000x32xf32>
    %get3A_81 = arith.constant 0 : index
    %get3A_82 = arith.constant 0 : index
    %get3A_83 = vector.load %arg5[%get3A_81, %get3A_82] : memref<1x32xf32, #tpu.memory_space<vmem>>, vector<1x32xf32>
    %add3A_84 = vector.broadcast %get3A_83 : vector<1x32xf32> to vector<1000x32xf32>
    %add3A_85 = arith.addf %dot_general3A_80, %add3A_84 : vector<1000x32xf32>
    %tanh3A_86 = math.tanh %add3A_85 : vector<1000x32xf32>
    %swap3A_87 = arith.constant 2 : index
    %swap3A_88 = arith.constant 0 : index
    %swap3A_89 = arith.constant 0 : index
    %swap3A_90 = vector.load %arg6[%swap3A_87, %swap3A_88, %swap3A_89] : memref<4x1000x32xf32, #tpu.memory_space<vmem>>, vector<1x1000x32xf32>
    %swap3A_91 = vector.shape_cast %swap3A_90 : vector<1x1000x32xf32> to vector<1000x32xf32>
    %swap3A_92 = vector.shape_cast %tanh3A_86 : vector<1000x32xf32> to vector<1x1000x32xf32>
    tpu.vector_store %arg6[%swap3A_87, %swap3A_88, %swap3A_89], %swap3A_92 {strides = array<i32>} : memref<4x1000x32xf32, #tpu.memory_space<vmem>>, vector<1x1000x32xf32>,
    %slice3A_93 = vector.extract_strided_slice %add3A {offsets = [0, 96], sizes = [1000, 32], strides = [1, 1]} : vector<1000x128xf32> to vector<1000x32xf32>
    %slice3A_94 = vector.extract_strided_slice %add3A_19 {offsets = [0, 96], sizes = [1000, 32], strides = [1, 1]} : vector<1000x128xf32> to vector<1000x32xf32>
    %get3A_95 = arith.constant 3 : index
    %get3A_96 = arith.constant 0 : index
    %get3A_97 = arith.constant 0 : index
    %get3A_98 = vector.load %arg1[%get3A_95, %get3A_96, %get3A_97] : memref<4x1000x32xf32, #tpu.memory_space<vmem>>, vector<1x1000x32xf32>
    %get3A_99 = vector.shape_cast %get3A_98 : vector<1x1000x32xf32> to vector<1000x32xf32>
    %concatenate3A_100 = tpu.concatenate %get3A_99, %slice3A_93, %slice3A_94 in 1 : vector<1000x32xf32>, vector<1000x32xf32>, vector<1000x32xf32> -> vector<1000x96xf32>
    %tanh3A_101 = math.tanh %concatenate3A_100 : vector<1000x96xf32>
    %get3A_102 = arith.constant 0 : index
    %get3A_103 = arith.constant 0 : index
    %get3A_104 = vector.load %arg4[%get3A_102, %get3A_103] : memref<96x32xf32, #tpu.memory_space<vmem>>, vector<96x32xf32>
    %dot_general3A_105 = arith.constant dense<0.000000e+00> : vector<1000x32xf32>
    %dot_general3A_106 = tpu.matmul %tanh3A_101, %get3A_104, %dot_general3A_105 {dimension_numbers = #tpu.dot_dimension_numbers<[1], [0], [0], [1], [0, 0, 1, 1], [], []>, transpose_lhs_hint = false} : vector<1000x96xf32>, vector<96x32xf32>, vector<1000x32xf32> -> vector<1000x32xf32>
    %get3A_107 = arith.constant 0 : index
    %get3A_108 = arith.constant 0 : index
    %get3A_109 = vector.load %arg5[%get3A_107, %get3A_108] : memref<1x32xf32, #tpu.memory_space<vmem>>, vector<1x32xf32>
    %add3A_110 = vector.broadcast %get3A_109 : vector<1x32xf32> to vector<1000x32xf32>
    %add3A_111 = arith.addf %dot_general3A_106, %add3A_110 : vector<1000x32xf32>
    %tanh3A_112 = math.tanh %add3A_111 : vector<1000x32xf32>
    %swap3A_113 = arith.constant 3 : index
    %swap3A_114 = arith.constant 0 : index
    %swap3A_115 = arith.constant 0 : index
    %swap3A_116 = vector.load %arg6[%swap3A_113, %swap3A_114, %swap3A_115] : memref<4x1000x32xf32, #tpu.memory_space<vmem>>, vector<1x1000x32xf32>
    %swap3A_117 = vector.shape_cast %swap3A_116 : vector<1x1000x32xf32> to vector<1000x32xf32>
    %swap3A_118 = vector.shape_cast %tanh3A_112 : vector<1000x32xf32> to vector<1x1000x32xf32>
    tpu.vector_store %arg6[%swap3A_113, %swap3A_114, %swap3A_115], %swap3A_118 {strides = array<i32>} : memref<4x1000x32xf32, #tpu.memory_space<vmem>>, vector<1x1000x32xf32>,
    return
  }
  func.func @transform_0(%arg0: i32) -> (i32, i32, i32) {
    %c0_i32 = arith.constant 0 : i32
    %c0_i32_0 = arith.constant 0 : i32
    %c0_i32_1 = arith.constant 0 : i32
    return %c0_i32, %arg0, %c0_i32_0 : i32, i32, i32
  }
  func.func @transform_1(%arg0: i32) -> (i32, i32, i32) {
    %c0_i32 = arith.constant 0 : i32
    %c0_i32_0 = arith.constant 0 : i32
    %c0_i32_1 = arith.constant 0 : i32
    return %c0_i32, %arg0, %c0_i32_0 : i32, i32, i32
  }
  func.func @transform_2(%arg0: i32) -> (i32, i32, i32) {
    %c0_i32 = arith.constant 0 : i32
    %c0_i32_0 = arith.constant 0 : i32
    %c0_i32_1 = arith.constant 0 : i32
    return %c0_i32, %arg0, %c0_i32_0 : i32, i32, i32
  }
  func.func @transform_3(%arg0: i32) -> (i32, i32) {
    %c0_i32 = arith.constant 0 : i32
    %c0_i32_0 = arith.constant 0 : i32
    %c0_i32_1 = arith.constant 0 : i32
    return %c0_i32, %c0_i32_0 : i32, i32
  }
  func.func @transform_4(%arg0: i32) -> (i32, i32) {
    %c0_i32 = arith.constant 0 : i32
    %c0_i32_0 = arith.constant 0 : i32
    %c0_i32_1 = arith.constant 0 : i32
    return %c0_i32, %c0_i32_0 : i32, i32
  }
  func.func @transform_5(%arg0: i32) -> (i32, i32, i32) {
    %c0_i32 = arith.constant 0 : i32
    %c0_i32_0 = arith.constant 0 : i32
    %c0_i32_1 = arith.constant 0 : i32
    return %c0_i32, %arg0, %c0_i32_0 : i32, i32, i32
  }
}

module attributes {stable_mosaic.version = 14 : i64} {
  func.func @_k1b_body(%arg0: i32, %arg1: memref<4x1000x32xf32, #tpu.memory_space<vmem>>, %arg2: memref<4x1000x128xf32, #tpu.memory_space<vmem>>, %arg3: memref<32x128xf32, #tpu.memory_space<vmem>>, %arg4: memref<128x128xf32, #tpu.memory_space<vmem>>, %arg5: memref<1x128xf32, #tpu.memory_space<vmem>>, %arg6: memref<32x32xf32, #tpu.memory_space<vmem>>, %arg7: memref<1x32xf32, #tpu.memory_space<vmem>>, %arg8: memref<32x32xf32, #tpu.memory_space<vmem>>, %arg9: memref<1x32xf32, #tpu.memory_space<vmem>>, %arg10: memref<32x32xf32, #tpu.memory_space<vmem>>, %arg11: memref<1x32xf32, #tpu.memory_space<vmem>>, %arg12: memref<4x1000x128xf32, #tpu.memory_space<vmem>>, %arg13: memref<4x1000x32xf32, #tpu.memory_space<vmem>>, %arg14: memref<1000x128xf32, #tpu.memory_space<vmem>>, %arg15: memref<1000x128xf32, #tpu.memory_space<vmem>>) attributes {dimension_semantics = [#tpu.dimension_semantics<arbitrary>], iteration_bounds = array<i64: 10>, scalar_prefetch = 0 : i64, scratch_operands = 0 : i64, tpu.core_type = #tpu.core_type<tc>, window_params = [{transform_indices = @transform_0, window_bounds = array<i64: 4, 1000, 32>}, {transform_indices = @transform_1, window_bounds = array<i64: 4, 1000, 128>}, {pipeline_mode = #tpu.pipeline_mode<synchronous>, transform_indices = @transform_2, window_bounds = array<i64: 32, 128>}, {pipeline_mode = #tpu.pipeline_mode<synchronous>, transform_indices = @transform_3, window_bounds = array<i64: 128, 128>}, {pipeline_mode = #tpu.pipeline_mode<synchronous>, transform_indices = @transform_4, window_bounds = array<i64: 1, 128>}, {pipeline_mode = #tpu.pipeline_mode<synchronous>, transform_indices = @transform_5, window_bounds = array<i64: 32, 32>}, {pipeline_mode = #tpu.pipeline_mode<synchronous>, transform_indices = @transform_6, window_bounds = array<i64: 1, 32>}, {pipeline_mode = #tpu.pipeline_mode<synchronous>, transform_indices = @transform_7, window_bounds = array<i64: 32, 32>}, {pipeline_mode = #tpu.pipeline_mode<synchronous>, transform_indices = @transform_8, window_bounds = array<i64: 1, 32>}, {pipeline_mode = #tpu.pipeline_mode<synchronous>, transform_indices = @transform_9, window_bounds = array<i64: 32, 32>}, {pipeline_mode = #tpu.pipeline_mode<synchronous>, transform_indices = @transform_10, window_bounds = array<i64: 1, 32>}, {transform_indices = @transform_11, window_bounds = array<i64: 4, 1000, 128>}, {transform_indices = @transform_12, window_bounds = array<i64: 4, 1000, 32>}, {transform_indices = @transform_13, window_bounds = array<i64: 1000, 128>}, {transform_indices = @transform_14, window_bounds = array<i64: 1000, 128>}]} {
    %get3A = arith.constant 0 : index
    %get3A_0 = arith.constant 0 : index
    %get3A_1 = arith.constant 0 : index
    %get3A_2 = vector.load %arg1[%get3A, %get3A_0, %get3A_1] : memref<4x1000x32xf32, #tpu.memory_space<vmem>>, vector<1x1000x32xf32>
    %get3A_3 = vector.shape_cast %get3A_2 : vector<1x1000x32xf32> to vector<1000x32xf32>
    %get3A_4 = arith.constant 0 : index
    %get3A_5 = arith.constant 0 : index
    %get3A_6 = arith.constant 0 : index
    %get3A_7 = vector.load %arg2[%get3A_4, %get3A_5, %get3A_6] : memref<4x1000x128xf32, #tpu.memory_space<vmem>>, vector<1x1000x128xf32>
    %get3A_8 = vector.shape_cast %get3A_7 : vector<1x1000x128xf32> to vector<1000x128xf32>
    %get3A_9 = arith.constant 0 : index
    %get3A_10 = arith.constant 0 : index
    %get3A_11 = vector.load %arg3[%get3A_9, %get3A_10] : memref<32x128xf32, #tpu.memory_space<vmem>>, vector<32x128xf32>
    %dot_general3A = arith.constant dense<0.000000e+00> : vector<1000x128xf32>
    %dot_general3A_12 = tpu.matmul %get3A_3, %get3A_11, %dot_general3A {dimension_numbers = #tpu.dot_dimension_numbers<[1], [0], [0], [1], [0, 0, 1, 1], [], []>, transpose_lhs_hint = false} : vector<1000x32xf32>, vector<32x128xf32>, vector<1000x128xf32> -> vector<1000x128xf32>
    %get3A_13 = arith.constant 0 : index
    %get3A_14 = arith.constant 0 : index
    %get3A_15 = vector.load %arg4[%get3A_13, %get3A_14] : memref<128x128xf32, #tpu.memory_space<vmem>>, vector<128x128xf32>
    %dot_general3A_16 = arith.constant dense<0.000000e+00> : vector<1000x128xf32>
    %dot_general3A_17 = tpu.matmul %get3A_8, %get3A_15, %dot_general3A_16 {dimension_numbers = #tpu.dot_dimension_numbers<[1], [0], [0], [1], [0, 0, 1, 1], [], []>, transpose_lhs_hint = false} : vector<1000x128xf32>, vector<128x128xf32>, vector<1000x128xf32> -> vector<1000x128xf32>
    %add3A = arith.addf %dot_general3A_12, %dot_general3A_17 : vector<1000x128xf32>
    %get3A_18 = arith.constant 0 : index
    %get3A_19 = arith.constant 0 : index
    %get3A_20 = vector.load %arg5[%get3A_18, %get3A_19] : memref<1x128xf32, #tpu.memory_space<vmem>>, vector<1x128xf32>
    %add3A_21 = vector.broadcast %get3A_20 : vector<1x128xf32> to vector<1000x128xf32>
    %add3A_22 = arith.addf %add3A, %add3A_21 : vector<1000x128xf32>
    %swap3A = arith.constant 0 : index
    %swap3A_23 = arith.constant 0 : index
    %swap3A_24 = arith.constant 0 : index
    %swap3A_25 = vector.load %arg12[%swap3A, %swap3A_23, %swap3A_24] : memref<4x1000x128xf32, #tpu.memory_space<vmem>>, vector<1x1000x128xf32>
    %swap3A_26 = vector.shape_cast %swap3A_25 : vector<1x1000x128xf32> to vector<1000x128xf32>
    %swap3A_27 = vector.shape_cast %add3A_22 : vector<1000x128xf32> to vector<1x1000x128xf32>
    tpu.vector_store %arg12[%swap3A, %swap3A_23, %swap3A_24], %swap3A_27 {strides = array<i32>} : memref<4x1000x128xf32, #tpu.memory_space<vmem>>, vector<1x1000x128xf32>,
    %get3A_28 = arith.constant 0 : index
    %get3A_29 = arith.constant 0 : index
    %get3A_30 = vector.load %arg6[%get3A_28, %get3A_29] : memref<32x32xf32, #tpu.memory_space<vmem>>, vector<32x32xf32>
    %dot_general3A_31 = arith.constant dense<0.000000e+00> : vector<1000x32xf32>
    %dot_general3A_32 = tpu.matmul %get3A_3, %get3A_30, %dot_general3A_31 {dimension_numbers = #tpu.dot_dimension_numbers<[1], [0], [0], [1], [0, 0, 1, 1], [], []>, transpose_lhs_hint = false} : vector<1000x32xf32>, vector<32x32xf32>, vector<1000x32xf32> -> vector<1000x32xf32>
    %get3A_33 = arith.constant 0 : index
    %get3A_34 = arith.constant 0 : index
    %get3A_35 = vector.load %arg7[%get3A_33, %get3A_34] : memref<1x32xf32, #tpu.memory_space<vmem>>, vector<1x32xf32>
    %add3A_36 = vector.broadcast %get3A_35 : vector<1x32xf32> to vector<1000x32xf32>
    %add3A_37 = arith.addf %dot_general3A_32, %add3A_36 : vector<1000x32xf32>
    %swap3A_38 = arith.constant 0 : index
    %swap3A_39 = arith.constant 0 : index
    %swap3A_40 = arith.constant 0 : index
    %swap3A_41 = vector.load %arg13[%swap3A_38, %swap3A_39, %swap3A_40] : memref<4x1000x32xf32, #tpu.memory_space<vmem>>, vector<1x1000x32xf32>
    %swap3A_42 = vector.shape_cast %swap3A_41 : vector<1x1000x32xf32> to vector<1000x32xf32>
    %swap3A_43 = vector.shape_cast %add3A_37 : vector<1000x32xf32> to vector<1x1000x32xf32>
    tpu.vector_store %arg13[%swap3A_38, %swap3A_39, %swap3A_40], %swap3A_43 {strides = array<i32>} : memref<4x1000x32xf32, #tpu.memory_space<vmem>>, vector<1x1000x32xf32>,
    %get3A_44 = arith.constant 0 : index
    %get3A_45 = arith.constant 0 : index
    %get3A_46 = vector.load %arg8[%get3A_44, %get3A_45] : memref<32x32xf32, #tpu.memory_space<vmem>>, vector<32x32xf32>
    %dot_general3A_47 = arith.constant dense<0.000000e+00> : vector<1000x32xf32>
    %dot_general3A_48 = tpu.matmul %get3A_3, %get3A_46, %dot_general3A_47 {dimension_numbers = #tpu.dot_dimension_numbers<[1], [0], [0], [1], [0, 0, 1, 1], [], []>, transpose_lhs_hint = false} : vector<1000x32xf32>, vector<32x32xf32>, vector<1000x32xf32> -> vector<1000x32xf32>
    %get3A_49 = arith.constant 0 : index
    %get3A_50 = arith.constant 0 : index
    %get3A_51 = vector.load %arg9[%get3A_49, %get3A_50] : memref<1x32xf32, #tpu.memory_space<vmem>>, vector<1x32xf32>
    %add3A_52 = vector.broadcast %get3A_51 : vector<1x32xf32> to vector<1000x32xf32>
    %add3A_53 = arith.addf %dot_general3A_48, %add3A_52 : vector<1000x32xf32>
    %get3A_54 = arith.constant 0 : index
    %get3A_55 = arith.constant 0 : index
    %get3A_56 = vector.load %arg10[%get3A_54, %get3A_55] : memref<32x32xf32, #tpu.memory_space<vmem>>, vector<32x32xf32>
    %dot_general3A_57 = arith.constant dense<0.000000e+00> : vector<1000x32xf32>
    %dot_general3A_58 = tpu.matmul %get3A_3, %get3A_56, %dot_general3A_57 {dimension_numbers = #tpu.dot_dimension_numbers<[1], [0], [0], [1], [0, 0, 1, 1], [], []>, transpose_lhs_hint = false} : vector<1000x32xf32>, vector<32x32xf32>, vector<1000x32xf32> -> vector<1000x32xf32>
    %get3A_59 = arith.constant 0 : index
    %get3A_60 = arith.constant 0 : index
    %get3A_61 = vector.load %arg11[%get3A_59, %get3A_60] : memref<1x32xf32, #tpu.memory_space<vmem>>, vector<1x32xf32>
    %add3A_62 = vector.broadcast %get3A_61 : vector<1x32xf32> to vector<1000x32xf32>
    %add3A_63 = arith.addf %dot_general3A_58, %add3A_62 : vector<1000x32xf32>
    %get3A_64 = arith.constant 1 : index
    %get3A_65 = arith.constant 0 : index
    %get3A_66 = arith.constant 0 : index
    %get3A_67 = vector.load %arg1[%get3A_64, %get3A_65, %get3A_66] : memref<4x1000x32xf32, #tpu.memory_space<vmem>>, vector<1x1000x32xf32>
    %get3A_68 = vector.shape_cast %get3A_67 : vector<1x1000x32xf32> to vector<1000x32xf32>
    %get3A_69 = arith.constant 1 : index
    %get3A_70 = arith.constant 0 : index
    %get3A_71 = arith.constant 0 : index
    %get3A_72 = vector.load %arg2[%get3A_69, %get3A_70, %get3A_71] : memref<4x1000x128xf32, #tpu.memory_space<vmem>>, vector<1x1000x128xf32>
    %get3A_73 = vector.shape_cast %get3A_72 : vector<1x1000x128xf32> to vector<1000x128xf32>
    %get3A_74 = arith.constant 0 : index
    %get3A_75 = arith.constant 0 : index
    %get3A_76 = vector.load %arg3[%get3A_74, %get3A_75] : memref<32x128xf32, #tpu.memory_space<vmem>>, vector<32x128xf32>
    %dot_general3A_77 = arith.constant dense<0.000000e+00> : vector<1000x128xf32>
    %dot_general3A_78 = tpu.matmul %get3A_68, %get3A_76, %dot_general3A_77 {dimension_numbers = #tpu.dot_dimension_numbers<[1], [0], [0], [1], [0, 0, 1, 1], [], []>, transpose_lhs_hint = false} : vector<1000x32xf32>, vector<32x128xf32>, vector<1000x128xf32> -> vector<1000x128xf32>
    %get3A_79 = arith.constant 0 : index
    %get3A_80 = arith.constant 0 : index
    %get3A_81 = vector.load %arg4[%get3A_79, %get3A_80] : memref<128x128xf32, #tpu.memory_space<vmem>>, vector<128x128xf32>
    %dot_general3A_82 = arith.constant dense<0.000000e+00> : vector<1000x128xf32>
    %dot_general3A_83 = tpu.matmul %get3A_73, %get3A_81, %dot_general3A_82 {dimension_numbers = #tpu.dot_dimension_numbers<[1], [0], [0], [1], [0, 0, 1, 1], [], []>, transpose_lhs_hint = false} : vector<1000x128xf32>, vector<128x128xf32>, vector<1000x128xf32> -> vector<1000x128xf32>
    %add3A_84 = arith.addf %dot_general3A_78, %dot_general3A_83 : vector<1000x128xf32>
    %get3A_85 = arith.constant 0 : index
    %get3A_86 = arith.constant 0 : index
    %get3A_87 = vector.load %arg5[%get3A_85, %get3A_86] : memref<1x128xf32, #tpu.memory_space<vmem>>, vector<1x128xf32>
    %add3A_88 = vector.broadcast %get3A_87 : vector<1x128xf32> to vector<1000x128xf32>
    %add3A_89 = arith.addf %add3A_84, %add3A_88 : vector<1000x128xf32>
    %swap3A_90 = arith.constant 1 : index
    %swap3A_91 = arith.constant 0 : index
    %swap3A_92 = arith.constant 0 : index
    %swap3A_93 = vector.load %arg12[%swap3A_90, %swap3A_91, %swap3A_92] : memref<4x1000x128xf32, #tpu.memory_space<vmem>>, vector<1x1000x128xf32>
    %swap3A_94 = vector.shape_cast %swap3A_93 : vector<1x1000x128xf32> to vector<1000x128xf32>
    %swap3A_95 = vector.shape_cast %add3A_89 : vector<1000x128xf32> to vector<1x1000x128xf32>
    tpu.vector_store %arg12[%swap3A_90, %swap3A_91, %swap3A_92], %swap3A_95 {strides = array<i32>} : memref<4x1000x128xf32, #tpu.memory_space<vmem>>, vector<1x1000x128xf32>,
    %get3A_96 = arith.constant 0 : index
    %get3A_97 = arith.constant 0 : index
    %get3A_98 = vector.load %arg6[%get3A_96, %get3A_97] : memref<32x32xf32, #tpu.memory_space<vmem>>, vector<32x32xf32>
    %dot_general3A_99 = arith.constant dense<0.000000e+00> : vector<1000x32xf32>
    %dot_general3A_100 = tpu.matmul %get3A_68, %get3A_98, %dot_general3A_99 {dimension_numbers = #tpu.dot_dimension_numbers<[1], [0], [0], [1], [0, 0, 1, 1], [], []>, transpose_lhs_hint = false} : vector<1000x32xf32>, vector<32x32xf32>, vector<1000x32xf32> -> vector<1000x32xf32>
    %get3A_101 = arith.constant 0 : index
    %get3A_102 = arith.constant 0 : index
    %get3A_103 = vector.load %arg7[%get3A_101, %get3A_102] : memref<1x32xf32, #tpu.memory_space<vmem>>, vector<1x32xf32>
    %add3A_104 = vector.broadcast %get3A_103 : vector<1x32xf32> to vector<1000x32xf32>
    %add3A_105 = arith.addf %dot_general3A_100, %add3A_104 : vector<1000x32xf32>
    %swap3A_106 = arith.constant 1 : index
    %swap3A_107 = arith.constant 0 : index
    %swap3A_108 = arith.constant 0 : index
    %swap3A_109 = vector.load %arg13[%swap3A_106, %swap3A_107, %swap3A_108] : memref<4x1000x32xf32, #tpu.memory_space<vmem>>, vector<1x1000x32xf32>
    %swap3A_110 = vector.shape_cast %swap3A_109 : vector<1x1000x32xf32> to vector<1000x32xf32>
    %swap3A_111 = vector.shape_cast %add3A_105 : vector<1000x32xf32> to vector<1x1000x32xf32>
    tpu.vector_store %arg13[%swap3A_106, %swap3A_107, %swap3A_108], %swap3A_111 {strides = array<i32>} : memref<4x1000x32xf32, #tpu.memory_space<vmem>>, vector<1x1000x32xf32>,
    %get3A_112 = arith.constant 0 : index
    %get3A_113 = arith.constant 0 : index
    %get3A_114 = vector.load %arg8[%get3A_112, %get3A_113] : memref<32x32xf32, #tpu.memory_space<vmem>>, vector<32x32xf32>
    %dot_general3A_115 = arith.constant dense<0.000000e+00> : vector<1000x32xf32>
    %dot_general3A_116 = tpu.matmul %get3A_68, %get3A_114, %dot_general3A_115 {dimension_numbers = #tpu.dot_dimension_numbers<[1], [0], [0], [1], [0, 0, 1, 1], [], []>, transpose_lhs_hint = false} : vector<1000x32xf32>, vector<32x32xf32>, vector<1000x32xf32> -> vector<1000x32xf32>
    %get3A_117 = arith.constant 0 : index
    %get3A_118 = arith.constant 0 : index
    %get3A_119 = vector.load %arg9[%get3A_117, %get3A_118] : memref<1x32xf32, #tpu.memory_space<vmem>>, vector<1x32xf32>
    %add3A_120 = vector.broadcast %get3A_119 : vector<1x32xf32> to vector<1000x32xf32>
    %add3A_121 = arith.addf %dot_general3A_116, %add3A_120 : vector<1000x32xf32>
    %get3A_122 = arith.constant 0 : index
    %get3A_123 = arith.constant 0 : index
    %get3A_124 = vector.load %arg10[%get3A_122, %get3A_123] : memref<32x32xf32, #tpu.memory_space<vmem>>, vector<32x32xf32>
    %dot_general3A_125 = arith.constant dense<0.000000e+00> : vector<1000x32xf32>
    %dot_general3A_126 = tpu.matmul %get3A_68, %get3A_124, %dot_general3A_125 {dimension_numbers = #tpu.dot_dimension_numbers<[1], [0], [0], [1], [0, 0, 1, 1], [], []>, transpose_lhs_hint = false} : vector<1000x32xf32>, vector<32x32xf32>, vector<1000x32xf32> -> vector<1000x32xf32>
    %get3A_127 = arith.constant 0 : index
    %get3A_128 = arith.constant 0 : index
    %get3A_129 = vector.load %arg11[%get3A_127, %get3A_128] : memref<1x32xf32, #tpu.memory_space<vmem>>, vector<1x32xf32>
    %add3A_130 = vector.broadcast %get3A_129 : vector<1x32xf32> to vector<1000x32xf32>
    %add3A_131 = arith.addf %dot_general3A_126, %add3A_130 : vector<1000x32xf32>
    %get3A_132 = arith.constant 2 : index
    %get3A_133 = arith.constant 0 : index
    %get3A_134 = arith.constant 0 : index
    %get3A_135 = vector.load %arg1[%get3A_132, %get3A_133, %get3A_134] : memref<4x1000x32xf32, #tpu.memory_space<vmem>>, vector<1x1000x32xf32>
    %get3A_136 = vector.shape_cast %get3A_135 : vector<1x1000x32xf32> to vector<1000x32xf32>
    %get3A_137 = arith.constant 2 : index
    %get3A_138 = arith.constant 0 : index
    %get3A_139 = arith.constant 0 : index
    %get3A_140 = vector.load %arg2[%get3A_137, %get3A_138, %get3A_139] : memref<4x1000x128xf32, #tpu.memory_space<vmem>>, vector<1x1000x128xf32>
    %get3A_141 = vector.shape_cast %get3A_140 : vector<1x1000x128xf32> to vector<1000x128xf32>
    %get3A_142 = arith.constant 0 : index
    %get3A_143 = arith.constant 0 : index
    %get3A_144 = vector.load %arg3[%get3A_142, %get3A_143] : memref<32x128xf32, #tpu.memory_space<vmem>>, vector<32x128xf32>
    %dot_general3A_145 = arith.constant dense<0.000000e+00> : vector<1000x128xf32>
    %dot_general3A_146 = tpu.matmul %get3A_136, %get3A_144, %dot_general3A_145 {dimension_numbers = #tpu.dot_dimension_numbers<[1], [0], [0], [1], [0, 0, 1, 1], [], []>, transpose_lhs_hint = false} : vector<1000x32xf32>, vector<32x128xf32>, vector<1000x128xf32> -> vector<1000x128xf32>
    %get3A_147 = arith.constant 0 : index
    %get3A_148 = arith.constant 0 : index
    %get3A_149 = vector.load %arg4[%get3A_147, %get3A_148] : memref<128x128xf32, #tpu.memory_space<vmem>>, vector<128x128xf32>
    %dot_general3A_150 = arith.constant dense<0.000000e+00> : vector<1000x128xf32>
    %dot_general3A_151 = tpu.matmul %get3A_141, %get3A_149, %dot_general3A_150 {dimension_numbers = #tpu.dot_dimension_numbers<[1], [0], [0], [1], [0, 0, 1, 1], [], []>, transpose_lhs_hint = false} : vector<1000x128xf32>, vector<128x128xf32>, vector<1000x128xf32> -> vector<1000x128xf32>
    %add3A_152 = arith.addf %dot_general3A_146, %dot_general3A_151 : vector<1000x128xf32>
    %get3A_153 = arith.constant 0 : index
    %get3A_154 = arith.constant 0 : index
    %get3A_155 = vector.load %arg5[%get3A_153, %get3A_154] : memref<1x128xf32, #tpu.memory_space<vmem>>, vector<1x128xf32>
    %add3A_156 = vector.broadcast %get3A_155 : vector<1x128xf32> to vector<1000x128xf32>
    %add3A_157 = arith.addf %add3A_152, %add3A_156 : vector<1000x128xf32>
    %swap3A_158 = arith.constant 2 : index
    %swap3A_159 = arith.constant 0 : index
    %swap3A_160 = arith.constant 0 : index
    %swap3A_161 = vector.load %arg12[%swap3A_158, %swap3A_159, %swap3A_160] : memref<4x1000x128xf32, #tpu.memory_space<vmem>>, vector<1x1000x128xf32>
    %swap3A_162 = vector.shape_cast %swap3A_161 : vector<1x1000x128xf32> to vector<1000x128xf32>
    %swap3A_163 = vector.shape_cast %add3A_157 : vector<1000x128xf32> to vector<1x1000x128xf32>
    tpu.vector_store %arg12[%swap3A_158, %swap3A_159, %swap3A_160], %swap3A_163 {strides = array<i32>} : memref<4x1000x128xf32, #tpu.memory_space<vmem>>, vector<1x1000x128xf32>,
    %get3A_164 = arith.constant 0 : index
    %get3A_165 = arith.constant 0 : index
    %get3A_166 = vector.load %arg6[%get3A_164, %get3A_165] : memref<32x32xf32, #tpu.memory_space<vmem>>, vector<32x32xf32>
    %dot_general3A_167 = arith.constant dense<0.000000e+00> : vector<1000x32xf32>
    %dot_general3A_168 = tpu.matmul %get3A_136, %get3A_166, %dot_general3A_167 {dimension_numbers = #tpu.dot_dimension_numbers<[1], [0], [0], [1], [0, 0, 1, 1], [], []>, transpose_lhs_hint = false} : vector<1000x32xf32>, vector<32x32xf32>, vector<1000x32xf32> -> vector<1000x32xf32>
    %get3A_169 = arith.constant 0 : index
    %get3A_170 = arith.constant 0 : index
    %get3A_171 = vector.load %arg7[%get3A_169, %get3A_170] : memref<1x32xf32, #tpu.memory_space<vmem>>, vector<1x32xf32>
    %add3A_172 = vector.broadcast %get3A_171 : vector<1x32xf32> to vector<1000x32xf32>
    %add3A_173 = arith.addf %dot_general3A_168, %add3A_172 : vector<1000x32xf32>
    %swap3A_174 = arith.constant 2 : index
    %swap3A_175 = arith.constant 0 : index
    %swap3A_176 = arith.constant 0 : index
    %swap3A_177 = vector.load %arg13[%swap3A_174, %swap3A_175, %swap3A_176] : memref<4x1000x32xf32, #tpu.memory_space<vmem>>, vector<1x1000x32xf32>
    %swap3A_178 = vector.shape_cast %swap3A_177 : vector<1x1000x32xf32> to vector<1000x32xf32>
    %swap3A_179 = vector.shape_cast %add3A_173 : vector<1000x32xf32> to vector<1x1000x32xf32>
    tpu.vector_store %arg13[%swap3A_174, %swap3A_175, %swap3A_176], %swap3A_179 {strides = array<i32>} : memref<4x1000x32xf32, #tpu.memory_space<vmem>>, vector<1x1000x32xf32>,
    %get3A_180 = arith.constant 0 : index
    %get3A_181 = arith.constant 0 : index
    %get3A_182 = vector.load %arg8[%get3A_180, %get3A_181] : memref<32x32xf32, #tpu.memory_space<vmem>>, vector<32x32xf32>
    %dot_general3A_183 = arith.constant dense<0.000000e+00> : vector<1000x32xf32>
    %dot_general3A_184 = tpu.matmul %get3A_136, %get3A_182, %dot_general3A_183 {dimension_numbers = #tpu.dot_dimension_numbers<[1], [0], [0], [1], [0, 0, 1, 1], [], []>, transpose_lhs_hint = false} : vector<1000x32xf32>, vector<32x32xf32>, vector<1000x32xf32> -> vector<1000x32xf32>
    %get3A_185 = arith.constant 0 : index
    %get3A_186 = arith.constant 0 : index
    %get3A_187 = vector.load %arg9[%get3A_185, %get3A_186] : memref<1x32xf32, #tpu.memory_space<vmem>>, vector<1x32xf32>
    %add3A_188 = vector.broadcast %get3A_187 : vector<1x32xf32> to vector<1000x32xf32>
    %add3A_189 = arith.addf %dot_general3A_184, %add3A_188 : vector<1000x32xf32>
    %get3A_190 = arith.constant 0 : index
    %get3A_191 = arith.constant 0 : index
    %get3A_192 = vector.load %arg10[%get3A_190, %get3A_191] : memref<32x32xf32, #tpu.memory_space<vmem>>, vector<32x32xf32>
    %dot_general3A_193 = arith.constant dense<0.000000e+00> : vector<1000x32xf32>
    %dot_general3A_194 = tpu.matmul %get3A_136, %get3A_192, %dot_general3A_193 {dimension_numbers = #tpu.dot_dimension_numbers<[1], [0], [0], [1], [0, 0, 1, 1], [], []>, transpose_lhs_hint = false} : vector<1000x32xf32>, vector<32x32xf32>, vector<1000x32xf32> -> vector<1000x32xf32>
    %get3A_195 = arith.constant 0 : index
    %get3A_196 = arith.constant 0 : index
    %get3A_197 = vector.load %arg11[%get3A_195, %get3A_196] : memref<1x32xf32, #tpu.memory_space<vmem>>, vector<1x32xf32>
    %add3A_198 = vector.broadcast %get3A_197 : vector<1x32xf32> to vector<1000x32xf32>
    %add3A_199 = arith.addf %dot_general3A_194, %add3A_198 : vector<1000x32xf32>
    %get3A_200 = arith.constant 3 : index
    %get3A_201 = arith.constant 0 : index
    %get3A_202 = arith.constant 0 : index
    %get3A_203 = vector.load %arg1[%get3A_200, %get3A_201, %get3A_202] : memref<4x1000x32xf32, #tpu.memory_space<vmem>>, vector<1x1000x32xf32>
    %get3A_204 = vector.shape_cast %get3A_203 : vector<1x1000x32xf32> to vector<1000x32xf32>
    %get3A_205 = arith.constant 3 : index
    %get3A_206 = arith.constant 0 : index
    %get3A_207 = arith.constant 0 : index
    %get3A_208 = vector.load %arg2[%get3A_205, %get3A_206, %get3A_207] : memref<4x1000x128xf32, #tpu.memory_space<vmem>>, vector<1x1000x128xf32>
    %get3A_209 = vector.shape_cast %get3A_208 : vector<1x1000x128xf32> to vector<1000x128xf32>
    %get3A_210 = arith.constant 0 : index
    %get3A_211 = arith.constant 0 : index
    %get3A_212 = vector.load %arg3[%get3A_210, %get3A_211] : memref<32x128xf32, #tpu.memory_space<vmem>>, vector<32x128xf32>
    %dot_general3A_213 = arith.constant dense<0.000000e+00> : vector<1000x128xf32>
    %dot_general3A_214 = tpu.matmul %get3A_204, %get3A_212, %dot_general3A_213 {dimension_numbers = #tpu.dot_dimension_numbers<[1], [0], [0], [1], [0, 0, 1, 1], [], []>, transpose_lhs_hint = false} : vector<1000x32xf32>, vector<32x128xf32>, vector<1000x128xf32> -> vector<1000x128xf32>
    %get3A_215 = arith.constant 0 : index
    %get3A_216 = arith.constant 0 : index
    %get3A_217 = vector.load %arg4[%get3A_215, %get3A_216] : memref<128x128xf32, #tpu.memory_space<vmem>>, vector<128x128xf32>
    %dot_general3A_218 = arith.constant dense<0.000000e+00> : vector<1000x128xf32>
    %dot_general3A_219 = tpu.matmul %get3A_209, %get3A_217, %dot_general3A_218 {dimension_numbers = #tpu.dot_dimension_numbers<[1], [0], [0], [1], [0, 0, 1, 1], [], []>, transpose_lhs_hint = false} : vector<1000x128xf32>, vector<128x128xf32>, vector<1000x128xf32> -> vector<1000x128xf32>
    %add3A_220 = arith.addf %dot_general3A_214, %dot_general3A_219 : vector<1000x128xf32>
    %get3A_221 = arith.constant 0 : index
    %get3A_222 = arith.constant 0 : index
    %get3A_223 = vector.load %arg5[%get3A_221, %get3A_222] : memref<1x128xf32, #tpu.memory_space<vmem>>, vector<1x128xf32>
    %add3A_224 = vector.broadcast %get3A_223 : vector<1x128xf32> to vector<1000x128xf32>
    %add3A_225 = arith.addf %add3A_220, %add3A_224 : vector<1000x128xf32>
    %swap3A_226 = arith.constant 3 : index
    %swap3A_227 = arith.constant 0 : index
    %swap3A_228 = arith.constant 0 : index
    %swap3A_229 = vector.load %arg12[%swap3A_226, %swap3A_227, %swap3A_228] : memref<4x1000x128xf32, #tpu.memory_space<vmem>>, vector<1x1000x128xf32>
    %swap3A_230 = vector.shape_cast %swap3A_229 : vector<1x1000x128xf32> to vector<1000x128xf32>
    %swap3A_231 = vector.shape_cast %add3A_225 : vector<1000x128xf32> to vector<1x1000x128xf32>
    tpu.vector_store %arg12[%swap3A_226, %swap3A_227, %swap3A_228], %swap3A_231 {strides = array<i32>} : memref<4x1000x128xf32, #tpu.memory_space<vmem>>, vector<1x1000x128xf32>,
    %get3A_232 = arith.constant 0 : index
    %get3A_233 = arith.constant 0 : index
    %get3A_234 = vector.load %arg6[%get3A_232, %get3A_233] : memref<32x32xf32, #tpu.memory_space<vmem>>, vector<32x32xf32>
    %dot_general3A_235 = arith.constant dense<0.000000e+00> : vector<1000x32xf32>
    %dot_general3A_236 = tpu.matmul %get3A_204, %get3A_234, %dot_general3A_235 {dimension_numbers = #tpu.dot_dimension_numbers<[1], [0], [0], [1], [0, 0, 1, 1], [], []>, transpose_lhs_hint = false} : vector<1000x32xf32>, vector<32x32xf32>, vector<1000x32xf32> -> vector<1000x32xf32>
    %get3A_237 = arith.constant 0 : index
    %get3A_238 = arith.constant 0 : index
    %get3A_239 = vector.load %arg7[%get3A_237, %get3A_238] : memref<1x32xf32, #tpu.memory_space<vmem>>, vector<1x32xf32>
    %add3A_240 = vector.broadcast %get3A_239 : vector<1x32xf32> to vector<1000x32xf32>
    %add3A_241 = arith.addf %dot_general3A_236, %add3A_240 : vector<1000x32xf32>
    %swap3A_242 = arith.constant 3 : index
    %swap3A_243 = arith.constant 0 : index
    %swap3A_244 = arith.constant 0 : index
    %swap3A_245 = vector.load %arg13[%swap3A_242, %swap3A_243, %swap3A_244] : memref<4x1000x32xf32, #tpu.memory_space<vmem>>, vector<1x1000x32xf32>
    %swap3A_246 = vector.shape_cast %swap3A_245 : vector<1x1000x32xf32> to vector<1000x32xf32>
    %swap3A_247 = vector.shape_cast %add3A_241 : vector<1000x32xf32> to vector<1x1000x32xf32>
    tpu.vector_store %arg13[%swap3A_242, %swap3A_243, %swap3A_244], %swap3A_247 {strides = array<i32>} : memref<4x1000x32xf32, #tpu.memory_space<vmem>>, vector<1x1000x32xf32>,
    %get3A_248 = arith.constant 0 : index
    %get3A_249 = arith.constant 0 : index
    %get3A_250 = vector.load %arg8[%get3A_248, %get3A_249] : memref<32x32xf32, #tpu.memory_space<vmem>>, vector<32x32xf32>
    %dot_general3A_251 = arith.constant dense<0.000000e+00> : vector<1000x32xf32>
    %dot_general3A_252 = tpu.matmul %get3A_204, %get3A_250, %dot_general3A_251 {dimension_numbers = #tpu.dot_dimension_numbers<[1], [0], [0], [1], [0, 0, 1, 1], [], []>, transpose_lhs_hint = false} : vector<1000x32xf32>, vector<32x32xf32>, vector<1000x32xf32> -> vector<1000x32xf32>
    %get3A_253 = arith.constant 0 : index
    %get3A_254 = arith.constant 0 : index
    %get3A_255 = vector.load %arg9[%get3A_253, %get3A_254] : memref<1x32xf32, #tpu.memory_space<vmem>>, vector<1x32xf32>
    %add3A_256 = vector.broadcast %get3A_255 : vector<1x32xf32> to vector<1000x32xf32>
    %add3A_257 = arith.addf %dot_general3A_252, %add3A_256 : vector<1000x32xf32>
    %get3A_258 = arith.constant 0 : index
    %get3A_259 = arith.constant 0 : index
    %get3A_260 = vector.load %arg10[%get3A_258, %get3A_259] : memref<32x32xf32, #tpu.memory_space<vmem>>, vector<32x32xf32>
    %dot_general3A_261 = arith.constant dense<0.000000e+00> : vector<1000x32xf32>
    %dot_general3A_262 = tpu.matmul %get3A_204, %get3A_260, %dot_general3A_261 {dimension_numbers = #tpu.dot_dimension_numbers<[1], [0], [0], [1], [0, 0, 1, 1], [], []>, transpose_lhs_hint = false} : vector<1000x32xf32>, vector<32x32xf32>, vector<1000x32xf32> -> vector<1000x32xf32>
    %get3A_263 = arith.constant 0 : index
    %get3A_264 = arith.constant 0 : index
    %get3A_265 = vector.load %arg11[%get3A_263, %get3A_264] : memref<1x32xf32, #tpu.memory_space<vmem>>, vector<1x32xf32>
    %add3A_266 = vector.broadcast %get3A_265 : vector<1x32xf32> to vector<1000x32xf32>
    %add3A_267 = arith.addf %dot_general3A_262, %add3A_266 : vector<1000x32xf32>
    %concatenate3A = tpu.concatenate %add3A_53, %add3A_121, %add3A_189, %add3A_257 in 1 : vector<1000x32xf32>, vector<1000x32xf32>, vector<1000x32xf32>, vector<1000x32xf32> -> vector<1000x128xf32>
    %swap3A_268 = arith.constant 0 : index
    %swap3A_269 = arith.constant 0 : index
    %swap3A_270 = vector.load %arg14[%swap3A_268, %swap3A_269] : memref<1000x128xf32, #tpu.memory_space<vmem>>, vector<1000x128xf32>
    tpu.vector_store %arg14[%swap3A_268, %swap3A_269], %concatenate3A {strides = array<i32>} : memref<1000x128xf32, #tpu.memory_space<vmem>>, vector<1000x128xf32>,
    %concatenate3A_271 = tpu.concatenate %add3A_63, %add3A_131, %add3A_199, %add3A_267 in 1 : vector<1000x32xf32>, vector<1000x32xf32>, vector<1000x32xf32>, vector<1000x32xf32> -> vector<1000x128xf32>
    %swap3A_272 = arith.constant 0 : index
    %swap3A_273 = arith.constant 0 : index
    %swap3A_274 = vector.load %arg15[%swap3A_272, %swap3A_273] : memref<1000x128xf32, #tpu.memory_space<vmem>>, vector<1000x128xf32>
    tpu.vector_store %arg15[%swap3A_272, %swap3A_273], %concatenate3A_271 {strides = array<i32>} : memref<1000x128xf32, #tpu.memory_space<vmem>>, vector<1000x128xf32>,
    return
  }
  func.func @transform_0(%arg0: i32) -> (i32, i32, i32) {
    %c0_i32 = arith.constant 0 : i32
    %c0_i32_0 = arith.constant 0 : i32
    %c0_i32_1 = arith.constant 0 : i32
    return %c0_i32, %arg0, %c0_i32_0 : i32, i32, i32
  }
  func.func @transform_1(%arg0: i32) -> (i32, i32, i32) {
    %c0_i32 = arith.constant 0 : i32
    %c0_i32_0 = arith.constant 0 : i32
    %c0_i32_1 = arith.constant 0 : i32
    return %c0_i32, %arg0, %c0_i32_0 : i32, i32, i32
  }
  func.func @transform_2(%arg0: i32) -> (i32, i32) {
    %c0_i32 = arith.constant 0 : i32
    %c0_i32_0 = arith.constant 0 : i32
    %c0_i32_1 = arith.constant 0 : i32
    return %c0_i32, %c0_i32_0 : i32, i32
  }
  func.func @transform_3(%arg0: i32) -> (i32, i32) {
    %c0_i32 = arith.constant 0 : i32
    %c0_i32_0 = arith.constant 0 : i32
    %c0_i32_1 = arith.constant 0 : i32
    return %c0_i32, %c0_i32_0 : i32, i32
  }
  func.func @transform_4(%arg0: i32) -> (i32, i32) {
    %c0_i32 = arith.constant 0 : i32
    %c0_i32_0 = arith.constant 0 : i32
    %c0_i32_1 = arith.constant 0 : i32
    return %c0_i32, %c0_i32_0 : i32, i32
  }
  func.func @transform_5(%arg0: i32) -> (i32, i32) {
    %c0_i32 = arith.constant 0 : i32
    %c0_i32_0 = arith.constant 0 : i32
    %c0_i32_1 = arith.constant 0 : i32
    return %c0_i32, %c0_i32_0 : i32, i32
  }
  func.func @transform_6(%arg0: i32) -> (i32, i32) {
    %c0_i32 = arith.constant 0 : i32
    %c0_i32_0 = arith.constant 0 : i32
    %c0_i32_1 = arith.constant 0 : i32
    return %c0_i32, %c0_i32_0 : i32, i32
  }
  func.func @transform_7(%arg0: i32) -> (i32, i32) {
    %c0_i32 = arith.constant 0 : i32
    %c0_i32_0 = arith.constant 0 : i32
    %c0_i32_1 = arith.constant 0 : i32
    return %c0_i32, %c0_i32_0 : i32, i32
  }
  func.func @transform_8(%arg0: i32) -> (i32, i32) {
    %c0_i32 = arith.constant 0 : i32
    %c0_i32_0 = arith.constant 0 : i32
    %c0_i32_1 = arith.constant 0 : i32
    return %c0_i32, %c0_i32_0 : i32, i32
  }
  func.func @transform_9(%arg0: i32) -> (i32, i32) {
    %c0_i32 = arith.constant 0 : i32
    %c0_i32_0 = arith.constant 0 : i32
    %c0_i32_1 = arith.constant 0 : i32
    return %c0_i32, %c0_i32_0 : i32, i32
  }
  func.func @transform_10(%arg0: i32) -> (i32, i32) {
    %c0_i32 = arith.constant 0 : i32
    %c0_i32_0 = arith.constant 0 : i32
    %c0_i32_1 = arith.constant 0 : i32
    return %c0_i32, %c0_i32_0 : i32, i32
  }
  func.func @transform_11(%arg0: i32) -> (i32, i32, i32) {
    %c0_i32 = arith.constant 0 : i32
    %c0_i32_0 = arith.constant 0 : i32
    %c0_i32_1 = arith.constant 0 : i32
    return %c0_i32, %arg0, %c0_i32_0 : i32, i32, i32
  }
  func.func @transform_12(%arg0: i32) -> (i32, i32, i32) {
    %c0_i32 = arith.constant 0 : i32
    %c0_i32_0 = arith.constant 0 : i32
    %c0_i32_1 = arith.constant 0 : i32
    return %c0_i32, %arg0, %c0_i32_0 : i32, i32, i32
  }
  func.func @transform_13(%arg0: i32) -> (i32, i32) {
    %c0_i32 = arith.constant 0 : i32
    %c0_i32_0 = arith.constant 0 : i32
    return %arg0, %c0_i32 : i32, i32
  }
  func.func @transform_14(%arg0: i32) -> (i32, i32) {
    %c0_i32 = arith.constant 0 : i32
    %c0_i32_0 = arith.constant 0 : i32
    return %arg0, %c0_i32 : i32, i32
  }
}

module attributes {stable_mosaic.version = 14 : i64} {
  func.func @_k3_body(%arg0: i32, %arg1: memref<4x1000x128xf32, #tpu.memory_space<vmem>>, %arg2: memref<4x64x32xf32, #tpu.memory_space<vmem>>, %arg3: memref<128x64xf32, #tpu.memory_space<vmem>>, %arg4: memref<1x64xf32, #tpu.memory_space<vmem>>, %arg5: memref<128x128xf32, #tpu.memory_space<vmem>>, %arg6: memref<32x128xf32, #tpu.memory_space<vmem>>, %arg7: memref<1x128xf32, #tpu.memory_space<vmem>>, %arg8: memref<4x1000x128xf32, #tpu.memory_space<vmem>>) attributes {dimension_semantics = [#tpu.dimension_semantics<arbitrary>], iteration_bounds = array<i64: 10>, scalar_prefetch = 0 : i64, scratch_operands = 0 : i64, tpu.core_type = #tpu.core_type<tc>, window_params = [{transform_indices = @transform_0, window_bounds = array<i64: 4, 1000, 128>}, {pipeline_mode = #tpu.pipeline_mode<synchronous>, transform_indices = @transform_1, window_bounds = array<i64: 4, 64, 32>}, {pipeline_mode = #tpu.pipeline_mode<synchronous>, transform_indices = @transform_2, window_bounds = array<i64: 128, 64>}, {pipeline_mode = #tpu.pipeline_mode<synchronous>, transform_indices = @transform_3, window_bounds = array<i64: 1, 64>}, {pipeline_mode = #tpu.pipeline_mode<synchronous>, transform_indices = @transform_4, window_bounds = array<i64: 128, 128>}, {pipeline_mode = #tpu.pipeline_mode<synchronous>, transform_indices = @transform_5, window_bounds = array<i64: 32, 128>}, {pipeline_mode = #tpu.pipeline_mode<synchronous>, transform_indices = @transform_6, window_bounds = array<i64: 1, 128>}, {transform_indices = @transform_7, window_bounds = array<i64: 4, 1000, 128>}]} {
    %get3A = arith.constant 0 : index
    %get3A_0 = arith.constant 0 : index
    %get3A_1 = arith.constant 0 : index
    %get3A_2 = vector.load %arg1[%get3A, %get3A_0, %get3A_1] : memref<4x1000x128xf32, #tpu.memory_space<vmem>>, vector<1x1000x128xf32>
    %get3A_3 = vector.shape_cast %get3A_2 : vector<1x1000x128xf32> to vector<1000x128xf32>
    %get3A_4 = arith.constant 0 : index
    %get3A_5 = arith.constant 0 : index
    %get3A_6 = vector.load %arg3[%get3A_4, %get3A_5] : memref<128x64xf32, #tpu.memory_space<vmem>>, vector<128x64xf32>
    %dot_general3A = arith.constant dense<0.000000e+00> : vector<1000x64xf32>
    %dot_general3A_7 = tpu.matmul %get3A_3, %get3A_6, %dot_general3A {dimension_numbers = #tpu.dot_dimension_numbers<[1], [0], [0], [1], [0, 0, 1, 1], [], []>, transpose_lhs_hint = false} : vector<1000x128xf32>, vector<128x64xf32>, vector<1000x64xf32> -> vector<1000x64xf32>
    %get3A_8 = arith.constant 0 : index
    %get3A_9 = arith.constant 0 : index
    %get3A_10 = vector.load %arg4[%get3A_8, %get3A_9] : memref<1x64xf32, #tpu.memory_space<vmem>>, vector<1x64xf32>
    %add3A = vector.broadcast %get3A_10 : vector<1x64xf32> to vector<1000x64xf32>
    %add3A_11 = arith.addf %dot_general3A_7, %add3A : vector<1000x64xf32>
    %gt3A = arith.constant 0.000000e+00 : f32
    %gt3A_12 = vector.broadcast %gt3A : f32 to vector<1000x64xf32>
    %gt3A_13 = arith.cmpf ogt, %add3A_11, %gt3A_12 : vector<1000x64xf32>
    %add3A_14 = arith.constant 1.000000e+00 : f32
    %add3A_15 = vector.broadcast %add3A_14 : f32 to vector<1000x64xf32>
    %add3A_16 = arith.addf %add3A_11, %add3A_15 : vector<1000x64xf32>
    %min3A = arith.constant 0.000000e+00 : f32
    %min3A_17 = vector.broadcast %min3A : f32 to vector<1000x64xf32>
    %min3A_18 = arith.minimumf %add3A_11, %min3A_17 : vector<1000x64xf32>
    %exp3A = math.exp %min3A_18 : vector<1000x64xf32>
    %select_n3A = arith.select %gt3A_13, %add3A_16, %exp3A : vector<1000x64xi1>, vector<1000x64xf32>
    %get3A_19 = arith.constant 0 : index
    %get3A_20 = arith.constant 0 : index
    %get3A_21 = arith.constant 0 : index
    %get3A_22 = vector.load %arg2[%get3A_19, %get3A_20, %get3A_21] : memref<4x64x32xf32, #tpu.memory_space<vmem>>, vector<1x64x32xf32>
    %get3A_23 = vector.shape_cast %get3A_22 : vector<1x64x32xf32> to vector<64x32xf32>
    %dot_general3A_24 = arith.constant dense<0.000000e+00> : vector<1000x32xf32>
    %dot_general3A_25 = tpu.matmul %select_n3A, %get3A_23, %dot_general3A_24 {dimension_numbers = #tpu.dot_dimension_numbers<[1], [0], [0], [1], [0, 0, 1, 1], [], []>, transpose_lhs_hint = false} : vector<1000x64xf32>, vector<64x32xf32>, vector<1000x32xf32> -> vector<1000x32xf32>
    %get3A_26 = arith.constant 0 : index
    %get3A_27 = arith.constant 0 : index
    %get3A_28 = vector.load %arg5[%get3A_26, %get3A_27] : memref<128x128xf32, #tpu.memory_space<vmem>>, vector<128x128xf32>
    %dot_general3A_29 = arith.constant dense<0.000000e+00> : vector<1000x128xf32>
    %dot_general3A_30 = tpu.matmul %get3A_3, %get3A_28, %dot_general3A_29 {dimension_numbers = #tpu.dot_dimension_numbers<[1], [0], [0], [1], [0, 0, 1, 1], [], []>, transpose_lhs_hint = false} : vector<1000x128xf32>, vector<128x128xf32>, vector<1000x128xf32> -> vector<1000x128xf32>
    %get3A_31 = arith.constant 0 : index
    %get3A_32 = arith.constant 0 : index
    %get3A_33 = vector.load %arg6[%get3A_31, %get3A_32] : memref<32x128xf32, #tpu.memory_space<vmem>>, vector<32x128xf32>
    %dot_general3A_34 = arith.constant dense<0.000000e+00> : vector<1000x128xf32>
    %dot_general3A_35 = tpu.matmul %dot_general3A_25, %get3A_33, %dot_general3A_34 {dimension_numbers = #tpu.dot_dimension_numbers<[1], [0], [0], [1], [0, 0, 1, 1], [], []>, transpose_lhs_hint = false} : vector<1000x32xf32>, vector<32x128xf32>, vector<1000x128xf32> -> vector<1000x128xf32>
    %add3A_36 = arith.addf %dot_general3A_30, %dot_general3A_35 : vector<1000x128xf32>
    %get3A_37 = arith.constant 0 : index
    %get3A_38 = arith.constant 0 : index
    %get3A_39 = vector.load %arg7[%get3A_37, %get3A_38] : memref<1x128xf32, #tpu.memory_space<vmem>>, vector<1x128xf32>
    %add3A_40 = vector.broadcast %get3A_39 : vector<1x128xf32> to vector<1000x128xf32>
    %add3A_41 = arith.addf %add3A_36, %add3A_40 : vector<1000x128xf32>
    %logistic3A = arith.negf %add3A_41 : vector<1000x128xf32>
    %logistic3A_42 = math.exp %logistic3A : vector<1000x128xf32>
    %logistic3A_43 = arith.constant 1.000000e+00 : f32
    %logistic3A_44 = vector.broadcast %logistic3A_43 : f32 to vector<1000x128xf32>
    %logistic3A_45 = arith.addf %logistic3A_44, %logistic3A_42 : vector<1000x128xf32>
    %logistic3A_46 = arith.divf %logistic3A_44, %logistic3A_45 : vector<1000x128xf32>
    %mul3A = arith.mulf %add3A_41, %logistic3A_46 : vector<1000x128xf32>
    %swap3A = arith.constant 0 : index
    %swap3A_47 = arith.constant 0 : index
    %swap3A_48 = arith.constant 0 : index
    %swap3A_49 = vector.load %arg8[%swap3A, %swap3A_47, %swap3A_48] : memref<4x1000x128xf32, #tpu.memory_space<vmem>>, vector<1x1000x128xf32>
    %swap3A_50 = vector.shape_cast %swap3A_49 : vector<1x1000x128xf32> to vector<1000x128xf32>
    %swap3A_51 = vector.shape_cast %mul3A : vector<1000x128xf32> to vector<1x1000x128xf32>
    tpu.vector_store %arg8[%swap3A, %swap3A_47, %swap3A_48], %swap3A_51 {strides = array<i32>} : memref<4x1000x128xf32, #tpu.memory_space<vmem>>, vector<1x1000x128xf32>,
    %get3A_52 = arith.constant 1 : index
    %get3A_53 = arith.constant 0 : index
    %get3A_54 = arith.constant 0 : index
    %get3A_55 = vector.load %arg1[%get3A_52, %get3A_53, %get3A_54] : memref<4x1000x128xf32, #tpu.memory_space<vmem>>, vector<1x1000x128xf32>
    %get3A_56 = vector.shape_cast %get3A_55 : vector<1x1000x128xf32> to vector<1000x128xf32>
    %get3A_57 = arith.constant 0 : index
    %get3A_58 = arith.constant 0 : index
    %get3A_59 = vector.load %arg3[%get3A_57, %get3A_58] : memref<128x64xf32, #tpu.memory_space<vmem>>, vector<128x64xf32>
    %dot_general3A_60 = arith.constant dense<0.000000e+00> : vector<1000x64xf32>
    %dot_general3A_61 = tpu.matmul %get3A_56, %get3A_59, %dot_general3A_60 {dimension_numbers = #tpu.dot_dimension_numbers<[1], [0], [0], [1], [0, 0, 1, 1], [], []>, transpose_lhs_hint = false} : vector<1000x128xf32>, vector<128x64xf32>, vector<1000x64xf32> -> vector<1000x64xf32>
    %get3A_62 = arith.constant 0 : index
    %get3A_63 = arith.constant 0 : index
    %get3A_64 = vector.load %arg4[%get3A_62, %get3A_63] : memref<1x64xf32, #tpu.memory_space<vmem>>, vector<1x64xf32>
    %add3A_65 = vector.broadcast %get3A_64 : vector<1x64xf32> to vector<1000x64xf32>
    %add3A_66 = arith.addf %dot_general3A_61, %add3A_65 : vector<1000x64xf32>
    %gt3A_67 = arith.constant 0.000000e+00 : f32
    %gt3A_68 = vector.broadcast %gt3A_67 : f32 to vector<1000x64xf32>
    %gt3A_69 = arith.cmpf ogt, %add3A_66, %gt3A_68 : vector<1000x64xf32>
    %add3A_70 = arith.constant 1.000000e+00 : f32
    %add3A_71 = vector.broadcast %add3A_70 : f32 to vector<1000x64xf32>
    %add3A_72 = arith.addf %add3A_66, %add3A_71 : vector<1000x64xf32>
    %min3A_73 = arith.constant 0.000000e+00 : f32
    %min3A_74 = vector.broadcast %min3A_73 : f32 to vector<1000x64xf32>
    %min3A_75 = arith.minimumf %add3A_66, %min3A_74 : vector<1000x64xf32>
    %exp3A_76 = math.exp %min3A_75 : vector<1000x64xf32>
    %select_n3A_77 = arith.select %gt3A_69, %add3A_72, %exp3A_76 : vector<1000x64xi1>, vector<1000x64xf32>
    %get3A_78 = arith.constant 1 : index
    %get3A_79 = arith.constant 0 : index
    %get3A_80 = arith.constant 0 : index
    %get3A_81 = vector.load %arg2[%get3A_78, %get3A_79, %get3A_80] : memref<4x64x32xf32, #tpu.memory_space<vmem>>, vector<1x64x32xf32>
    %get3A_82 = vector.shape_cast %get3A_81 : vector<1x64x32xf32> to vector<64x32xf32>
    %dot_general3A_83 = arith.constant dense<0.000000e+00> : vector<1000x32xf32>
    %dot_general3A_84 = tpu.matmul %select_n3A_77, %get3A_82, %dot_general3A_83 {dimension_numbers = #tpu.dot_dimension_numbers<[1], [0], [0], [1], [0, 0, 1, 1], [], []>, transpose_lhs_hint = false} : vector<1000x64xf32>, vector<64x32xf32>, vector<1000x32xf32> -> vector<1000x32xf32>
    %get3A_85 = arith.constant 0 : index
    %get3A_86 = arith.constant 0 : index
    %get3A_87 = vector.load %arg5[%get3A_85, %get3A_86] : memref<128x128xf32, #tpu.memory_space<vmem>>, vector<128x128xf32>
    %dot_general3A_88 = arith.constant dense<0.000000e+00> : vector<1000x128xf32>
    %dot_general3A_89 = tpu.matmul %get3A_56, %get3A_87, %dot_general3A_88 {dimension_numbers = #tpu.dot_dimension_numbers<[1], [0], [0], [1], [0, 0, 1, 1], [], []>, transpose_lhs_hint = false} : vector<1000x128xf32>, vector<128x128xf32>, vector<1000x128xf32> -> vector<1000x128xf32>
    %get3A_90 = arith.constant 0 : index
    %get3A_91 = arith.constant 0 : index
    %get3A_92 = vector.load %arg6[%get3A_90, %get3A_91] : memref<32x128xf32, #tpu.memory_space<vmem>>, vector<32x128xf32>
    %dot_general3A_93 = arith.constant dense<0.000000e+00> : vector<1000x128xf32>
    %dot_general3A_94 = tpu.matmul %dot_general3A_84, %get3A_92, %dot_general3A_93 {dimension_numbers = #tpu.dot_dimension_numbers<[1], [0], [0], [1], [0, 0, 1, 1], [], []>, transpose_lhs_hint = false} : vector<1000x32xf32>, vector<32x128xf32>, vector<1000x128xf32> -> vector<1000x128xf32>
    %add3A_95 = arith.addf %dot_general3A_89, %dot_general3A_94 : vector<1000x128xf32>
    %get3A_96 = arith.constant 0 : index
    %get3A_97 = arith.constant 0 : index
    %get3A_98 = vector.load %arg7[%get3A_96, %get3A_97] : memref<1x128xf32, #tpu.memory_space<vmem>>, vector<1x128xf32>
    %add3A_99 = vector.broadcast %get3A_98 : vector<1x128xf32> to vector<1000x128xf32>
    %add3A_100 = arith.addf %add3A_95, %add3A_99 : vector<1000x128xf32>
    %logistic3A_101 = arith.negf %add3A_100 : vector<1000x128xf32>
    %logistic3A_102 = math.exp %logistic3A_101 : vector<1000x128xf32>
    %logistic3A_103 = arith.constant 1.000000e+00 : f32
    %logistic3A_104 = vector.broadcast %logistic3A_103 : f32 to vector<1000x128xf32>
    %logistic3A_105 = arith.addf %logistic3A_104, %logistic3A_102 : vector<1000x128xf32>
    %logistic3A_106 = arith.divf %logistic3A_104, %logistic3A_105 : vector<1000x128xf32>
    %mul3A_107 = arith.mulf %add3A_100, %logistic3A_106 : vector<1000x128xf32>
    %swap3A_108 = arith.constant 1 : index
    %swap3A_109 = arith.constant 0 : index
    %swap3A_110 = arith.constant 0 : index
    %swap3A_111 = vector.load %arg8[%swap3A_108, %swap3A_109, %swap3A_110] : memref<4x1000x128xf32, #tpu.memory_space<vmem>>, vector<1x1000x128xf32>
    %swap3A_112 = vector.shape_cast %swap3A_111 : vector<1x1000x128xf32> to vector<1000x128xf32>
    %swap3A_113 = vector.shape_cast %mul3A_107 : vector<1000x128xf32> to vector<1x1000x128xf32>
    tpu.vector_store %arg8[%swap3A_108, %swap3A_109, %swap3A_110], %swap3A_113 {strides = array<i32>} : memref<4x1000x128xf32, #tpu.memory_space<vmem>>, vector<1x1000x128xf32>,
    %get3A_114 = arith.constant 2 : index
    %get3A_115 = arith.constant 0 : index
    %get3A_116 = arith.constant 0 : index
    %get3A_117 = vector.load %arg1[%get3A_114, %get3A_115, %get3A_116] : memref<4x1000x128xf32, #tpu.memory_space<vmem>>, vector<1x1000x128xf32>
    %get3A_118 = vector.shape_cast %get3A_117 : vector<1x1000x128xf32> to vector<1000x128xf32>
    %get3A_119 = arith.constant 0 : index
    %get3A_120 = arith.constant 0 : index
    %get3A_121 = vector.load %arg3[%get3A_119, %get3A_120] : memref<128x64xf32, #tpu.memory_space<vmem>>, vector<128x64xf32>
    %dot_general3A_122 = arith.constant dense<0.000000e+00> : vector<1000x64xf32>
    %dot_general3A_123 = tpu.matmul %get3A_118, %get3A_121, %dot_general3A_122 {dimension_numbers = #tpu.dot_dimension_numbers<[1], [0], [0], [1], [0, 0, 1, 1], [], []>, transpose_lhs_hint = false} : vector<1000x128xf32>, vector<128x64xf32>, vector<1000x64xf32> -> vector<1000x64xf32>
    %get3A_124 = arith.constant 0 : index
    %get3A_125 = arith.constant 0 : index
    %get3A_126 = vector.load %arg4[%get3A_124, %get3A_125] : memref<1x64xf32, #tpu.memory_space<vmem>>, vector<1x64xf32>
    %add3A_127 = vector.broadcast %get3A_126 : vector<1x64xf32> to vector<1000x64xf32>
    %add3A_128 = arith.addf %dot_general3A_123, %add3A_127 : vector<1000x64xf32>
    %gt3A_129 = arith.constant 0.000000e+00 : f32
    %gt3A_130 = vector.broadcast %gt3A_129 : f32 to vector<1000x64xf32>
    %gt3A_131 = arith.cmpf ogt, %add3A_128, %gt3A_130 : vector<1000x64xf32>
    %add3A_132 = arith.constant 1.000000e+00 : f32
    %add3A_133 = vector.broadcast %add3A_132 : f32 to vector<1000x64xf32>
    %add3A_134 = arith.addf %add3A_128, %add3A_133 : vector<1000x64xf32>
    %min3A_135 = arith.constant 0.000000e+00 : f32
    %min3A_136 = vector.broadcast %min3A_135 : f32 to vector<1000x64xf32>
    %min3A_137 = arith.minimumf %add3A_128, %min3A_136 : vector<1000x64xf32>
    %exp3A_138 = math.exp %min3A_137 : vector<1000x64xf32>
    %select_n3A_139 = arith.select %gt3A_131, %add3A_134, %exp3A_138 : vector<1000x64xi1>, vector<1000x64xf32>
    %get3A_140 = arith.constant 2 : index
    %get3A_141 = arith.constant 0 : index
    %get3A_142 = arith.constant 0 : index
    %get3A_143 = vector.load %arg2[%get3A_140, %get3A_141, %get3A_142] : memref<4x64x32xf32, #tpu.memory_space<vmem>>, vector<1x64x32xf32>
    %get3A_144 = vector.shape_cast %get3A_143 : vector<1x64x32xf32> to vector<64x32xf32>
    %dot_general3A_145 = arith.constant dense<0.000000e+00> : vector<1000x32xf32>
    %dot_general3A_146 = tpu.matmul %select_n3A_139, %get3A_144, %dot_general3A_145 {dimension_numbers = #tpu.dot_dimension_numbers<[1], [0], [0], [1], [0, 0, 1, 1], [], []>, transpose_lhs_hint = false} : vector<1000x64xf32>, vector<64x32xf32>, vector<1000x32xf32> -> vector<1000x32xf32>
    %get3A_147 = arith.constant 0 : index
    %get3A_148 = arith.constant 0 : index
    %get3A_149 = vector.load %arg5[%get3A_147, %get3A_148] : memref<128x128xf32, #tpu.memory_space<vmem>>, vector<128x128xf32>
    %dot_general3A_150 = arith.constant dense<0.000000e+00> : vector<1000x128xf32>
    %dot_general3A_151 = tpu.matmul %get3A_118, %get3A_149, %dot_general3A_150 {dimension_numbers = #tpu.dot_dimension_numbers<[1], [0], [0], [1], [0, 0, 1, 1], [], []>, transpose_lhs_hint = false} : vector<1000x128xf32>, vector<128x128xf32>, vector<1000x128xf32> -> vector<1000x128xf32>
    %get3A_152 = arith.constant 0 : index
    %get3A_153 = arith.constant 0 : index
    %get3A_154 = vector.load %arg6[%get3A_152, %get3A_153] : memref<32x128xf32, #tpu.memory_space<vmem>>, vector<32x128xf32>
    %dot_general3A_155 = arith.constant dense<0.000000e+00> : vector<1000x128xf32>
    %dot_general3A_156 = tpu.matmul %dot_general3A_146, %get3A_154, %dot_general3A_155 {dimension_numbers = #tpu.dot_dimension_numbers<[1], [0], [0], [1], [0, 0, 1, 1], [], []>, transpose_lhs_hint = false} : vector<1000x32xf32>, vector<32x128xf32>, vector<1000x128xf32> -> vector<1000x128xf32>
    %add3A_157 = arith.addf %dot_general3A_151, %dot_general3A_156 : vector<1000x128xf32>
    %get3A_158 = arith.constant 0 : index
    %get3A_159 = arith.constant 0 : index
    %get3A_160 = vector.load %arg7[%get3A_158, %get3A_159] : memref<1x128xf32, #tpu.memory_space<vmem>>, vector<1x128xf32>
    %add3A_161 = vector.broadcast %get3A_160 : vector<1x128xf32> to vector<1000x128xf32>
    %add3A_162 = arith.addf %add3A_157, %add3A_161 : vector<1000x128xf32>
    %logistic3A_163 = arith.negf %add3A_162 : vector<1000x128xf32>
    %logistic3A_164 = math.exp %logistic3A_163 : vector<1000x128xf32>
    %logistic3A_165 = arith.constant 1.000000e+00 : f32
    %logistic3A_166 = vector.broadcast %logistic3A_165 : f32 to vector<1000x128xf32>
    %logistic3A_167 = arith.addf %logistic3A_166, %logistic3A_164 : vector<1000x128xf32>
    %logistic3A_168 = arith.divf %logistic3A_166, %logistic3A_167 : vector<1000x128xf32>
    %mul3A_169 = arith.mulf %add3A_162, %logistic3A_168 : vector<1000x128xf32>
    %swap3A_170 = arith.constant 2 : index
    %swap3A_171 = arith.constant 0 : index
    %swap3A_172 = arith.constant 0 : index
    %swap3A_173 = vector.load %arg8[%swap3A_170, %swap3A_171, %swap3A_172] : memref<4x1000x128xf32, #tpu.memory_space<vmem>>, vector<1x1000x128xf32>
    %swap3A_174 = vector.shape_cast %swap3A_173 : vector<1x1000x128xf32> to vector<1000x128xf32>
    %swap3A_175 = vector.shape_cast %mul3A_169 : vector<1000x128xf32> to vector<1x1000x128xf32>
    tpu.vector_store %arg8[%swap3A_170, %swap3A_171, %swap3A_172], %swap3A_175 {strides = array<i32>} : memref<4x1000x128xf32, #tpu.memory_space<vmem>>, vector<1x1000x128xf32>,
    %get3A_176 = arith.constant 3 : index
    %get3A_177 = arith.constant 0 : index
    %get3A_178 = arith.constant 0 : index
    %get3A_179 = vector.load %arg1[%get3A_176, %get3A_177, %get3A_178] : memref<4x1000x128xf32, #tpu.memory_space<vmem>>, vector<1x1000x128xf32>
    %get3A_180 = vector.shape_cast %get3A_179 : vector<1x1000x128xf32> to vector<1000x128xf32>
    %get3A_181 = arith.constant 0 : index
    %get3A_182 = arith.constant 0 : index
    %get3A_183 = vector.load %arg3[%get3A_181, %get3A_182] : memref<128x64xf32, #tpu.memory_space<vmem>>, vector<128x64xf32>
    %dot_general3A_184 = arith.constant dense<0.000000e+00> : vector<1000x64xf32>
    %dot_general3A_185 = tpu.matmul %get3A_180, %get3A_183, %dot_general3A_184 {dimension_numbers = #tpu.dot_dimension_numbers<[1], [0], [0], [1], [0, 0, 1, 1], [], []>, transpose_lhs_hint = false} : vector<1000x128xf32>, vector<128x64xf32>, vector<1000x64xf32> -> vector<1000x64xf32>
    %get3A_186 = arith.constant 0 : index
    %get3A_187 = arith.constant 0 : index
    %get3A_188 = vector.load %arg4[%get3A_186, %get3A_187] : memref<1x64xf32, #tpu.memory_space<vmem>>, vector<1x64xf32>
    %add3A_189 = vector.broadcast %get3A_188 : vector<1x64xf32> to vector<1000x64xf32>
    %add3A_190 = arith.addf %dot_general3A_185, %add3A_189 : vector<1000x64xf32>
    %gt3A_191 = arith.constant 0.000000e+00 : f32
    %gt3A_192 = vector.broadcast %gt3A_191 : f32 to vector<1000x64xf32>
    %gt3A_193 = arith.cmpf ogt, %add3A_190, %gt3A_192 : vector<1000x64xf32>
    %add3A_194 = arith.constant 1.000000e+00 : f32
    %add3A_195 = vector.broadcast %add3A_194 : f32 to vector<1000x64xf32>
    %add3A_196 = arith.addf %add3A_190, %add3A_195 : vector<1000x64xf32>
    %min3A_197 = arith.constant 0.000000e+00 : f32
    %min3A_198 = vector.broadcast %min3A_197 : f32 to vector<1000x64xf32>
    %min3A_199 = arith.minimumf %add3A_190, %min3A_198 : vector<1000x64xf32>
    %exp3A_200 = math.exp %min3A_199 : vector<1000x64xf32>
    %select_n3A_201 = arith.select %gt3A_193, %add3A_196, %exp3A_200 : vector<1000x64xi1>, vector<1000x64xf32>
    %get3A_202 = arith.constant 3 : index
    %get3A_203 = arith.constant 0 : index
    %get3A_204 = arith.constant 0 : index
    %get3A_205 = vector.load %arg2[%get3A_202, %get3A_203, %get3A_204] : memref<4x64x32xf32, #tpu.memory_space<vmem>>, vector<1x64x32xf32>
    %get3A_206 = vector.shape_cast %get3A_205 : vector<1x64x32xf32> to vector<64x32xf32>
    %dot_general3A_207 = arith.constant dense<0.000000e+00> : vector<1000x32xf32>
    %dot_general3A_208 = tpu.matmul %select_n3A_201, %get3A_206, %dot_general3A_207 {dimension_numbers = #tpu.dot_dimension_numbers<[1], [0], [0], [1], [0, 0, 1, 1], [], []>, transpose_lhs_hint = false} : vector<1000x64xf32>, vector<64x32xf32>, vector<1000x32xf32> -> vector<1000x32xf32>
    %get3A_209 = arith.constant 0 : index
    %get3A_210 = arith.constant 0 : index
    %get3A_211 = vector.load %arg5[%get3A_209, %get3A_210] : memref<128x128xf32, #tpu.memory_space<vmem>>, vector<128x128xf32>
    %dot_general3A_212 = arith.constant dense<0.000000e+00> : vector<1000x128xf32>
    %dot_general3A_213 = tpu.matmul %get3A_180, %get3A_211, %dot_general3A_212 {dimension_numbers = #tpu.dot_dimension_numbers<[1], [0], [0], [1], [0, 0, 1, 1], [], []>, transpose_lhs_hint = false} : vector<1000x128xf32>, vector<128x128xf32>, vector<1000x128xf32> -> vector<1000x128xf32>
    %get3A_214 = arith.constant 0 : index
    %get3A_215 = arith.constant 0 : index
    %get3A_216 = vector.load %arg6[%get3A_214, %get3A_215] : memref<32x128xf32, #tpu.memory_space<vmem>>, vector<32x128xf32>
    %dot_general3A_217 = arith.constant dense<0.000000e+00> : vector<1000x128xf32>
    %dot_general3A_218 = tpu.matmul %dot_general3A_208, %get3A_216, %dot_general3A_217 {dimension_numbers = #tpu.dot_dimension_numbers<[1], [0], [0], [1], [0, 0, 1, 1], [], []>, transpose_lhs_hint = false} : vector<1000x32xf32>, vector<32x128xf32>, vector<1000x128xf32> -> vector<1000x128xf32>
    %add3A_219 = arith.addf %dot_general3A_213, %dot_general3A_218 : vector<1000x128xf32>
    %get3A_220 = arith.constant 0 : index
    %get3A_221 = arith.constant 0 : index
    %get3A_222 = vector.load %arg7[%get3A_220, %get3A_221] : memref<1x128xf32, #tpu.memory_space<vmem>>, vector<1x128xf32>
    %add3A_223 = vector.broadcast %get3A_222 : vector<1x128xf32> to vector<1000x128xf32>
    %add3A_224 = arith.addf %add3A_219, %add3A_223 : vector<1000x128xf32>
    %logistic3A_225 = arith.negf %add3A_224 : vector<1000x128xf32>
    %logistic3A_226 = math.exp %logistic3A_225 : vector<1000x128xf32>
    %logistic3A_227 = arith.constant 1.000000e+00 : f32
    %logistic3A_228 = vector.broadcast %logistic3A_227 : f32 to vector<1000x128xf32>
    %logistic3A_229 = arith.addf %logistic3A_228, %logistic3A_226 : vector<1000x128xf32>
    %logistic3A_230 = arith.divf %logistic3A_228, %logistic3A_229 : vector<1000x128xf32>
    %mul3A_231 = arith.mulf %add3A_224, %logistic3A_230 : vector<1000x128xf32>
    %swap3A_232 = arith.constant 3 : index
    %swap3A_233 = arith.constant 0 : index
    %swap3A_234 = arith.constant 0 : index
    %swap3A_235 = vector.load %arg8[%swap3A_232, %swap3A_233, %swap3A_234] : memref<4x1000x128xf32, #tpu.memory_space<vmem>>, vector<1x1000x128xf32>
    %swap3A_236 = vector.shape_cast %swap3A_235 : vector<1x1000x128xf32> to vector<1000x128xf32>
    %swap3A_237 = vector.shape_cast %mul3A_231 : vector<1000x128xf32> to vector<1x1000x128xf32>
    tpu.vector_store %arg8[%swap3A_232, %swap3A_233, %swap3A_234], %swap3A_237 {strides = array<i32>} : memref<4x1000x128xf32, #tpu.memory_space<vmem>>, vector<1x1000x128xf32>,
    return
  }
  func.func @transform_0(%arg0: i32) -> (i32, i32, i32) {
    %c0_i32 = arith.constant 0 : i32
    %c0_i32_0 = arith.constant 0 : i32
    %c0_i32_1 = arith.constant 0 : i32
    return %c0_i32, %arg0, %c0_i32_0 : i32, i32, i32
  }
  func.func @transform_1(%arg0: i32) -> (i32, i32, i32) {
    %c0_i32 = arith.constant 0 : i32
    %c0_i32_0 = arith.constant 0 : i32
    %c0_i32_1 = arith.constant 0 : i32
    %c0_i32_2 = arith.constant 0 : i32
    return %c0_i32, %c0_i32_0, %c0_i32_1 : i32, i32, i32
  }
  func.func @transform_2(%arg0: i32) -> (i32, i32) {
    %c0_i32 = arith.constant 0 : i32
    %c0_i32_0 = arith.constant 0 : i32
    %c0_i32_1 = arith.constant 0 : i32
    return %c0_i32, %c0_i32_0 : i32, i32
  }
  func.func @transform_3(%arg0: i32) -> (i32, i32) {
    %c0_i32 = arith.constant 0 : i32
    %c0_i32_0 = arith.constant 0 : i32
    %c0_i32_1 = arith.constant 0 : i32
    return %c0_i32, %c0_i32_0 : i32, i32
  }
  func.func @transform_4(%arg0: i32) -> (i32, i32) {
    %c0_i32 = arith.constant 0 : i32
    %c0_i32_0 = arith.constant 0 : i32
    %c0_i32_1 = arith.constant 0 : i32
    return %c0_i32, %c0_i32_0 : i32, i32
  }
  func.func @transform_5(%arg0: i32) -> (i32, i32) {
    %c0_i32 = arith.constant 0 : i32
    %c0_i32_0 = arith.constant 0 : i32
    %c0_i32_1 = arith.constant 0 : i32
    return %c0_i32, %c0_i32_0 : i32, i32
  }
  func.func @transform_6(%arg0: i32) -> (i32, i32) {
    %c0_i32 = arith.constant 0 : i32
    %c0_i32_0 = arith.constant 0 : i32
    %c0_i32_1 = arith.constant 0 : i32
    return %c0_i32, %c0_i32_0 : i32, i32
  }
  func.func @transform_7(%arg0: i32) -> (i32, i32, i32) {
    %c0_i32 = arith.constant 0 : i32
    %c0_i32_0 = arith.constant 0 : i32
    %c0_i32_1 = arith.constant 0 : i32
    return %c0_i32, %arg0, %c0_i32_0 : i32, i32, i32
  }
}

</mosaic_0001>

<sc_bundles>
// kernel: kernel.15.cloned.1.call-start
scs
__scs_entry_jumppad:
0x0: {  	(pc) =	sbr.rel $0x88, $3  }
0x1: {  	(tag) =	ssettag $0x0;
	lr =	simm.s32 $0x1  }
0x2: {  	[smem:$0x3F61] =	sst lr;
	_ =	strace $0xD0000000  }
0x3: {  	_ = 	snop  }
0x4: {  	_ = 	snop  }
0x5: {  	_ = 	snop  }
0x6: {  	_ = 	snop  }
0x7: {  	_ = 	snop  }
__scs_overlays_trampoline_lowered:
0x8: {  	[smem:$0x3F70] =	sst s0  }
0x9: {  	[smem:$0x3F71] =	sst s1  }
0xa: {  	[smem:$0x3F72] =	sst s2  }
0xb: {  	[smem:$0x3F73] =	sst s3  }
0xc: {  	[smem:$0x3F74] =	sst s4  }
0xd: {  	[smem:$0x3F75] =	sst s5  }
0xe: {  	[smem:$0x3F76] =	sst s6  }
0xf: {  	[smem:$0x3F77] =	sst s7  }
0x10: {  	[smem:$0x3F78] =	sst s8  }
0x11: {  	[smem:$0x3F79] =	sst s9;
	s0 =	simm.s32 @!p0 $0x0  }
0x12: {  	s1 =	sld [smem:$0x3F5F];
	s0 =	simm.s32 @p0 $0x1  }
0x13: {  	[smem:$0x3F7A] =	sst s0;
	s0 =	simm.s32 @!p1 $0x0  }
0x14: {  	s2 =	sld [smem:$0x3F5E];
	s0 =	simm.s32 @p1 $0x1  }
0x15: {  	[smem:$0x3F7B] =	sst s0;
	s0 =	simm.s32 @!p2 $0x0  }
0x16: {  	s3 =	sld [smem:$0x3FDB];
	s0 =	simm.s32 @p2 $0x1  }
0x17: {  	s4 =	simm.s32 $0x1BF5;
	[smem:$0x3F7D] =	sst s0  }
0x18: {  	s0 =	sld [smem:$0x3F60];
	_ =	swait.ge [sflag:s4], $0x0  }
0x19: {  	s7 =	sld [smem:$0x3F61]  }
0x1a: {  	s8 =	sadd.s32 $0xFFFFE003, lr  }
0x1b: {  	s9 =	sadd.s32 $0xFFFFFEF7, lr;
	s5 =	simm.s32 $0xFFFFFFFF;
	p2 =	slt.u32 s8, $0xFFFFF086  }
0x1c: {  	p1 =	slt.u32 s9, $0xF7A;
	s5 =	simm.s32 @!p2 $0x0  }
0x1d: {  	s5 =	simm.s32 @p1 $0x1;
	p0 =	seq.s32 s7, s2  }
0x1e: {  	s7 =	smul.u32 @!p0 $0xF7A, s2;
	p2 =	seq.s32 @!p0 s5, $0x0  }
0x1f: {  	s9 =	smul.u32 $0xF7A, s1;
	s8 =	simm.s32 @!p0 $0x1BF5;
	p2 =	por !p2, p0  }
0x20: {  	[sflag:s8] =	ssyncset.s32 @!p0 $0xFFFFF086;
	s6 =	sadd.s32 @!p0 s3, s7;
	s7 =	simm.s32 @!p0 $0x108  }
0x21: {  	s3 =	sadd.s32 s3, s9;
	s6 =	sadd.s32 @!p0 $0x88, s6;
	s7 =	simm.s32 @p2 $0x1082  }
0x22: {  	[simem:s7], [sflag:s8] =	dma.local @!p0 [hbm:s6], $0xF7A  }
0x23: {  	s9 =	sor.u32 $0xD0000000, s2;
	s6 =	simm.s32 $0x108;
	_ =	swait.ge @!p0 [sflag:s8], $0x0  }
0x24: {  	s3 =	sadd.s32 $0x88, s3;
	s6 =	simm.s32 @!p1 $0x1082;
	[sflag:s4] =	ssyncset.s32 $0xFFFFF086  }
0x25: {  	[simem:s6], [sflag:s4] =	dma.local [hbm:s3], $0xF7A  }
0x26: {  	[smem:$0x3F61] =	sst s1;
	(tag) =	ssettag s2;
	_ =	strace s9  }
0x27: {  	s1 =	sld [smem:$0x3F71]  }
0x28: {  	s2 =	sld [smem:$0x3F72]  }
0x29: {  	s4 =	sld [smem:$0x3F74]  }
0x2a: {  	p0 =	seq.s32 s5, $0x0;
	s5 =	sld [smem:$0x3F75]  }
0x2b: {  	s6 =	sld [smem:$0x3F76]  }
0x2c: {  	s7 =	sld [smem:$0x3F77]  }
0x2d: {  	s3 =	simm.s32 $0x108;
	s8 =	sld [smem:$0x3F78]  }
0x2e: {  	s3 =	simm.s32 @!p0 $0x1082;
	s9 =	sld [smem:$0x3F79]  }
0x2f: {  	lr =	sadd.s32 s0, s3;
	s0 =	sld [smem:$0x3F70]  }
0x30: {  	s3 =	sld [smem:$0x3F73]  }
0x31: {  	[smem:$0x3F7C] =	sst s10  }
0x32: {  	s10 =	sld [smem:$0x3F7A];
	_ =	sdelay $0x3  }
0x33: {  	p0 =	seq.s32 s10, $0x1;
	s10 =	sld [smem:$0x3F7C];
	_ =	sdelay $0x3  }
0x34: {  	[smem:$0x3F7C] =	sst s10  }
0x35: {  	s10 =	sld [smem:$0x3F7B];
	_ =	sdelay $0x3  }
0x36: {  	p1 =	seq.s32 s10, $0x1;
	s10 =	sld [smem:$0x3F7C];
	_ =	sdelay $0x3  }
0x37: {  	[smem:$0x3F7C] =	sst s10  }
0x38: {  	s10 =	sld [smem:$0x3F7D]  }
0x39: {  	_ = 	snop;
	(pc) =	sbr.ind lr, $3  }
0x3a: {  	_ = 	snop  }
0x3b: {  	_ = 	snop  }
0x3c: {  	p2 =	seq.s32 s10, $0x1;
	s10 =	sld [smem:$0x3F7C]  }
0x3d: {  	_ =	shalt  }
0x3e: {  	_ =	shalt  }
0x3f: {  	_ =	shalt  }
0x40: {  	_ =	shalt  }
0x41: {  	_ =	shalt  }
0x42: {  	_ =	shalt  }
0x43: {  	_ =	shalt  }
0x44: {  	_ =	shalt  }
0x45: {  	_ =	shalt  }
0x46: {  	_ =	shalt  }
0x47: {  	_ =	shalt  }
0x48: {  	_ =	shalt  }
0x49: {  	_ =	shalt  }
0x4a: {  	_ =	shalt  }
0x4b: {  	_ =	shalt  }
0x4c: {  	_ =	shalt  }
0x4d: {  	_ =	shalt  }
0x4e: {  	_ =	shalt  }
0x4f: {  	_ =	shalt  }
0x50: {  	_ =	shalt  }
0x51: {  	_ =	shalt  }
0x52: {  	_ =	shalt  }
0x53: {  	_ =	shalt  }
0x54: {  	_ =	shalt  }
0x55: {  	_ =	shalt  }
0x56: {  	_ =	shalt  }
0x57: {  	_ =	shalt  }
0x58: {  	_ =	shalt  }
0x59: {  	_ =	shalt  }
0x5a: {  	_ =	shalt  }
0x5b: {  	_ =	shalt  }
0x5c: {  	_ =	shalt  }
0x5d: {  	_ =	shalt  }
0x5e: {  	_ =	shalt  }
0x5f: {  	_ =	shalt  }
0x60: {  	_ =	shalt  }
0x61: {  	_ =	shalt  }
0x62: {  	_ =	shalt  }
0x63: {  	_ =	shalt  }
0x64: {  	_ =	shalt  }
0x65: {  	_ =	shalt  }
0x66: {  	_ =	shalt  }
0x67: {  	_ =	shalt  }
0x68: {  	_ =	shalt  }
0x69: {  	_ =	shalt  }
0x6a: {  	_ =	shalt  }
0x6b: {  	_ =	shalt  }
0x6c: {  	_ =	shalt  }
0x6d: {  	_ =	shalt  }
0x6e: {  	_ =	shalt  }
0x6f: {  	_ =	shalt  }
0x70: {  	_ =	shalt  }
0x71: {  	_ =	shalt  }
0x72: {  	_ =	shalt  }
0x73: {  	_ =	shalt  }
0x74: {  	_ =	shalt  }
0x75: {  	_ =	shalt  }
0x76: {  	_ =	shalt  }
0x77: {  	_ =	shalt  }
0x78: {  	_ =	shalt  }
0x79: {  	_ =	shalt  }
0x7a: {  	_ =	shalt  }
0x7b: {  	_ =	shalt  }
0x7c: {  	_ =	shalt  }
0x7d: {  	_ =	shalt  }
0x7e: {  	_ =	shalt  }
0x7f: {  	_ =	shalt  }
0x80: {  	_ =	shalt  }
0x81: {  	_ =	shalt  }
0x82: {  	_ =	shalt  }
0x83: {  	_ =	shalt  }
0x84: {  	_ =	shalt  }
0x85: {  	_ =	shalt  }
0x86: {  	_ =	shalt  }
0x87: {  	_ =	shalt  }
.Lfunc_end0:
.L_simem_size_0:
called_computation_lowered:
.L_overlay_start_0:
0x88: {  	s2 =	sld [smem:$0x3FD9]  }
0x89: {  	s3 =	sld [smem:$0x3FFE];
	_ =	sdelay $0x1  }
0x8a: {  	s1 =	srdreg.scid  }
0x8b: {  	s0 =	sand.u32 $0x1, s1  }
0x8c: {  	s16 =	sshll.u32 s0, $0xA;
	s2 =	sadd.s32 s3, s2  }
0x8d: {  	s2 =	sadd.s32 s2, s16  }
0x8e: {  	[smem:$0x3F88] =	sst s2  }
0x8f: {  	_ = 	snop  }
0x90: {  	(tm) =	ssettm $0x1  }
0x91: {  	s17 =	sld [smem:$0x3FFB];
	_ =	sdelay $0x3  }
0x92: {  	_ =	strace s17  }
0x93: {  	s2 =	sld [smem:$0x3FFC];
	_ =	sdelay $0x3  }
0x94: {  	_ =	strace s2  }
0x95: {  	s2 =	sld [smem:$0x3FFD];
	_ =	sdelay $0x3  }
0x96: {  	_ =	strace s2  }
0x97: {  	_ =	strace $0x8FFFFFFF  }
0x98: {  	s18 =	sld [smem:$0x3FDB];
	_ =	sdelay $0x1  }
0x99: {  	s19 =	simm.s32 $_scs_section_size  }
0x9a: {  	s4 =	simm.s32 $_size__tile_overlayer_lowered;
	s5 =	simm.s32 $_tile_overlayer_lowered  }
0x9b: {  	s22 =	simm.s32 $0x1BFF;
	s21 =	sshll.u32 s5, $0x1;
	s2 =	sadd.s32 s19, s18  }
0x9c: {  	s6 =	simm.s32 $0x0;
	s20 =	sshll.u32 s4, $0x1;
	s4 =	sadd.s32 s21, s2  }
0x9d: {  	[timem:s6], [sflag:s22] =	dma.local [hbm:s4], s20  }
0x9e: {  	_ =	swait.ge [sflag:s22], s20  }
0x9f: {  	s3 =	ssub.s32 $0x0, s20;
	[sflag:s22] =	ssyncset.done $0x0  }
0xa0: {  	[sflag:s22] =	ssyncadd.s32 s3;
	_ =	sdelay $0x1  }
0xa1: {  	s23 =	simm.s32 $0x1B8B  }
0xa2: {  	_ =	swait.ge [sflag:s23], $0x1  }
0xa3: {  	[sflag:s23] =	ssyncset.done $0x0  }
0xa4: {  	s25 =	simm.s32 $0x1B8E;
	s24 =	sld [smem:$0x3FFE];
	[sflag:s23] =	ssyncadd.s32 $0xFFFFFFFF  }
0xa5: {  	s26 =	simm.s32 $execute0_lowered;
	[smem:$0x3FD2] =	sst s25  }
0xa6: {  	s4 =	sshll.u32 s26, $0x1;
	_ =	strace $0x80000046;
	[dreg:$0x1] =	wrdreg $0xFFFFFFFF  }
0xa7: {  	s28 =	simm.s32 $_size_execute0_lowered;
	s2 =	sadd.s32 s2, s4;
	[dreg:$0x0] =	wrdreg $0x0  }
0xa8: {  	s4 =	sshll.u32 s28, $0x1;
	[dreg:$0x2] =	wrdreg s2  }
0xa9: {  	[dreg:$0x3] =	wrdreg s4  }
0xaa: {  	[dreg:$0x4] =	wrdreg $0xC0  }
0xab: {  	_ =	task [dreg:s6], $0x5FFFF  }
0xac: {  	[dreg:$0x1] =	wrdreg $0xFFFFFFFF  }
0xad: {  	[dreg:$0x0] =	wrdreg $0x60  }
0xae: {  	[dreg:$0x2] =	wrdreg s24  }
0xaf: {  	[dreg:$0x3] =	wrdreg $0xA8000  }
0xb0: {  	[dreg:$0x4] =	wrdreg $0x9  }
0xb1: {  	_ =	task.clear_ibuf [dreg:s6], $0x5FFFF;
	_ =	strace $0x90000046  }
0xb2: {  	s29 =	simm.s32 $0x9;
	_ =	strace $0x80000048  }
0xb3: {  	_ =	swait.ge [sflag:s29], $0x1  }
0xb4: {  	[sflag:s29] =	ssyncadd.s32 $0xFFFFFFFF  }
0xb5: {  	_ =	strace $0x90000048  }
0xb6: {  	_ =	sfence  }
0xb7: {  	s30 =	sld [smem:$0x0];
	_ =	sdelay $0x2  }
0xb8: {  	s31 =	sshll.u32 s1, $0xD;
	s1 =	sshrl.u32 s1, $0x2  }
0xb9: {  	s3 =	sand.u32 $0x4000, s31;
	s1 =	sadd.s32 s1, s30  }
0xba: {  	s0 =	sor.u32 s3, s0;
	s1 =	sshll.u32 s1, $0x11  }
0xbb: {  	s0 =	sor.u32 s1, s0  }
0xbc: {  	s0 =	sadd.s32 $0x8F2B, s0  }
0xbd: {  	[sflag:s0] =	ssyncadd.remote.s32 $0x1  }
0xbe: {  	_ =	sfence.sel $0xFFFF  }
0xbf: {  	[dreg:$0x0] =	wrdreg $0xFFFFFFFF;
	(pc) =	sbr.abs _section_cstart, $3  }
0xc0: {  	[dreg:$0x1] =	wrdreg $0xFFFFFFFF  }
0xc1: {  	_ =	task.clear_ibuf [dreg:s6], $0x2FFFF;
	_ =	strace $0x9FFFFFFF  }
0xc2: {  	(tm) =	ssettm $0x7FFFFFFF  }
0xc3: {  	_ =	shalt  }
tec
execute0_lowered:
.L_overlay_start_1:
0x0: {  	(tag) =	ssettag $0x1  }
0x1: {  	s6 =	rddreg [dreg:$0x0]  }
0x2: {  	s1 =	rddreg [dreg:$0x1]  }
0x3: {  	s2 =	srdreg.scid;
	s0 =	rddreg [dreg:$0x2]  }
0x4: {  	s3 =	simm.s32 $0x0;
	s15 =	simm.s32 $0x1400;
	s16 =	simm.s32 $0x80  }
0x5: {  	s17 =	simm.s32 $0x2800;
	s18 =	simm.s32 $0x1;
	s7 =	sand.u32 $0x1, s2  }
0x6: {  	s19 =	simm.s32 $0x6800;
	s2 =	stileid.u32;
	s5 =	smul.u32 $0x280, s7  }
0x7: {  	s20 =	simm.s32 $0x2;
	s21 =	simm.s32 $0x1480;
	s8 =	smul.u32 $0x28, s2  }
0x8: {  	s22 =	simm.s32 $0x3;
	s28 =	simm.s32 $0x0;
	s24 =	smul.u32 $0x2700, s2  }
0x9: {  	[smem:$0x7FF] =	sst s3;
	s4 =	sadd.s32 $0x33800, s6;
	s9 =	smul.u32 $0x27100, s7  }
0xa: {  	_ =	strace $0x80000047;
	s10 =	smul.u32 $0x4E000, s2;
	s7 =	ssub.s32 $0x2, s7  }
0xb: {  	s31 =	sshll.u32 s2, $0x6;
	s29 =	sshrl.u32 s7, $0x1;
	s8 =	sadd.s32 s8, s5  }
0xc: {  	s5 =	sadd.s32 $0xC600, s6;
	s26 =	sadd.s32 s24, s6;
	s12 =	sadd.s32 s9, s6  }
0xd: {  	s30 =	sshrl.u32 s10, $0x2;
	s13 =	ssub.s32 s7, s29;
	s9 =	sor.u32 $0x1C05, s31  }
0xe: {  	s8 =	sshll.u32 s8, $0x4;
	s14 =	sadd.s32 s30, s1;
	s23 =	sadd.s32 $0xCFE00, s12  }
.Ltmp0:
0xf: {  	s25 =	sadd.s32 $0x81C00, s12;
	s12 =	smax.u32 s13, $0x1;
	(pc) =	sbr.rel .LBB2_1-.Ltmp0, $4  }
0x10: {  	s11 =	sadd.s32 s8, s6;
	s6 =	sadd.s32 $0x5AA00, s26;
	s13 =	sshrl.u32 s14, $0x3  }
0x11: {  	s14 =	simm.s32 $0x5;
	s23 =	sadd.s32 s24, s23;
	s24 =	sadd.s32 s24, s25  }
0x12: {  	s25 =	simm.s32 $0x100;
	s7 =	sadd.s32 $0x149E00, s11;
	s8 =	sadd.s32 $0x153E00, s11  }
0x13: {  	s26 =	simm.s32 $0x4;
	s10 =	sadd.s32 $0x14EE00, s11;
	s11 =	sadd.s32 $0x144E00, s11  }
.LBB2_7:
0x14: {  	_ =	swait.ge [sflag:s26], $0x4000  }
0x15: {  	[sflag:s26] =	ssyncset.done $0x0  }
0x16: {  	s28 =	sadd.s32 $0x1, s28;
	[sflag:s26] =	ssyncadd.s32 $0xFFFFC000  }
0x17: {  	p0 =	sne.s32 s28, s12;
	[bflag:$0x0] =	sbarrier.arrive $0xFFFF  }
0x18: {  	[hbm:s24], [sflag:s9] =	dma.local [spmem:s13], $0x2800  }
.Ltmp1:
0x19: {  	_ =	swait.ge [sflag:s14], $0x2800;
	(pc) =	sbr.rel @!p0 .LBB2_8-.Ltmp1, $3  }
0x1a: {  	[sflag:s14] =	ssyncset.done $0x0  }
0x1b: {  	[sflag:s14] =	ssyncadd.s32 $0xFFFFD800  }
0x1c: {  	[bflag:$0x0] =	sbarrier.arrive $0xFFFF;
	_ =	sdelay $0x1  }
.LBB2_1:
0x1d: {  	[spmem:s13], [sflag:s9] =	dma.local [hbm:s6], $0x2800  }
0x1e: {  	_ =	swait.ge [sflag:s14], $0x2800  }
0x1f: {  	[sflag:s14] =	ssyncset.done $0x0  }
0x20: {  	[sflag:s14] =	ssyncadd.s32 $0xFFFFD800  }
0x21: {  	[tilespmem:s3], [sflag:$0x5] =	stream.linear.gather [hbm4b:s7+s3], $0x1400, $0x38;
	[tilespmem:$0x1E480] =	vst v63  }
0x22: {  	_ =	swait.ge [sflag:s14], $0x1400  }
0x23: {  	[sflag:s14] =	ssyncset.done $0x0  }
0x24: {  	[sflag:s14] =	ssyncadd.s32 $0xFFFFEC00  }
0x25: {  	[tilespmem:s15], [sflag:$0x5] =	stream.linear.gather [hbm4b:s8+s3], $0x1400, $0x38;
	[tilespmem:$0x1E480] =	vst v63  }
0x26: {  	_ =	swait.ge [sflag:s14], $0x1400  }
0x27: {  	[sflag:s14] =	ssyncset.done $0x0  }
0x28: {  	[sflag:s14] =	ssyncadd.s32 $0xFFFFEC00  }
0x29: {  	[bflag:$0x0] =	sbarrier.arrive $0xFFFF  }
0x2a: {  	[tilespmem:s17], [sflag:$0x1] =	stream.indirect.gather [hbm4b:s4+s16], $0x80, s3, s16, $0xb8;
	[tilespmem:$0x1E480] =	vst v63  }
0x2b: {  	_ =	swait.ge [sflag:s18], $0x4000  }
0x2c: {  	[sflag:s18] =	ssyncset.done $0x0  }
0x2d: {  	[sflag:s18] =	ssyncadd.s32 $0xFFFFC000  }
0x2e: {  	[spmem:s1] =	stream.indirect.scatter.add.f32 [tilespmem:s17], [sflag:$0x3], $0x80, s15, s16, $0xb8;
	[tilespmem:$0x1E480] =	vst v63  }
0x2f: {  	_ = 	snop  }
0x30: {  	[tilespmem:s19], [sflag:$0x2] =	stream.indirect.gather [hbm4b:s4+s16], $0x80, s16, s16, $0xb8;
	[tilespmem:$0x1E480] =	vst v63  }
0x31: {  	_ =	swait.ge [sflag:s20], $0x4000  }
0x32: {  	[sflag:s20] =	ssyncset.done $0x0  }
0x33: {  	[sflag:s20] =	ssyncadd.s32 $0xFFFFC000  }
0x34: {  	[spmem:s1] =	stream.indirect.scatter.add.f32 [tilespmem:s19], [sflag:$0x4], $0x80, s21, s16, $0xb8;
	[tilespmem:$0x1E480] =	vst v63  }
0x35: {  	_ =	swait.ge [sflag:s22], $0x4000  }
0x36: {  	[sflag:s22] =	ssyncset.done $0x0  }
0x37: {  	s29 =	simm.s32 $0xFFFFB800;
	[sflag:s22] =	ssyncadd.s32 $0xFFFFC000  }
0x38: {  	[tilespmem:s17], [sflag:$0x1] =	stream.indirect.gather [hbm4b:s4+s16], $0x80, s25, s16, $0xb8;
	[tilespmem:$0x1E480] =	vst v63  }
.LBB2_2:
0x39: {  	_ =	swait.ge [sflag:s18], $0x4000  }
0x3a: {  	s30 =	sshra.s32 s29, $0x2;
	[sflag:s18] =	ssyncset.done $0x0  }
0x3b: {  	s31 =	sadd.s32 $0x2700, s30;
	[sflag:s18] =	ssyncadd.s32 $0xFFFFC000  }
0x3c: {  	[spmem:s1] =	stream.indirect.scatter.add.f32 [tilespmem:s17], [sflag:$0x3], $0x80, s31, s16, $0xb8;
	[tilespmem:$0x1E480] =	vst v63  }
0x3d: {  	_ =	swait.ge [sflag:s26], $0x4000  }
0x3e: {  	[sflag:s26] =	ssyncset.done $0x0  }
0x3f: {  	s31 =	sadd.s32 $0x1380, s30;
	[sflag:s26] =	ssyncadd.s32 $0xFFFFC000  }
0x40: {  	[tilespmem:s19], [sflag:$0x2] =	stream.indirect.gather [hbm4b:s4+s16], $0x80, s31, s16, $0xb8;
	[tilespmem:$0x1E480] =	vst v63  }
0x41: {  	_ =	swait.ge [sflag:s20], $0x4000  }
0x42: {  	p0 =	seq.s32 s29, $0x0;
	[sflag:s20] =	ssyncset.done $0x0  }
.Ltmp2:
0x43: {  	s31 =	sadd.s32 $0x2780, s30;
	[sflag:s20] =	ssyncadd.s32 $0xFFFFC000;
	(pc) =	sbr.rel @p0 .LBB2_4-.Ltmp2, $4  }
0x44: {  	[spmem:s1] =	stream.indirect.scatter.add.f32 [tilespmem:s19], [sflag:$0x4], $0x80, s31, s16, $0xb8;
	[tilespmem:$0x1E480] =	vst v63  }
0x45: {  	_ =	swait.ge [sflag:s22], $0x4000  }
0x46: {  	[sflag:s22] =	ssyncset.done $0x0  }
0x47: {  	[sflag:s22] =	ssyncadd.s32 $0xFFFFC000  }
.Ltmp3:
0x48: {  	(pc) =	sbr.rel .LBB2_2-.Ltmp3, $3  }
0x49: {  	_ =	sdelay $0x1  }
0x4a: {  	s30 =	sadd.s32 $0x1400, s30;
	s29 =	sadd.s32 $0x400, s29  }
0x4b: {  	[tilespmem:s17], [sflag:$0x1] =	stream.indirect.gather [hbm4b:s4+s16], $0x80, s30, s16, $0xb8;
	[tilespmem:$0x1E480] =	vst v63  }
.LBB2_4:
0x4c: {  	_ =	swait.ge [sflag:s26], $0x4000  }
0x4d: {  	[sflag:s26] =	ssyncset.done $0x0  }
0x4e: {  	[sflag:s26] =	ssyncadd.s32 $0xFFFFC000  }
0x4f: {  	[bflag:$0x0] =	sbarrier.arrive $0xFFFF  }
0x50: {  	[hbm:s23], [sflag:s9] =	dma.local [spmem:s13], $0x2800  }
0x51: {  	_ =	swait.ge [sflag:s14], $0x2800  }
0x52: {  	[sflag:s14] =	ssyncset.done $0x0  }
0x53: {  	[sflag:s14] =	ssyncadd.s32 $0xFFFFD800  }
0x54: {  	[bflag:$0x0] =	sbarrier.arrive $0xFFFF  }
0x55: {  	[spmem:s13], [sflag:s9] =	dma.local [hbm:s6], $0x2800  }
0x56: {  	_ =	swait.ge [sflag:s14], $0x2800  }
0x57: {  	[sflag:s14] =	ssyncset.done $0x0  }
0x58: {  	[sflag:s14] =	ssyncadd.s32 $0xFFFFD800  }
0x59: {  	[tilespmem:s3], [sflag:$0x5] =	stream.linear.gather [hbm4b:s10+s3], $0x1400, $0x38;
	[tilespmem:$0x1E480] =	vst v63  }
0x5a: {  	_ =	swait.ge [sflag:s14], $0x1400  }
0x5b: {  	[sflag:s14] =	ssyncset.done $0x0  }
0x5c: {  	[sflag:s14] =	ssyncadd.s32 $0xFFFFEC00  }
0x5d: {  	[tilespmem:s15], [sflag:$0x5] =	stream.linear.gather [hbm4b:s11+s3], $0x1400, $0x38;
	[tilespmem:$0x1E480] =	vst v63  }
0x5e: {  	_ =	swait.ge [sflag:s14], $0x1400  }
0x5f: {  	[sflag:s14] =	ssyncset.done $0x0  }
0x60: {  	[sflag:s14] =	ssyncadd.s32 $0xFFFFEC00  }
0x61: {  	[bflag:$0x0] =	sbarrier.arrive $0xFFFF  }
0x62: {  	[tilespmem:s17], [sflag:$0x1] =	stream.indirect.gather [hbm4b:s5+s16], $0x80, s3, s16, $0xb8;
	[tilespmem:$0x1E480] =	vst v63  }
0x63: {  	_ =	swait.ge [sflag:s18], $0x4000  }
0x64: {  	[sflag:s18] =	ssyncset.done $0x0  }
0x65: {  	[sflag:s18] =	ssyncadd.s32 $0xFFFFC000  }
0x66: {  	[spmem:s1] =	stream.indirect.scatter.add.f32 [tilespmem:s17], [sflag:$0x3], $0x80, s15, s16, $0xb8;
	[tilespmem:$0x1E480] =	vst v63  }
0x67: {  	_ = 	snop  }
0x68: {  	[tilespmem:s19], [sflag:$0x2] =	stream.indirect.gather [hbm4b:s5+s16], $0x80, s16, s16, $0xb8;
	[tilespmem:$0x1E480] =	vst v63  }
0x69: {  	_ =	swait.ge [sflag:s20], $0x4000  }
0x6a: {  	[sflag:s20] =	ssyncset.done $0x0  }
0x6b: {  	[sflag:s20] =	ssyncadd.s32 $0xFFFFC000  }
0x6c: {  	[spmem:s1] =	stream.indirect.scatter.add.f32 [tilespmem:s19], [sflag:$0x4], $0x80, s21, s16, $0xb8;
	[tilespmem:$0x1E480] =	vst v63  }
0x6d: {  	_ =	swait.ge [sflag:s22], $0x4000  }
0x6e: {  	[sflag:s22] =	ssyncset.done $0x0  }
0x6f: {  	s29 =	simm.s32 $0xFFFFB800;
	[sflag:s22] =	ssyncadd.s32 $0xFFFFC000  }
0x70: {  	[tilespmem:s17], [sflag:$0x1] =	stream.indirect.gather [hbm4b:s5+s16], $0x80, s25, s16, $0xb8;
	[tilespmem:$0x1E480] =	vst v63  }
.LBB2_5:
0x71: {  	_ =	swait.ge [sflag:s18], $0x4000  }
0x72: {  	s30 =	sshra.s32 s29, $0x2;
	[sflag:s18] =	ssyncset.done $0x0  }
0x73: {  	s31 =	sadd.s32 $0x2700, s30;
	[sflag:s18] =	ssyncadd.s32 $0xFFFFC000  }
0x74: {  	[spmem:s1] =	stream.indirect.scatter.add.f32 [tilespmem:s17], [sflag:$0x3], $0x80, s31, s16, $0xb8;
	[tilespmem:$0x1E480] =	vst v63  }
0x75: {  	_ =	swait.ge [sflag:s26], $0x4000  }
0x76: {  	[sflag:s26] =	ssyncset.done $0x0  }
0x77: {  	s31 =	sadd.s32 $0x1380, s30;
	[sflag:s26] =	ssyncadd.s32 $0xFFFFC000  }
0x78: {  	[tilespmem:s19], [sflag:$0x2] =	stream.indirect.gather [hbm4b:s5+s16], $0x80, s31, s16, $0xb8;
	[tilespmem:$0x1E480] =	vst v63  }
0x79: {  	_ =	swait.ge [sflag:s20], $0x4000  }
0x7a: {  	p0 =	seq.s32 s29, $0x0;
	[sflag:s20] =	ssyncset.done $0x0  }
.Ltmp4:
0x7b: {  	s31 =	sadd.s32 $0x2780, s30;
	[sflag:s20] =	ssyncadd.s32 $0xFFFFC000;
	(pc) =	sbr.rel @p0 .LBB2_7-.Ltmp4, $4  }
0x7c: {  	[spmem:s1] =	stream.indirect.scatter.add.f32 [tilespmem:s19], [sflag:$0x4], $0x80, s31, s16, $0xb8;
	[tilespmem:$0x1E480] =	vst v63  }
0x7d: {  	_ =	swait.ge [sflag:s22], $0x4000  }
0x7e: {  	[sflag:s22] =	ssyncset.done $0x0  }
0x7f: {  	[sflag:s22] =	ssyncadd.s32 $0xFFFFC000  }
.Ltmp5:
0x80: {  	(pc) =	sbr.rel .LBB2_5-.Ltmp5, $3  }
0x81: {  	_ =	sdelay $0x1  }
0x82: {  	s30 =	sadd.s32 $0x1400, s30;
	s29 =	sadd.s32 $0x400, s29  }
0x83: {  	[tilespmem:s17], [sflag:$0x1] =	stream.indirect.gather [hbm4b:s5+s16], $0x80, s30, s16, $0xb8;
	[tilespmem:$0x1E480] =	vst v63  }
.LBB2_8:
0x84: {  	_ =	sfence.sel $0x180000  }
0x85: {  	[bflag:$0x0] =	sbarrier.arrive $0xFFFF  }
0x86: {  	p0 =	sne.s32 s2, $0x0;
	_ =	strace $0x90000047  }
0x87: {  	s0 =	sadd.s32 @!p0 $0x100000, s0;
	[bflag:$0x2] =	sbarrier.arrive $0xFFFF  }
0x88: {  	[sflag:s0] =	ssyncadd.tile.s32 @!p0 $0x1;
	_ =	shalt  }
.Lfunc_end2:
_tile_overlayer_lowered:
.L_overlay_start_2:
0x89: {  	(tag) =	ssettag $0x2  }
0x8a: {  	s0 =	rddreg [dreg:$0x0];
	s2 =	stileid.u32  }
0x8b: {  	s1 =	rddreg [dreg:$0x1];
	p0 =	sne.s32 s2, $0x0  }
0x8c: {  	s3 =	rddreg [dreg:$0x2];
	[bflag:$0x3] =	sbarrier.arrive $0xFFFF;
	s2 =	simm.s32 @!p0 $0x1C05  }
0x8d: {  	[timem:s3], [sflag:s2] =	dma.local @!p0 [hbm:s0], s1  }
0x8e: {  	s0 =	simm.s32 @!p0 $0x5  }
0x8f: {  	_ =	swait.ge @!p0 [sflag:s0], s1  }
0x90: {  	s1 =	ssub.s32 @!p0 $0x0, s1;
	[sflag:s0] =	ssyncset.done @!p0 $0x0  }
0x91: {  	[sflag:s0] =	ssyncadd.s32 @!p0 s1  }
0x92: {  	[bflag:$0x3] =	sbarrier.arrive $0xFFFF  }
0x93: {  	_ =	shalt  }

// kernel: kernel.18.cloned.1.call-start
scs
__scs_entry_jumppad:
0x0: {  	(pc) =	sbr.rel $0x88, $3  }
0x1: {  	(tag) =	ssettag $0x0;
	lr =	simm.s32 $0x1  }
0x2: {  	[smem:$0x3F61] =	sst lr;
	_ =	strace $0xD0000000  }
0x3: {  	_ = 	snop  }
0x4: {  	_ = 	snop  }
0x5: {  	_ = 	snop  }
0x6: {  	_ = 	snop  }
0x7: {  	_ = 	snop  }
__scs_overlays_trampoline_lowered:
0x8: {  	[smem:$0x3F70] =	sst s0  }
0x9: {  	[smem:$0x3F71] =	sst s1  }
0xa: {  	[smem:$0x3F72] =	sst s2  }
0xb: {  	[smem:$0x3F73] =	sst s3  }
0xc: {  	[smem:$0x3F74] =	sst s4  }
0xd: {  	[smem:$0x3F75] =	sst s5  }
0xe: {  	[smem:$0x3F76] =	sst s6  }
0xf: {  	[smem:$0x3F77] =	sst s7  }
0x10: {  	[smem:$0x3F78] =	sst s8  }
0x11: {  	[smem:$0x3F79] =	sst s9;
	s0 =	simm.s32 @!p0 $0x0  }
0x12: {  	s1 =	sld [smem:$0x3F5F];
	s0 =	simm.s32 @p0 $0x1  }
0x13: {  	[smem:$0x3F7A] =	sst s0;
	s0 =	simm.s32 @!p1 $0x0  }
0x14: {  	s2 =	sld [smem:$0x3F5E];
	s0 =	simm.s32 @p1 $0x1  }
0x15: {  	[smem:$0x3F7B] =	sst s0;
	s0 =	simm.s32 @!p2 $0x0  }
0x16: {  	s3 =	sld [smem:$0x3FDB];
	s0 =	simm.s32 @p2 $0x1  }
0x17: {  	s4 =	simm.s32 $0x1BF5;
	[smem:$0x3F7D] =	sst s0  }
0x18: {  	s0 =	sld [smem:$0x3F60];
	_ =	swait.ge [sflag:s4], $0x0  }
0x19: {  	s7 =	sld [smem:$0x3F61]  }
0x1a: {  	s8 =	sadd.s32 $0xFFFFE003, lr  }
0x1b: {  	s9 =	sadd.s32 $0xFFFFFEF7, lr;
	s5 =	simm.s32 $0xFFFFFFFF;
	p2 =	slt.u32 s8, $0xFFFFF086  }
0x1c: {  	p1 =	slt.u32 s9, $0xF7A;
	s5 =	simm.s32 @!p2 $0x0  }
0x1d: {  	s5 =	simm.s32 @p1 $0x1;
	p0 =	seq.s32 s7, s2  }
0x1e: {  	s7 =	smul.u32 @!p0 $0xF7A, s2;
	p2 =	seq.s32 @!p0 s5, $0x0  }
0x1f: {  	s9 =	smul.u32 $0xF7A, s1;
	s8 =	simm.s32 @!p0 $0x1BF5;
	p2 =	por !p2, p0  }
0x20: {  	[sflag:s8] =	ssyncset.s32 @!p0 $0xFFFFF086;
	s6 =	sadd.s32 @!p0 s3, s7;
	s7 =	simm.s32 @!p0 $0x108  }
0x21: {  	s3 =	sadd.s32 s3, s9;
	s6 =	sadd.s32 @!p0 $0x88, s6;
	s7 =	simm.s32 @p2 $0x1082  }
0x22: {  	[simem:s7], [sflag:s8] =	dma.local @!p0 [hbm:s6], $0xF7A  }
0x23: {  	s9 =	sor.u32 $0xD0000000, s2;
	s6 =	simm.s32 $0x108;
	_ =	swait.ge @!p0 [sflag:s8], $0x0  }
0x24: {  	s3 =	sadd.s32 $0x88, s3;
	s6 =	simm.s32 @!p1 $0x1082;
	[sflag:s4] =	ssyncset.s32 $0xFFFFF086  }
0x25: {  	[simem:s6], [sflag:s4] =	dma.local [hbm:s3], $0xF7A  }
0x26: {  	[smem:$0x3F61] =	sst s1;
	(tag) =	ssettag s2;
	_ =	strace s9  }
0x27: {  	s1 =	sld [smem:$0x3F71]  }
0x28: {  	s2 =	sld [smem:$0x3F72]  }
0x29: {  	s4 =	sld [smem:$0x3F74]  }
0x2a: {  	p0 =	seq.s32 s5, $0x0;
	s5 =	sld [smem:$0x3F75]  }
0x2b: {  	s6 =	sld [smem:$0x3F76]  }
0x2c: {  	s7 =	sld [smem:$0x3F77]  }
0x2d: {  	s3 =	simm.s32 $0x108;
	s8 =	sld [smem:$0x3F78]  }
0x2e: {  	s3 =	simm.s32 @!p0 $0x1082;
	s9 =	sld [smem:$0x3F79]  }
0x2f: {  	lr =	sadd.s32 s0, s3;
	s0 =	sld [smem:$0x3F70]  }
0x30: {  	s3 =	sld [smem:$0x3F73]  }
0x31: {  	[smem:$0x3F7C] =	sst s10  }
0x32: {  	s10 =	sld [smem:$0x3F7A];
	_ =	sdelay $0x3  }
0x33: {  	p0 =	seq.s32 s10, $0x1;
	s10 =	sld [smem:$0x3F7C];
	_ =	sdelay $0x3  }
0x34: {  	[smem:$0x3F7C] =	sst s10  }
0x35: {  	s10 =	sld [smem:$0x3F7B];
	_ =	sdelay $0x3  }
0x36: {  	p1 =	seq.s32 s10, $0x1;
	s10 =	sld [smem:$0x3F7C];
	_ =	sdelay $0x3  }
0x37: {  	[smem:$0x3F7C] =	sst s10  }
0x38: {  	s10 =	sld [smem:$0x3F7D]  }
0x39: {  	_ = 	snop;
	(pc) =	sbr.ind lr, $3  }
0x3a: {  	_ = 	snop  }
0x3b: {  	_ = 	snop  }
0x3c: {  	p2 =	seq.s32 s10, $0x1;
	s10 =	sld [smem:$0x3F7C]  }
0x3d: {  	_ =	shalt  }
0x3e: {  	_ =	shalt  }
0x3f: {  	_ =	shalt  }
0x40: {  	_ =	shalt  }
0x41: {  	_ =	shalt  }
0x42: {  	_ =	shalt  }
0x43: {  	_ =	shalt  }
0x44: {  	_ =	shalt  }
0x45: {  	_ =	shalt  }
0x46: {  	_ =	shalt  }
0x47: {  	_ =	shalt  }
0x48: {  	_ =	shalt  }
0x49: {  	_ =	shalt  }
0x4a: {  	_ =	shalt  }
0x4b: {  	_ =	shalt  }
0x4c: {  	_ =	shalt  }
0x4d: {  	_ =	shalt  }
0x4e: {  	_ =	shalt  }
0x4f: {  	_ =	shalt  }
0x50: {  	_ =	shalt  }
0x51: {  	_ =	shalt  }
0x52: {  	_ =	shalt  }
0x53: {  	_ =	shalt  }
0x54: {  	_ =	shalt  }
0x55: {  	_ =	shalt  }
0x56: {  	_ =	shalt  }
0x57: {  	_ =	shalt  }
0x58: {  	_ =	shalt  }
0x59: {  	_ =	shalt  }
0x5a: {  	_ =	shalt  }
0x5b: {  	_ =	shalt  }
0x5c: {  	_ =	shalt  }
0x5d: {  	_ =	shalt  }
0x5e: {  	_ =	shalt  }
0x5f: {  	_ =	shalt  }
0x60: {  	_ =	shalt  }
0x61: {  	_ =	shalt  }
0x62: {  	_ =	shalt  }
0x63: {  	_ =	shalt  }
0x64: {  	_ =	shalt  }
0x65: {  	_ =	shalt  }
0x66: {  	_ =	shalt  }
0x67: {  	_ =	shalt  }
0x68: {  	_ =	shalt  }
0x69: {  	_ =	shalt  }
0x6a: {  	_ =	shalt  }
0x6b: {  	_ =	shalt  }
0x6c: {  	_ =	shalt  }
0x6d: {  	_ =	shalt  }
0x6e: {  	_ =	shalt  }
0x6f: {  	_ =	shalt  }
0x70: {  	_ =	shalt  }
0x71: {  	_ =	shalt  }
0x72: {  	_ =	shalt  }
0x73: {  	_ =	shalt  }
0x74: {  	_ =	shalt  }
0x75: {  	_ =	shalt  }
0x76: {  	_ =	shalt  }
0x77: {  	_ =	shalt  }
0x78: {  	_ =	shalt  }
0x79: {  	_ =	shalt  }
0x7a: {  	_ =	shalt  }
0x7b: {  	_ =	shalt  }
0x7c: {  	_ =	shalt  }
0x7d: {  	_ =	shalt  }
0x7e: {  	_ =	shalt  }
0x7f: {  	_ =	shalt  }
0x80: {  	_ =	shalt  }
0x81: {  	_ =	shalt  }
0x82: {  	_ =	shalt  }
0x83: {  	_ =	shalt  }
0x84: {  	_ =	shalt  }
0x85: {  	_ =	shalt  }
0x86: {  	_ =	shalt  }
0x87: {  	_ =	shalt  }
.Lfunc_end0:
.L_simem_size_0:
called_computation.1_lowered:
.L_overlay_start_0:
0x88: {  	s2 =	sld [smem:$0x3FD9]  }
0x89: {  	s3 =	sld [smem:$0x3FFE];
	_ =	sdelay $0x1  }
0x8a: {  	s1 =	srdreg.scid  }
0x8b: {  	s0 =	sand.u32 $0x1, s1  }
0x8c: {  	s16 =	sshll.u32 s0, $0xA;
	s2 =	sadd.s32 s3, s2  }
0x8d: {  	s2 =	sadd.s32 s2, s16  }
0x8e: {  	[smem:$0x3F88] =	sst s2  }
0x8f: {  	_ = 	snop  }
0x90: {  	(tm) =	ssettm $0x1  }
0x91: {  	s17 =	sld [smem:$0x3FFB];
	_ =	sdelay $0x3  }
0x92: {  	_ =	strace s17  }
0x93: {  	s2 =	sld [smem:$0x3FFC];
	_ =	sdelay $0x3  }
0x94: {  	_ =	strace s2  }
0x95: {  	s2 =	sld [smem:$0x3FFD];
	_ =	sdelay $0x3  }
0x96: {  	_ =	strace s2  }
0x97: {  	_ =	strace $0x8FFFFFFF  }
0x98: {  	s18 =	sld [smem:$0x3FDB];
	_ =	sdelay $0x1  }
0x99: {  	s19 =	simm.s32 $_scs_section_size  }
0x9a: {  	s4 =	simm.s32 $_size__tile_overlayer_lowered;
	s5 =	simm.s32 $_tile_overlayer_lowered  }
0x9b: {  	s22 =	simm.s32 $0x1BFF;
	s21 =	sshll.u32 s5, $0x1;
	s2 =	sadd.s32 s19, s18  }
0x9c: {  	s6 =	simm.s32 $0x0;
	s20 =	sshll.u32 s4, $0x1;
	s4 =	sadd.s32 s21, s2  }
0x9d: {  	[timem:s6], [sflag:s22] =	dma.local [hbm:s4], s20  }
0x9e: {  	_ =	swait.ge [sflag:s22], s20  }
0x9f: {  	s3 =	ssub.s32 $0x0, s20;
	[sflag:s22] =	ssyncset.done $0x0  }
0xa0: {  	[sflag:s22] =	ssyncadd.s32 s3;
	_ =	sdelay $0x1  }
0xa1: {  	s23 =	simm.s32 $0x1B8B  }
0xa2: {  	_ =	swait.ge [sflag:s23], $0x1  }
0xa3: {  	[sflag:s23] =	ssyncset.done $0x0  }
0xa4: {  	s25 =	simm.s32 $0x1B8E;
	s24 =	sld [smem:$0x3FFE];
	[sflag:s23] =	ssyncadd.s32 $0xFFFFFFFF  }
0xa5: {  	s26 =	simm.s32 $execute0_lowered;
	[smem:$0x3FD2] =	sst s25  }
0xa6: {  	s4 =	sshll.u32 s26, $0x1;
	_ =	strace $0x80000049;
	[dreg:$0x1] =	wrdreg $0xFFFFFFFF  }
0xa7: {  	s28 =	simm.s32 $_size_execute0_lowered;
	s2 =	sadd.s32 s2, s4;
	[dreg:$0x0] =	wrdreg $0x0  }
0xa8: {  	s4 =	sshll.u32 s28, $0x1;
	[dreg:$0x2] =	wrdreg s2  }
0xa9: {  	[dreg:$0x3] =	wrdreg s4  }
0xaa: {  	[dreg:$0x4] =	wrdreg $0xC0  }
0xab: {  	_ =	task [dreg:s6], $0x5FFFF  }
0xac: {  	[dreg:$0x1] =	wrdreg $0xFFFFFFFF  }
0xad: {  	[dreg:$0x0] =	wrdreg $0x60  }
0xae: {  	[dreg:$0x2] =	wrdreg s24  }
0xaf: {  	[dreg:$0x3] =	wrdreg $0xA8000  }
0xb0: {  	[dreg:$0x4] =	wrdreg $0x9  }
0xb1: {  	_ =	task.clear_ibuf [dreg:s6], $0x5FFFF;
	_ =	strace $0x90000049  }
0xb2: {  	s29 =	simm.s32 $0x9;
	_ =	strace $0x8000004B  }
0xb3: {  	_ =	swait.ge [sflag:s29], $0x1  }
0xb4: {  	[sflag:s29] =	ssyncadd.s32 $0xFFFFFFFF  }
0xb5: {  	_ =	strace $0x9000004B  }
0xb6: {  	_ =	sfence  }
0xb7: {  	s30 =	sld [smem:$0x0];
	_ =	sdelay $0x2  }
0xb8: {  	s31 =	sshll.u32 s1, $0xD;
	s1 =	sshrl.u32 s1, $0x2  }
0xb9: {  	s3 =	sand.u32 $0x4000, s31;
	s1 =	sadd.s32 s1, s30  }
0xba: {  	s0 =	sor.u32 s3, s0;
	s1 =	sshll.u32 s1, $0x11  }
0xbb: {  	s0 =	sor.u32 s1, s0  }
0xbc: {  	s0 =	sadd.s32 $0x8F2B, s0  }
0xbd: {  	[sflag:s0] =	ssyncadd.remote.s32 $0x1  }
0xbe: {  	_ =	sfence.sel $0xFFFF  }
0xbf: {  	[dreg:$0x0] =	wrdreg $0xFFFFFFFF;
	(pc) =	sbr.abs _section_cstart, $3  }
0xc0: {  	[dreg:$0x1] =	wrdreg $0xFFFFFFFF  }
0xc1: {  	_ =	task.clear_ibuf [dreg:s6], $0x2FFFF;
	_ =	strace $0x9FFFFFFF  }
0xc2: {  	(tm) =	ssettm $0x7FFFFFFF  }
0xc3: {  	_ =	shalt  }
tec
execute0_lowered:
.L_overlay_start_1:
0x0: {  	(tag) =	ssettag $0x1  }
0x1: {  	s6 =	rddreg [dreg:$0x0]  }
0x2: {  	s1 =	rddreg [dreg:$0x1]  }
0x3: {  	s2 =	srdreg.scid;
	s0 =	rddreg [dreg:$0x2]  }
0x4: {  	s3 =	simm.s32 $0x0;
	s15 =	simm.s32 $0x1400;
	s16 =	simm.s32 $0x80  }
0x5: {  	s17 =	simm.s32 $0x2800;
	s18 =	simm.s32 $0x1;
	s7 =	sand.u32 $0x1, s2  }
0x6: {  	s19 =	simm.s32 $0x6800;
	s2 =	stileid.u32;
	s5 =	smul.u32 $0x280, s7  }
0x7: {  	s20 =	simm.s32 $0x2;
	s21 =	simm.s32 $0x1480;
	s8 =	smul.u32 $0x28, s2  }
0x8: {  	s22 =	simm.s32 $0x3;
	s28 =	simm.s32 $0x0;
	s24 =	smul.u32 $0x2700, s2  }
0x9: {  	[smem:$0x7FF] =	sst s3;
	s4 =	sadd.s32 $0x158E00, s6;
	s9 =	smul.u32 $0x27100, s7  }
0xa: {  	_ =	strace $0x8000004A;
	s10 =	smul.u32 $0x4E000, s2;
	s7 =	ssub.s32 $0x2, s7  }
0xb: {  	s31 =	sshll.u32 s2, $0x6;
	s29 =	sshrl.u32 s7, $0x1;
	s8 =	sadd.s32 s8, s5  }
0xc: {  	s5 =	sadd.s32 $0x180000, s6;
	s26 =	sadd.s32 s24, s6;
	s12 =	sadd.s32 s9, s6  }
0xd: {  	s30 =	sshrl.u32 s10, $0x2;
	s13 =	ssub.s32 s7, s29;
	s9 =	sor.u32 $0x1C05, s31  }
0xe: {  	s8 =	sshll.u32 s8, $0x4;
	s14 =	sadd.s32 s30, s1;
	s23 =	sadd.s32 $0xC600, s12  }
.Ltmp0:
0xf: {  	s25 =	sadd.s32 $0x32DA00, s12;
	s12 =	smax.u32 s13, $0x1;
	(pc) =	sbr.rel .LBB2_1-.Ltmp0, $4  }
0x10: {  	s11 =	sadd.s32 s8, s6;
	s6 =	sadd.s32 $0x5AA00, s26;
	s13 =	sshrl.u32 s14, $0x3  }
0x11: {  	s14 =	simm.s32 $0x5;
	s23 =	sadd.s32 s24, s23;
	s24 =	sadd.s32 s24, s25  }
0x12: {  	s25 =	simm.s32 $0x100;
	s7 =	sadd.s32 $0x149E00, s11;
	s8 =	sadd.s32 $0x153E00, s11  }
0x13: {  	s26 =	simm.s32 $0x4;
	s10 =	sadd.s32 $0x14EE00, s11;
	s11 =	sadd.s32 $0x144E00, s11  }
.LBB2_7:
0x14: {  	_ =	swait.ge [sflag:s26], $0x4000  }
0x15: {  	[sflag:s26] =	ssyncset.done $0x0  }
0x16: {  	s28 =	sadd.s32 $0x1, s28;
	[sflag:s26] =	ssyncadd.s32 $0xFFFFC000  }
0x17: {  	p0 =	sne.s32 s28, s12;
	[bflag:$0x0] =	sbarrier.arrive $0xFFFF  }
0x18: {  	[hbm:s24], [sflag:s9] =	dma.local [spmem:s13], $0x2800  }
.Ltmp1:
0x19: {  	_ =	swait.ge [sflag:s14], $0x2800;
	(pc) =	sbr.rel @!p0 .LBB2_8-.Ltmp1, $3  }
0x1a: {  	[sflag:s14] =	ssyncset.done $0x0  }
0x1b: {  	[sflag:s14] =	ssyncadd.s32 $0xFFFFD800  }
0x1c: {  	[bflag:$0x0] =	sbarrier.arrive $0xFFFF;
	_ =	sdelay $0x1  }
.LBB2_1:
0x1d: {  	[spmem:s13], [sflag:s9] =	dma.local [hbm:s6], $0x2800  }
0x1e: {  	_ =	swait.ge [sflag:s14], $0x2800  }
0x1f: {  	[sflag:s14] =	ssyncset.done $0x0  }
0x20: {  	[sflag:s14] =	ssyncadd.s32 $0xFFFFD800  }
0x21: {  	[tilespmem:s3], [sflag:$0x5] =	stream.linear.gather [hbm4b:s7+s3], $0x1400, $0x38;
	[tilespmem:$0x1E480] =	vst v63  }
0x22: {  	_ =	swait.ge [sflag:s14], $0x1400  }
0x23: {  	[sflag:s14] =	ssyncset.done $0x0  }
0x24: {  	[sflag:s14] =	ssyncadd.s32 $0xFFFFEC00  }
0x25: {  	[tilespmem:s15], [sflag:$0x5] =	stream.linear.gather [hbm4b:s8+s3], $0x1400, $0x38;
	[tilespmem:$0x1E480] =	vst v63  }
0x26: {  	_ =	swait.ge [sflag:s14], $0x1400  }
0x27: {  	[sflag:s14] =	ssyncset.done $0x0  }
0x28: {  	[sflag:s14] =	ssyncadd.s32 $0xFFFFEC00  }
0x29: {  	[bflag:$0x0] =	sbarrier.arrive $0xFFFF  }
0x2a: {  	[tilespmem:s17], [sflag:$0x1] =	stream.indirect.gather [hbm4b:s4+s16], $0x80, s3, s16, $0xb8;
	[tilespmem:$0x1E480] =	vst v63  }
0x2b: {  	_ =	swait.ge [sflag:s18], $0x4000  }
0x2c: {  	[sflag:s18] =	ssyncset.done $0x0  }
0x2d: {  	[sflag:s18] =	ssyncadd.s32 $0xFFFFC000  }
0x2e: {  	[spmem:s1] =	stream.indirect.scatter.add.f32 [tilespmem:s17], [sflag:$0x3], $0x80, s15, s16, $0xb8;
	[tilespmem:$0x1E480] =	vst v63  }
0x2f: {  	_ = 	snop  }
0x30: {  	[tilespmem:s19], [sflag:$0x2] =	stream.indirect.gather [hbm4b:s4+s16], $0x80, s16, s16, $0xb8;
	[tilespmem:$0x1E480] =	vst v63  }
0x31: {  	_ =	swait.ge [sflag:s20], $0x4000  }
0x32: {  	[sflag:s20] =	ssyncset.done $0x0  }
0x33: {  	[sflag:s20] =	ssyncadd.s32 $0xFFFFC000  }
0x34: {  	[spmem:s1] =	stream.indirect.scatter.add.f32 [tilespmem:s19], [sflag:$0x4], $0x80, s21, s16, $0xb8;
	[tilespmem:$0x1E480] =	vst v63  }
0x35: {  	_ =	swait.ge [sflag:s22], $0x4000  }
0x36: {  	[sflag:s22] =	ssyncset.done $0x0  }
0x37: {  	s29 =	simm.s32 $0xFFFFB800;
	[sflag:s22] =	ssyncadd.s32 $0xFFFFC000  }
0x38: {  	[tilespmem:s17], [sflag:$0x1] =	stream.indirect.gather [hbm4b:s4+s16], $0x80, s25, s16, $0xb8;
	[tilespmem:$0x1E480] =	vst v63  }
.LBB2_2:
0x39: {  	_ =	swait.ge [sflag:s18], $0x4000  }
0x3a: {  	s30 =	sshra.s32 s29, $0x2;
	[sflag:s18] =	ssyncset.done $0x0  }
0x3b: {  	s31 =	sadd.s32 $0x2700, s30;
	[sflag:s18] =	ssyncadd.s32 $0xFFFFC000  }
0x3c: {  	[spmem:s1] =	stream.indirect.scatter.add.f32 [tilespmem:s17], [sflag:$0x3], $0x80, s31, s16, $0xb8;
	[tilespmem:$0x1E480] =	vst v63  }
0x3d: {  	_ =	swait.ge [sflag:s26], $0x4000  }
0x3e: {  	[sflag:s26] =	ssyncset.done $0x0  }
0x3f: {  	s31 =	sadd.s32 $0x1380, s30;
	[sflag:s26] =	ssyncadd.s32 $0xFFFFC000  }
0x40: {  	[tilespmem:s19], [sflag:$0x2] =	stream.indirect.gather [hbm4b:s4+s16], $0x80, s31, s16, $0xb8;
	[tilespmem:$0x1E480] =	vst v63  }
0x41: {  	_ =	swait.ge [sflag:s20], $0x4000  }
0x42: {  	p0 =	seq.s32 s29, $0x0;
	[sflag:s20] =	ssyncset.done $0x0  }
.Ltmp2:
0x43: {  	s31 =	sadd.s32 $0x2780, s30;
	[sflag:s20] =	ssyncadd.s32 $0xFFFFC000;
	(pc) =	sbr.rel @p0 .LBB2_4-.Ltmp2, $4  }
0x44: {  	[spmem:s1] =	stream.indirect.scatter.add.f32 [tilespmem:s19], [sflag:$0x4], $0x80, s31, s16, $0xb8;
	[tilespmem:$0x1E480] =	vst v63  }
0x45: {  	_ =	swait.ge [sflag:s22], $0x4000  }
0x46: {  	[sflag:s22] =	ssyncset.done $0x0  }
0x47: {  	[sflag:s22] =	ssyncadd.s32 $0xFFFFC000  }
.Ltmp3:
0x48: {  	(pc) =	sbr.rel .LBB2_2-.Ltmp3, $3  }
0x49: {  	_ =	sdelay $0x1  }
0x4a: {  	s30 =	sadd.s32 $0x1400, s30;
	s29 =	sadd.s32 $0x400, s29  }
0x4b: {  	[tilespmem:s17], [sflag:$0x1] =	stream.indirect.gather [hbm4b:s4+s16], $0x80, s30, s16, $0xb8;
	[tilespmem:$0x1E480] =	vst v63  }
.LBB2_4:
0x4c: {  	_ =	swait.ge [sflag:s26], $0x4000  }
0x4d: {  	[sflag:s26] =	ssyncset.done $0x0  }
0x4e: {  	[sflag:s26] =	ssyncadd.s32 $0xFFFFC000  }
0x4f: {  	[bflag:$0x0] =	sbarrier.arrive $0xFFFF  }
0x50: {  	[hbm:s23], [sflag:s9] =	dma.local [spmem:s13], $0x2800  }
0x51: {  	_ =	swait.ge [sflag:s14], $0x2800  }
0x52: {  	[sflag:s14] =	ssyncset.done $0x0  }
0x53: {  	[sflag:s14] =	ssyncadd.s32 $0xFFFFD800  }
0x54: {  	[bflag:$0x0] =	sbarrier.arrive $0xFFFF  }
0x55: {  	[spmem:s13], [sflag:s9] =	dma.local [hbm:s6], $0x2800  }
0x56: {  	_ =	swait.ge [sflag:s14], $0x2800  }
0x57: {  	[sflag:s14] =	ssyncset.done $0x0  }
0x58: {  	[sflag:s14] =	ssyncadd.s32 $0xFFFFD800  }
0x59: {  	[tilespmem:s3], [sflag:$0x5] =	stream.linear.gather [hbm4b:s10+s3], $0x1400, $0x38;
	[tilespmem:$0x1E480] =	vst v63  }
0x5a: {  	_ =	swait.ge [sflag:s14], $0x1400  }
0x5b: {  	[sflag:s14] =	ssyncset.done $0x0  }
0x5c: {  	[sflag:s14] =	ssyncadd.s32 $0xFFFFEC00  }
0x5d: {  	[tilespmem:s15], [sflag:$0x5] =	stream.linear.gather [hbm4b:s11+s3], $0x1400, $0x38;
	[tilespmem:$0x1E480] =	vst v63  }
0x5e: {  	_ =	swait.ge [sflag:s14], $0x1400  }
0x5f: {  	[sflag:s14] =	ssyncset.done $0x0  }
0x60: {  	[sflag:s14] =	ssyncadd.s32 $0xFFFFEC00  }
0x61: {  	[bflag:$0x0] =	sbarrier.arrive $0xFFFF  }
0x62: {  	[tilespmem:s17], [sflag:$0x1] =	stream.indirect.gather [hbm4b:s5+s16], $0x80, s3, s16, $0xb8;
	[tilespmem:$0x1E480] =	vst v63  }
0x63: {  	_ =	swait.ge [sflag:s18], $0x4000  }
0x64: {  	[sflag:s18] =	ssyncset.done $0x0  }
0x65: {  	[sflag:s18] =	ssyncadd.s32 $0xFFFFC000  }
0x66: {  	[spmem:s1] =	stream.indirect.scatter.add.f32 [tilespmem:s17], [sflag:$0x3], $0x80, s15, s16, $0xb8;
	[tilespmem:$0x1E480] =	vst v63  }
0x67: {  	_ = 	snop  }
0x68: {  	[tilespmem:s19], [sflag:$0x2] =	stream.indirect.gather [hbm4b:s5+s16], $0x80, s16, s16, $0xb8;
	[tilespmem:$0x1E480] =	vst v63  }
0x69: {  	_ =	swait.ge [sflag:s20], $0x4000  }
0x6a: {  	[sflag:s20] =	ssyncset.done $0x0  }
0x6b: {  	[sflag:s20] =	ssyncadd.s32 $0xFFFFC000  }
0x6c: {  	[spmem:s1] =	stream.indirect.scatter.add.f32 [tilespmem:s19], [sflag:$0x4], $0x80, s21, s16, $0xb8;
	[tilespmem:$0x1E480] =	vst v63  }
0x6d: {  	_ =	swait.ge [sflag:s22], $0x4000  }
0x6e: {  	[sflag:s22] =	ssyncset.done $0x0  }
0x6f: {  	s29 =	simm.s32 $0xFFFFB800;
	[sflag:s22] =	ssyncadd.s32 $0xFFFFC000  }
0x70: {  	[tilespmem:s17], [sflag:$0x1] =	stream.indirect.gather [hbm4b:s5+s16], $0x80, s25, s16, $0xb8;
	[tilespmem:$0x1E480] =	vst v63  }
.LBB2_5:
0x71: {  	_ =	swait.ge [sflag:s18], $0x4000  }
0x72: {  	s30 =	sshra.s32 s29, $0x2;
	[sflag:s18] =	ssyncset.done $0x0  }
0x73: {  	s31 =	sadd.s32 $0x2700, s30;
	[sflag:s18] =	ssyncadd.s32 $0xFFFFC000  }
0x74: {  	[spmem:s1] =	stream.indirect.scatter.add.f32 [tilespmem:s17], [sflag:$0x3], $0x80, s31, s16, $0xb8;
	[tilespmem:$0x1E480] =	vst v63  }
0x75: {  	_ =	swait.ge [sflag:s26], $0x4000  }
0x76: {  	[sflag:s26] =	ssyncset.done $0x0  }
0x77: {  	s31 =	sadd.s32 $0x1380, s30;
	[sflag:s26] =	ssyncadd.s32 $0xFFFFC000  }
0x78: {  	[tilespmem:s19], [sflag:$0x2] =	stream.indirect.gather [hbm4b:s5+s16], $0x80, s31, s16, $0xb8;
	[tilespmem:$0x1E480] =	vst v63  }
0x79: {  	_ =	swait.ge [sflag:s20], $0x4000  }
0x7a: {  	p0 =	seq.s32 s29, $0x0;
	[sflag:s20] =	ssyncset.done $0x0  }
.Ltmp4:
0x7b: {  	s31 =	sadd.s32 $0x2780, s30;
	[sflag:s20] =	ssyncadd.s32 $0xFFFFC000;
	(pc) =	sbr.rel @p0 .LBB2_7-.Ltmp4, $4  }
0x7c: {  	[spmem:s1] =	stream.indirect.scatter.add.f32 [tilespmem:s19], [sflag:$0x4], $0x80, s31, s16, $0xb8;
	[tilespmem:$0x1E480] =	vst v63  }
0x7d: {  	_ =	swait.ge [sflag:s22], $0x4000  }
0x7e: {  	[sflag:s22] =	ssyncset.done $0x0  }
0x7f: {  	[sflag:s22] =	ssyncadd.s32 $0xFFFFC000  }
.Ltmp5:
0x80: {  	(pc) =	sbr.rel .LBB2_5-.Ltmp5, $3  }
0x81: {  	_ =	sdelay $0x1  }
0x82: {  	s30 =	sadd.s32 $0x1400, s30;
	s29 =	sadd.s32 $0x400, s29  }
0x83: {  	[tilespmem:s17], [sflag:$0x1] =	stream.indirect.gather [hbm4b:s5+s16], $0x80, s30, s16, $0xb8;
	[tilespmem:$0x1E480] =	vst v63  }
.LBB2_8:
0x84: {  	_ =	sfence.sel $0x180000  }
0x85: {  	[bflag:$0x0] =	sbarrier.arrive $0xFFFF  }
0x86: {  	p0 =	sne.s32 s2, $0x0;
	_ =	strace $0x9000004A  }
0x87: {  	s0 =	sadd.s32 @!p0 $0x100000, s0;
	[bflag:$0x2] =	sbarrier.arrive $0xFFFF  }
0x88: {  	[sflag:s0] =	ssyncadd.tile.s32 @!p0 $0x1;
	_ =	shalt  }
.Lfunc_end2:
_tile_overlayer_lowered:
.L_overlay_start_2:
0x89: {  	(tag) =	ssettag $0x2  }
0x8a: {  	s0 =	rddreg [dreg:$0x0];
	s2 =	stileid.u32  }
0x8b: {  	s1 =	rddreg [dreg:$0x1];
	p0 =	sne.s32 s2, $0x0  }
0x8c: {  	s3 =	rddreg [dreg:$0x2];
	[bflag:$0x3] =	sbarrier.arrive $0xFFFF;
	s2 =	simm.s32 @!p0 $0x1C05  }
0x8d: {  	[timem:s3], [sflag:s2] =	dma.local @!p0 [hbm:s0], s1  }
0x8e: {  	s0 =	simm.s32 @!p0 $0x5  }
0x8f: {  	_ =	swait.ge @!p0 [sflag:s0], s1  }
0x90: {  	s1 =	ssub.s32 @!p0 $0x0, s1;
	[sflag:s0] =	ssyncset.done @!p0 $0x0  }
0x91: {  	[sflag:s0] =	ssyncadd.s32 @!p0 s1  }
0x92: {  	[bflag:$0x3] =	sbarrier.arrive $0xFFFF  }
0x93: {  	_ =	shalt  }

// kernel: kernel.21.cloned.1.call-start
scs
__scs_entry_jumppad:
0x0: {  	(pc) =	sbr.rel $0x88, $3  }
0x1: {  	(tag) =	ssettag $0x0;
	lr =	simm.s32 $0x1  }
0x2: {  	[smem:$0x3F61] =	sst lr;
	_ =	strace $0xD0000000  }
0x3: {  	_ = 	snop  }
0x4: {  	_ = 	snop  }
0x5: {  	_ = 	snop  }
0x6: {  	_ = 	snop  }
0x7: {  	_ = 	snop  }
__scs_overlays_trampoline_lowered:
0x8: {  	[smem:$0x3F70] =	sst s0  }
0x9: {  	[smem:$0x3F71] =	sst s1  }
0xa: {  	[smem:$0x3F72] =	sst s2  }
0xb: {  	[smem:$0x3F73] =	sst s3  }
0xc: {  	[smem:$0x3F74] =	sst s4  }
0xd: {  	[smem:$0x3F75] =	sst s5  }
0xe: {  	[smem:$0x3F76] =	sst s6  }
0xf: {  	[smem:$0x3F77] =	sst s7  }
0x10: {  	[smem:$0x3F78] =	sst s8  }
0x11: {  	[smem:$0x3F79] =	sst s9;
	s0 =	simm.s32 @!p0 $0x0  }
0x12: {  	s1 =	sld [smem:$0x3F5F];
	s0 =	simm.s32 @p0 $0x1  }
0x13: {  	[smem:$0x3F7A] =	sst s0;
	s0 =	simm.s32 @!p1 $0x0  }
0x14: {  	s2 =	sld [smem:$0x3F5E];
	s0 =	simm.s32 @p1 $0x1  }
0x15: {  	[smem:$0x3F7B] =	sst s0;
	s0 =	simm.s32 @!p2 $0x0  }
0x16: {  	s3 =	sld [smem:$0x3FDB];
	s0 =	simm.s32 @p2 $0x1  }
0x17: {  	s4 =	simm.s32 $0x1BF5;
	[smem:$0x3F7D] =	sst s0  }
0x18: {  	s0 =	sld [smem:$0x3F60];
	_ =	swait.ge [sflag:s4], $0x0  }
0x19: {  	s7 =	sld [smem:$0x3F61]  }
0x1a: {  	s8 =	sadd.s32 $0xFFFFE003, lr  }
0x1b: {  	s9 =	sadd.s32 $0xFFFFFEF7, lr;
	s5 =	simm.s32 $0xFFFFFFFF;
	p2 =	slt.u32 s8, $0xFFFFF086  }
0x1c: {  	p1 =	slt.u32 s9, $0xF7A;
	s5 =	simm.s32 @!p2 $0x0  }
0x1d: {  	s5 =	simm.s32 @p1 $0x1;
	p0 =	seq.s32 s7, s2  }
0x1e: {  	s7 =	smul.u32 @!p0 $0xF7A, s2;
	p2 =	seq.s32 @!p0 s5, $0x0  }
0x1f: {  	s9 =	smul.u32 $0xF7A, s1;
	s8 =	simm.s32 @!p0 $0x1BF5;
	p2 =	por !p2, p0  }
0x20: {  	[sflag:s8] =	ssyncset.s32 @!p0 $0xFFFFF086;
	s6 =	sadd.s32 @!p0 s3, s7;
	s7 =	simm.s32 @!p0 $0x108  }
0x21: {  	s3 =	sadd.s32 s3, s9;
	s6 =	sadd.s32 @!p0 $0x88, s6;
	s7 =	simm.s32 @p2 $0x1082  }
0x22: {  	[simem:s7], [sflag:s8] =	dma.local @!p0 [hbm:s6], $0xF7A  }
0x23: {  	s9 =	sor.u32 $0xD0000000, s2;
	s6 =	simm.s32 $0x108;
	_ =	swait.ge @!p0 [sflag:s8], $0x0  }
0x24: {  	s3 =	sadd.s32 $0x88, s3;
	s6 =	simm.s32 @!p1 $0x1082;
	[sflag:s4] =	ssyncset.s32 $0xFFFFF086  }
0x25: {  	[simem:s6], [sflag:s4] =	dma.local [hbm:s3], $0xF7A  }
0x26: {  	[smem:$0x3F61] =	sst s1;
	(tag) =	ssettag s2;
	_ =	strace s9  }
0x27: {  	s1 =	sld [smem:$0x3F71]  }
0x28: {  	s2 =	sld [smem:$0x3F72]  }
0x29: {  	s4 =	sld [smem:$0x3F74]  }
0x2a: {  	p0 =	seq.s32 s5, $0x0;
	s5 =	sld [smem:$0x3F75]  }
0x2b: {  	s6 =	sld [smem:$0x3F76]  }
0x2c: {  	s7 =	sld [smem:$0x3F77]  }
0x2d: {  	s3 =	simm.s32 $0x108;
	s8 =	sld [smem:$0x3F78]  }
0x2e: {  	s3 =	simm.s32 @!p0 $0x1082;
	s9 =	sld [smem:$0x3F79]  }
0x2f: {  	lr =	sadd.s32 s0, s3;
	s0 =	sld [smem:$0x3F70]  }
0x30: {  	s3 =	sld [smem:$0x3F73]  }
0x31: {  	[smem:$0x3F7C] =	sst s10  }
0x32: {  	s10 =	sld [smem:$0x3F7A];
	_ =	sdelay $0x3  }
0x33: {  	p0 =	seq.s32 s10, $0x1;
	s10 =	sld [smem:$0x3F7C];
	_ =	sdelay $0x3  }
0x34: {  	[smem:$0x3F7C] =	sst s10  }
0x35: {  	s10 =	sld [smem:$0x3F7B];
	_ =	sdelay $0x3  }
0x36: {  	p1 =	seq.s32 s10, $0x1;
	s10 =	sld [smem:$0x3F7C];
	_ =	sdelay $0x3  }
0x37: {  	[smem:$0x3F7C] =	sst s10  }
0x38: {  	s10 =	sld [smem:$0x3F7D]  }
0x39: {  	_ = 	snop;
	(pc) =	sbr.ind lr, $3  }
0x3a: {  	_ = 	snop  }
0x3b: {  	_ = 	snop  }
0x3c: {  	p2 =	seq.s32 s10, $0x1;
	s10 =	sld [smem:$0x3F7C]  }
0x3d: {  	_ =	shalt  }
0x3e: {  	_ =	shalt  }
0x3f: {  	_ =	shalt  }
0x40: {  	_ =	shalt  }
0x41: {  	_ =	shalt  }
0x42: {  	_ =	shalt  }
0x43: {  	_ =	shalt  }
0x44: {  	_ =	shalt  }
0x45: {  	_ =	shalt  }
0x46: {  	_ =	shalt  }
0x47: {  	_ =	shalt  }
0x48: {  	_ =	shalt  }
0x49: {  	_ =	shalt  }
0x4a: {  	_ =	shalt  }
0x4b: {  	_ =	shalt  }
0x4c: {  	_ =	shalt  }
0x4d: {  	_ =	shalt  }
0x4e: {  	_ =	shalt  }
0x4f: {  	_ =	shalt  }
0x50: {  	_ =	shalt  }
0x51: {  	_ =	shalt  }
0x52: {  	_ =	shalt  }
0x53: {  	_ =	shalt  }
0x54: {  	_ =	shalt  }
0x55: {  	_ =	shalt  }
0x56: {  	_ =	shalt  }
0x57: {  	_ =	shalt  }
0x58: {  	_ =	shalt  }
0x59: {  	_ =	shalt  }
0x5a: {  	_ =	shalt  }
0x5b: {  	_ =	shalt  }
0x5c: {  	_ =	shalt  }
0x5d: {  	_ =	shalt  }
0x5e: {  	_ =	shalt  }
0x5f: {  	_ =	shalt  }
0x60: {  	_ =	shalt  }
0x61: {  	_ =	shalt  }
0x62: {  	_ =	shalt  }
0x63: {  	_ =	shalt  }
0x64: {  	_ =	shalt  }
0x65: {  	_ =	shalt  }
0x66: {  	_ =	shalt  }
0x67: {  	_ =	shalt  }
0x68: {  	_ =	shalt  }
0x69: {  	_ =	shalt  }
0x6a: {  	_ =	shalt  }
0x6b: {  	_ =	shalt  }
0x6c: {  	_ =	shalt  }
0x6d: {  	_ =	shalt  }
0x6e: {  	_ =	shalt  }
0x6f: {  	_ =	shalt  }
0x70: {  	_ =	shalt  }
0x71: {  	_ =	shalt  }
0x72: {  	_ =	shalt  }
0x73: {  	_ =	shalt  }
0x74: {  	_ =	shalt  }
0x75: {  	_ =	shalt  }
0x76: {  	_ =	shalt  }
0x77: {  	_ =	shalt  }
0x78: {  	_ =	shalt  }
0x79: {  	_ =	shalt  }
0x7a: {  	_ =	shalt  }
0x7b: {  	_ =	shalt  }
0x7c: {  	_ =	shalt  }
0x7d: {  	_ =	shalt  }
0x7e: {  	_ =	shalt  }
0x7f: {  	_ =	shalt  }
0x80: {  	_ =	shalt  }
0x81: {  	_ =	shalt  }
0x82: {  	_ =	shalt  }
0x83: {  	_ =	shalt  }
0x84: {  	_ =	shalt  }
0x85: {  	_ =	shalt  }
0x86: {  	_ =	shalt  }
0x87: {  	_ =	shalt  }
.Lfunc_end0:
.L_simem_size_0:
called_computation.2_lowered:
.L_overlay_start_0:
0x88: {  	s2 =	sld [smem:$0x3FD9]  }
0x89: {  	s3 =	sld [smem:$0x3FFE];
	_ =	sdelay $0x1  }
0x8a: {  	s1 =	srdreg.scid  }
0x8b: {  	s0 =	sand.u32 $0x1, s1  }
0x8c: {  	s16 =	sshll.u32 s0, $0xA;
	s2 =	sadd.s32 s3, s2  }
0x8d: {  	s2 =	sadd.s32 s2, s16  }
0x8e: {  	[smem:$0x3F88] =	sst s2  }
0x8f: {  	_ = 	snop  }
0x90: {  	(tm) =	ssettm $0x1  }
0x91: {  	s17 =	sld [smem:$0x3FFB];
	_ =	sdelay $0x3  }
0x92: {  	_ =	strace s17  }
0x93: {  	s2 =	sld [smem:$0x3FFC];
	_ =	sdelay $0x3  }
0x94: {  	_ =	strace s2  }
0x95: {  	s2 =	sld [smem:$0x3FFD];
	_ =	sdelay $0x3  }
0x96: {  	_ =	strace s2  }
0x97: {  	_ =	strace $0x8FFFFFFF  }
0x98: {  	s18 =	sld [smem:$0x3FDB];
	_ =	sdelay $0x1  }
0x99: {  	s19 =	simm.s32 $_scs_section_size  }
0x9a: {  	s4 =	simm.s32 $_size__tile_overlayer_lowered;
	s5 =	simm.s32 $_tile_overlayer_lowered  }
0x9b: {  	s22 =	simm.s32 $0x1BFF;
	s21 =	sshll.u32 s5, $0x1;
	s2 =	sadd.s32 s19, s18  }
0x9c: {  	s6 =	simm.s32 $0x0;
	s20 =	sshll.u32 s4, $0x1;
	s4 =	sadd.s32 s21, s2  }
0x9d: {  	[timem:s6], [sflag:s22] =	dma.local [hbm:s4], s20  }
0x9e: {  	_ =	swait.ge [sflag:s22], s20  }
0x9f: {  	s3 =	ssub.s32 $0x0, s20;
	[sflag:s22] =	ssyncset.done $0x0  }
0xa0: {  	[sflag:s22] =	ssyncadd.s32 s3;
	_ =	sdelay $0x1  }
0xa1: {  	s23 =	simm.s32 $0x1B8B  }
0xa2: {  	_ =	swait.ge [sflag:s23], $0x1  }
0xa3: {  	[sflag:s23] =	ssyncset.done $0x0  }
0xa4: {  	s25 =	simm.s32 $0x1B8E;
	s24 =	sld [smem:$0x3FFE];
	[sflag:s23] =	ssyncadd.s32 $0xFFFFFFFF  }
0xa5: {  	s26 =	simm.s32 $execute0_lowered;
	[smem:$0x3FD2] =	sst s25  }
0xa6: {  	s4 =	sshll.u32 s26, $0x1;
	_ =	strace $0x8000004C;
	[dreg:$0x1] =	wrdreg $0xFFFFFFFF  }
0xa7: {  	s28 =	simm.s32 $_size_execute0_lowered;
	s2 =	sadd.s32 s2, s4;
	[dreg:$0x0] =	wrdreg $0x0  }
0xa8: {  	s4 =	sshll.u32 s28, $0x1;
	[dreg:$0x2] =	wrdreg s2  }
0xa9: {  	[dreg:$0x3] =	wrdreg s4  }
0xaa: {  	[dreg:$0x4] =	wrdreg $0xC0  }
0xab: {  	_ =	task [dreg:s6], $0x5FFFF  }
0xac: {  	[dreg:$0x1] =	wrdreg $0xFFFFFFFF  }
0xad: {  	[dreg:$0x0] =	wrdreg $0x60  }
0xae: {  	[dreg:$0x2] =	wrdreg s24  }
0xaf: {  	[dreg:$0x3] =	wrdreg $0xA8000  }
0xb0: {  	[dreg:$0x4] =	wrdreg $0x9  }
0xb1: {  	_ =	task.clear_ibuf [dreg:s6], $0x5FFFF;
	_ =	strace $0x9000004C  }
0xb2: {  	s29 =	simm.s32 $0x9;
	_ =	strace $0x8000004E  }
0xb3: {  	_ =	swait.ge [sflag:s29], $0x1  }
0xb4: {  	[sflag:s29] =	ssyncadd.s32 $0xFFFFFFFF  }
0xb5: {  	_ =	strace $0x9000004E  }
0xb6: {  	_ =	sfence  }
0xb7: {  	s30 =	sld [smem:$0x0];
	_ =	sdelay $0x2  }
0xb8: {  	s31 =	sshll.u32 s1, $0xD;
	s1 =	sshrl.u32 s1, $0x2  }
0xb9: {  	s3 =	sand.u32 $0x4000, s31;
	s1 =	sadd.s32 s1, s30  }
0xba: {  	s0 =	sor.u32 s3, s0;
	s1 =	sshll.u32 s1, $0x11  }
0xbb: {  	s0 =	sor.u32 s1, s0  }
0xbc: {  	s0 =	sadd.s32 $0x8F2B, s0  }
0xbd: {  	[sflag:s0] =	ssyncadd.remote.s32 $0x1  }
0xbe: {  	_ =	sfence.sel $0xFFFF  }
0xbf: {  	[dreg:$0x0] =	wrdreg $0xFFFFFFFF;
	(pc) =	sbr.abs _section_cstart, $3  }
0xc0: {  	[dreg:$0x1] =	wrdreg $0xFFFFFFFF  }
0xc1: {  	_ =	task.clear_ibuf [dreg:s6], $0x2FFFF;
	_ =	strace $0x9FFFFFFF  }
0xc2: {  	(tm) =	ssettm $0x7FFFFFFF  }
0xc3: {  	_ =	shalt  }
tec
execute0_lowered:
.L_overlay_start_1:
0x0: {  	(tag) =	ssettag $0x1  }
0x1: {  	s6 =	rddreg [dreg:$0x0]  }
0x2: {  	s2 =	rddreg [dreg:$0x1]  }
0x3: {  	s0 =	srdreg.scid;
	s1 =	rddreg [dreg:$0x2]  }
0x4: {  	s3 =	simm.s32 $0x0;
	s15 =	simm.s32 $0x1400;
	s16 =	simm.s32 $0x80  }
0x5: {  	s17 =	simm.s32 $0x2800;
	s18 =	simm.s32 $0x1;
	s7 =	sand.u32 $0x1, s0  }
0x6: {  	s19 =	simm.s32 $0x6800;
	s0 =	stileid.u32;
	s4 =	smul.u32 $0x280, s7  }
0x7: {  	s20 =	simm.s32 $0x2;
	s21 =	simm.s32 $0x1480;
	s5 =	smul.u32 $0x28, s0  }
0x8: {  	s22 =	simm.s32 $0x3;
	[smem:$0x7FF] =	sst s3;
	s24 =	smul.u32 $0x2700, s0  }
0x9: {  	s28 =	simm.s32 $0x0;
	_ =	strace $0x8000004D;
	s9 =	smul.u32 $0x27100, s7  }
0xa: {  	s29 =	ssub.s32 $0x2, s7;
	s30 =	smul.u32 $0x4E000, s0;
	s10 =	sshll.u32 s0, $0x6  }
0xb: {  	s7 =	sshrl.u32 s29, $0x1;
	s4 =	sadd.s32 s5, s4;
	s5 =	sadd.s32 $0x33800, s6  }
0xc: {  	s26 =	sadd.s32 s24, s6;
	s12 =	sadd.s32 s9, s6;
	s13 =	ssub.s32 s29, s7  }
0xd: {  	s7 =	sor.u32 $0x1C05, s10;
	s31 =	sshrl.u32 s30, $0x2;
	s8 =	sshll.u32 s4, $0x4  }
0xe: {  	s4 =	sadd.s32 $0xC600, s6;
	s14 =	sadd.s32 s31, s2;
	s23 =	sadd.s32 $0x158E00, s12  }
.Ltmp0:
0xf: {  	s25 =	sadd.s32 $0x81C00, s12;
	s12 =	smax.u32 s13, $0x1;
	(pc) =	sbr.rel .LBB2_1-.Ltmp0, $4  }
0x10: {  	s11 =	sadd.s32 s8, s6;
	s6 =	sadd.s32 $0x5AA00, s26;
	s13 =	sshrl.u32 s14, $0x3  }
0x11: {  	s14 =	simm.s32 $0x5;
	s23 =	sadd.s32 s24, s23;
	s24 =	sadd.s32 s24, s25  }
0x12: {  	s25 =	simm.s32 $0x100;
	s8 =	sadd.s32 $0x149E00, s11;
	s9 =	sadd.s32 $0x153E00, s11  }
0x13: {  	s26 =	simm.s32 $0x4;
	s10 =	sadd.s32 $0x14EE00, s11;
	s11 =	sadd.s32 $0x144E00, s11  }
.LBB2_7:
0x14: {  	_ =	swait.ge [sflag:s26], $0x4000  }
0x15: {  	[sflag:s26] =	ssyncset.done $0x0  }
0x16: {  	s28 =	sadd.s32 $0x1, s28;
	[sflag:s26] =	ssyncadd.s32 $0xFFFFC000  }
0x17: {  	p0 =	sne.s32 s28, s12;
	[bflag:$0x0] =	sbarrier.arrive $0xFFFF  }
0x18: {  	[hbm:s24], [sflag:s7] =	dma.local [spmem:s13], $0x2800  }
.Ltmp1:
0x19: {  	_ =	swait.ge [sflag:s14], $0x2800;
	(pc) =	sbr.rel @!p0 .LBB2_8-.Ltmp1, $3  }
0x1a: {  	[sflag:s14] =	ssyncset.done $0x0  }
0x1b: {  	[sflag:s14] =	ssyncadd.s32 $0xFFFFD800  }
0x1c: {  	[bflag:$0x0] =	sbarrier.arrive $0xFFFF;
	_ =	sdelay $0x1  }
.LBB2_1:
0x1d: {  	[spmem:s13], [sflag:s7] =	dma.local [hbm:s6], $0x2800  }
0x1e: {  	_ =	swait.ge [sflag:s14], $0x2800  }
0x1f: {  	[sflag:s14] =	ssyncset.done $0x0  }
0x20: {  	[sflag:s14] =	ssyncadd.s32 $0xFFFFD800  }
0x21: {  	[tilespmem:s3], [sflag:$0x5] =	stream.linear.gather [hbm4b:s8+s3], $0x1400, $0x38;
	[tilespmem:$0x1E480] =	vst v63  }
0x22: {  	_ =	swait.ge [sflag:s14], $0x1400  }
0x23: {  	[sflag:s14] =	ssyncset.done $0x0  }
0x24: {  	[sflag:s14] =	ssyncadd.s32 $0xFFFFEC00  }
0x25: {  	[tilespmem:s15], [sflag:$0x5] =	stream.linear.gather [hbm4b:s9+s3], $0x1400, $0x38;
	[tilespmem:$0x1E480] =	vst v63  }
0x26: {  	_ =	swait.ge [sflag:s14], $0x1400  }
0x27: {  	[sflag:s14] =	ssyncset.done $0x0  }
0x28: {  	[sflag:s14] =	ssyncadd.s32 $0xFFFFEC00  }
0x29: {  	[bflag:$0x0] =	sbarrier.arrive $0xFFFF  }
0x2a: {  	[tilespmem:s17], [sflag:$0x1] =	stream.indirect.gather [hbm4b:s4+s16], $0x80, s3, s16, $0xb8;
	[tilespmem:$0x1E480] =	vst v63  }
0x2b: {  	_ =	swait.ge [sflag:s18], $0x4000  }
0x2c: {  	[sflag:s18] =	ssyncset.done $0x0  }
0x2d: {  	[sflag:s18] =	ssyncadd.s32 $0xFFFFC000  }
0x2e: {  	[spmem:s2] =	stream.indirect.scatter.add.f32 [tilespmem:s17], [sflag:$0x3], $0x80, s15, s16, $0xb8;
	[tilespmem:$0x1E480] =	vst v63  }
0x2f: {  	_ = 	snop  }
0x30: {  	[tilespmem:s19], [sflag:$0x2] =	stream.indirect.gather [hbm4b:s4+s16], $0x80, s16, s16, $0xb8;
	[tilespmem:$0x1E480] =	vst v63  }
0x31: {  	_ =	swait.ge [sflag:s20], $0x4000  }
0x32: {  	[sflag:s20] =	ssyncset.done $0x0  }
0x33: {  	[sflag:s20] =	ssyncadd.s32 $0xFFFFC000  }
0x34: {  	[spmem:s2] =	stream.indirect.scatter.add.f32 [tilespmem:s19], [sflag:$0x4], $0x80, s21, s16, $0xb8;
	[tilespmem:$0x1E480] =	vst v63  }
0x35: {  	_ =	swait.ge [sflag:s22], $0x4000  }
0x36: {  	[sflag:s22] =	ssyncset.done $0x0  }
0x37: {  	s29 =	simm.s32 $0xFFFFB800;
	[sflag:s22] =	ssyncadd.s32 $0xFFFFC000  }
0x38: {  	[tilespmem:s17], [sflag:$0x1] =	stream.indirect.gather [hbm4b:s4+s16], $0x80, s25, s16, $0xb8;
	[tilespmem:$0x1E480] =	vst v63  }
.LBB2_2:
0x39: {  	_ =	swait.ge [sflag:s18], $0x4000  }
0x3a: {  	s30 =	sshra.s32 s29, $0x2;
	[sflag:s18] =	ssyncset.done $0x0  }
0x3b: {  	s31 =	sadd.s32 $0x2700, s30;
	[sflag:s18] =	ssyncadd.s32 $0xFFFFC000  }
0x3c: {  	[spmem:s2] =	stream.indirect.scatter.add.f32 [tilespmem:s17], [sflag:$0x3], $0x80, s31, s16, $0xb8;
	[tilespmem:$0x1E480] =	vst v63  }
0x3d: {  	_ =	swait.ge [sflag:s26], $0x4000  }
0x3e: {  	[sflag:s26] =	ssyncset.done $0x0  }
0x3f: {  	s31 =	sadd.s32 $0x1380, s30;
	[sflag:s26] =	ssyncadd.s32 $0xFFFFC000  }
0x40: {  	[tilespmem:s19], [sflag:$0x2] =	stream.indirect.gather [hbm4b:s4+s16], $0x80, s31, s16, $0xb8;
	[tilespmem:$0x1E480] =	vst v63  }
0x41: {  	_ =	swait.ge [sflag:s20], $0x4000  }
0x42: {  	p0 =	seq.s32 s29, $0x0;
	[sflag:s20] =	ssyncset.done $0x0  }
.Ltmp2:
0x43: {  	s31 =	sadd.s32 $0x2780, s30;
	[sflag:s20] =	ssyncadd.s32 $0xFFFFC000;
	(pc) =	sbr.rel @p0 .LBB2_4-.Ltmp2, $4  }
0x44: {  	[spmem:s2] =	stream.indirect.scatter.add.f32 [tilespmem:s19], [sflag:$0x4], $0x80, s31, s16, $0xb8;
	[tilespmem:$0x1E480] =	vst v63  }
0x45: {  	_ =	swait.ge [sflag:s22], $0x4000  }
0x46: {  	[sflag:s22] =	ssyncset.done $0x0  }
0x47: {  	[sflag:s22] =	ssyncadd.s32 $0xFFFFC000  }
.Ltmp3:
0x48: {  	(pc) =	sbr.rel .LBB2_2-.Ltmp3, $3  }
0x49: {  	_ =	sdelay $0x1  }
0x4a: {  	s30 =	sadd.s32 $0x1400, s30;
	s29 =	sadd.s32 $0x400, s29  }
0x4b: {  	[tilespmem:s17], [sflag:$0x1] =	stream.indirect.gather [hbm4b:s4+s16], $0x80, s30, s16, $0xb8;
	[tilespmem:$0x1E480] =	vst v63  }
.LBB2_4:
0x4c: {  	_ =	swait.ge [sflag:s26], $0x4000  }
0x4d: {  	[sflag:s26] =	ssyncset.done $0x0  }
0x4e: {  	[sflag:s26] =	ssyncadd.s32 $0xFFFFC000  }
0x4f: {  	[bflag:$0x0] =	sbarrier.arrive $0xFFFF  }
0x50: {  	[hbm:s23], [sflag:s7] =	dma.local [spmem:s13], $0x2800  }
0x51: {  	_ =	swait.ge [sflag:s14], $0x2800  }
0x52: {  	[sflag:s14] =	ssyncset.done $0x0  }
0x53: {  	[sflag:s14] =	ssyncadd.s32 $0xFFFFD800  }
0x54: {  	[bflag:$0x0] =	sbarrier.arrive $0xFFFF  }
0x55: {  	[spmem:s13], [sflag:s7] =	dma.local [hbm:s6], $0x2800  }
0x56: {  	_ =	swait.ge [sflag:s14], $0x2800  }
0x57: {  	[sflag:s14] =	ssyncset.done $0x0  }
0x58: {  	[sflag:s14] =	ssyncadd.s32 $0xFFFFD800  }
0x59: {  	[tilespmem:s3], [sflag:$0x5] =	stream.linear.gather [hbm4b:s10+s3], $0x1400, $0x38;
	[tilespmem:$0x1E480] =	vst v63  }
0x5a: {  	_ =	swait.ge [sflag:s14], $0x1400  }
0x5b: {  	[sflag:s14] =	ssyncset.done $0x0  }
0x5c: {  	[sflag:s14] =	ssyncadd.s32 $0xFFFFEC00  }
0x5d: {  	[tilespmem:s15], [sflag:$0x5] =	stream.linear.gather [hbm4b:s11+s3], $0x1400, $0x38;
	[tilespmem:$0x1E480] =	vst v63  }
0x5e: {  	_ =	swait.ge [sflag:s14], $0x1400  }
0x5f: {  	[sflag:s14] =	ssyncset.done $0x0  }
0x60: {  	[sflag:s14] =	ssyncadd.s32 $0xFFFFEC00  }
0x61: {  	[bflag:$0x0] =	sbarrier.arrive $0xFFFF  }
0x62: {  	[tilespmem:s17], [sflag:$0x1] =	stream.indirect.gather [hbm4b:s5+s16], $0x80, s3, s16, $0xb8;
	[tilespmem:$0x1E480] =	vst v63  }
0x63: {  	_ =	swait.ge [sflag:s18], $0x4000  }
0x64: {  	[sflag:s18] =	ssyncset.done $0x0  }
0x65: {  	[sflag:s18] =	ssyncadd.s32 $0xFFFFC000  }
0x66: {  	[spmem:s2] =	stream.indirect.scatter.add.f32 [tilespmem:s17], [sflag:$0x3], $0x80, s15, s16, $0xb8;
	[tilespmem:$0x1E480] =	vst v63  }
0x67: {  	_ = 	snop  }
0x68: {  	[tilespmem:s19], [sflag:$0x2] =	stream.indirect.gather [hbm4b:s5+s16], $0x80, s16, s16, $0xb8;
	[tilespmem:$0x1E480] =	vst v63  }
0x69: {  	_ =	swait.ge [sflag:s20], $0x4000  }
0x6a: {  	[sflag:s20] =	ssyncset.done $0x0  }
0x6b: {  	[sflag:s20] =	ssyncadd.s32 $0xFFFFC000  }
0x6c: {  	[spmem:s2] =	stream.indirect.scatter.add.f32 [tilespmem:s19], [sflag:$0x4], $0x80, s21, s16, $0xb8;
	[tilespmem:$0x1E480] =	vst v63  }
0x6d: {  	_ =	swait.ge [sflag:s22], $0x4000  }
0x6e: {  	[sflag:s22] =	ssyncset.done $0x0  }
0x6f: {  	s29 =	simm.s32 $0xFFFFB800;
	[sflag:s22] =	ssyncadd.s32 $0xFFFFC000  }
0x70: {  	[tilespmem:s17], [sflag:$0x1] =	stream.indirect.gather [hbm4b:s5+s16], $0x80, s25, s16, $0xb8;
	[tilespmem:$0x1E480] =	vst v63  }
.LBB2_5:
0x71: {  	_ =	swait.ge [sflag:s18], $0x4000  }
0x72: {  	s30 =	sshra.s32 s29, $0x2;
	[sflag:s18] =	ssyncset.done $0x0  }
0x73: {  	s31 =	sadd.s32 $0x2700, s30;
	[sflag:s18] =	ssyncadd.s32 $0xFFFFC000  }
0x74: {  	[spmem:s2] =	stream.indirect.scatter.add.f32 [tilespmem:s17], [sflag:$0x3], $0x80, s31, s16, $0xb8;
	[tilespmem:$0x1E480] =	vst v63  }
0x75: {  	_ =	swait.ge [sflag:s26], $0x4000  }
0x76: {  	[sflag:s26] =	ssyncset.done $0x0  }
0x77: {  	s31 =	sadd.s32 $0x1380, s30;
	[sflag:s26] =	ssyncadd.s32 $0xFFFFC000  }
0x78: {  	[tilespmem:s19], [sflag:$0x2] =	stream.indirect.gather [hbm4b:s5+s16], $0x80, s31, s16, $0xb8;
	[tilespmem:$0x1E480] =	vst v63  }
0x79: {  	_ =	swait.ge [sflag:s20], $0x4000  }
0x7a: {  	p0 =	seq.s32 s29, $0x0;
	[sflag:s20] =	ssyncset.done $0x0  }
.Ltmp4:
0x7b: {  	s31 =	sadd.s32 $0x2780, s30;
	[sflag:s20] =	ssyncadd.s32 $0xFFFFC000;
	(pc) =	sbr.rel @p0 .LBB2_7-.Ltmp4, $4  }
0x7c: {  	[spmem:s2] =	stream.indirect.scatter.add.f32 [tilespmem:s19], [sflag:$0x4], $0x80, s31, s16, $0xb8;
	[tilespmem:$0x1E480] =	vst v63  }
0x7d: {  	_ =	swait.ge [sflag:s22], $0x4000  }
0x7e: {  	[sflag:s22] =	ssyncset.done $0x0  }
0x7f: {  	[sflag:s22] =	ssyncadd.s32 $0xFFFFC000  }
.Ltmp5:
0x80: {  	(pc) =	sbr.rel .LBB2_5-.Ltmp5, $3  }
0x81: {  	_ =	sdelay $0x1  }
0x82: {  	s30 =	sadd.s32 $0x1400, s30;
	s29 =	sadd.s32 $0x400, s29  }
0x83: {  	[tilespmem:s17], [sflag:$0x1] =	stream.indirect.gather [hbm4b:s5+s16], $0x80, s30, s16, $0xb8;
	[tilespmem:$0x1E480] =	vst v63  }
.LBB2_8:
0x84: {  	_ =	sfence.sel $0x180000  }
0x85: {  	[bflag:$0x0] =	sbarrier.arrive $0xFFFF  }
0x86: {  	p0 =	sne.s32 s0, $0x0;
	_ =	strace $0x9000004D  }
0x87: {  	s0 =	sadd.s32 @!p0 $0x100000, s1;
	[bflag:$0x2] =	sbarrier.arrive $0xFFFF  }
0x88: {  	[sflag:s0] =	ssyncadd.tile.s32 @!p0 $0x1;
	_ =	shalt  }
.Lfunc_end2:
_tile_overlayer_lowered:
.L_overlay_start_2:
0x89: {  	(tag) =	ssettag $0x2  }
0x8a: {  	s0 =	rddreg [dreg:$0x0];
	s2 =	stileid.u32  }
0x8b: {  	s1 =	rddreg [dreg:$0x1];
	p0 =	sne.s32 s2, $0x0  }
0x8c: {  	s3 =	rddreg [dreg:$0x2];
	[bflag:$0x3] =	sbarrier.arrive $0xFFFF;
	s2 =	simm.s32 @!p0 $0x1C05  }
0x8d: {  	[timem:s3], [sflag:s2] =	dma.local @!p0 [hbm:s0], s1  }
0x8e: {  	s0 =	simm.s32 @!p0 $0x5  }
0x8f: {  	_ =	swait.ge @!p0 [sflag:s0], s1  }
0x90: {  	s1 =	ssub.s32 @!p0 $0x0, s1;
	[sflag:s0] =	ssyncset.done @!p0 $0x0  }
0x91: {  	[sflag:s0] =	ssyncadd.s32 @!p0 s1  }
0x92: {  	[bflag:$0x3] =	sbarrier.arrive $0xFFFF  }
0x93: {  	_ =	shalt  }

</sc_bundles>
